<compile_context>
chip_gen: v7x
topology: tpu7x:2x2x1
jax: 0.10.2.dev20260603
libtpu: 0.0.44.dev20260713+nightly
codegen_flags: <defaults>
</compile_context>

<pallas_src>
import jax
import jax.numpy as jnp
from jax import lax
from jax.experimental import pallas as pl
from jax.experimental.pallas import tpu as pltpu
from jax.experimental.pallas import tpu_sc as plsc

N = 10000
N_PAD = 10240
E = 320000
D = 64
NC = 2
NS = 16
LANES = 16
NW = NC * NS
K = 125
CHUNKS = E // (NW * K)
NB = 5
ROUNDS = CHUNKS // NB
RPT = N_PAD // NS
ZR = 64
DEGW = 16


def _sc_segsum(num_tables, with_deg):
  mesh = plsc.VectorSubcoreMesh(
      core_axis_name="c", subcore_axis_name="s",
      num_cores=NC, num_subcores=NS)
  out_types = [jax.ShapeDtypeStruct((NC, N_PAD, D), jnp.float32)
               for _ in range(num_tables)]
  scratch = [
      pltpu.VMEM((CHUNKS, K), jnp.int32),
      pltpu.VMEM((CHUNKS, K), jnp.int32),
      [pltpu.VMEM((K, D), jnp.float32) for _ in range(NB)],
      [pltpu.SemaphoreType.DMA for _ in range(NB)],
      [pltpu.SemaphoreType.DMA for _ in range(NB)],
      pltpu.VMEM((ZR, D), jnp.float32),
      pltpu.VMEM((ZR, D), jnp.float32),
      pltpu.VMEM_SHARED((N_PAD, D), jnp.float32),
  ]
  if with_deg:
    out_types.append(jax.ShapeDtypeStruct((NC, N_PAD, DEGW), jnp.float32))
    scratch += [
        pltpu.VMEM((K, DEGW), jnp.float32),
        pltpu.VMEM((RPT // 4, DEGW), jnp.float32),
        pltpu.VMEM_SHARED((N_PAD, DEGW), jnp.float32),
        pltpu.SemaphoreType.DMA,
    ]

  def body(*refs):
    tables = refs[:num_tables]
    srcs, dsts = refs[num_tables:num_tables + 2]
    rest = refs[num_tables + 2:]
    outs = rest[:num_tables]
    rest = rest[num_tables:]
    if with_deg:
      (dout, srcv, dstv, rows, gsem, ssem, zbuf, obuf, acc,
       ones, dbuf, dacc, dsem) = rest
    else:
      srcv, dstv, rows, gsem, ssem, zbuf, obuf, acc = rest
    cid = lax.axis_index("c")
    sid = lax.axis_index("s")
    wid = cid * NS + sid
    rbase = sid * RPT

    pltpu.sync_copy(srcs.at[wid], srcv)
    pltpu.sync_copy(dsts.at[wid], dstv)

    def zrow(i, _):
      for j in range(D // LANES):
        zbuf[i, pl.ds(j * LANES, LANES)] = jnp.zeros((LANES,), jnp.float32)
      return 0
    lax.fori_loop(0, ZR, zrow, 0)
    if with_deg:
      def zdrow(i, _):
        dbuf[i, :] = jnp.zeros((DEGW,), jnp.float32)
        return 0
      lax.fori_loop(0, RPT // 4, zdrow, 0)
      for i in range(4):
        pltpu.sync_copy(dbuf, dacc.at[pl.ds(rbase + i * (RPT // 4), RPT // 4)])
      def orow(i, _):
        ones[i, :] = jnp.ones((DEGW,), jnp.float32)
        return 0
      lax.fori_loop(0, K, orow, 0)

    for t in range(num_tables):
      for i in range(RPT // ZR):
        pltpu.sync_copy(zbuf, acc.at[pl.ds(rbase + i * ZR, ZR)])
      plsc.subcore_barrier()

      first = with_deg and t == 0
      table = tables[t]

      def fire_g(b, c):
        pltpu.async_copy(table.at[srcv.at[c]], rows[b], gsem[b])

      def wait_g(b):
        pltpu.make_async_copy(table.at[srcv.at[0]], rows[b], gsem[b]).wait()

      def fire_s(b, c):
        pltpu.async_copy(rows[b], acc.at[dstv.at[c]], ssem[b], add=True)

      def wait_s(b):
        pltpu.make_async_copy(rows[b], acc.at[dstv.at[0]], ssem[b]).wait()

      def fire_d(c):
        pltpu.async_copy(ones, dacc.at[dstv.at[c]], dsem, add=True)

      for b in range(NB):
        fire_g(b, b)
      def rnd(r, _):
        cb = r * NB
        for b in range(NB):
          wait_g(b)
          fire_s(b, cb + b)
          if first:
            fire_d(cb + b)
        for b in range(NB):
          wait_s(b)
          fire_g(b, cb + NB + b)
        return 0
      lax.fori_loop(0, ROUNDS - 1, rnd, 0)
      cb = (ROUNDS - 1) * NB
      for b in range(NB):
        wait_g(b)
        fire_s(b, cb + b)
        if first:
          fire_d(cb + b)
      for b in range(NB):
        wait_s(b)
      if first:
        def ddrain(c, _):
          pltpu.make_async_copy(ones, dacc.at[dstv.at[0]], dsem).wait()
          return 0
        lax.fori_loop(0, CHUNKS, ddrain, 0)
      plsc.subcore_barrier()

      for i in range(RPT // ZR):
        pltpu.sync_copy(acc.at[pl.ds(rbase + i * ZR, ZR)], obuf)
        pltpu.sync_copy(obuf, outs[t].at[cid, pl.ds(rbase + i * ZR, ZR)])
      plsc.subcore_barrier()

    if with_deg:
      for i in range(4):
        pltpu.sync_copy(dacc.at[pl.ds(rbase + i * (RPT // 4), RPT // 4)], dbuf)
        pltpu.sync_copy(
            dbuf, dout.at[cid, pl.ds(rbase + i * (RPT // 4), RPT // 4)])

  out_type = tuple(out_types) if len(out_types) > 1 else out_types[0]
  return pl.kernel(
      body, out_type=out_type, mesh=mesh, scratch_types=scratch,
      compiler_params=pltpu.CompilerParams(use_tc_tiling_on_sc=False))


_RB = 400


def _mmt(a, w):
  return lax.dot_general(a, w, (((1,), (1,)), ((), ())),
                         preferred_element_type=jnp.float32)


def _tc_mid(aa0, aa1, ab0, ab1, da, db, x, W1l, W1r, b1l, W2l, W2r, b2l):
  def body(aa0_ref, aa1_ref, ab0_ref, ab1_ref, da_ref, db_ref, x_ref,
           w1l_ref, w1r_ref, b1_ref, wl_ref, wr_ref, b2_ref,
           hl_ref, hr_ref):
    deg_b = jnp.maximum((da_ref[0] + db_ref[0])[:, 0:1], 1.0)
    ma = (aa0_ref[0] + aa1_ref[0]) / deg_b
    mb = (ab0_ref[0] + ab1_ref[0]) / deg_b
    w1l = w1l_ref[...]
    lin = (_mmt(ma, w1l[:, :64]) + _mmt(mb, w1l[:, 64:])
           + _mmt(x_ref[...], w1r_ref[...]) + b1_ref[...][None, :])
    h1 = jnp.maximum(lin, 0.0)
    hl_ref[...] = _mmt(h1, wl_ref[...])
    hr_ref[...] = _mmt(h1, wr_ref[...]) + b2_ref[...][None, :]
  s64 = pl.BlockSpec((_RB, 64), lambda i: (i, 0))
  sl0 = pl.BlockSpec((1, _RB, 64), lambda i: (0, i, 0))
  sl1 = pl.BlockSpec((1, _RB, 64), lambda i: (1, i, 0))
  return pl.pallas_call(
      body,
      grid=(N // _RB,),
      in_specs=[
          sl0, sl1, sl0, sl1,
          pl.BlockSpec((1, _RB, DEGW), lambda i: (0, i, 0)),
          pl.BlockSpec((1, _RB, DEGW), lambda i: (1, i, 0)),
          pl.BlockSpec((_RB, 128), lambda i: (i, 0)),
          pl.BlockSpec((128, 128), lambda i: (0, 0)),
          pl.BlockSpec((128, 128), lambda i: (0, 0)),
          pl.BlockSpec((128,), lambda i: (0,)),
          pl.BlockSpec((64, 128), lambda i: (0, 0)),
          pl.BlockSpec((64, 128), lambda i: (0, 0)),
          pl.BlockSpec((64,), lambda i: (0,)),
      ],
      out_specs=[s64, s64],
      out_shape=[jax.ShapeDtypeStruct((N, 64), jnp.float32)] * 2,
  )(aa0, aa1, ab0, ab1, da, db, x, W1l, W1r, b1l, W2l, W2r, b2l)


def _tc_post(aa, ab, da, db, hr, Wout, bout):
  C = Wout.shape[0]
  def body(aa_ref, ab_ref, da_ref, db_ref, hr_ref, wo_ref, bo_ref, out_ref):
    deg_b = jnp.maximum((da_ref[0] + db_ref[0])[:, 0:1], 1.0)
    h2 = jnp.maximum((aa_ref[0] + ab_ref[0]) / deg_b + hr_ref[...], 0.0)
    logits = _mmt(h2, wo_ref[...]) + bo_ref[...][None, :]
    m = jnp.max(logits, axis=1, keepdims=True)
    e = jnp.exp(logits - m)
    out_ref[...] = e / jnp.sum(e, axis=1, keepdims=True)
  s64 = pl.BlockSpec((_RB, 64), lambda i: (i, 0))
  sl0 = pl.BlockSpec((1, _RB, 64), lambda i: (0, i, 0))
  sl1 = pl.BlockSpec((1, _RB, 64), lambda i: (1, i, 0))
  return pl.pallas_call(
      body,
      grid=(N // _RB,),
      in_specs=[
          sl0, sl1,
          pl.BlockSpec((1, _RB, DEGW), lambda i: (0, i, 0)),
          pl.BlockSpec((1, _RB, DEGW), lambda i: (1, i, 0)),
          s64,
          pl.BlockSpec((C, 64), lambda i: (0, 0)),
          pl.BlockSpec((C,), lambda i: (0,)),
      ],
      out_specs=pl.BlockSpec((_RB, C), lambda i: (i, 0)),
      out_shape=jax.ShapeDtypeStruct((N, C), jnp.float32),
  )(aa, ab, da, db, hr, Wout, bout)


@jax.jit
def kernel(x, edge_index, W1l, b1l, W1r, W2l, b2l, W2r, Wout, bout):
  src = edge_index[0].reshape(NW, CHUNKS, K)
  dst = edge_index[1].reshape(NW, CHUNKS, K)

  agg1a, agg1b, deg = _sc_segsum(2, True)(x[:, :64], x[:, 64:], src, dst)
  hl2, hr2 = _tc_mid(agg1a, agg1a, agg1b, agg1b, deg, deg,
                     x, W1l, W1r, b1l, W2l, W2r, b2l)

  agg2 = _sc_segsum(1, False)(hl2, src, dst)
  return _tc_post(agg2, agg2, deg, deg, hr2, Wout, bout)

# --- scband reference (transcript-rebuilt; emitter-appended) ---
"""Pipeline reference for scband-sage-8340826489040 (READ-ONLY COPY).

The authoritative reference and input builder live on the scoring server;
editing this copy changes nothing except your own understanding.
"""

import jax, jax.numpy as jnp
import numpy as np

N = 10000
E = 320000
F_IN = 128
H1 = 128
H2 = 64
C = 40


def setup_inputs(seed: int = 0) -> dict:
    key = jax.random.key(seed)
    ks = jax.random.split(key, 10)
    x = jax.random.normal(ks[0], (N, F_IN), dtype=jnp.float32)
    edge_index = jax.random.randint(ks[1], (2, E), 0, N, dtype=jnp.int32)
    W1l = jax.random.normal(ks[2], (H1, F_IN), dtype=jnp.float32) * (1.0 / np.sqrt(F_IN))
    b1l = jnp.zeros((H1,), dtype=jnp.float32)
    W1r = jax.random.normal(ks[3], (H1, F_IN), dtype=jnp.float32) * (1.0 / np.sqrt(F_IN))
    W2l = jax.random.normal(ks[4], (H2, H1), dtype=jnp.float32) * (1.0 / np.sqrt(H1))
    b2l = jnp.zeros((H2,), dtype=jnp.float32)
    W2r = jax.random.normal(ks[5], (H2, H1), dtype=jnp.float32) * (1.0 / np.sqrt(H1))
    Wout = jax.random.normal(ks[6], (C, H2), dtype=jnp.float32) * (1.0 / np.sqrt(H2))
    bout = jnp.zeros((C,), dtype=jnp.float32)
    return {"x": x, "edge_index": edge_index, "W1l": W1l, "b1l": b1l, "W1r": W1r,
            "W2l": W2l, "b2l": b2l, "W2r": W2r, "Wout": Wout, "bout": bout}


def _sage_conv(x, edge_index, Wl, bl, Wr):
    # PyG SAGEConv (aggr='mean', root_weight=True):
    # out = lin_l(mean_{j in N(i)} x_j) + lin_r(x_i)
    src = edge_index[0]
    dst = edge_index[1]
    msgs = jnp.take(x, src, axis=0)                              # gather
    agg = jax.ops.segment_sum(msgs, dst, num_segments=N)          # scatter-add
    deg = jax.ops.segment_sum(jnp.ones((msgs.shape[0],), x.dtype), dst, num_segments=N)
    agg = agg / jnp.maximum(deg, 1.0)[:, None]                    # mean aggregation
    return agg @ Wl.T + bl + x @ Wr.T


def reference(x, edge_index, W1l, b1l, W1r, W2l, b2l, W2r, Wout, bout):
    # encode (dropout is identity in eval mode)
    h = jax.nn.relu(_sage_conv(x, edge_index, W1l, b1l, W1r))
    h = jax.nn.relu(_sage_conv(h, edge_index, W2l, b2l, W2r))
    # decode
    logits = h @ Wout.T + bout
    return jax.nn.softmax(logits, axis=1)

if __name__ == "__main__":
    import jax
    _d = setup_inputs()
    print(jax.jit(kernel)(*tuple(_d.values())))

</pallas_src>

<mosaic_0001>
#map = affine_map<(d0, d1) -> (0, 0)>
#map1 = affine_map<(d0, d1) -> (0, 0, 0)>
module attributes {stable_mosaic.version = 14 : i64} {
  func.func @body(%arg0: i32, %arg1: i32, %arg2: memref<10000x64xf32, #tpu.memory_space<hbm>>, %arg3: memref<10000x64xf32, #tpu.memory_space<hbm>>, %arg4: memref<32x80x125xi32, #tpu.memory_space<hbm>>, %arg5: memref<32x80x125xi32, #tpu.memory_space<hbm>>, %arg6: memref<2x10240x64xf32, #tpu.memory_space<hbm>>, %arg7: memref<2x10240x64xf32, #tpu.memory_space<hbm>>, %arg8: memref<2x10240x16xf32, #tpu.memory_space<hbm>>, %arg9: memref<80x125xi32, #tpu.memory_space<vmem>>, %arg10: memref<80x125xi32, #tpu.memory_space<vmem>>, %arg11: memref<125x64xf32, #tpu.memory_space<vmem>>, %arg12: memref<125x64xf32, #tpu.memory_space<vmem>>, %arg13: memref<125x64xf32, #tpu.memory_space<vmem>>, %arg14: memref<125x64xf32, #tpu.memory_space<vmem>>, %arg15: memref<125x64xf32, #tpu.memory_space<vmem>>, %arg16: memref<!tpu.dma_semaphore, #tpu.memory_space<semaphore_mem>>, %arg17: memref<!tpu.dma_semaphore, #tpu.memory_space<semaphore_mem>>, %arg18: memref<!tpu.dma_semaphore, #tpu.memory_space<semaphore_mem>>, %arg19: memref<!tpu.dma_semaphore, #tpu.memory_space<semaphore_mem>>, %arg20: memref<!tpu.dma_semaphore, #tpu.memory_space<semaphore_mem>>, %arg21: memref<!tpu.dma_semaphore, #tpu.memory_space<semaphore_mem>>, %arg22: memref<!tpu.dma_semaphore, #tpu.memory_space<semaphore_mem>>, %arg23: memref<!tpu.dma_semaphore, #tpu.memory_space<semaphore_mem>>, %arg24: memref<!tpu.dma_semaphore, #tpu.memory_space<semaphore_mem>>, %arg25: memref<!tpu.dma_semaphore, #tpu.memory_space<semaphore_mem>>, %arg26: memref<64x64xf32, #tpu.memory_space<vmem>>, %arg27: memref<64x64xf32, #tpu.memory_space<vmem>>, %arg28: memref<10240x64xf32, #tpu.memory_space<vmem_shared>>, %arg29: memref<125x16xf32, #tpu.memory_space<vmem>>, %arg30: memref<160x16xf32, #tpu.memory_space<vmem>>, %arg31: memref<10240x16xf32, #tpu.memory_space<vmem_shared>>, %arg32: memref<!tpu.dma_semaphore, #tpu.memory_space<semaphore_mem>>) attributes {dimension_semantics = [#tpu.dimension_semantics<core_parallel>, #tpu.dimension_semantics<subcore_parallel>], iteration_bounds = array<i64: 2, 16>, scalar_prefetch = 0 : i64, scratch_operands = 24 : i64, tpu.core_type = #tpu.core_type<sc_vector_subcore>, window_params = [{transform_indices = #map}, {transform_indices = #map}, {transform_indices = #map1}, {transform_indices = #map1}, {transform_indices = #map1}, {transform_indices = #map1}, {transform_indices = #map1}]} {
    %mul3A = arith.constant 16 : i32
    %mul3A_0 = arith.muli %arg0, %mul3A : i32
    %add3A = arith.addi %mul3A_0, %arg1 : i32
    %mul3A_1 = arith.constant 640 : i32
    %mul3A_2 = arith.muli %arg1, %mul3A_1 : i32
    "tpu.region"() ({
      %run_scoped3A = tpu.sem_alloc : memref<!tpu.dma_semaphore, #tpu.memory_space<semaphore_mem>>
      %dma_start3A_506 = arith.constant 0 : i32
      %dma_start3A_507 = arith.constant 0 : i32
      %dma_start3A_508 = tpu.memref_slice %arg4[%add3A, %dma_start3A_506, %dma_start3A_507] : memref<32x80x125xi32, #tpu.memory_space<hbm>> -> memref<1x80x125xi32, #tpu.memory_space<hbm>>
      %dma_start3A_509 = tpu.memref_squeeze %dma_start3A_508 : memref<1x80x125xi32, #tpu.memory_space<hbm>> -> memref<80x125xi32, #tpu.memory_space<hbm>>
      %dma_start3A_510 = arith.constant 0 : i32
      %dma_start3A_511 = arith.constant 0 : i32
      %dma_start3A_512 = tpu.memref_slice %arg4[%add3A, %dma_start3A_510, %dma_start3A_511] : memref<32x80x125xi32, #tpu.memory_space<hbm>> -> memref<1x80x125xi32, #tpu.memory_space<hbm>>
      %dma_start3A_513 = tpu.memref_squeeze %dma_start3A_512 : memref<1x80x125xi32, #tpu.memory_space<hbm>> -> memref<80x125xi32, #tpu.memory_space<hbm>>
      tpu.enqueue_dma source(%dma_start3A_513 : memref<80x125xi32, #tpu.memory_space<hbm>>) target(%arg9 : memref<80x125xi32, #tpu.memory_space<vmem>>) target_semaphore(%run_scoped3A : memref<!tpu.dma_semaphore, #tpu.memory_space<semaphore_mem>>)
      %dma_wait3A_514 = arith.constant 0 : i32
      %dma_wait3A_515 = arith.constant 0 : i32
      %dma_wait3A_516 = tpu.memref_slice %arg4[%add3A, %dma_wait3A_514, %dma_wait3A_515] : memref<32x80x125xi32, #tpu.memory_space<hbm>> -> memref<1x80x125xi32, #tpu.memory_space<hbm>>
      %dma_wait3A_517 = tpu.memref_squeeze %dma_wait3A_516 : memref<1x80x125xi32, #tpu.memory_space<hbm>> -> memref<80x125xi32, #tpu.memory_space<hbm>>
      %dma_wait3A_518 = arith.constant 0 : i32
      %dma_wait3A_519 = arith.constant 0 : i32
      %dma_wait3A_520 = tpu.memref_slice %arg4[%add3A, %dma_wait3A_518, %dma_wait3A_519] : memref<32x80x125xi32, #tpu.memory_space<hbm>> -> memref<1x80x125xi32, #tpu.memory_space<hbm>>
      %dma_wait3A_521 = tpu.memref_squeeze %dma_wait3A_520 : memref<1x80x125xi32, #tpu.memory_space<hbm>> -> memref<80x125xi32, #tpu.memory_space<hbm>>
      tpu.wait_dma2 semaphore(%run_scoped3A : memref<!tpu.dma_semaphore, #tpu.memory_space<semaphore_mem>>) src(%dma_wait3A_521 : memref<80x125xi32, #tpu.memory_space<hbm>>) dst(%arg9 : memref<80x125xi32, #tpu.memory_space<vmem>>)
      tpu.yield
    }) : () -> ()
    "tpu.region"() ({
      %run_scoped3A = tpu.sem_alloc : memref<!tpu.dma_semaphore, #tpu.memory_space<semaphore_mem>>
      %dma_start3A_506 = arith.constant 0 : i32
      %dma_start3A_507 = arith.constant 0 : i32
      %dma_start3A_508 = tpu.memref_slice %arg5[%add3A, %dma_start3A_506, %dma_start3A_507] : memref<32x80x125xi32, #tpu.memory_space<hbm>> -> memref<1x80x125xi32, #tpu.memory_space<hbm>>
      %dma_start3A_509 = tpu.memref_squeeze %dma_start3A_508 : memref<1x80x125xi32, #tpu.memory_space<hbm>> -> memref<80x125xi32, #tpu.memory_space<hbm>>
      %dma_start3A_510 = arith.constant 0 : i32
      %dma_start3A_511 = arith.constant 0 : i32
      %dma_start3A_512 = tpu.memref_slice %arg5[%add3A, %dma_start3A_510, %dma_start3A_511] : memref<32x80x125xi32, #tpu.memory_space<hbm>> -> memref<1x80x125xi32, #tpu.memory_space<hbm>>
      %dma_start3A_513 = tpu.memref_squeeze %dma_start3A_512 : memref<1x80x125xi32, #tpu.memory_space<hbm>> -> memref<80x125xi32, #tpu.memory_space<hbm>>
      tpu.enqueue_dma source(%dma_start3A_513 : memref<80x125xi32, #tpu.memory_space<hbm>>) target(%arg10 : memref<80x125xi32, #tpu.memory_space<vmem>>) target_semaphore(%run_scoped3A : memref<!tpu.dma_semaphore, #tpu.memory_space<semaphore_mem>>)
      %dma_wait3A_514 = arith.constant 0 : i32
      %dma_wait3A_515 = arith.constant 0 : i32
      %dma_wait3A_516 = tpu.memref_slice %arg5[%add3A, %dma_wait3A_514, %dma_wait3A_515] : memref<32x80x125xi32, #tpu.memory_space<hbm>> -> memref<1x80x125xi32, #tpu.memory_space<hbm>>
      %dma_wait3A_517 = tpu.memref_squeeze %dma_wait3A_516 : memref<1x80x125xi32, #tpu.memory_space<hbm>> -> memref<80x125xi32, #tpu.memory_space<hbm>>
      %dma_wait3A_518 = arith.constant 0 : i32
      %dma_wait3A_519 = arith.constant 0 : i32
      %dma_wait3A_520 = tpu.memref_slice %arg5[%add3A, %dma_wait3A_518, %dma_wait3A_519] : memref<32x80x125xi32, #tpu.memory_space<hbm>> -> memref<1x80x125xi32, #tpu.memory_space<hbm>>
      %dma_wait3A_521 = tpu.memref_squeeze %dma_wait3A_520 : memref<1x80x125xi32, #tpu.memory_space<hbm>> -> memref<80x125xi32, #tpu.memory_space<hbm>>
      tpu.wait_dma2 semaphore(%run_scoped3A : memref<!tpu.dma_semaphore, #tpu.memory_space<semaphore_mem>>) src(%dma_wait3A_521 : memref<80x125xi32, #tpu.memory_space<hbm>>) dst(%arg10 : memref<80x125xi32, #tpu.memory_space<vmem>>)
      tpu.yield
    }) : () -> ()
    %scan3A = arith.constant 0 : i32
    %scan3A_3 = arith.constant 0 : i32
    %scan3A_4 = arith.constant 64 : i32
    %scan3A_5 = arith.addi %scan3A_3, %scan3A_4 : i32
    %scan3A_6 = arith.constant 1 : i32
    %scan3A_7 = scf.for %scan3A_506 = %scan3A_3 to %scan3A_5 step %scan3A_6 iter_args(%scan3A_507 = %scan3A) -> (i32)  : i32 {
      %broadcast_in_dim3A = arith.constant 0.000000e+00 : f32
      %broadcast_in_dim3A_508 = vector.broadcast %broadcast_in_dim3A : f32 to vector<16xf32>
      %swap3A = arith.index_cast %scan3A_506 : i32 to index
      %swap3A_509 = arith.constant 0 : index
      %swap3A_510 = tpu.vector_load %arg26[%swap3A, %swap3A_509] {strides = array<i32>} : memref<64x64xf32, #tpu.memory_space<vmem>>, vector<1x16xf32>,
      %swap3A_511 = vector.shape_cast %swap3A_510 : vector<1x16xf32> to vector<16xf32>
      %swap3A_512 = vector.shape_cast %broadcast_in_dim3A_508 : vector<16xf32> to vector<1x16xf32>
      tpu.vector_store %arg26[%swap3A, %swap3A_509], %swap3A_512 {strides = array<i32>} : memref<64x64xf32, #tpu.memory_space<vmem>>, vector<1x16xf32>,
      %broadcast_in_dim3A_513 = arith.constant 0.000000e+00 : f32
      %broadcast_in_dim3A_514 = vector.broadcast %broadcast_in_dim3A_513 : f32 to vector<16xf32>
      %swap3A_515 = arith.index_cast %scan3A_506 : i32 to index
      %swap3A_516 = arith.constant 16 : index
      %swap3A_517 = tpu.vector_load %arg26[%swap3A_515, %swap3A_516] {strides = array<i32>} : memref<64x64xf32, #tpu.memory_space<vmem>>, vector<1x16xf32>,
      %swap3A_518 = vector.shape_cast %swap3A_517 : vector<1x16xf32> to vector<16xf32>
      %swap3A_519 = vector.shape_cast %broadcast_in_dim3A_514 : vector<16xf32> to vector<1x16xf32>
      tpu.vector_store %arg26[%swap3A_515, %swap3A_516], %swap3A_519 {strides = array<i32>} : memref<64x64xf32, #tpu.memory_space<vmem>>, vector<1x16xf32>,
      %broadcast_in_dim3A_520 = arith.constant 0.000000e+00 : f32
      %broadcast_in_dim3A_521 = vector.broadcast %broadcast_in_dim3A_520 : f32 to vector<16xf32>
      %swap3A_522 = arith.index_cast %scan3A_506 : i32 to index
      %swap3A_523 = arith.constant 32 : index
      %swap3A_524 = tpu.vector_load %arg26[%swap3A_522, %swap3A_523] {strides = array<i32>} : memref<64x64xf32, #tpu.memory_space<vmem>>, vector<1x16xf32>,
      %swap3A_525 = vector.shape_cast %swap3A_524 : vector<1x16xf32> to vector<16xf32>
      %swap3A_526 = vector.shape_cast %broadcast_in_dim3A_521 : vector<16xf32> to vector<1x16xf32>
      tpu.vector_store %arg26[%swap3A_522, %swap3A_523], %swap3A_526 {strides = array<i32>} : memref<64x64xf32, #tpu.memory_space<vmem>>, vector<1x16xf32>,
      %broadcast_in_dim3A_527 = arith.constant 0.000000e+00 : f32
      %broadcast_in_dim3A_528 = vector.broadcast %broadcast_in_dim3A_527 : f32 to vector<16xf32>
      %swap3A_529 = arith.index_cast %scan3A_506 : i32 to index
      %swap3A_530 = arith.constant 48 : index
      %swap3A_531 = tpu.vector_load %arg26[%swap3A_529, %swap3A_530] {strides = array<i32>} : memref<64x64xf32, #tpu.memory_space<vmem>>, vector<1x16xf32>,
      %swap3A_532 = vector.shape_cast %swap3A_531 : vector<1x16xf32> to vector<16xf32>
      %swap3A_533 = vector.shape_cast %broadcast_in_dim3A_528 : vector<16xf32> to vector<1x16xf32>
      tpu.vector_store %arg26[%swap3A_529, %swap3A_530], %swap3A_533 {strides = array<i32>} : memref<64x64xf32, #tpu.memory_space<vmem>>, vector<1x16xf32>,
      %scan3A_534 = arith.constant 0 : i32
      scf.yield %scan3A_534 : i32
    }
    %scan3A_8 = arith.constant 64 : i32
    %scan3A_9 = arith.constant 0 : i32
    %scan3A_10 = arith.constant 0 : i32
    %scan3A_11 = arith.constant 160 : i32
    %scan3A_12 = arith.addi %scan3A_10, %scan3A_11 : i32
    %scan3A_13 = arith.constant 1 : i32
    %scan3A_14 = scf.for %scan3A_506 = %scan3A_10 to %scan3A_12 step %scan3A_13 iter_args(%scan3A_507 = %scan3A_9) -> (i32)  : i32 {
      %broadcast_in_dim3A = arith.constant 0.000000e+00 : f32
      %broadcast_in_dim3A_508 = vector.broadcast %broadcast_in_dim3A : f32 to vector<16xf32>
      %swap3A = arith.index_cast %scan3A_506 : i32 to index
      %swap3A_509 = arith.constant 0 : index
      %swap3A_510 = tpu.vector_load %arg30[%swap3A, %swap3A_509] {strides = array<i32>} : memref<160x16xf32, #tpu.memory_space<vmem>>, vector<1x16xf32>,
      %swap3A_511 = vector.shape_cast %swap3A_510 : vector<1x16xf32> to vector<16xf32>
      %swap3A_512 = vector.shape_cast %broadcast_in_dim3A_508 : vector<16xf32> to vector<1x16xf32>
      tpu.vector_store %arg30[%swap3A, %swap3A_509], %swap3A_512 {strides = array<i32>} : memref<160x16xf32, #tpu.memory_space<vmem>>, vector<1x16xf32>,
      %scan3A_513 = arith.constant 0 : i32
      scf.yield %scan3A_513 : i32
    }
    %scan3A_15 = arith.constant 160 : i32
    %add3A_16 = arith.constant 0 : i32
    %add3A_17 = arith.addi %mul3A_2, %add3A_16 : i32
    "tpu.region"() ({
      %run_scoped3A = tpu.sem_alloc : memref<!tpu.dma_semaphore, #tpu.memory_space<semaphore_mem>>
      %dma_start3A_506 = arith.constant 0 : i32
      %dma_start3A_507 = tpu.memref_slice %arg31[%add3A_17, %dma_start3A_506] : memref<10240x16xf32, #tpu.memory_space<vmem_shared>> -> memref<160x16xf32, #tpu.memory_space<vmem_shared>>
      %dma_start3A_508 = arith.constant 0 : i32
      %dma_start3A_509 = tpu.memref_slice %arg31[%add3A_17, %dma_start3A_508] : memref<10240x16xf32, #tpu.memory_space<vmem_shared>> -> memref<160x16xf32, #tpu.memory_space<vmem_shared>>
      tpu.enqueue_dma source(%arg30 : memref<160x16xf32, #tpu.memory_space<vmem>>) target(%dma_start3A_509 : memref<160x16xf32, #tpu.memory_space<vmem_shared>>) target_semaphore(%run_scoped3A : memref<!tpu.dma_semaphore, #tpu.memory_space<semaphore_mem>>)
      %dma_wait3A_510 = arith.constant 0 : i32
      %dma_wait3A_511 = tpu.memref_slice %arg31[%add3A_17, %dma_wait3A_510] : memref<10240x16xf32, #tpu.memory_space<vmem_shared>> -> memref<160x16xf32, #tpu.memory_space<vmem_shared>>
      %dma_wait3A_512 = arith.constant 0 : i32
      %dma_wait3A_513 = tpu.memref_slice %arg31[%add3A_17, %dma_wait3A_512] : memref<10240x16xf32, #tpu.memory_space<vmem_shared>> -> memref<160x16xf32, #tpu.memory_space<vmem_shared>>
      tpu.wait_dma2 semaphore(%run_scoped3A : memref<!tpu.dma_semaphore, #tpu.memory_space<semaphore_mem>>) src(%arg30 : memref<160x16xf32, #tpu.memory_space<vmem>>) dst(%dma_wait3A_513 : memref<160x16xf32, #tpu.memory_space<vmem_shared>>)
      tpu.yield
    }) : () -> ()
    %add3A_18 = arith.constant 160 : i32
    %add3A_19 = arith.addi %mul3A_2, %add3A_18 : i32
    "tpu.region"() ({
      %run_scoped3A = tpu.sem_alloc : memref<!tpu.dma_semaphore, #tpu.memory_space<semaphore_mem>>
      %dma_start3A_506 = arith.constant 0 : i32
      %dma_start3A_507 = tpu.memref_slice %arg31[%add3A_19, %dma_start3A_506] : memref<10240x16xf32, #tpu.memory_space<vmem_shared>> -> memref<160x16xf32, #tpu.memory_space<vmem_shared>>
      %dma_start3A_508 = arith.constant 0 : i32
      %dma_start3A_509 = tpu.memref_slice %arg31[%add3A_19, %dma_start3A_508] : memref<10240x16xf32, #tpu.memory_space<vmem_shared>> -> memref<160x16xf32, #tpu.memory_space<vmem_shared>>
      tpu.enqueue_dma source(%arg30 : memref<160x16xf32, #tpu.memory_space<vmem>>) target(%dma_start3A_509 : memref<160x16xf32, #tpu.memory_space<vmem_shared>>) target_semaphore(%run_scoped3A : memref<!tpu.dma_semaphore, #tpu.memory_space<semaphore_mem>>)
      %dma_wait3A_510 = arith.constant 0 : i32
      %dma_wait3A_511 = tpu.memref_slice %arg31[%add3A_19, %dma_wait3A_510] : memref<10240x16xf32, #tpu.memory_space<vmem_shared>> -> memref<160x16xf32, #tpu.memory_space<vmem_shared>>
      %dma_wait3A_512 = arith.constant 0 : i32
      %dma_wait3A_513 = tpu.memref_slice %arg31[%add3A_19, %dma_wait3A_512] : memref<10240x16xf32, #tpu.memory_space<vmem_shared>> -> memref<160x16xf32, #tpu.memory_space<vmem_shared>>
      tpu.wait_dma2 semaphore(%run_scoped3A : memref<!tpu.dma_semaphore, #tpu.memory_space<semaphore_mem>>) src(%arg30 : memref<160x16xf32, #tpu.memory_space<vmem>>) dst(%dma_wait3A_513 : memref<160x16xf32, #tpu.memory_space<vmem_shared>>)
      tpu.yield
    }) : () -> ()
    %add3A_20 = arith.constant 320 : i32
    %add3A_21 = arith.addi %mul3A_2, %add3A_20 : i32
    "tpu.region"() ({
      %run_scoped3A = tpu.sem_alloc : memref<!tpu.dma_semaphore, #tpu.memory_space<semaphore_mem>>
      %dma_start3A_506 = arith.constant 0 : i32
      %dma_start3A_507 = tpu.memref_slice %arg31[%add3A_21, %dma_start3A_506] : memref<10240x16xf32, #tpu.memory_space<vmem_shared>> -> memref<160x16xf32, #tpu.memory_space<vmem_shared>>
      %dma_start3A_508 = arith.constant 0 : i32
      %dma_start3A_509 = tpu.memref_slice %arg31[%add3A_21, %dma_start3A_508] : memref<10240x16xf32, #tpu.memory_space<vmem_shared>> -> memref<160x16xf32, #tpu.memory_space<vmem_shared>>
      tpu.enqueue_dma source(%arg30 : memref<160x16xf32, #tpu.memory_space<vmem>>) target(%dma_start3A_509 : memref<160x16xf32, #tpu.memory_space<vmem_shared>>) target_semaphore(%run_scoped3A : memref<!tpu.dma_semaphore, #tpu.memory_space<semaphore_mem>>)
      %dma_wait3A_510 = arith.constant 0 : i32
      %dma_wait3A_511 = tpu.memref_slice %arg31[%add3A_21, %dma_wait3A_510] : memref<10240x16xf32, #tpu.memory_space<vmem_shared>> -> memref<160x16xf32, #tpu.memory_space<vmem_shared>>
      %dma_wait3A_512 = arith.constant 0 : i32
      %dma_wait3A_513 = tpu.memref_slice %arg31[%add3A_21, %dma_wait3A_512] : memref<10240x16xf32, #tpu.memory_space<vmem_shared>> -> memref<160x16xf32, #tpu.memory_space<vmem_shared>>
      tpu.wait_dma2 semaphore(%run_scoped3A : memref<!tpu.dma_semaphore, #tpu.memory_space<semaphore_mem>>) src(%arg30 : memref<160x16xf32, #tpu.memory_space<vmem>>) dst(%dma_wait3A_513 : memref<160x16xf32, #tpu.memory_space<vmem_shared>>)
      tpu.yield
    }) : () -> ()
    %add3A_22 = arith.constant 480 : i32
    %add3A_23 = arith.addi %mul3A_2, %add3A_22 : i32
    "tpu.region"() ({
      %run_scoped3A = tpu.sem_alloc : memref<!tpu.dma_semaphore, #tpu.memory_space<semaphore_mem>>
      %dma_start3A_506 = arith.constant 0 : i32
      %dma_start3A_507 = tpu.memref_slice %arg31[%add3A_23, %dma_start3A_506] : memref<10240x16xf32, #tpu.memory_space<vmem_shared>> -> memref<160x16xf32, #tpu.memory_space<vmem_shared>>
      %dma_start3A_508 = arith.constant 0 : i32
      %dma_start3A_509 = tpu.memref_slice %arg31[%add3A_23, %dma_start3A_508] : memref<10240x16xf32, #tpu.memory_space<vmem_shared>> -> memref<160x16xf32, #tpu.memory_space<vmem_shared>>
      tpu.enqueue_dma source(%arg30 : memref<160x16xf32, #tpu.memory_space<vmem>>) target(%dma_start3A_509 : memref<160x16xf32, #tpu.memory_space<vmem_shared>>) target_semaphore(%run_scoped3A : memref<!tpu.dma_semaphore, #tpu.memory_space<semaphore_mem>>)
      %dma_wait3A_510 = arith.constant 0 : i32
      %dma_wait3A_511 = tpu.memref_slice %arg31[%add3A_23, %dma_wait3A_510] : memref<10240x16xf32, #tpu.memory_space<vmem_shared>> -> memref<160x16xf32, #tpu.memory_space<vmem_shared>>
      %dma_wait3A_512 = arith.constant 0 : i32
      %dma_wait3A_513 = tpu.memref_slice %arg31[%add3A_23, %dma_wait3A_512] : memref<10240x16xf32, #tpu.memory_space<vmem_shared>> -> memref<160x16xf32, #tpu.memory_space<vmem_shared>>
      tpu.wait_dma2 semaphore(%run_scoped3A : memref<!tpu.dma_semaphore, #tpu.memory_space<semaphore_mem>>) src(%arg30 : memref<160x16xf32, #tpu.memory_space<vmem>>) dst(%dma_wait3A_513 : memref<160x16xf32, #tpu.memory_space<vmem_shared>>)
      tpu.yield
    }) : () -> ()
    %scan3A_24 = arith.constant 0 : i32
    %scan3A_25 = arith.constant 0 : i32
    %scan3A_26 = arith.constant 125 : i32
    %scan3A_27 = arith.addi %scan3A_25, %scan3A_26 : i32
    %scan3A_28 = arith.constant 1 : i32
    %scan3A_29 = scf.for %scan3A_506 = %scan3A_25 to %scan3A_27 step %scan3A_28 iter_args(%scan3A_507 = %scan3A_24) -> (i32)  : i32 {
      %broadcast_in_dim3A = arith.constant 1.000000e+00 : f32
      %broadcast_in_dim3A_508 = vector.broadcast %broadcast_in_dim3A : f32 to vector<16xf32>
      %swap3A = arith.index_cast %scan3A_506 : i32 to index
      %swap3A_509 = arith.constant 0 : index
      %swap3A_510 = tpu.vector_load %arg29[%swap3A, %swap3A_509] {strides = array<i32>} : memref<125x16xf32, #tpu.memory_space<vmem>>, vector<1x16xf32>,
      %swap3A_511 = vector.shape_cast %swap3A_510 : vector<1x16xf32> to vector<16xf32>
      %swap3A_512 = vector.shape_cast %broadcast_in_dim3A_508 : vector<16xf32> to vector<1x16xf32>
      tpu.vector_store %arg29[%swap3A, %swap3A_509], %swap3A_512 {strides = array<i32>} : memref<125x16xf32, #tpu.memory_space<vmem>>, vector<1x16xf32>,
      %scan3A_513 = arith.constant 0 : i32
      scf.yield %scan3A_513 : i32
    }
    %scan3A_30 = arith.constant 125 : i32
    %add3A_31 = arith.constant 0 : i32
    %add3A_32 = arith.addi %mul3A_2, %add3A_31 : i32
    "tpu.region"() ({
      %run_scoped3A = tpu.sem_alloc : memref<!tpu.dma_semaphore, #tpu.memory_space<semaphore_mem>>
      %dma_start3A_506 = arith.constant 0 : i32
      %dma_start3A_507 = tpu.memref_slice %arg28[%add3A_32, %dma_start3A_506] : memref<10240x64xf32, #tpu.memory_space<vmem_shared>> -> memref<64x64xf32, #tpu.memory_space<vmem_shared>>
      %dma_start3A_508 = arith.constant 0 : i32
      %dma_start3A_509 = tpu.memref_slice %arg28[%add3A_32, %dma_start3A_508] : memref<10240x64xf32, #tpu.memory_space<vmem_shared>> -> memref<64x64xf32, #tpu.memory_space<vmem_shared>>
      tpu.enqueue_dma source(%arg26 : memref<64x64xf32, #tpu.memory_space<vmem>>) target(%dma_start3A_509 : memref<64x64xf32, #tpu.memory_space<vmem_shared>>) target_semaphore(%run_scoped3A : memref<!tpu.dma_semaphore, #tpu.memory_space<semaphore_mem>>)
      %dma_wait3A_510 = arith.constant 0 : i32
      %dma_wait3A_511 = tpu.memref_slice %arg28[%add3A_32, %dma_wait3A_510] : memref<10240x64xf32, #tpu.memory_space<vmem_shared>> -> memref<64x64xf32, #tpu.memory_space<vmem_shared>>
      %dma_wait3A_512 = arith.constant 0 : i32
      %dma_wait3A_513 = tpu.memref_slice %arg28[%add3A_32, %dma_wait3A_512] : memref<10240x64xf32, #tpu.memory_space<vmem_shared>> -> memref<64x64xf32, #tpu.memory_space<vmem_shared>>
      tpu.wait_dma2 semaphore(%run_scoped3A : memref<!tpu.dma_semaphore, #tpu.memory_space<semaphore_mem>>) src(%arg26 : memref<64x64xf32, #tpu.memory_space<vmem>>) dst(%dma_wait3A_513 : memref<64x64xf32, #tpu.memory_space<vmem_shared>>)
      tpu.yield
    }) : () -> ()
    %add3A_33 = arith.constant 64 : i32
    %add3A_34 = arith.addi %mul3A_2, %add3A_33 : i32
    "tpu.region"() ({
      %run_scoped3A = tpu.sem_alloc : memref<!tpu.dma_semaphore, #tpu.memory_space<semaphore_mem>>
      %dma_start3A_506 = arith.constant 0 : i32
      %dma_start3A_507 = tpu.memref_slice %arg28[%add3A_34, %dma_start3A_506] : memref<10240x64xf32, #tpu.memory_space<vmem_shared>> -> memref<64x64xf32, #tpu.memory_space<vmem_shared>>
      %dma_start3A_508 = arith.constant 0 : i32
      %dma_start3A_509 = tpu.memref_slice %arg28[%add3A_34, %dma_start3A_508] : memref<10240x64xf32, #tpu.memory_space<vmem_shared>> -> memref<64x64xf32, #tpu.memory_space<vmem_shared>>
      tpu.enqueue_dma source(%arg26 : memref<64x64xf32, #tpu.memory_space<vmem>>) target(%dma_start3A_509 : memref<64x64xf32, #tpu.memory_space<vmem_shared>>) target_semaphore(%run_scoped3A : memref<!tpu.dma_semaphore, #tpu.memory_space<semaphore_mem>>)
      %dma_wait3A_510 = arith.constant 0 : i32
      %dma_wait3A_511 = tpu.memref_slice %arg28[%add3A_34, %dma_wait3A_510] : memref<10240x64xf32, #tpu.memory_space<vmem_shared>> -> memref<64x64xf32, #tpu.memory_space<vmem_shared>>
      %dma_wait3A_512 = arith.constant 0 : i32
      %dma_wait3A_513 = tpu.memref_slice %arg28[%add3A_34, %dma_wait3A_512] : memref<10240x64xf32, #tpu.memory_space<vmem_shared>> -> memref<64x64xf32, #tpu.memory_space<vmem_shared>>
      tpu.wait_dma2 semaphore(%run_scoped3A : memref<!tpu.dma_semaphore, #tpu.memory_space<semaphore_mem>>) src(%arg26 : memref<64x64xf32, #tpu.memory_space<vmem>>) dst(%dma_wait3A_513 : memref<64x64xf32, #tpu.memory_space<vmem_shared>>)
      tpu.yield
    }) : () -> ()
    %add3A_35 = arith.constant 128 : i32
    %add3A_36 = arith.addi %mul3A_2, %add3A_35 : i32
    "tpu.region"() ({
      %run_scoped3A = tpu.sem_alloc : memref<!tpu.dma_semaphore, #tpu.memory_space<semaphore_mem>>
      %dma_start3A_506 = arith.constant 0 : i32
      %dma_start3A_507 = tpu.memref_slice %arg28[%add3A_36, %dma_start3A_506] : memref<10240x64xf32, #tpu.memory_space<vmem_shared>> -> memref<64x64xf32, #tpu.memory_space<vmem_shared>>
      %dma_start3A_508 = arith.constant 0 : i32
      %dma_start3A_509 = tpu.memref_slice %arg28[%add3A_36, %dma_start3A_508] : memref<10240x64xf32, #tpu.memory_space<vmem_shared>> -> memref<64x64xf32, #tpu.memory_space<vmem_shared>>
      tpu.enqueue_dma source(%arg26 : memref<64x64xf32, #tpu.memory_space<vmem>>) target(%dma_start3A_509 : memref<64x64xf32, #tpu.memory_space<vmem_shared>>) target_semaphore(%run_scoped3A : memref<!tpu.dma_semaphore, #tpu.memory_space<semaphore_mem>>)
      %dma_wait3A_510 = arith.constant 0 : i32
      %dma_wait3A_511 = tpu.memref_slice %arg28[%add3A_36, %dma_wait3A_510] : memref<10240x64xf32, #tpu.memory_space<vmem_shared>> -> memref<64x64xf32, #tpu.memory_space<vmem_shared>>
      %dma_wait3A_512 = arith.constant 0 : i32
      %dma_wait3A_513 = tpu.memref_slice %arg28[%add3A_36, %dma_wait3A_512] : memref<10240x64xf32, #tpu.memory_space<vmem_shared>> -> memref<64x64xf32, #tpu.memory_space<vmem_shared>>
      tpu.wait_dma2 semaphore(%run_scoped3A : memref<!tpu.dma_semaphore, #tpu.memory_space<semaphore_mem>>) src(%arg26 : memref<64x64xf32, #tpu.memory_space<vmem>>) dst(%dma_wait3A_513 : memref<64x64xf32, #tpu.memory_space<vmem_shared>>)
      tpu.yield
    }) : () -> ()
    %add3A_37 = arith.constant 192 : i32
    %add3A_38 = arith.addi %mul3A_2, %add3A_37 : i32
    "tpu.region"() ({
      %run_scoped3A = tpu.sem_alloc : memref<!tpu.dma_semaphore, #tpu.memory_space<semaphore_mem>>
      %dma_start3A_506 = arith.constant 0 : i32
      %dma_start3A_507 = tpu.memref_slice %arg28[%add3A_38, %dma_start3A_506] : memref<10240x64xf32, #tpu.memory_space<vmem_shared>> -> memref<64x64xf32, #tpu.memory_space<vmem_shared>>
      %dma_start3A_508 = arith.constant 0 : i32
      %dma_start3A_509 = tpu.memref_slice %arg28[%add3A_38, %dma_start3A_508] : memref<10240x64xf32, #tpu.memory_space<vmem_shared>> -> memref<64x64xf32, #tpu.memory_space<vmem_shared>>
      tpu.enqueue_dma source(%arg26 : memref<64x64xf32, #tpu.memory_space<vmem>>) target(%dma_start3A_509 : memref<64x64xf32, #tpu.memory_space<vmem_shared>>) target_semaphore(%run_scoped3A : memref<!tpu.dma_semaphore, #tpu.memory_space<semaphore_mem>>)
      %dma_wait3A_510 = arith.constant 0 : i32
      %dma_wait3A_511 = tpu.memref_slice %arg28[%add3A_38, %dma_wait3A_510] : memref<10240x64xf32, #tpu.memory_space<vmem_shared>> -> memref<64x64xf32, #tpu.memory_space<vmem_shared>>
      %dma_wait3A_512 = arith.constant 0 : i32
      %dma_wait3A_513 = tpu.memref_slice %arg28[%add3A_38, %dma_wait3A_512] : memref<10240x64xf32, #tpu.memory_space<vmem_shared>> -> memref<64x64xf32, #tpu.memory_space<vmem_shared>>
      tpu.wait_dma2 semaphore(%run_scoped3A : memref<!tpu.dma_semaphore, #tpu.memory_space<semaphore_mem>>) src(%arg26 : memref<64x64xf32, #tpu.memory_space<vmem>>) dst(%dma_wait3A_513 : memref<64x64xf32, #tpu.memory_space<vmem_shared>>)
      tpu.yield
    }) : () -> ()
    %add3A_39 = arith.constant 256 : i32
    %add3A_40 = arith.addi %mul3A_2, %add3A_39 : i32
    "tpu.region"() ({
      %run_scoped3A = tpu.sem_alloc : memref<!tpu.dma_semaphore, #tpu.memory_space<semaphore_mem>>
      %dma_start3A_506 = arith.constant 0 : i32
      %dma_start3A_507 = tpu.memref_slice %arg28[%add3A_40, %dma_start3A_506] : memref<10240x64xf32, #tpu.memory_space<vmem_shared>> -> memref<64x64xf32, #tpu.memory_space<vmem_shared>>
      %dma_start3A_508 = arith.constant 0 : i32
      %dma_start3A_509 = tpu.memref_slice %arg28[%add3A_40, %dma_start3A_508] : memref<10240x64xf32, #tpu.memory_space<vmem_shared>> -> memref<64x64xf32, #tpu.memory_space<vmem_shared>>
      tpu.enqueue_dma source(%arg26 : memref<64x64xf32, #tpu.memory_space<vmem>>) target(%dma_start3A_509 : memref<64x64xf32, #tpu.memory_space<vmem_shared>>) target_semaphore(%run_scoped3A : memref<!tpu.dma_semaphore, #tpu.memory_space<semaphore_mem>>)
      %dma_wait3A_510 = arith.constant 0 : i32
      %dma_wait3A_511 = tpu.memref_slice %arg28[%add3A_40, %dma_wait3A_510] : memref<10240x64xf32, #tpu.memory_space<vmem_shared>> -> memref<64x64xf32, #tpu.memory_space<vmem_shared>>
      %dma_wait3A_512 = arith.constant 0 : i32
      %dma_wait3A_513 = tpu.memref_slice %arg28[%add3A_40, %dma_wait3A_512] : memref<10240x64xf32, #tpu.memory_space<vmem_shared>> -> memref<64x64xf32, #tpu.memory_space<vmem_shared>>
      tpu.wait_dma2 semaphore(%run_scoped3A : memref<!tpu.dma_semaphore, #tpu.memory_space<semaphore_mem>>) src(%arg26 : memref<64x64xf32, #tpu.memory_space<vmem>>) dst(%dma_wait3A_513 : memref<64x64xf32, #tpu.memory_space<vmem_shared>>)
      tpu.yield
    }) : () -> ()
    %add3A_41 = arith.constant 320 : i32
    %add3A_42 = arith.addi %mul3A_2, %add3A_41 : i32
    "tpu.region"() ({
      %run_scoped3A = tpu.sem_alloc : memref<!tpu.dma_semaphore, #tpu.memory_space<semaphore_mem>>
      %dma_start3A_506 = arith.constant 0 : i32
      %dma_start3A_507 = tpu.memref_slice %arg28[%add3A_42, %dma_start3A_506] : memref<10240x64xf32, #tpu.memory_space<vmem_shared>> -> memref<64x64xf32, #tpu.memory_space<vmem_shared>>
      %dma_start3A_508 = arith.constant 0 : i32
      %dma_start3A_509 = tpu.memref_slice %arg28[%add3A_42, %dma_start3A_508] : memref<10240x64xf32, #tpu.memory_space<vmem_shared>> -> memref<64x64xf32, #tpu.memory_space<vmem_shared>>
      tpu.enqueue_dma source(%arg26 : memref<64x64xf32, #tpu.memory_space<vmem>>) target(%dma_start3A_509 : memref<64x64xf32, #tpu.memory_space<vmem_shared>>) target_semaphore(%run_scoped3A : memref<!tpu.dma_semaphore, #tpu.memory_space<semaphore_mem>>)
      %dma_wait3A_510 = arith.constant 0 : i32
      %dma_wait3A_511 = tpu.memref_slice %arg28[%add3A_42, %dma_wait3A_510] : memref<10240x64xf32, #tpu.memory_space<vmem_shared>> -> memref<64x64xf32, #tpu.memory_space<vmem_shared>>
      %dma_wait3A_512 = arith.constant 0 : i32
      %dma_wait3A_513 = tpu.memref_slice %arg28[%add3A_42, %dma_wait3A_512] : memref<10240x64xf32, #tpu.memory_space<vmem_shared>> -> memref<64x64xf32, #tpu.memory_space<vmem_shared>>
      tpu.wait_dma2 semaphore(%run_scoped3A : memref<!tpu.dma_semaphore, #tpu.memory_space<semaphore_mem>>) src(%arg26 : memref<64x64xf32, #tpu.memory_space<vmem>>) dst(%dma_wait3A_513 : memref<64x64xf32, #tpu.memory_space<vmem_shared>>)
      tpu.yield
    }) : () -> ()
    %add3A_43 = arith.constant 384 : i32
    %add3A_44 = arith.addi %mul3A_2, %add3A_43 : i32
    "tpu.region"() ({
      %run_scoped3A = tpu.sem_alloc : memref<!tpu.dma_semaphore, #tpu.memory_space<semaphore_mem>>
      %dma_start3A_506 = arith.constant 0 : i32
      %dma_start3A_507 = tpu.memref_slice %arg28[%add3A_44, %dma_start3A_506] : memref<10240x64xf32, #tpu.memory_space<vmem_shared>> -> memref<64x64xf32, #tpu.memory_space<vmem_shared>>
      %dma_start3A_508 = arith.constant 0 : i32
      %dma_start3A_509 = tpu.memref_slice %arg28[%add3A_44, %dma_start3A_508] : memref<10240x64xf32, #tpu.memory_space<vmem_shared>> -> memref<64x64xf32, #tpu.memory_space<vmem_shared>>
      tpu.enqueue_dma source(%arg26 : memref<64x64xf32, #tpu.memory_space<vmem>>) target(%dma_start3A_509 : memref<64x64xf32, #tpu.memory_space<vmem_shared>>) target_semaphore(%run_scoped3A : memref<!tpu.dma_semaphore, #tpu.memory_space<semaphore_mem>>)
      %dma_wait3A_510 = arith.constant 0 : i32
      %dma_wait3A_511 = tpu.memref_slice %arg28[%add3A_44, %dma_wait3A_510] : memref<10240x64xf32, #tpu.memory_space<vmem_shared>> -> memref<64x64xf32, #tpu.memory_space<vmem_shared>>
      %dma_wait3A_512 = arith.constant 0 : i32
      %dma_wait3A_513 = tpu.memref_slice %arg28[%add3A_44, %dma_wait3A_512] : memref<10240x64xf32, #tpu.memory_space<vmem_shared>> -> memref<64x64xf32, #tpu.memory_space<vmem_shared>>
      tpu.wait_dma2 semaphore(%run_scoped3A : memref<!tpu.dma_semaphore, #tpu.memory_space<semaphore_mem>>) src(%arg26 : memref<64x64xf32, #tpu.memory_space<vmem>>) dst(%dma_wait3A_513 : memref<64x64xf32, #tpu.memory_space<vmem_shared>>)
      tpu.yield
    }) : () -> ()
    %add3A_45 = arith.constant 448 : i32
    %add3A_46 = arith.addi %mul3A_2, %add3A_45 : i32
    "tpu.region"() ({
      %run_scoped3A = tpu.sem_alloc : memref<!tpu.dma_semaphore, #tpu.memory_space<semaphore_mem>>
      %dma_start3A_506 = arith.constant 0 : i32
      %dma_start3A_507 = tpu.memref_slice %arg28[%add3A_46, %dma_start3A_506] : memref<10240x64xf32, #tpu.memory_space<vmem_shared>> -> memref<64x64xf32, #tpu.memory_space<vmem_shared>>
      %dma_start3A_508 = arith.constant 0 : i32
      %dma_start3A_509 = tpu.memref_slice %arg28[%add3A_46, %dma_start3A_508] : memref<10240x64xf32, #tpu.memory_space<vmem_shared>> -> memref<64x64xf32, #tpu.memory_space<vmem_shared>>
      tpu.enqueue_dma source(%arg26 : memref<64x64xf32, #tpu.memory_space<vmem>>) target(%dma_start3A_509 : memref<64x64xf32, #tpu.memory_space<vmem_shared>>) target_semaphore(%run_scoped3A : memref<!tpu.dma_semaphore, #tpu.memory_space<semaphore_mem>>)
      %dma_wait3A_510 = arith.constant 0 : i32
      %dma_wait3A_511 = tpu.memref_slice %arg28[%add3A_46, %dma_wait3A_510] : memref<10240x64xf32, #tpu.memory_space<vmem_shared>> -> memref<64x64xf32, #tpu.memory_space<vmem_shared>>
      %dma_wait3A_512 = arith.constant 0 : i32
      %dma_wait3A_513 = tpu.memref_slice %arg28[%add3A_46, %dma_wait3A_512] : memref<10240x64xf32, #tpu.memory_space<vmem_shared>> -> memref<64x64xf32, #tpu.memory_space<vmem_shared>>
      tpu.wait_dma2 semaphore(%run_scoped3A : memref<!tpu.dma_semaphore, #tpu.memory_space<semaphore_mem>>) src(%arg26 : memref<64x64xf32, #tpu.memory_space<vmem>>) dst(%dma_wait3A_513 : memref<64x64xf32, #tpu.memory_space<vmem_shared>>)
      tpu.yield
    }) : () -> ()
    %add3A_47 = arith.constant 512 : i32
    %add3A_48 = arith.addi %mul3A_2, %add3A_47 : i32
    "tpu.region"() ({
      %run_scoped3A = tpu.sem_alloc : memref<!tpu.dma_semaphore, #tpu.memory_space<semaphore_mem>>
      %dma_start3A_506 = arith.constant 0 : i32
      %dma_start3A_507 = tpu.memref_slice %arg28[%add3A_48, %dma_start3A_506] : memref<10240x64xf32, #tpu.memory_space<vmem_shared>> -> memref<64x64xf32, #tpu.memory_space<vmem_shared>>
      %dma_start3A_508 = arith.constant 0 : i32
      %dma_start3A_509 = tpu.memref_slice %arg28[%add3A_48, %dma_start3A_508] : memref<10240x64xf32, #tpu.memory_space<vmem_shared>> -> memref<64x64xf32, #tpu.memory_space<vmem_shared>>
      tpu.enqueue_dma source(%arg26 : memref<64x64xf32, #tpu.memory_space<vmem>>) target(%dma_start3A_509 : memref<64x64xf32, #tpu.memory_space<vmem_shared>>) target_semaphore(%run_scoped3A : memref<!tpu.dma_semaphore, #tpu.memory_space<semaphore_mem>>)
      %dma_wait3A_510 = arith.constant 0 : i32
      %dma_wait3A_511 = tpu.memref_slice %arg28[%add3A_48, %dma_wait3A_510] : memref<10240x64xf32, #tpu.memory_space<vmem_shared>> -> memref<64x64xf32, #tpu.memory_space<vmem_shared>>
      %dma_wait3A_512 = arith.constant 0 : i32
      %dma_wait3A_513 = tpu.memref_slice %arg28[%add3A_48, %dma_wait3A_512] : memref<10240x64xf32, #tpu.memory_space<vmem_shared>> -> memref<64x64xf32, #tpu.memory_space<vmem_shared>>
      tpu.wait_dma2 semaphore(%run_scoped3A : memref<!tpu.dma_semaphore, #tpu.memory_space<semaphore_mem>>) src(%arg26 : memref<64x64xf32, #tpu.memory_space<vmem>>) dst(%dma_wait3A_513 : memref<64x64xf32, #tpu.memory_space<vmem_shared>>)
      tpu.yield
    }) : () -> ()
    %add3A_49 = arith.constant 576 : i32
    %add3A_50 = arith.addi %mul3A_2, %add3A_49 : i32
    "tpu.region"() ({
      %run_scoped3A = tpu.sem_alloc : memref<!tpu.dma_semaphore, #tpu.memory_space<semaphore_mem>>
      %dma_start3A_506 = arith.constant 0 : i32
      %dma_start3A_507 = tpu.memref_slice %arg28[%add3A_50, %dma_start3A_506] : memref<10240x64xf32, #tpu.memory_space<vmem_shared>> -> memref<64x64xf32, #tpu.memory_space<vmem_shared>>
      %dma_start3A_508 = arith.constant 0 : i32
      %dma_start3A_509 = tpu.memref_slice %arg28[%add3A_50, %dma_start3A_508] : memref<10240x64xf32, #tpu.memory_space<vmem_shared>> -> memref<64x64xf32, #tpu.memory_space<vmem_shared>>
      tpu.enqueue_dma source(%arg26 : memref<64x64xf32, #tpu.memory_space<vmem>>) target(%dma_start3A_509 : memref<64x64xf32, #tpu.memory_space<vmem_shared>>) target_semaphore(%run_scoped3A : memref<!tpu.dma_semaphore, #tpu.memory_space<semaphore_mem>>)
      %dma_wait3A_510 = arith.constant 0 : i32
      %dma_wait3A_511 = tpu.memref_slice %arg28[%add3A_50, %dma_wait3A_510] : memref<10240x64xf32, #tpu.memory_space<vmem_shared>> -> memref<64x64xf32, #tpu.memory_space<vmem_shared>>
      %dma_wait3A_512 = arith.constant 0 : i32
      %dma_wait3A_513 = tpu.memref_slice %arg28[%add3A_50, %dma_wait3A_512] : memref<10240x64xf32, #tpu.memory_space<vmem_shared>> -> memref<64x64xf32, #tpu.memory_space<vmem_shared>>
      tpu.wait_dma2 semaphore(%run_scoped3A : memref<!tpu.dma_semaphore, #tpu.memory_space<semaphore_mem>>) src(%arg26 : memref<64x64xf32, #tpu.memory_space<vmem>>) dst(%dma_wait3A_513 : memref<64x64xf32, #tpu.memory_space<vmem_shared>>)
      tpu.yield
    }) : () -> ()
    %barrier3A = arith.constant 0 : index
    tpu.barrier barrier_id(%barrier3A)
    %dma_start3A = arith.constant 0 : i32
    %dma_start3A_51 = arith.constant 0 : i32
    %dma_start3A_52 = tpu.memref_slice %arg9[%dma_start3A, %dma_start3A_51] : memref<80x125xi32, #tpu.memory_space<vmem>> -> memref<1x125xi32, #tpu.memory_space<vmem>>
    %dma_start3A_53 = tpu.memref_squeeze %dma_start3A_52 : memref<1x125xi32, #tpu.memory_space<vmem>> -> memref<125xi32, #tpu.memory_space<vmem>>
    %dma_start3A_54 = arith.constant 0 : i32
    %dma_start3A_55 = arith.constant 0 : i32
    %dma_start3A_56 = tpu.memref_slice %arg2[%dma_start3A_54, %dma_start3A_55] : memref<10000x64xf32, #tpu.memory_space<hbm>> -> memref<10000x64xf32, #tpu.memory_space<hbm>>
    tpu.enqueue_indirect_dma source(%dma_start3A_56 : memref<10000x64xf32, #tpu.memory_space<hbm>>) target(%arg11 : memref<125x64xf32, #tpu.memory_space<vmem>>) offsets(%dma_start3A_53 : memref<125xi32, #tpu.memory_space<vmem>>) semaphore(%arg16 : memref<!tpu.dma_semaphore, #tpu.memory_space<semaphore_mem>>)
    %dma_start3A_57 = arith.constant 1 : i32
    %dma_start3A_58 = arith.constant 0 : i32
    %dma_start3A_59 = tpu.memref_slice %arg9[%dma_start3A_57, %dma_start3A_58] : memref<80x125xi32, #tpu.memory_space<vmem>> -> memref<1x125xi32, #tpu.memory_space<vmem>>
    %dma_start3A_60 = tpu.memref_squeeze %dma_start3A_59 : memref<1x125xi32, #tpu.memory_space<vmem>> -> memref<125xi32, #tpu.memory_space<vmem>>
    %dma_start3A_61 = arith.constant 0 : i32
    %dma_start3A_62 = arith.constant 0 : i32
    %dma_start3A_63 = tpu.memref_slice %arg2[%dma_start3A_61, %dma_start3A_62] : memref<10000x64xf32, #tpu.memory_space<hbm>> -> memref<10000x64xf32, #tpu.memory_space<hbm>>
    tpu.enqueue_indirect_dma source(%dma_start3A_63 : memref<10000x64xf32, #tpu.memory_space<hbm>>) target(%arg12 : memref<125x64xf32, #tpu.memory_space<vmem>>) offsets(%dma_start3A_60 : memref<125xi32, #tpu.memory_space<vmem>>) semaphore(%arg17 : memref<!tpu.dma_semaphore, #tpu.memory_space<semaphore_mem>>)
    %dma_start3A_64 = arith.constant 2 : i32
    %dma_start3A_65 = arith.constant 0 : i32
    %dma_start3A_66 = tpu.memref_slice %arg9[%dma_start3A_64, %dma_start3A_65] : memref<80x125xi32, #tpu.memory_space<vmem>> -> memref<1x125xi32, #tpu.memory_space<vmem>>
    %dma_start3A_67 = tpu.memref_squeeze %dma_start3A_66 : memref<1x125xi32, #tpu.memory_space<vmem>> -> memref<125xi32, #tpu.memory_space<vmem>>
    %dma_start3A_68 = arith.constant 0 : i32
    %dma_start3A_69 = arith.constant 0 : i32
    %dma_start3A_70 = tpu.memref_slice %arg2[%dma_start3A_68, %dma_start3A_69] : memref<10000x64xf32, #tpu.memory_space<hbm>> -> memref<10000x64xf32, #tpu.memory_space<hbm>>
    tpu.enqueue_indirect_dma source(%dma_start3A_70 : memref<10000x64xf32, #tpu.memory_space<hbm>>) target(%arg13 : memref<125x64xf32, #tpu.memory_space<vmem>>) offsets(%dma_start3A_67 : memref<125xi32, #tpu.memory_space<vmem>>) semaphore(%arg18 : memref<!tpu.dma_semaphore, #tpu.memory_space<semaphore_mem>>)
    %dma_start3A_71 = arith.constant 3 : i32
    %dma_start3A_72 = arith.constant 0 : i32
    %dma_start3A_73 = tpu.memref_slice %arg9[%dma_start3A_71, %dma_start3A_72] : memref<80x125xi32, #tpu.memory_space<vmem>> -> memref<1x125xi32, #tpu.memory_space<vmem>>
    %dma_start3A_74 = tpu.memref_squeeze %dma_start3A_73 : memref<1x125xi32, #tpu.memory_space<vmem>> -> memref<125xi32, #tpu.memory_space<vmem>>
    %dma_start3A_75 = arith.constant 0 : i32
    %dma_start3A_76 = arith.constant 0 : i32
    %dma_start3A_77 = tpu.memref_slice %arg2[%dma_start3A_75, %dma_start3A_76] : memref<10000x64xf32, #tpu.memory_space<hbm>> -> memref<10000x64xf32, #tpu.memory_space<hbm>>
    tpu.enqueue_indirect_dma source(%dma_start3A_77 : memref<10000x64xf32, #tpu.memory_space<hbm>>) target(%arg14 : memref<125x64xf32, #tpu.memory_space<vmem>>) offsets(%dma_start3A_74 : memref<125xi32, #tpu.memory_space<vmem>>) semaphore(%arg19 : memref<!tpu.dma_semaphore, #tpu.memory_space<semaphore_mem>>)
    %dma_start3A_78 = arith.constant 4 : i32
    %dma_start3A_79 = arith.constant 0 : i32
    %dma_start3A_80 = tpu.memref_slice %arg9[%dma_start3A_78, %dma_start3A_79] : memref<80x125xi32, #tpu.memory_space<vmem>> -> memref<1x125xi32, #tpu.memory_space<vmem>>
    %dma_start3A_81 = tpu.memref_squeeze %dma_start3A_80 : memref<1x125xi32, #tpu.memory_space<vmem>> -> memref<125xi32, #tpu.memory_space<vmem>>
    %dma_start3A_82 = arith.constant 0 : i32
    %dma_start3A_83 = arith.constant 0 : i32
    %dma_start3A_84 = tpu.memref_slice %arg2[%dma_start3A_82, %dma_start3A_83] : memref<10000x64xf32, #tpu.memory_space<hbm>> -> memref<10000x64xf32, #tpu.memory_space<hbm>>
    tpu.enqueue_indirect_dma source(%dma_start3A_84 : memref<10000x64xf32, #tpu.memory_space<hbm>>) target(%arg15 : memref<125x64xf32, #tpu.memory_space<vmem>>) offsets(%dma_start3A_81 : memref<125xi32, #tpu.memory_space<vmem>>) semaphore(%arg20 : memref<!tpu.dma_semaphore, #tpu.memory_space<semaphore_mem>>)
    %scan3A_85 = arith.constant 0 : i32
    %scan3A_86 = arith.constant 0 : i32
    %scan3A_87 = arith.constant 15 : i32
    %scan3A_88 = arith.addi %scan3A_86, %scan3A_87 : i32
    %scan3A_89 = arith.constant 1 : i32
    %scan3A_90 = scf.for %scan3A_506 = %scan3A_86 to %scan3A_88 step %scan3A_89 iter_args(%scan3A_507 = %scan3A_85) -> (i32)  : i32 {
      %mul3A_508 = arith.constant 5 : i32
      %mul3A_509 = arith.muli %scan3A_506, %mul3A_508 : i32
      %dma_wait3A_510 = arith.constant 0 : i32
      %dma_wait3A_511 = arith.constant 0 : i32
      %dma_wait3A_512 = tpu.memref_slice %arg9[%dma_wait3A_510, %dma_wait3A_511] : memref<80x125xi32, #tpu.memory_space<vmem>> -> memref<1x125xi32, #tpu.memory_space<vmem>>
      %dma_wait3A_513 = tpu.memref_squeeze %dma_wait3A_512 : memref<1x125xi32, #tpu.memory_space<vmem>> -> memref<125xi32, #tpu.memory_space<vmem>>
      %dma_wait3A_514 = arith.constant 0 : i32
      %dma_wait3A_515 = arith.constant 0 : i32
      %dma_wait3A_516 = tpu.memref_slice %arg2[%dma_wait3A_514, %dma_wait3A_515] : memref<10000x64xf32, #tpu.memory_space<hbm>> -> memref<10000x64xf32, #tpu.memory_space<hbm>>
      tpu.wait_indirect_dma semaphore(%arg16 : memref<!tpu.dma_semaphore, #tpu.memory_space<semaphore_mem>>) src(%dma_wait3A_516 : memref<10000x64xf32, #tpu.memory_space<hbm>>) dst(%arg11 : memref<125x64xf32, #tpu.memory_space<vmem>>)
      %add3A_517 = arith.constant 0 : i32
      %add3A_518 = arith.addi %mul3A_509, %add3A_517 : i32
      %dma_start3A_519 = arith.constant 0 : i32
      %dma_start3A_520 = tpu.memref_slice %arg10[%add3A_518, %dma_start3A_519] : memref<80x125xi32, #tpu.memory_space<vmem>> -> memref<1x125xi32, #tpu.memory_space<vmem>>
      %dma_start3A_521 = tpu.memref_squeeze %dma_start3A_520 : memref<1x125xi32, #tpu.memory_space<vmem>> -> memref<125xi32, #tpu.memory_space<vmem>>
      %dma_start3A_522 = arith.constant 0 : i32
      %dma_start3A_523 = arith.constant 0 : i32
      %dma_start3A_524 = tpu.memref_slice %arg28[%dma_start3A_522, %dma_start3A_523] : memref<10240x64xf32, #tpu.memory_space<vmem_shared>> -> memref<10240x64xf32, #tpu.memory_space<vmem_shared>>
      tpu.enqueue_indirect_dma source(%arg11 : memref<125x64xf32, #tpu.memory_space<vmem>>) target(%dma_start3A_524 : memref<10240x64xf32, #tpu.memory_space<vmem_shared>>) offsets(%dma_start3A_521 : memref<125xi32, #tpu.memory_space<vmem>>) semaphore(%arg21 : memref<!tpu.dma_semaphore, #tpu.memory_space<semaphore_mem>>) {add = true}
      %add3A_525 = arith.constant 0 : i32
      %add3A_526 = arith.addi %mul3A_509, %add3A_525 : i32
      %dma_start3A_527 = arith.constant 0 : i32
      %dma_start3A_528 = tpu.memref_slice %arg10[%add3A_526, %dma_start3A_527] : memref<80x125xi32, #tpu.memory_space<vmem>> -> memref<1x125xi32, #tpu.memory_space<vmem>>
      %dma_start3A_529 = tpu.memref_squeeze %dma_start3A_528 : memref<1x125xi32, #tpu.memory_space<vmem>> -> memref<125xi32, #tpu.memory_space<vmem>>
      %dma_start3A_530 = arith.constant 0 : i32
      %dma_start3A_531 = arith.constant 0 : i32
      %dma_start3A_532 = tpu.memref_slice %arg31[%dma_start3A_530, %dma_start3A_531] : memref<10240x16xf32, #tpu.memory_space<vmem_shared>> -> memref<10240x16xf32, #tpu.memory_space<vmem_shared>>
      tpu.enqueue_indirect_dma source(%arg29 : memref<125x16xf32, #tpu.memory_space<vmem>>) target(%dma_start3A_532 : memref<10240x16xf32, #tpu.memory_space<vmem_shared>>) offsets(%dma_start3A_529 : memref<125xi32, #tpu.memory_space<vmem>>) semaphore(%arg32 : memref<!tpu.dma_semaphore, #tpu.memory_space<semaphore_mem>>) {add = true}
      %dma_wait3A_533 = arith.constant 0 : i32
      %dma_wait3A_534 = arith.constant 0 : i32
      %dma_wait3A_535 = tpu.memref_slice %arg9[%dma_wait3A_533, %dma_wait3A_534] : memref<80x125xi32, #tpu.memory_space<vmem>> -> memref<1x125xi32, #tpu.memory_space<vmem>>
      %dma_wait3A_536 = tpu.memref_squeeze %dma_wait3A_535 : memref<1x125xi32, #tpu.memory_space<vmem>> -> memref<125xi32, #tpu.memory_space<vmem>>
      %dma_wait3A_537 = arith.constant 0 : i32
      %dma_wait3A_538 = arith.constant 0 : i32
      %dma_wait3A_539 = tpu.memref_slice %arg2[%dma_wait3A_537, %dma_wait3A_538] : memref<10000x64xf32, #tpu.memory_space<hbm>> -> memref<10000x64xf32, #tpu.memory_space<hbm>>
      tpu.wait_indirect_dma semaphore(%arg17 : memref<!tpu.dma_semaphore, #tpu.memory_space<semaphore_mem>>) src(%dma_wait3A_539 : memref<10000x64xf32, #tpu.memory_space<hbm>>) dst(%arg12 : memref<125x64xf32, #tpu.memory_space<vmem>>)
      %add3A_540 = arith.constant 1 : i32
      %add3A_541 = arith.addi %mul3A_509, %add3A_540 : i32
      %dma_start3A_542 = arith.constant 0 : i32
      %dma_start3A_543 = tpu.memref_slice %arg10[%add3A_541, %dma_start3A_542] : memref<80x125xi32, #tpu.memory_space<vmem>> -> memref<1x125xi32, #tpu.memory_space<vmem>>
      %dma_start3A_544 = tpu.memref_squeeze %dma_start3A_543 : memref<1x125xi32, #tpu.memory_space<vmem>> -> memref<125xi32, #tpu.memory_space<vmem>>
      %dma_start3A_545 = arith.constant 0 : i32
      %dma_start3A_546 = arith.constant 0 : i32
      %dma_start3A_547 = tpu.memref_slice %arg28[%dma_start3A_545, %dma_start3A_546] : memref<10240x64xf32, #tpu.memory_space<vmem_shared>> -> memref<10240x64xf32, #tpu.memory_space<vmem_shared>>
      tpu.enqueue_indirect_dma source(%arg12 : memref<125x64xf32, #tpu.memory_space<vmem>>) target(%dma_start3A_547 : memref<10240x64xf32, #tpu.memory_space<vmem_shared>>) offsets(%dma_start3A_544 : memref<125xi32, #tpu.memory_space<vmem>>) semaphore(%arg22 : memref<!tpu.dma_semaphore, #tpu.memory_space<semaphore_mem>>) {add = true}
      %add3A_548 = arith.constant 1 : i32
      %add3A_549 = arith.addi %mul3A_509, %add3A_548 : i32
      %dma_start3A_550 = arith.constant 0 : i32
      %dma_start3A_551 = tpu.memref_slice %arg10[%add3A_549, %dma_start3A_550] : memref<80x125xi32, #tpu.memory_space<vmem>> -> memref<1x125xi32, #tpu.memory_space<vmem>>
      %dma_start3A_552 = tpu.memref_squeeze %dma_start3A_551 : memref<1x125xi32, #tpu.memory_space<vmem>> -> memref<125xi32, #tpu.memory_space<vmem>>
      %dma_start3A_553 = arith.constant 0 : i32
      %dma_start3A_554 = arith.constant 0 : i32
      %dma_start3A_555 = tpu.memref_slice %arg31[%dma_start3A_553, %dma_start3A_554] : memref<10240x16xf32, #tpu.memory_space<vmem_shared>> -> memref<10240x16xf32, #tpu.memory_space<vmem_shared>>
      tpu.enqueue_indirect_dma source(%arg29 : memref<125x16xf32, #tpu.memory_space<vmem>>) target(%dma_start3A_555 : memref<10240x16xf32, #tpu.memory_space<vmem_shared>>) offsets(%dma_start3A_552 : memref<125xi32, #tpu.memory_space<vmem>>) semaphore(%arg32 : memref<!tpu.dma_semaphore, #tpu.memory_space<semaphore_mem>>) {add = true}
      %dma_wait3A_556 = arith.constant 0 : i32
      %dma_wait3A_557 = arith.constant 0 : i32
      %dma_wait3A_558 = tpu.memref_slice %arg9[%dma_wait3A_556, %dma_wait3A_557] : memref<80x125xi32, #tpu.memory_space<vmem>> -> memref<1x125xi32, #tpu.memory_space<vmem>>
      %dma_wait3A_559 = tpu.memref_squeeze %dma_wait3A_558 : memref<1x125xi32, #tpu.memory_space<vmem>> -> memref<125xi32, #tpu.memory_space<vmem>>
      %dma_wait3A_560 = arith.constant 0 : i32
      %dma_wait3A_561 = arith.constant 0 : i32
      %dma_wait3A_562 = tpu.memref_slice %arg2[%dma_wait3A_560, %dma_wait3A_561] : memref<10000x64xf32, #tpu.memory_space<hbm>> -> memref<10000x64xf32, #tpu.memory_space<hbm>>
      tpu.wait_indirect_dma semaphore(%arg18 : memref<!tpu.dma_semaphore, #tpu.memory_space<semaphore_mem>>) src(%dma_wait3A_562 : memref<10000x64xf32, #tpu.memory_space<hbm>>) dst(%arg13 : memref<125x64xf32, #tpu.memory_space<vmem>>)
      %add3A_563 = arith.constant 2 : i32
      %add3A_564 = arith.addi %mul3A_509, %add3A_563 : i32
      %dma_start3A_565 = arith.constant 0 : i32
      %dma_start3A_566 = tpu.memref_slice %arg10[%add3A_564, %dma_start3A_565] : memref<80x125xi32, #tpu.memory_space<vmem>> -> memref<1x125xi32, #tpu.memory_space<vmem>>
      %dma_start3A_567 = tpu.memref_squeeze %dma_start3A_566 : memref<1x125xi32, #tpu.memory_space<vmem>> -> memref<125xi32, #tpu.memory_space<vmem>>
      %dma_start3A_568 = arith.constant 0 : i32
      %dma_start3A_569 = arith.constant 0 : i32
      %dma_start3A_570 = tpu.memref_slice %arg28[%dma_start3A_568, %dma_start3A_569] : memref<10240x64xf32, #tpu.memory_space<vmem_shared>> -> memref<10240x64xf32, #tpu.memory_space<vmem_shared>>
      tpu.enqueue_indirect_dma source(%arg13 : memref<125x64xf32, #tpu.memory_space<vmem>>) target(%dma_start3A_570 : memref<10240x64xf32, #tpu.memory_space<vmem_shared>>) offsets(%dma_start3A_567 : memref<125xi32, #tpu.memory_space<vmem>>) semaphore(%arg23 : memref<!tpu.dma_semaphore, #tpu.memory_space<semaphore_mem>>) {add = true}
      %add3A_571 = arith.constant 2 : i32
      %add3A_572 = arith.addi %mul3A_509, %add3A_571 : i32
      %dma_start3A_573 = arith.constant 0 : i32
      %dma_start3A_574 = tpu.memref_slice %arg10[%add3A_572, %dma_start3A_573] : memref<80x125xi32, #tpu.memory_space<vmem>> -> memref<1x125xi32, #tpu.memory_space<vmem>>
      %dma_start3A_575 = tpu.memref_squeeze %dma_start3A_574 : memref<1x125xi32, #tpu.memory_space<vmem>> -> memref<125xi32, #tpu.memory_space<vmem>>
      %dma_start3A_576 = arith.constant 0 : i32
      %dma_start3A_577 = arith.constant 0 : i32
      %dma_start3A_578 = tpu.memref_slice %arg31[%dma_start3A_576, %dma_start3A_577] : memref<10240x16xf32, #tpu.memory_space<vmem_shared>> -> memref<10240x16xf32, #tpu.memory_space<vmem_shared>>
      tpu.enqueue_indirect_dma source(%arg29 : memref<125x16xf32, #tpu.memory_space<vmem>>) target(%dma_start3A_578 : memref<10240x16xf32, #tpu.memory_space<vmem_shared>>) offsets(%dma_start3A_575 : memref<125xi32, #tpu.memory_space<vmem>>) semaphore(%arg32 : memref<!tpu.dma_semaphore, #tpu.memory_space<semaphore_mem>>) {add = true}
      %dma_wait3A_579 = arith.constant 0 : i32
      %dma_wait3A_580 = arith.constant 0 : i32
      %dma_wait3A_581 = tpu.memref_slice %arg9[%dma_wait3A_579, %dma_wait3A_580] : memref<80x125xi32, #tpu.memory_space<vmem>> -> memref<1x125xi32, #tpu.memory_space<vmem>>
      %dma_wait3A_582 = tpu.memref_squeeze %dma_wait3A_581 : memref<1x125xi32, #tpu.memory_space<vmem>> -> memref<125xi32, #tpu.memory_space<vmem>>
      %dma_wait3A_583 = arith.constant 0 : i32
      %dma_wait3A_584 = arith.constant 0 : i32
      %dma_wait3A_585 = tpu.memref_slice %arg2[%dma_wait3A_583, %dma_wait3A_584] : memref<10000x64xf32, #tpu.memory_space<hbm>> -> memref<10000x64xf32, #tpu.memory_space<hbm>>
      tpu.wait_indirect_dma semaphore(%arg19 : memref<!tpu.dma_semaphore, #tpu.memory_space<semaphore_mem>>) src(%dma_wait3A_585 : memref<10000x64xf32, #tpu.memory_space<hbm>>) dst(%arg14 : memref<125x64xf32, #tpu.memory_space<vmem>>)
      %add3A_586 = arith.constant 3 : i32
      %add3A_587 = arith.addi %mul3A_509, %add3A_586 : i32
      %dma_start3A_588 = arith.constant 0 : i32
      %dma_start3A_589 = tpu.memref_slice %arg10[%add3A_587, %dma_start3A_588] : memref<80x125xi32, #tpu.memory_space<vmem>> -> memref<1x125xi32, #tpu.memory_space<vmem>>
      %dma_start3A_590 = tpu.memref_squeeze %dma_start3A_589 : memref<1x125xi32, #tpu.memory_space<vmem>> -> memref<125xi32, #tpu.memory_space<vmem>>
      %dma_start3A_591 = arith.constant 0 : i32
      %dma_start3A_592 = arith.constant 0 : i32
      %dma_start3A_593 = tpu.memref_slice %arg28[%dma_start3A_591, %dma_start3A_592] : memref<10240x64xf32, #tpu.memory_space<vmem_shared>> -> memref<10240x64xf32, #tpu.memory_space<vmem_shared>>
      tpu.enqueue_indirect_dma source(%arg14 : memref<125x64xf32, #tpu.memory_space<vmem>>) target(%dma_start3A_593 : memref<10240x64xf32, #tpu.memory_space<vmem_shared>>) offsets(%dma_start3A_590 : memref<125xi32, #tpu.memory_space<vmem>>) semaphore(%arg24 : memref<!tpu.dma_semaphore, #tpu.memory_space<semaphore_mem>>) {add = true}
      %add3A_594 = arith.constant 3 : i32
      %add3A_595 = arith.addi %mul3A_509, %add3A_594 : i32
      %dma_start3A_596 = arith.constant 0 : i32
      %dma_start3A_597 = tpu.memref_slice %arg10[%add3A_595, %dma_start3A_596] : memref<80x125xi32, #tpu.memory_space<vmem>> -> memref<1x125xi32, #tpu.memory_space<vmem>>
      %dma_start3A_598 = tpu.memref_squeeze %dma_start3A_597 : memref<1x125xi32, #tpu.memory_space<vmem>> -> memref<125xi32, #tpu.memory_space<vmem>>
      %dma_start3A_599 = arith.constant 0 : i32
      %dma_start3A_600 = arith.constant 0 : i32
      %dma_start3A_601 = tpu.memref_slice %arg31[%dma_start3A_599, %dma_start3A_600] : memref<10240x16xf32, #tpu.memory_space<vmem_shared>> -> memref<10240x16xf32, #tpu.memory_space<vmem_shared>>
      tpu.enqueue_indirect_dma source(%arg29 : memref<125x16xf32, #tpu.memory_space<vmem>>) target(%dma_start3A_601 : memref<10240x16xf32, #tpu.memory_space<vmem_shared>>) offsets(%dma_start3A_598 : memref<125xi32, #tpu.memory_space<vmem>>) semaphore(%arg32 : memref<!tpu.dma_semaphore, #tpu.memory_space<semaphore_mem>>) {add = true}
      %dma_wait3A_602 = arith.constant 0 : i32
      %dma_wait3A_603 = arith.constant 0 : i32
      %dma_wait3A_604 = tpu.memref_slice %arg9[%dma_wait3A_602, %dma_wait3A_603] : memref<80x125xi32, #tpu.memory_space<vmem>> -> memref<1x125xi32, #tpu.memory_space<vmem>>
      %dma_wait3A_605 = tpu.memref_squeeze %dma_wait3A_604 : memref<1x125xi32, #tpu.memory_space<vmem>> -> memref<125xi32, #tpu.memory_space<vmem>>
      %dma_wait3A_606 = arith.constant 0 : i32
      %dma_wait3A_607 = arith.constant 0 : i32
      %dma_wait3A_608 = tpu.memref_slice %arg2[%dma_wait3A_606, %dma_wait3A_607] : memref<10000x64xf32, #tpu.memory_space<hbm>> -> memref<10000x64xf32, #tpu.memory_space<hbm>>
      tpu.wait_indirect_dma semaphore(%arg20 : memref<!tpu.dma_semaphore, #tpu.memory_space<semaphore_mem>>) src(%dma_wait3A_608 : memref<10000x64xf32, #tpu.memory_space<hbm>>) dst(%arg15 : memref<125x64xf32, #tpu.memory_space<vmem>>)
      %add3A_609 = arith.constant 4 : i32
      %add3A_610 = arith.addi %mul3A_509, %add3A_609 : i32
      %dma_start3A_611 = arith.constant 0 : i32
      %dma_start3A_612 = tpu.memref_slice %arg10[%add3A_610, %dma_start3A_611] : memref<80x125xi32, #tpu.memory_space<vmem>> -> memref<1x125xi32, #tpu.memory_space<vmem>>
      %dma_start3A_613 = tpu.memref_squeeze %dma_start3A_612 : memref<1x125xi32, #tpu.memory_space<vmem>> -> memref<125xi32, #tpu.memory_space<vmem>>
      %dma_start3A_614 = arith.constant 0 : i32
      %dma_start3A_615 = arith.constant 0 : i32
      %dma_start3A_616 = tpu.memref_slice %arg28[%dma_start3A_614, %dma_start3A_615] : memref<10240x64xf32, #tpu.memory_space<vmem_shared>> -> memref<10240x64xf32, #tpu.memory_space<vmem_shared>>
      tpu.enqueue_indirect_dma source(%arg15 : memref<125x64xf32, #tpu.memory_space<vmem>>) target(%dma_start3A_616 : memref<10240x64xf32, #tpu.memory_space<vmem_shared>>) offsets(%dma_start3A_613 : memref<125xi32, #tpu.memory_space<vmem>>) semaphore(%arg25 : memref<!tpu.dma_semaphore, #tpu.memory_space<semaphore_mem>>) {add = true}
      %add3A_617 = arith.constant 4 : i32
      %add3A_618 = arith.addi %mul3A_509, %add3A_617 : i32
      %dma_start3A_619 = arith.constant 0 : i32
      %dma_start3A_620 = tpu.memref_slice %arg10[%add3A_618, %dma_start3A_619] : memref<80x125xi32, #tpu.memory_space<vmem>> -> memref<1x125xi32, #tpu.memory_space<vmem>>
      %dma_start3A_621 = tpu.memref_squeeze %dma_start3A_620 : memref<1x125xi32, #tpu.memory_space<vmem>> -> memref<125xi32, #tpu.memory_space<vmem>>
      %dma_start3A_622 = arith.constant 0 : i32
      %dma_start3A_623 = arith.constant 0 : i32
      %dma_start3A_624 = tpu.memref_slice %arg31[%dma_start3A_622, %dma_start3A_623] : memref<10240x16xf32, #tpu.memory_space<vmem_shared>> -> memref<10240x16xf32, #tpu.memory_space<vmem_shared>>
      tpu.enqueue_indirect_dma source(%arg29 : memref<125x16xf32, #tpu.memory_space<vmem>>) target(%dma_start3A_624 : memref<10240x16xf32, #tpu.memory_space<vmem_shared>>) offsets(%dma_start3A_621 : memref<125xi32, #tpu.memory_space<vmem>>) semaphore(%arg32 : memref<!tpu.dma_semaphore, #tpu.memory_space<semaphore_mem>>) {add = true}
      %dma_wait3A_625 = arith.constant 0 : i32
      %dma_wait3A_626 = arith.constant 0 : i32
      %dma_wait3A_627 = tpu.memref_slice %arg10[%dma_wait3A_625, %dma_wait3A_626] : memref<80x125xi32, #tpu.memory_space<vmem>> -> memref<1x125xi32, #tpu.memory_space<vmem>>
      %dma_wait3A_628 = tpu.memref_squeeze %dma_wait3A_627 : memref<1x125xi32, #tpu.memory_space<vmem>> -> memref<125xi32, #tpu.memory_space<vmem>>
      %dma_wait3A_629 = arith.constant 0 : i32
      %dma_wait3A_630 = arith.constant 0 : i32
      %dma_wait3A_631 = tpu.memref_slice %arg28[%dma_wait3A_629, %dma_wait3A_630] : memref<10240x64xf32, #tpu.memory_space<vmem_shared>> -> memref<10240x64xf32, #tpu.memory_space<vmem_shared>>
      tpu.wait_indirect_dma semaphore(%arg21 : memref<!tpu.dma_semaphore, #tpu.memory_space<semaphore_mem>>) src(%arg11 : memref<125x64xf32, #tpu.memory_space<vmem>>) dst(%dma_wait3A_631 : memref<10240x64xf32, #tpu.memory_space<vmem_shared>>)
      %add3A_632 = arith.constant 5 : i32
      %add3A_633 = arith.addi %mul3A_509, %add3A_632 : i32
      %add3A_634 = arith.constant 0 : i32
      %add3A_635 = arith.addi %add3A_633, %add3A_634 : i32
      %dma_start3A_636 = arith.constant 0 : i32
      %dma_start3A_637 = tpu.memref_slice %arg9[%add3A_635, %dma_start3A_636] : memref<80x125xi32, #tpu.memory_space<vmem>> -> memref<1x125xi32, #tpu.memory_space<vmem>>
      %dma_start3A_638 = tpu.memref_squeeze %dma_start3A_637 : memref<1x125xi32, #tpu.memory_space<vmem>> -> memref<125xi32, #tpu.memory_space<vmem>>
      %dma_start3A_639 = arith.constant 0 : i32
      %dma_start3A_640 = arith.constant 0 : i32
      %dma_start3A_641 = tpu.memref_slice %arg2[%dma_start3A_639, %dma_start3A_640] : memref<10000x64xf32, #tpu.memory_space<hbm>> -> memref<10000x64xf32, #tpu.memory_space<hbm>>
      tpu.enqueue_indirect_dma source(%dma_start3A_641 : memref<10000x64xf32, #tpu.memory_space<hbm>>) target(%arg11 : memref<125x64xf32, #tpu.memory_space<vmem>>) offsets(%dma_start3A_638 : memref<125xi32, #tpu.memory_space<vmem>>) semaphore(%arg16 : memref<!tpu.dma_semaphore, #tpu.memory_space<semaphore_mem>>)
      %dma_wait3A_642 = arith.constant 0 : i32
      %dma_wait3A_643 = arith.constant 0 : i32
      %dma_wait3A_644 = tpu.memref_slice %arg10[%dma_wait3A_642, %dma_wait3A_643] : memref<80x125xi32, #tpu.memory_space<vmem>> -> memref<1x125xi32, #tpu.memory_space<vmem>>
      %dma_wait3A_645 = tpu.memref_squeeze %dma_wait3A_644 : memref<1x125xi32, #tpu.memory_space<vmem>> -> memref<125xi32, #tpu.memory_space<vmem>>
      %dma_wait3A_646 = arith.constant 0 : i32
      %dma_wait3A_647 = arith.constant 0 : i32
      %dma_wait3A_648 = tpu.memref_slice %arg28[%dma_wait3A_646, %dma_wait3A_647] : memref<10240x64xf32, #tpu.memory_space<vmem_shared>> -> memref<10240x64xf32, #tpu.memory_space<vmem_shared>>
      tpu.wait_indirect_dma semaphore(%arg22 : memref<!tpu.dma_semaphore, #tpu.memory_space<semaphore_mem>>) src(%arg12 : memref<125x64xf32, #tpu.memory_space<vmem>>) dst(%dma_wait3A_648 : memref<10240x64xf32, #tpu.memory_space<vmem_shared>>)
      %add3A_649 = arith.constant 5 : i32
      %add3A_650 = arith.addi %mul3A_509, %add3A_649 : i32
      %add3A_651 = arith.constant 1 : i32
      %add3A_652 = arith.addi %add3A_650, %add3A_651 : i32
      %dma_start3A_653 = arith.constant 0 : i32
      %dma_start3A_654 = tpu.memref_slice %arg9[%add3A_652, %dma_start3A_653] : memref<80x125xi32, #tpu.memory_space<vmem>> -> memref<1x125xi32, #tpu.memory_space<vmem>>
      %dma_start3A_655 = tpu.memref_squeeze %dma_start3A_654 : memref<1x125xi32, #tpu.memory_space<vmem>> -> memref<125xi32, #tpu.memory_space<vmem>>
      %dma_start3A_656 = arith.constant 0 : i32
      %dma_start3A_657 = arith.constant 0 : i32
      %dma_start3A_658 = tpu.memref_slice %arg2[%dma_start3A_656, %dma_start3A_657] : memref<10000x64xf32, #tpu.memory_space<hbm>> -> memref<10000x64xf32, #tpu.memory_space<hbm>>
      tpu.enqueue_indirect_dma source(%dma_start3A_658 : memref<10000x64xf32, #tpu.memory_space<hbm>>) target(%arg12 : memref<125x64xf32, #tpu.memory_space<vmem>>) offsets(%dma_start3A_655 : memref<125xi32, #tpu.memory_space<vmem>>) semaphore(%arg17 : memref<!tpu.dma_semaphore, #tpu.memory_space<semaphore_mem>>)
      %dma_wait3A_659 = arith.constant 0 : i32
      %dma_wait3A_660 = arith.constant 0 : i32
      %dma_wait3A_661 = tpu.memref_slice %arg10[%dma_wait3A_659, %dma_wait3A_660] : memref<80x125xi32, #tpu.memory_space<vmem>> -> memref<1x125xi32, #tpu.memory_space<vmem>>
      %dma_wait3A_662 = tpu.memref_squeeze %dma_wait3A_661 : memref<1x125xi32, #tpu.memory_space<vmem>> -> memref<125xi32, #tpu.memory_space<vmem>>
      %dma_wait3A_663 = arith.constant 0 : i32
      %dma_wait3A_664 = arith.constant 0 : i32
      %dma_wait3A_665 = tpu.memref_slice %arg28[%dma_wait3A_663, %dma_wait3A_664] : memref<10240x64xf32, #tpu.memory_space<vmem_shared>> -> memref<10240x64xf32, #tpu.memory_space<vmem_shared>>
      tpu.wait_indirect_dma semaphore(%arg23 : memref<!tpu.dma_semaphore, #tpu.memory_space<semaphore_mem>>) src(%arg13 : memref<125x64xf32, #tpu.memory_space<vmem>>) dst(%dma_wait3A_665 : memref<10240x64xf32, #tpu.memory_space<vmem_shared>>)
      %add3A_666 = arith.constant 5 : i32
      %add3A_667 = arith.addi %mul3A_509, %add3A_666 : i32
      %add3A_668 = arith.constant 2 : i32
      %add3A_669 = arith.addi %add3A_667, %add3A_668 : i32
      %dma_start3A_670 = arith.constant 0 : i32
      %dma_start3A_671 = tpu.memref_slice %arg9[%add3A_669, %dma_start3A_670] : memref<80x125xi32, #tpu.memory_space<vmem>> -> memref<1x125xi32, #tpu.memory_space<vmem>>
      %dma_start3A_672 = tpu.memref_squeeze %dma_start3A_671 : memref<1x125xi32, #tpu.memory_space<vmem>> -> memref<125xi32, #tpu.memory_space<vmem>>
      %dma_start3A_673 = arith.constant 0 : i32
      %dma_start3A_674 = arith.constant 0 : i32
      %dma_start3A_675 = tpu.memref_slice %arg2[%dma_start3A_673, %dma_start3A_674] : memref<10000x64xf32, #tpu.memory_space<hbm>> -> memref<10000x64xf32, #tpu.memory_space<hbm>>
      tpu.enqueue_indirect_dma source(%dma_start3A_675 : memref<10000x64xf32, #tpu.memory_space<hbm>>) target(%arg13 : memref<125x64xf32, #tpu.memory_space<vmem>>) offsets(%dma_start3A_672 : memref<125xi32, #tpu.memory_space<vmem>>) semaphore(%arg18 : memref<!tpu.dma_semaphore, #tpu.memory_space<semaphore_mem>>)
      %dma_wait3A_676 = arith.constant 0 : i32
      %dma_wait3A_677 = arith.constant 0 : i32
      %dma_wait3A_678 = tpu.memref_slice %arg10[%dma_wait3A_676, %dma_wait3A_677] : memref<80x125xi32, #tpu.memory_space<vmem>> -> memref<1x125xi32, #tpu.memory_space<vmem>>
      %dma_wait3A_679 = tpu.memref_squeeze %dma_wait3A_678 : memref<1x125xi32, #tpu.memory_space<vmem>> -> memref<125xi32, #tpu.memory_space<vmem>>
      %dma_wait3A_680 = arith.constant 0 : i32
      %dma_wait3A_681 = arith.constant 0 : i32
      %dma_wait3A_682 = tpu.memref_slice %arg28[%dma_wait3A_680, %dma_wait3A_681] : memref<10240x64xf32, #tpu.memory_space<vmem_shared>> -> memref<10240x64xf32, #tpu.memory_space<vmem_shared>>
      tpu.wait_indirect_dma semaphore(%arg24 : memref<!tpu.dma_semaphore, #tpu.memory_space<semaphore_mem>>) src(%arg14 : memref<125x64xf32, #tpu.memory_space<vmem>>) dst(%dma_wait3A_682 : memref<10240x64xf32, #tpu.memory_space<vmem_shared>>)
      %add3A_683 = arith.constant 5 : i32
      %add3A_684 = arith.addi %mul3A_509, %add3A_683 : i32
      %add3A_685 = arith.constant 3 : i32
      %add3A_686 = arith.addi %add3A_684, %add3A_685 : i32
      %dma_start3A_687 = arith.constant 0 : i32
      %dma_start3A_688 = tpu.memref_slice %arg9[%add3A_686, %dma_start3A_687] : memref<80x125xi32, #tpu.memory_space<vmem>> -> memref<1x125xi32, #tpu.memory_space<vmem>>
      %dma_start3A_689 = tpu.memref_squeeze %dma_start3A_688 : memref<1x125xi32, #tpu.memory_space<vmem>> -> memref<125xi32, #tpu.memory_space<vmem>>
      %dma_start3A_690 = arith.constant 0 : i32
      %dma_start3A_691 = arith.constant 0 : i32
      %dma_start3A_692 = tpu.memref_slice %arg2[%dma_start3A_690, %dma_start3A_691] : memref<10000x64xf32, #tpu.memory_space<hbm>> -> memref<10000x64xf32, #tpu.memory_space<hbm>>
      tpu.enqueue_indirect_dma source(%dma_start3A_692 : memref<10000x64xf32, #tpu.memory_space<hbm>>) target(%arg14 : memref<125x64xf32, #tpu.memory_space<vmem>>) offsets(%dma_start3A_689 : memref<125xi32, #tpu.memory_space<vmem>>) semaphore(%arg19 : memref<!tpu.dma_semaphore, #tpu.memory_space<semaphore_mem>>)
      %dma_wait3A_693 = arith.constant 0 : i32
      %dma_wait3A_694 = arith.constant 0 : i32
      %dma_wait3A_695 = tpu.memref_slice %arg10[%dma_wait3A_693, %dma_wait3A_694] : memref<80x125xi32, #tpu.memory_space<vmem>> -> memref<1x125xi32, #tpu.memory_space<vmem>>
      %dma_wait3A_696 = tpu.memref_squeeze %dma_wait3A_695 : memref<1x125xi32, #tpu.memory_space<vmem>> -> memref<125xi32, #tpu.memory_space<vmem>>
      %dma_wait3A_697 = arith.constant 0 : i32
      %dma_wait3A_698 = arith.constant 0 : i32
      %dma_wait3A_699 = tpu.memref_slice %arg28[%dma_wait3A_697, %dma_wait3A_698] : memref<10240x64xf32, #tpu.memory_space<vmem_shared>> -> memref<10240x64xf32, #tpu.memory_space<vmem_shared>>
      tpu.wait_indirect_dma semaphore(%arg25 : memref<!tpu.dma_semaphore, #tpu.memory_space<semaphore_mem>>) src(%arg15 : memref<125x64xf32, #tpu.memory_space<vmem>>) dst(%dma_wait3A_699 : memref<10240x64xf32, #tpu.memory_space<vmem_shared>>)
      %add3A_700 = arith.constant 5 : i32
      %add3A_701 = arith.addi %mul3A_509, %add3A_700 : i32
      %add3A_702 = arith.constant 4 : i32
      %add3A_703 = arith.addi %add3A_701, %add3A_702 : i32
      %dma_start3A_704 = arith.constant 0 : i32
      %dma_start3A_705 = tpu.memref_slice %arg9[%add3A_703, %dma_start3A_704] : memref<80x125xi32, #tpu.memory_space<vmem>> -> memref<1x125xi32, #tpu.memory_space<vmem>>
      %dma_start3A_706 = tpu.memref_squeeze %dma_start3A_705 : memref<1x125xi32, #tpu.memory_space<vmem>> -> memref<125xi32, #tpu.memory_space<vmem>>
      %dma_start3A_707 = arith.constant 0 : i32
      %dma_start3A_708 = arith.constant 0 : i32
      %dma_start3A_709 = tpu.memref_slice %arg2[%dma_start3A_707, %dma_start3A_708] : memref<10000x64xf32, #tpu.memory_space<hbm>> -> memref<10000x64xf32, #tpu.memory_space<hbm>>
      tpu.enqueue_indirect_dma source(%dma_start3A_709 : memref<10000x64xf32, #tpu.memory_space<hbm>>) target(%arg15 : memref<125x64xf32, #tpu.memory_space<vmem>>) offsets(%dma_start3A_706 : memref<125xi32, #tpu.memory_space<vmem>>) semaphore(%arg20 : memref<!tpu.dma_semaphore, #tpu.memory_space<semaphore_mem>>)
      %scan3A_710 = arith.constant 0 : i32
      scf.yield %scan3A_710 : i32
    }
    %scan3A_91 = arith.constant 15 : i32
    %dma_wait3A = arith.constant 0 : i32
    %dma_wait3A_92 = arith.constant 0 : i32
    %dma_wait3A_93 = tpu.memref_slice %arg9[%dma_wait3A, %dma_wait3A_92] : memref<80x125xi32, #tpu.memory_space<vmem>> -> memref<1x125xi32, #tpu.memory_space<vmem>>
    %dma_wait3A_94 = tpu.memref_squeeze %dma_wait3A_93 : memref<1x125xi32, #tpu.memory_space<vmem>> -> memref<125xi32, #tpu.memory_space<vmem>>
    %dma_wait3A_95 = arith.constant 0 : i32
    %dma_wait3A_96 = arith.constant 0 : i32
    %dma_wait3A_97 = tpu.memref_slice %arg2[%dma_wait3A_95, %dma_wait3A_96] : memref<10000x64xf32, #tpu.memory_space<hbm>> -> memref<10000x64xf32, #tpu.memory_space<hbm>>
    tpu.wait_indirect_dma semaphore(%arg16 : memref<!tpu.dma_semaphore, #tpu.memory_space<semaphore_mem>>) src(%dma_wait3A_97 : memref<10000x64xf32, #tpu.memory_space<hbm>>) dst(%arg11 : memref<125x64xf32, #tpu.memory_space<vmem>>)
    %dma_start3A_98 = arith.constant 75 : i32
    %dma_start3A_99 = arith.constant 0 : i32
    %dma_start3A_100 = tpu.memref_slice %arg10[%dma_start3A_98, %dma_start3A_99] : memref<80x125xi32, #tpu.memory_space<vmem>> -> memref<1x125xi32, #tpu.memory_space<vmem>>
    %dma_start3A_101 = tpu.memref_squeeze %dma_start3A_100 : memref<1x125xi32, #tpu.memory_space<vmem>> -> memref<125xi32, #tpu.memory_space<vmem>>
    %dma_start3A_102 = arith.constant 0 : i32
    %dma_start3A_103 = arith.constant 0 : i32
    %dma_start3A_104 = tpu.memref_slice %arg28[%dma_start3A_102, %dma_start3A_103] : memref<10240x64xf32, #tpu.memory_space<vmem_shared>> -> memref<10240x64xf32, #tpu.memory_space<vmem_shared>>
    tpu.enqueue_indirect_dma source(%arg11 : memref<125x64xf32, #tpu.memory_space<vmem>>) target(%dma_start3A_104 : memref<10240x64xf32, #tpu.memory_space<vmem_shared>>) offsets(%dma_start3A_101 : memref<125xi32, #tpu.memory_space<vmem>>) semaphore(%arg21 : memref<!tpu.dma_semaphore, #tpu.memory_space<semaphore_mem>>) {add = true}
    %dma_start3A_105 = arith.constant 75 : i32
    %dma_start3A_106 = arith.constant 0 : i32
    %dma_start3A_107 = tpu.memref_slice %arg10[%dma_start3A_105, %dma_start3A_106] : memref<80x125xi32, #tpu.memory_space<vmem>> -> memref<1x125xi32, #tpu.memory_space<vmem>>
    %dma_start3A_108 = tpu.memref_squeeze %dma_start3A_107 : memref<1x125xi32, #tpu.memory_space<vmem>> -> memref<125xi32, #tpu.memory_space<vmem>>
    %dma_start3A_109 = arith.constant 0 : i32
    %dma_start3A_110 = arith.constant 0 : i32
    %dma_start3A_111 = tpu.memref_slice %arg31[%dma_start3A_109, %dma_start3A_110] : memref<10240x16xf32, #tpu.memory_space<vmem_shared>> -> memref<10240x16xf32, #tpu.memory_space<vmem_shared>>
    tpu.enqueue_indirect_dma source(%arg29 : memref<125x16xf32, #tpu.memory_space<vmem>>) target(%dma_start3A_111 : memref<10240x16xf32, #tpu.memory_space<vmem_shared>>) offsets(%dma_start3A_108 : memref<125xi32, #tpu.memory_space<vmem>>) semaphore(%arg32 : memref<!tpu.dma_semaphore, #tpu.memory_space<semaphore_mem>>) {add = true}
    %dma_wait3A_112 = arith.constant 0 : i32
    %dma_wait3A_113 = arith.constant 0 : i32
    %dma_wait3A_114 = tpu.memref_slice %arg9[%dma_wait3A_112, %dma_wait3A_113] : memref<80x125xi32, #tpu.memory_space<vmem>> -> memref<1x125xi32, #tpu.memory_space<vmem>>
    %dma_wait3A_115 = tpu.memref_squeeze %dma_wait3A_114 : memref<1x125xi32, #tpu.memory_space<vmem>> -> memref<125xi32, #tpu.memory_space<vmem>>
    %dma_wait3A_116 = arith.constant 0 : i32
    %dma_wait3A_117 = arith.constant 0 : i32
    %dma_wait3A_118 = tpu.memref_slice %arg2[%dma_wait3A_116, %dma_wait3A_117] : memref<10000x64xf32, #tpu.memory_space<hbm>> -> memref<10000x64xf32, #tpu.memory_space<hbm>>
    tpu.wait_indirect_dma semaphore(%arg17 : memref<!tpu.dma_semaphore, #tpu.memory_space<semaphore_mem>>) src(%dma_wait3A_118 : memref<10000x64xf32, #tpu.memory_space<hbm>>) dst(%arg12 : memref<125x64xf32, #tpu.memory_space<vmem>>)
    %dma_start3A_119 = arith.constant 76 : i32
    %dma_start3A_120 = arith.constant 0 : i32
    %dma_start3A_121 = tpu.memref_slice %arg10[%dma_start3A_119, %dma_start3A_120] : memref<80x125xi32, #tpu.memory_space<vmem>> -> memref<1x125xi32, #tpu.memory_space<vmem>>
    %dma_start3A_122 = tpu.memref_squeeze %dma_start3A_121 : memref<1x125xi32, #tpu.memory_space<vmem>> -> memref<125xi32, #tpu.memory_space<vmem>>
    %dma_start3A_123 = arith.constant 0 : i32
    %dma_start3A_124 = arith.constant 0 : i32
    %dma_start3A_125 = tpu.memref_slice %arg28[%dma_start3A_123, %dma_start3A_124] : memref<10240x64xf32, #tpu.memory_space<vmem_shared>> -> memref<10240x64xf32, #tpu.memory_space<vmem_shared>>
    tpu.enqueue_indirect_dma source(%arg12 : memref<125x64xf32, #tpu.memory_space<vmem>>) target(%dma_start3A_125 : memref<10240x64xf32, #tpu.memory_space<vmem_shared>>) offsets(%dma_start3A_122 : memref<125xi32, #tpu.memory_space<vmem>>) semaphore(%arg22 : memref<!tpu.dma_semaphore, #tpu.memory_space<semaphore_mem>>) {add = true}
    %dma_start3A_126 = arith.constant 76 : i32
    %dma_start3A_127 = arith.constant 0 : i32
    %dma_start3A_128 = tpu.memref_slice %arg10[%dma_start3A_126, %dma_start3A_127] : memref<80x125xi32, #tpu.memory_space<vmem>> -> memref<1x125xi32, #tpu.memory_space<vmem>>
    %dma_start3A_129 = tpu.memref_squeeze %dma_start3A_128 : memref<1x125xi32, #tpu.memory_space<vmem>> -> memref<125xi32, #tpu.memory_space<vmem>>
    %dma_start3A_130 = arith.constant 0 : i32
    %dma_start3A_131 = arith.constant 0 : i32
    %dma_start3A_132 = tpu.memref_slice %arg31[%dma_start3A_130, %dma_start3A_131] : memref<10240x16xf32, #tpu.memory_space<vmem_shared>> -> memref<10240x16xf32, #tpu.memory_space<vmem_shared>>
    tpu.enqueue_indirect_dma source(%arg29 : memref<125x16xf32, #tpu.memory_space<vmem>>) target(%dma_start3A_132 : memref<10240x16xf32, #tpu.memory_space<vmem_shared>>) offsets(%dma_start3A_129 : memref<125xi32, #tpu.memory_space<vmem>>) semaphore(%arg32 : memref<!tpu.dma_semaphore, #tpu.memory_space<semaphore_mem>>) {add = true}
    %dma_wait3A_133 = arith.constant 0 : i32
    %dma_wait3A_134 = arith.constant 0 : i32
    %dma_wait3A_135 = tpu.memref_slice %arg9[%dma_wait3A_133, %dma_wait3A_134] : memref<80x125xi32, #tpu.memory_space<vmem>> -> memref<1x125xi32, #tpu.memory_space<vmem>>
    %dma_wait3A_136 = tpu.memref_squeeze %dma_wait3A_135 : memref<1x125xi32, #tpu.memory_space<vmem>> -> memref<125xi32, #tpu.memory_space<vmem>>
    %dma_wait3A_137 = arith.constant 0 : i32
    %dma_wait3A_138 = arith.constant 0 : i32
    %dma_wait3A_139 = tpu.memref_slice %arg2[%dma_wait3A_137, %dma_wait3A_138] : memref<10000x64xf32, #tpu.memory_space<hbm>> -> memref<10000x64xf32, #tpu.memory_space<hbm>>
    tpu.wait_indirect_dma semaphore(%arg18 : memref<!tpu.dma_semaphore, #tpu.memory_space<semaphore_mem>>) src(%dma_wait3A_139 : memref<10000x64xf32, #tpu.memory_space<hbm>>) dst(%arg13 : memref<125x64xf32, #tpu.memory_space<vmem>>)
    %dma_start3A_140 = arith.constant 77 : i32
    %dma_start3A_141 = arith.constant 0 : i32
    %dma_start3A_142 = tpu.memref_slice %arg10[%dma_start3A_140, %dma_start3A_141] : memref<80x125xi32, #tpu.memory_space<vmem>> -> memref<1x125xi32, #tpu.memory_space<vmem>>
    %dma_start3A_143 = tpu.memref_squeeze %dma_start3A_142 : memref<1x125xi32, #tpu.memory_space<vmem>> -> memref<125xi32, #tpu.memory_space<vmem>>
    %dma_start3A_144 = arith.constant 0 : i32
    %dma_start3A_145 = arith.constant 0 : i32
    %dma_start3A_146 = tpu.memref_slice %arg28[%dma_start3A_144, %dma_start3A_145] : memref<10240x64xf32, #tpu.memory_space<vmem_shared>> -> memref<10240x64xf32, #tpu.memory_space<vmem_shared>>
    tpu.enqueue_indirect_dma source(%arg13 : memref<125x64xf32, #tpu.memory_space<vmem>>) target(%dma_start3A_146 : memref<10240x64xf32, #tpu.memory_space<vmem_shared>>) offsets(%dma_start3A_143 : memref<125xi32, #tpu.memory_space<vmem>>) semaphore(%arg23 : memref<!tpu.dma_semaphore, #tpu.memory_space<semaphore_mem>>) {add = true}
    %dma_start3A_147 = arith.constant 77 : i32
    %dma_start3A_148 = arith.constant 0 : i32
    %dma_start3A_149 = tpu.memref_slice %arg10[%dma_start3A_147, %dma_start3A_148] : memref<80x125xi32, #tpu.memory_space<vmem>> -> memref<1x125xi32, #tpu.memory_space<vmem>>
    %dma_start3A_150 = tpu.memref_squeeze %dma_start3A_149 : memref<1x125xi32, #tpu.memory_space<vmem>> -> memref<125xi32, #tpu.memory_space<vmem>>
    %dma_start3A_151 = arith.constant 0 : i32
    %dma_start3A_152 = arith.constant 0 : i32
    %dma_start3A_153 = tpu.memref_slice %arg31[%dma_start3A_151, %dma_start3A_152] : memref<10240x16xf32, #tpu.memory_space<vmem_shared>> -> memref<10240x16xf32, #tpu.memory_space<vmem_shared>>
    tpu.enqueue_indirect_dma source(%arg29 : memref<125x16xf32, #tpu.memory_space<vmem>>) target(%dma_start3A_153 : memref<10240x16xf32, #tpu.memory_space<vmem_shared>>) offsets(%dma_start3A_150 : memref<125xi32, #tpu.memory_space<vmem>>) semaphore(%arg32 : memref<!tpu.dma_semaphore, #tpu.memory_space<semaphore_mem>>) {add = true}
    %dma_wait3A_154 = arith.constant 0 : i32
    %dma_wait3A_155 = arith.constant 0 : i32
    %dma_wait3A_156 = tpu.memref_slice %arg9[%dma_wait3A_154, %dma_wait3A_155] : memref<80x125xi32, #tpu.memory_space<vmem>> -> memref<1x125xi32, #tpu.memory_space<vmem>>
    %dma_wait3A_157 = tpu.memref_squeeze %dma_wait3A_156 : memref<1x125xi32, #tpu.memory_space<vmem>> -> memref<125xi32, #tpu.memory_space<vmem>>
    %dma_wait3A_158 = arith.constant 0 : i32
    %dma_wait3A_159 = arith.constant 0 : i32
    %dma_wait3A_160 = tpu.memref_slice %arg2[%dma_wait3A_158, %dma_wait3A_159] : memref<10000x64xf32, #tpu.memory_space<hbm>> -> memref<10000x64xf32, #tpu.memory_space<hbm>>
    tpu.wait_indirect_dma semaphore(%arg19 : memref<!tpu.dma_semaphore, #tpu.memory_space<semaphore_mem>>) src(%dma_wait3A_160 : memref<10000x64xf32, #tpu.memory_space<hbm>>) dst(%arg14 : memref<125x64xf32, #tpu.memory_space<vmem>>)
    %dma_start3A_161 = arith.constant 78 : i32
    %dma_start3A_162 = arith.constant 0 : i32
    %dma_start3A_163 = tpu.memref_slice %arg10[%dma_start3A_161, %dma_start3A_162] : memref<80x125xi32, #tpu.memory_space<vmem>> -> memref<1x125xi32, #tpu.memory_space<vmem>>
    %dma_start3A_164 = tpu.memref_squeeze %dma_start3A_163 : memref<1x125xi32, #tpu.memory_space<vmem>> -> memref<125xi32, #tpu.memory_space<vmem>>
    %dma_start3A_165 = arith.constant 0 : i32
    %dma_start3A_166 = arith.constant 0 : i32
    %dma_start3A_167 = tpu.memref_slice %arg28[%dma_start3A_165, %dma_start3A_166] : memref<10240x64xf32, #tpu.memory_space<vmem_shared>> -> memref<10240x64xf32, #tpu.memory_space<vmem_shared>>
    tpu.enqueue_indirect_dma source(%arg14 : memref<125x64xf32, #tpu.memory_space<vmem>>) target(%dma_start3A_167 : memref<10240x64xf32, #tpu.memory_space<vmem_shared>>) offsets(%dma_start3A_164 : memref<125xi32, #tpu.memory_space<vmem>>) semaphore(%arg24 : memref<!tpu.dma_semaphore, #tpu.memory_space<semaphore_mem>>) {add = true}
    %dma_start3A_168 = arith.constant 78 : i32
    %dma_start3A_169 = arith.constant 0 : i32
    %dma_start3A_170 = tpu.memref_slice %arg10[%dma_start3A_168, %dma_start3A_169] : memref<80x125xi32, #tpu.memory_space<vmem>> -> memref<1x125xi32, #tpu.memory_space<vmem>>
    %dma_start3A_171 = tpu.memref_squeeze %dma_start3A_170 : memref<1x125xi32, #tpu.memory_space<vmem>> -> memref<125xi32, #tpu.memory_space<vmem>>
    %dma_start3A_172 = arith.constant 0 : i32
    %dma_start3A_173 = arith.constant 0 : i32
    %dma_start3A_174 = tpu.memref_slice %arg31[%dma_start3A_172, %dma_start3A_173] : memref<10240x16xf32, #tpu.memory_space<vmem_shared>> -> memref<10240x16xf32, #tpu.memory_space<vmem_shared>>
    tpu.enqueue_indirect_dma source(%arg29 : memref<125x16xf32, #tpu.memory_space<vmem>>) target(%dma_start3A_174 : memref<10240x16xf32, #tpu.memory_space<vmem_shared>>) offsets(%dma_start3A_171 : memref<125xi32, #tpu.memory_space<vmem>>) semaphore(%arg32 : memref<!tpu.dma_semaphore, #tpu.memory_space<semaphore_mem>>) {add = true}
    %dma_wait3A_175 = arith.constant 0 : i32
    %dma_wait3A_176 = arith.constant 0 : i32
    %dma_wait3A_177 = tpu.memref_slice %arg9[%dma_wait3A_175, %dma_wait3A_176] : memref<80x125xi32, #tpu.memory_space<vmem>> -> memref<1x125xi32, #tpu.memory_space<vmem>>
    %dma_wait3A_178 = tpu.memref_squeeze %dma_wait3A_177 : memref<1x125xi32, #tpu.memory_space<vmem>> -> memref<125xi32, #tpu.memory_space<vmem>>
    %dma_wait3A_179 = arith.constant 0 : i32
    %dma_wait3A_180 = arith.constant 0 : i32
    %dma_wait3A_181 = tpu.memref_slice %arg2[%dma_wait3A_179, %dma_wait3A_180] : memref<10000x64xf32, #tpu.memory_space<hbm>> -> memref<10000x64xf32, #tpu.memory_space<hbm>>
    tpu.wait_indirect_dma semaphore(%arg20 : memref<!tpu.dma_semaphore, #tpu.memory_space<semaphore_mem>>) src(%dma_wait3A_181 : memref<10000x64xf32, #tpu.memory_space<hbm>>) dst(%arg15 : memref<125x64xf32, #tpu.memory_space<vmem>>)
    %dma_start3A_182 = arith.constant 79 : i32
    %dma_start3A_183 = arith.constant 0 : i32
    %dma_start3A_184 = tpu.memref_slice %arg10[%dma_start3A_182, %dma_start3A_183] : memref<80x125xi32, #tpu.memory_space<vmem>> -> memref<1x125xi32, #tpu.memory_space<vmem>>
    %dma_start3A_185 = tpu.memref_squeeze %dma_start3A_184 : memref<1x125xi32, #tpu.memory_space<vmem>> -> memref<125xi32, #tpu.memory_space<vmem>>
    %dma_start3A_186 = arith.constant 0 : i32
    %dma_start3A_187 = arith.constant 0 : i32
    %dma_start3A_188 = tpu.memref_slice %arg28[%dma_start3A_186, %dma_start3A_187] : memref<10240x64xf32, #tpu.memory_space<vmem_shared>> -> memref<10240x64xf32, #tpu.memory_space<vmem_shared>>
    tpu.enqueue_indirect_dma source(%arg15 : memref<125x64xf32, #tpu.memory_space<vmem>>) target(%dma_start3A_188 : memref<10240x64xf32, #tpu.memory_space<vmem_shared>>) offsets(%dma_start3A_185 : memref<125xi32, #tpu.memory_space<vmem>>) semaphore(%arg25 : memref<!tpu.dma_semaphore, #tpu.memory_space<semaphore_mem>>) {add = true}
    %dma_start3A_189 = arith.constant 79 : i32
    %dma_start3A_190 = arith.constant 0 : i32
    %dma_start3A_191 = tpu.memref_slice %arg10[%dma_start3A_189, %dma_start3A_190] : memref<80x125xi32, #tpu.memory_space<vmem>> -> memref<1x125xi32, #tpu.memory_space<vmem>>
    %dma_start3A_192 = tpu.memref_squeeze %dma_start3A_191 : memref<1x125xi32, #tpu.memory_space<vmem>> -> memref<125xi32, #tpu.memory_space<vmem>>
    %dma_start3A_193 = arith.constant 0 : i32
    %dma_start3A_194 = arith.constant 0 : i32
    %dma_start3A_195 = tpu.memref_slice %arg31[%dma_start3A_193, %dma_start3A_194] : memref<10240x16xf32, #tpu.memory_space<vmem_shared>> -> memref<10240x16xf32, #tpu.memory_space<vmem_shared>>
    tpu.enqueue_indirect_dma source(%arg29 : memref<125x16xf32, #tpu.memory_space<vmem>>) target(%dma_start3A_195 : memref<10240x16xf32, #tpu.memory_space<vmem_shared>>) offsets(%dma_start3A_192 : memref<125xi32, #tpu.memory_space<vmem>>) semaphore(%arg32 : memref<!tpu.dma_semaphore, #tpu.memory_space<semaphore_mem>>) {add = true}
    %dma_wait3A_196 = arith.constant 0 : i32
    %dma_wait3A_197 = arith.constant 0 : i32
    %dma_wait3A_198 = tpu.memref_slice %arg10[%dma_wait3A_196, %dma_wait3A_197] : memref<80x125xi32, #tpu.memory_space<vmem>> -> memref<1x125xi32, #tpu.memory_space<vmem>>
    %dma_wait3A_199 = tpu.memref_squeeze %dma_wait3A_198 : memref<1x125xi32, #tpu.memory_space<vmem>> -> memref<125xi32, #tpu.memory_space<vmem>>
    %dma_wait3A_200 = arith.constant 0 : i32
    %dma_wait3A_201 = arith.constant 0 : i32
    %dma_wait3A_202 = tpu.memref_slice %arg28[%dma_wait3A_200, %dma_wait3A_201] : memref<10240x64xf32, #tpu.memory_space<vmem_shared>> -> memref<10240x64xf32, #tpu.memory_space<vmem_shared>>
    tpu.wait_indirect_dma semaphore(%arg21 : memref<!tpu.dma_semaphore, #tpu.memory_space<semaphore_mem>>) src(%arg11 : memref<125x64xf32, #tpu.memory_space<vmem>>) dst(%dma_wait3A_202 : memref<10240x64xf32, #tpu.memory_space<vmem_shared>>)
    %dma_wait3A_203 = arith.constant 0 : i32
    %dma_wait3A_204 = arith.constant 0 : i32
    %dma_wait3A_205 = tpu.memref_slice %arg10[%dma_wait3A_203, %dma_wait3A_204] : memref<80x125xi32, #tpu.memory_space<vmem>> -> memref<1x125xi32, #tpu.memory_space<vmem>>
    %dma_wait3A_206 = tpu.memref_squeeze %dma_wait3A_205 : memref<1x125xi32, #tpu.memory_space<vmem>> -> memref<125xi32, #tpu.memory_space<vmem>>
    %dma_wait3A_207 = arith.constant 0 : i32
    %dma_wait3A_208 = arith.constant 0 : i32
    %dma_wait3A_209 = tpu.memref_slice %arg28[%dma_wait3A_207, %dma_wait3A_208] : memref<10240x64xf32, #tpu.memory_space<vmem_shared>> -> memref<10240x64xf32, #tpu.memory_space<vmem_shared>>
    tpu.wait_indirect_dma semaphore(%arg22 : memref<!tpu.dma_semaphore, #tpu.memory_space<semaphore_mem>>) src(%arg12 : memref<125x64xf32, #tpu.memory_space<vmem>>) dst(%dma_wait3A_209 : memref<10240x64xf32, #tpu.memory_space<vmem_shared>>)
    %dma_wait3A_210 = arith.constant 0 : i32
    %dma_wait3A_211 = arith.constant 0 : i32
    %dma_wait3A_212 = tpu.memref_slice %arg10[%dma_wait3A_210, %dma_wait3A_211] : memref<80x125xi32, #tpu.memory_space<vmem>> -> memref<1x125xi32, #tpu.memory_space<vmem>>
    %dma_wait3A_213 = tpu.memref_squeeze %dma_wait3A_212 : memref<1x125xi32, #tpu.memory_space<vmem>> -> memref<125xi32, #tpu.memory_space<vmem>>
    %dma_wait3A_214 = arith.constant 0 : i32
    %dma_wait3A_215 = arith.constant 0 : i32
    %dma_wait3A_216 = tpu.memref_slice %arg28[%dma_wait3A_214, %dma_wait3A_215] : memref<10240x64xf32, #tpu.memory_space<vmem_shared>> -> memref<10240x64xf32, #tpu.memory_space<vmem_shared>>
    tpu.wait_indirect_dma semaphore(%arg23 : memref<!tpu.dma_semaphore, #tpu.memory_space<semaphore_mem>>) src(%arg13 : memref<125x64xf32, #tpu.memory_space<vmem>>) dst(%dma_wait3A_216 : memref<10240x64xf32, #tpu.memory_space<vmem_shared>>)
    %dma_wait3A_217 = arith.constant 0 : i32
    %dma_wait3A_218 = arith.constant 0 : i32
    %dma_wait3A_219 = tpu.memref_slice %arg10[%dma_wait3A_217, %dma_wait3A_218] : memref<80x125xi32, #tpu.memory_space<vmem>> -> memref<1x125xi32, #tpu.memory_space<vmem>>
    %dma_wait3A_220 = tpu.memref_squeeze %dma_wait3A_219 : memref<1x125xi32, #tpu.memory_space<vmem>> -> memref<125xi32, #tpu.memory_space<vmem>>
    %dma_wait3A_221 = arith.constant 0 : i32
    %dma_wait3A_222 = arith.constant 0 : i32
    %dma_wait3A_223 = tpu.memref_slice %arg28[%dma_wait3A_221, %dma_wait3A_222] : memref<10240x64xf32, #tpu.memory_space<vmem_shared>> -> memref<10240x64xf32, #tpu.memory_space<vmem_shared>>
    tpu.wait_indirect_dma semaphore(%arg24 : memref<!tpu.dma_semaphore, #tpu.memory_space<semaphore_mem>>) src(%arg14 : memref<125x64xf32, #tpu.memory_space<vmem>>) dst(%dma_wait3A_223 : memref<10240x64xf32, #tpu.memory_space<vmem_shared>>)
    %dma_wait3A_224 = arith.constant 0 : i32
    %dma_wait3A_225 = arith.constant 0 : i32
    %dma_wait3A_226 = tpu.memref_slice %arg10[%dma_wait3A_224, %dma_wait3A_225] : memref<80x125xi32, #tpu.memory_space<vmem>> -> memref<1x125xi32, #tpu.memory_space<vmem>>
    %dma_wait3A_227 = tpu.memref_squeeze %dma_wait3A_226 : memref<1x125xi32, #tpu.memory_space<vmem>> -> memref<125xi32, #tpu.memory_space<vmem>>
    %dma_wait3A_228 = arith.constant 0 : i32
    %dma_wait3A_229 = arith.constant 0 : i32
    %dma_wait3A_230 = tpu.memref_slice %arg28[%dma_wait3A_228, %dma_wait3A_229] : memref<10240x64xf32, #tpu.memory_space<vmem_shared>> -> memref<10240x64xf32, #tpu.memory_space<vmem_shared>>
    tpu.wait_indirect_dma semaphore(%arg25 : memref<!tpu.dma_semaphore, #tpu.memory_space<semaphore_mem>>) src(%arg15 : memref<125x64xf32, #tpu.memory_space<vmem>>) dst(%dma_wait3A_230 : memref<10240x64xf32, #tpu.memory_space<vmem_shared>>)
    %scan3A_231 = arith.constant 0 : i32
    %scan3A_232 = arith.constant 0 : i32
    %scan3A_233 = arith.constant 80 : i32
    %scan3A_234 = arith.addi %scan3A_232, %scan3A_233 : i32
    %scan3A_235 = arith.constant 1 : i32
    %scan3A_236 = scf.for %scan3A_506 = %scan3A_232 to %scan3A_234 step %scan3A_235 iter_args(%scan3A_507 = %scan3A_231) -> (i32)  : i32 {
      %dma_wait3A_508 = arith.constant 0 : i32
      %dma_wait3A_509 = arith.constant 0 : i32
      %dma_wait3A_510 = tpu.memref_slice %arg10[%dma_wait3A_508, %dma_wait3A_509] : memref<80x125xi32, #tpu.memory_space<vmem>> -> memref<1x125xi32, #tpu.memory_space<vmem>>
      %dma_wait3A_511 = tpu.memref_squeeze %dma_wait3A_510 : memref<1x125xi32, #tpu.memory_space<vmem>> -> memref<125xi32, #tpu.memory_space<vmem>>
      %dma_wait3A_512 = arith.constant 0 : i32
      %dma_wait3A_513 = arith.constant 0 : i32
      %dma_wait3A_514 = tpu.memref_slice %arg31[%dma_wait3A_512, %dma_wait3A_513] : memref<10240x16xf32, #tpu.memory_space<vmem_shared>> -> memref<10240x16xf32, #tpu.memory_space<vmem_shared>>
      tpu.wait_indirect_dma semaphore(%arg32 : memref<!tpu.dma_semaphore, #tpu.memory_space<semaphore_mem>>) src(%arg29 : memref<125x16xf32, #tpu.memory_space<vmem>>) dst(%dma_wait3A_514 : memref<10240x16xf32, #tpu.memory_space<vmem_shared>>)
      %scan3A_515 = arith.constant 0 : i32
      scf.yield %scan3A_515 : i32
    }
    %scan3A_237 = arith.constant 80 : i32
    %barrier3A_238 = arith.constant 0 : index
    tpu.barrier barrier_id(%barrier3A_238)
    %add3A_239 = arith.constant 0 : i32
    %add3A_240 = arith.addi %mul3A_2, %add3A_239 : i32
    "tpu.region"() ({
      %run_scoped3A = tpu.sem_alloc : memref<!tpu.dma_semaphore, #tpu.memory_space<semaphore_mem>>
      %dma_start3A_506 = arith.constant 0 : i32
      %dma_start3A_507 = tpu.memref_slice %arg28[%add3A_240, %dma_start3A_506] : memref<10240x64xf32, #tpu.memory_space<vmem_shared>> -> memref<64x64xf32, #tpu.memory_space<vmem_shared>>
      %dma_start3A_508 = arith.constant 0 : i32
      %dma_start3A_509 = tpu.memref_slice %arg28[%add3A_240, %dma_start3A_508] : memref<10240x64xf32, #tpu.memory_space<vmem_shared>> -> memref<64x64xf32, #tpu.memory_space<vmem_shared>>
      tpu.enqueue_dma source(%dma_start3A_509 : memref<64x64xf32, #tpu.memory_space<vmem_shared>>) target(%arg27 : memref<64x64xf32, #tpu.memory_space<vmem>>) target_semaphore(%run_scoped3A : memref<!tpu.dma_semaphore, #tpu.memory_space<semaphore_mem>>)
      %dma_wait3A_510 = arith.constant 0 : i32
      %dma_wait3A_511 = tpu.memref_slice %arg28[%add3A_240, %dma_wait3A_510] : memref<10240x64xf32, #tpu.memory_space<vmem_shared>> -> memref<64x64xf32, #tpu.memory_space<vmem_shared>>
      %dma_wait3A_512 = arith.constant 0 : i32
      %dma_wait3A_513 = tpu.memref_slice %arg28[%add3A_240, %dma_wait3A_512] : memref<10240x64xf32, #tpu.memory_space<vmem_shared>> -> memref<64x64xf32, #tpu.memory_space<vmem_shared>>
      tpu.wait_dma2 semaphore(%run_scoped3A : memref<!tpu.dma_semaphore, #tpu.memory_space<semaphore_mem>>) src(%dma_wait3A_513 : memref<64x64xf32, #tpu.memory_space<vmem_shared>>) dst(%arg27 : memref<64x64xf32, #tpu.memory_space<vmem>>)
      tpu.yield
    }) : () -> ()
    %add3A_241 = arith.constant 0 : i32
    %add3A_242 = arith.addi %mul3A_2, %add3A_241 : i32
    "tpu.region"() ({
      %run_scoped3A = tpu.sem_alloc : memref<!tpu.dma_semaphore, #tpu.memory_space<semaphore_mem>>
      %dma_start3A_506 = arith.constant 0 : i32
      %dma_start3A_507 = tpu.memref_slice %arg6[%arg0, %add3A_242, %dma_start3A_506] : memref<2x10240x64xf32, #tpu.memory_space<hbm>> -> memref<1x64x64xf32, #tpu.memory_space<hbm>>
      %dma_start3A_508 = tpu.memref_squeeze %dma_start3A_507 : memref<1x64x64xf32, #tpu.memory_space<hbm>> -> memref<64x64xf32, #tpu.memory_space<hbm>>
      %dma_start3A_509 = arith.constant 0 : i32
      %dma_start3A_510 = tpu.memref_slice %arg6[%arg0, %add3A_242, %dma_start3A_509] : memref<2x10240x64xf32, #tpu.memory_space<hbm>> -> memref<1x64x64xf32, #tpu.memory_space<hbm>>
      %dma_start3A_511 = tpu.memref_squeeze %dma_start3A_510 : memref<1x64x64xf32, #tpu.memory_space<hbm>> -> memref<64x64xf32, #tpu.memory_space<hbm>>
      tpu.enqueue_dma source(%arg27 : memref<64x64xf32, #tpu.memory_space<vmem>>) target(%dma_start3A_511 : memref<64x64xf32, #tpu.memory_space<hbm>>) target_semaphore(%run_scoped3A : memref<!tpu.dma_semaphore, #tpu.memory_space<semaphore_mem>>)
      %dma_wait3A_512 = arith.constant 0 : i32
      %dma_wait3A_513 = tpu.memref_slice %arg6[%arg0, %add3A_242, %dma_wait3A_512] : memref<2x10240x64xf32, #tpu.memory_space<hbm>> -> memref<1x64x64xf32, #tpu.memory_space<hbm>>
      %dma_wait3A_514 = tpu.memref_squeeze %dma_wait3A_513 : memref<1x64x64xf32, #tpu.memory_space<hbm>> -> memref<64x64xf32, #tpu.memory_space<hbm>>
      %dma_wait3A_515 = arith.constant 0 : i32
      %dma_wait3A_516 = tpu.memref_slice %arg6[%arg0, %add3A_242, %dma_wait3A_515] : memref<2x10240x64xf32, #tpu.memory_space<hbm>> -> memref<1x64x64xf32, #tpu.memory_space<hbm>>
      %dma_wait3A_517 = tpu.memref_squeeze %dma_wait3A_516 : memref<1x64x64xf32, #tpu.memory_space<hbm>> -> memref<64x64xf32, #tpu.memory_space<hbm>>
      tpu.wait_dma2 semaphore(%run_scoped3A : memref<!tpu.dma_semaphore, #tpu.memory_space<semaphore_mem>>) src(%arg27 : memref<64x64xf32, #tpu.memory_space<vmem>>) dst(%dma_wait3A_517 : memref<64x64xf32, #tpu.memory_space<hbm>>)
      tpu.yield
    }) : () -> ()
    %add3A_243 = arith.constant 64 : i32
    %add3A_244 = arith.addi %mul3A_2, %add3A_243 : i32
    "tpu.region"() ({
      %run_scoped3A = tpu.sem_alloc : memref<!tpu.dma_semaphore, #tpu.memory_space<semaphore_mem>>
      %dma_start3A_506 = arith.constant 0 : i32
      %dma_start3A_507 = tpu.memref_slice %arg28[%add3A_244, %dma_start3A_506] : memref<10240x64xf32, #tpu.memory_space<vmem_shared>> -> memref<64x64xf32, #tpu.memory_space<vmem_shared>>
      %dma_start3A_508 = arith.constant 0 : i32
      %dma_start3A_509 = tpu.memref_slice %arg28[%add3A_244, %dma_start3A_508] : memref<10240x64xf32, #tpu.memory_space<vmem_shared>> -> memref<64x64xf32, #tpu.memory_space<vmem_shared>>
      tpu.enqueue_dma source(%dma_start3A_509 : memref<64x64xf32, #tpu.memory_space<vmem_shared>>) target(%arg27 : memref<64x64xf32, #tpu.memory_space<vmem>>) target_semaphore(%run_scoped3A : memref<!tpu.dma_semaphore, #tpu.memory_space<semaphore_mem>>)
      %dma_wait3A_510 = arith.constant 0 : i32
      %dma_wait3A_511 = tpu.memref_slice %arg28[%add3A_244, %dma_wait3A_510] : memref<10240x64xf32, #tpu.memory_space<vmem_shared>> -> memref<64x64xf32, #tpu.memory_space<vmem_shared>>
      %dma_wait3A_512 = arith.constant 0 : i32
      %dma_wait3A_513 = tpu.memref_slice %arg28[%add3A_244, %dma_wait3A_512] : memref<10240x64xf32, #tpu.memory_space<vmem_shared>> -> memref<64x64xf32, #tpu.memory_space<vmem_shared>>
      tpu.wait_dma2 semaphore(%run_scoped3A : memref<!tpu.dma_semaphore, #tpu.memory_space<semaphore_mem>>) src(%dma_wait3A_513 : memref<64x64xf32, #tpu.memory_space<vmem_shared>>) dst(%arg27 : memref<64x64xf32, #tpu.memory_space<vmem>>)
      tpu.yield
    }) : () -> ()
    %add3A_245 = arith.constant 64 : i32
    %add3A_246 = arith.addi %mul3A_2, %add3A_245 : i32
    "tpu.region"() ({
      %run_scoped3A = tpu.sem_alloc : memref<!tpu.dma_semaphore, #tpu.memory_space<semaphore_mem>>
      %dma_start3A_506 = arith.constant 0 : i32
      %dma_start3A_507 = tpu.memref_slice %arg6[%arg0, %add3A_246, %dma_start3A_506] : memref<2x10240x64xf32, #tpu.memory_space<hbm>> -> memref<1x64x64xf32, #tpu.memory_space<hbm>>
      %dma_start3A_508 = tpu.memref_squeeze %dma_start3A_507 : memref<1x64x64xf32, #tpu.memory_space<hbm>> -> memref<64x64xf32, #tpu.memory_space<hbm>>
      %dma_start3A_509 = arith.constant 0 : i32
      %dma_start3A_510 = tpu.memref_slice %arg6[%arg0, %add3A_246, %dma_start3A_509] : memref<2x10240x64xf32, #tpu.memory_space<hbm>> -> memref<1x64x64xf32, #tpu.memory_space<hbm>>
      %dma_start3A_511 = tpu.memref_squeeze %dma_start3A_510 : memref<1x64x64xf32, #tpu.memory_space<hbm>> -> memref<64x64xf32, #tpu.memory_space<hbm>>
      tpu.enqueue_dma source(%arg27 : memref<64x64xf32, #tpu.memory_space<vmem>>) target(%dma_start3A_511 : memref<64x64xf32, #tpu.memory_space<hbm>>) target_semaphore(%run_scoped3A : memref<!tpu.dma_semaphore, #tpu.memory_space<semaphore_mem>>)
      %dma_wait3A_512 = arith.constant 0 : i32
      %dma_wait3A_513 = tpu.memref_slice %arg6[%arg0, %add3A_246, %dma_wait3A_512] : memref<2x10240x64xf32, #tpu.memory_space<hbm>> -> memref<1x64x64xf32, #tpu.memory_space<hbm>>
      %dma_wait3A_514 = tpu.memref_squeeze %dma_wait3A_513 : memref<1x64x64xf32, #tpu.memory_space<hbm>> -> memref<64x64xf32, #tpu.memory_space<hbm>>
      %dma_wait3A_515 = arith.constant 0 : i32
      %dma_wait3A_516 = tpu.memref_slice %arg6[%arg0, %add3A_246, %dma_wait3A_515] : memref<2x10240x64xf32, #tpu.memory_space<hbm>> -> memref<1x64x64xf32, #tpu.memory_space<hbm>>
      %dma_wait3A_517 = tpu.memref_squeeze %dma_wait3A_516 : memref<1x64x64xf32, #tpu.memory_space<hbm>> -> memref<64x64xf32, #tpu.memory_space<hbm>>
      tpu.wait_dma2 semaphore(%run_scoped3A : memref<!tpu.dma_semaphore, #tpu.memory_space<semaphore_mem>>) src(%arg27 : memref<64x64xf32, #tpu.memory_space<vmem>>) dst(%dma_wait3A_517 : memref<64x64xf32, #tpu.memory_space<hbm>>)
      tpu.yield
    }) : () -> ()
    %add3A_247 = arith.constant 128 : i32
    %add3A_248 = arith.addi %mul3A_2, %add3A_247 : i32
    "tpu.region"() ({
      %run_scoped3A = tpu.sem_alloc : memref<!tpu.dma_semaphore, #tpu.memory_space<semaphore_mem>>
      %dma_start3A_506 = arith.constant 0 : i32
      %dma_start3A_507 = tpu.memref_slice %arg28[%add3A_248, %dma_start3A_506] : memref<10240x64xf32, #tpu.memory_space<vmem_shared>> -> memref<64x64xf32, #tpu.memory_space<vmem_shared>>
      %dma_start3A_508 = arith.constant 0 : i32
      %dma_start3A_509 = tpu.memref_slice %arg28[%add3A_248, %dma_start3A_508] : memref<10240x64xf32, #tpu.memory_space<vmem_shared>> -> memref<64x64xf32, #tpu.memory_space<vmem_shared>>
      tpu.enqueue_dma source(%dma_start3A_509 : memref<64x64xf32, #tpu.memory_space<vmem_shared>>) target(%arg27 : memref<64x64xf32, #tpu.memory_space<vmem>>) target_semaphore(%run_scoped3A : memref<!tpu.dma_semaphore, #tpu.memory_space<semaphore_mem>>)
      %dma_wait3A_510 = arith.constant 0 : i32
      %dma_wait3A_511 = tpu.memref_slice %arg28[%add3A_248, %dma_wait3A_510] : memref<10240x64xf32, #tpu.memory_space<vmem_shared>> -> memref<64x64xf32, #tpu.memory_space<vmem_shared>>
      %dma_wait3A_512 = arith.constant 0 : i32
      %dma_wait3A_513 = tpu.memref_slice %arg28[%add3A_248, %dma_wait3A_512] : memref<10240x64xf32, #tpu.memory_space<vmem_shared>> -> memref<64x64xf32, #tpu.memory_space<vmem_shared>>
      tpu.wait_dma2 semaphore(%run_scoped3A : memref<!tpu.dma_semaphore, #tpu.memory_space<semaphore_mem>>) src(%dma_wait3A_513 : memref<64x64xf32, #tpu.memory_space<vmem_shared>>) dst(%arg27 : memref<64x64xf32, #tpu.memory_space<vmem>>)
      tpu.yield
    }) : () -> ()
    %add3A_249 = arith.constant 128 : i32
    %add3A_250 = arith.addi %mul3A_2, %add3A_249 : i32
    "tpu.region"() ({
      %run_scoped3A = tpu.sem_alloc : memref<!tpu.dma_semaphore, #tpu.memory_space<semaphore_mem>>
      %dma_start3A_506 = arith.constant 0 : i32
      %dma_start3A_507 = tpu.memref_slice %arg6[%arg0, %add3A_250, %dma_start3A_506] : memref<2x10240x64xf32, #tpu.memory_space<hbm>> -> memref<1x64x64xf32, #tpu.memory_space<hbm>>
      %dma_start3A_508 = tpu.memref_squeeze %dma_start3A_507 : memref<1x64x64xf32, #tpu.memory_space<hbm>> -> memref<64x64xf32, #tpu.memory_space<hbm>>
      %dma_start3A_509 = arith.constant 0 : i32
      %dma_start3A_510 = tpu.memref_slice %arg6[%arg0, %add3A_250, %dma_start3A_509] : memref<2x10240x64xf32, #tpu.memory_space<hbm>> -> memref<1x64x64xf32, #tpu.memory_space<hbm>>
      %dma_start3A_511 = tpu.memref_squeeze %dma_start3A_510 : memref<1x64x64xf32, #tpu.memory_space<hbm>> -> memref<64x64xf32, #tpu.memory_space<hbm>>
      tpu.enqueue_dma source(%arg27 : memref<64x64xf32, #tpu.memory_space<vmem>>) target(%dma_start3A_511 : memref<64x64xf32, #tpu.memory_space<hbm>>) target_semaphore(%run_scoped3A : memref<!tpu.dma_semaphore, #tpu.memory_space<semaphore_mem>>)
      %dma_wait3A_512 = arith.constant 0 : i32
      %dma_wait3A_513 = tpu.memref_slice %arg6[%arg0, %add3A_250, %dma_wait3A_512] : memref<2x10240x64xf32, #tpu.memory_space<hbm>> -> memref<1x64x64xf32, #tpu.memory_space<hbm>>
      %dma_wait3A_514 = tpu.memref_squeeze %dma_wait3A_513 : memref<1x64x64xf32, #tpu.memory_space<hbm>> -> memref<64x64xf32, #tpu.memory_space<hbm>>
      %dma_wait3A_515 = arith.constant 0 : i32
      %dma_wait3A_516 = tpu.memref_slice %arg6[%arg0, %add3A_250, %dma_wait3A_515] : memref<2x10240x64xf32, #tpu.memory_space<hbm>> -> memref<1x64x64xf32, #tpu.memory_space<hbm>>
      %dma_wait3A_517 = tpu.memref_squeeze %dma_wait3A_516 : memref<1x64x64xf32, #tpu.memory_space<hbm>> -> memref<64x64xf32, #tpu.memory_space<hbm>>
      tpu.wait_dma2 semaphore(%run_scoped3A : memref<!tpu.dma_semaphore, #tpu.memory_space<semaphore_mem>>) src(%arg27 : memref<64x64xf32, #tpu.memory_space<vmem>>) dst(%dma_wait3A_517 : memref<64x64xf32, #tpu.memory_space<hbm>>)
      tpu.yield
    }) : () -> ()
    %add3A_251 = arith.constant 192 : i32
    %add3A_252 = arith.addi %mul3A_2, %add3A_251 : i32
    "tpu.region"() ({
      %run_scoped3A = tpu.sem_alloc : memref<!tpu.dma_semaphore, #tpu.memory_space<semaphore_mem>>
      %dma_start3A_506 = arith.constant 0 : i32
      %dma_start3A_507 = tpu.memref_slice %arg28[%add3A_252, %dma_start3A_506] : memref<10240x64xf32, #tpu.memory_space<vmem_shared>> -> memref<64x64xf32, #tpu.memory_space<vmem_shared>>
      %dma_start3A_508 = arith.constant 0 : i32
      %dma_start3A_509 = tpu.memref_slice %arg28[%add3A_252, %dma_start3A_508] : memref<10240x64xf32, #tpu.memory_space<vmem_shared>> -> memref<64x64xf32, #tpu.memory_space<vmem_shared>>
      tpu.enqueue_dma source(%dma_start3A_509 : memref<64x64xf32, #tpu.memory_space<vmem_shared>>) target(%arg27 : memref<64x64xf32, #tpu.memory_space<vmem>>) target_semaphore(%run_scoped3A : memref<!tpu.dma_semaphore, #tpu.memory_space<semaphore_mem>>)
      %dma_wait3A_510 = arith.constant 0 : i32
      %dma_wait3A_511 = tpu.memref_slice %arg28[%add3A_252, %dma_wait3A_510] : memref<10240x64xf32, #tpu.memory_space<vmem_shared>> -> memref<64x64xf32, #tpu.memory_space<vmem_shared>>
      %dma_wait3A_512 = arith.constant 0 : i32
      %dma_wait3A_513 = tpu.memref_slice %arg28[%add3A_252, %dma_wait3A_512] : memref<10240x64xf32, #tpu.memory_space<vmem_shared>> -> memref<64x64xf32, #tpu.memory_space<vmem_shared>>
      tpu.wait_dma2 semaphore(%run_scoped3A : memref<!tpu.dma_semaphore, #tpu.memory_space<semaphore_mem>>) src(%dma_wait3A_513 : memref<64x64xf32, #tpu.memory_space<vmem_shared>>) dst(%arg27 : memref<64x64xf32, #tpu.memory_space<vmem>>)
      tpu.yield
    }) : () -> ()
    %add3A_253 = arith.constant 192 : i32
    %add3A_254 = arith.addi %mul3A_2, %add3A_253 : i32
    "tpu.region"() ({
      %run_scoped3A = tpu.sem_alloc : memref<!tpu.dma_semaphore, #tpu.memory_space<semaphore_mem>>
      %dma_start3A_506 = arith.constant 0 : i32
      %dma_start3A_507 = tpu.memref_slice %arg6[%arg0, %add3A_254, %dma_start3A_506] : memref<2x10240x64xf32, #tpu.memory_space<hbm>> -> memref<1x64x64xf32, #tpu.memory_space<hbm>>
      %dma_start3A_508 = tpu.memref_squeeze %dma_start3A_507 : memref<1x64x64xf32, #tpu.memory_space<hbm>> -> memref<64x64xf32, #tpu.memory_space<hbm>>
      %dma_start3A_509 = arith.constant 0 : i32
      %dma_start3A_510 = tpu.memref_slice %arg6[%arg0, %add3A_254, %dma_start3A_509] : memref<2x10240x64xf32, #tpu.memory_space<hbm>> -> memref<1x64x64xf32, #tpu.memory_space<hbm>>
      %dma_start3A_511 = tpu.memref_squeeze %dma_start3A_510 : memref<1x64x64xf32, #tpu.memory_space<hbm>> -> memref<64x64xf32, #tpu.memory_space<hbm>>
      tpu.enqueue_dma source(%arg27 : memref<64x64xf32, #tpu.memory_space<vmem>>) target(%dma_start3A_511 : memref<64x64xf32, #tpu.memory_space<hbm>>) target_semaphore(%run_scoped3A : memref<!tpu.dma_semaphore, #tpu.memory_space<semaphore_mem>>)
      %dma_wait3A_512 = arith.constant 0 : i32
      %dma_wait3A_513 = tpu.memref_slice %arg6[%arg0, %add3A_254, %dma_wait3A_512] : memref<2x10240x64xf32, #tpu.memory_space<hbm>> -> memref<1x64x64xf32, #tpu.memory_space<hbm>>
      %dma_wait3A_514 = tpu.memref_squeeze %dma_wait3A_513 : memref<1x64x64xf32, #tpu.memory_space<hbm>> -> memref<64x64xf32, #tpu.memory_space<hbm>>
      %dma_wait3A_515 = arith.constant 0 : i32
      %dma_wait3A_516 = tpu.memref_slice %arg6[%arg0, %add3A_254, %dma_wait3A_515] : memref<2x10240x64xf32, #tpu.memory_space<hbm>> -> memref<1x64x64xf32, #tpu.memory_space<hbm>>
      %dma_wait3A_517 = tpu.memref_squeeze %dma_wait3A_516 : memref<1x64x64xf32, #tpu.memory_space<hbm>> -> memref<64x64xf32, #tpu.memory_space<hbm>>
      tpu.wait_dma2 semaphore(%run_scoped3A : memref<!tpu.dma_semaphore, #tpu.memory_space<semaphore_mem>>) src(%arg27 : memref<64x64xf32, #tpu.memory_space<vmem>>) dst(%dma_wait3A_517 : memref<64x64xf32, #tpu.memory_space<hbm>>)
      tpu.yield
    }) : () -> ()
    %add3A_255 = arith.constant 256 : i32
    %add3A_256 = arith.addi %mul3A_2, %add3A_255 : i32
    "tpu.region"() ({
      %run_scoped3A = tpu.sem_alloc : memref<!tpu.dma_semaphore, #tpu.memory_space<semaphore_mem>>
      %dma_start3A_506 = arith.constant 0 : i32
      %dma_start3A_507 = tpu.memref_slice %arg28[%add3A_256, %dma_start3A_506] : memref<10240x64xf32, #tpu.memory_space<vmem_shared>> -> memref<64x64xf32, #tpu.memory_space<vmem_shared>>
      %dma_start3A_508 = arith.constant 0 : i32
      %dma_start3A_509 = tpu.memref_slice %arg28[%add3A_256, %dma_start3A_508] : memref<10240x64xf32, #tpu.memory_space<vmem_shared>> -> memref<64x64xf32, #tpu.memory_space<vmem_shared>>
      tpu.enqueue_dma source(%dma_start3A_509 : memref<64x64xf32, #tpu.memory_space<vmem_shared>>) target(%arg27 : memref<64x64xf32, #tpu.memory_space<vmem>>) target_semaphore(%run_scoped3A : memref<!tpu.dma_semaphore, #tpu.memory_space<semaphore_mem>>)
      %dma_wait3A_510 = arith.constant 0 : i32
      %dma_wait3A_511 = tpu.memref_slice %arg28[%add3A_256, %dma_wait3A_510] : memref<10240x64xf32, #tpu.memory_space<vmem_shared>> -> memref<64x64xf32, #tpu.memory_space<vmem_shared>>
      %dma_wait3A_512 = arith.constant 0 : i32
      %dma_wait3A_513 = tpu.memref_slice %arg28[%add3A_256, %dma_wait3A_512] : memref<10240x64xf32, #tpu.memory_space<vmem_shared>> -> memref<64x64xf32, #tpu.memory_space<vmem_shared>>
      tpu.wait_dma2 semaphore(%run_scoped3A : memref<!tpu.dma_semaphore, #tpu.memory_space<semaphore_mem>>) src(%dma_wait3A_513 : memref<64x64xf32, #tpu.memory_space<vmem_shared>>) dst(%arg27 : memref<64x64xf32, #tpu.memory_space<vmem>>)
      tpu.yield
    }) : () -> ()
    %add3A_257 = arith.constant 256 : i32
    %add3A_258 = arith.addi %mul3A_2, %add3A_257 : i32
    "tpu.region"() ({
      %run_scoped3A = tpu.sem_alloc : memref<!tpu.dma_semaphore, #tpu.memory_space<semaphore_mem>>
      %dma_start3A_506 = arith.constant 0 : i32
      %dma_start3A_507 = tpu.memref_slice %arg6[%arg0, %add3A_258, %dma_start3A_506] : memref<2x10240x64xf32, #tpu.memory_space<hbm>> -> memref<1x64x64xf32, #tpu.memory_space<hbm>>
      %dma_start3A_508 = tpu.memref_squeeze %dma_start3A_507 : memref<1x64x64xf32, #tpu.memory_space<hbm>> -> memref<64x64xf32, #tpu.memory_space<hbm>>
      %dma_start3A_509 = arith.constant 0 : i32
      %dma_start3A_510 = tpu.memref_slice %arg6[%arg0, %add3A_258, %dma_start3A_509] : memref<2x10240x64xf32, #tpu.memory_space<hbm>> -> memref<1x64x64xf32, #tpu.memory_space<hbm>>
      %dma_start3A_511 = tpu.memref_squeeze %dma_start3A_510 : memref<1x64x64xf32, #tpu.memory_space<hbm>> -> memref<64x64xf32, #tpu.memory_space<hbm>>
      tpu.enqueue_dma source(%arg27 : memref<64x64xf32, #tpu.memory_space<vmem>>) target(%dma_start3A_511 : memref<64x64xf32, #tpu.memory_space<hbm>>) target_semaphore(%run_scoped3A : memref<!tpu.dma_semaphore, #tpu.memory_space<semaphore_mem>>)
      %dma_wait3A_512 = arith.constant 0 : i32
      %dma_wait3A_513 = tpu.memref_slice %arg6[%arg0, %add3A_258, %dma_wait3A_512] : memref<2x10240x64xf32, #tpu.memory_space<hbm>> -> memref<1x64x64xf32, #tpu.memory_space<hbm>>
      %dma_wait3A_514 = tpu.memref_squeeze %dma_wait3A_513 : memref<1x64x64xf32, #tpu.memory_space<hbm>> -> memref<64x64xf32, #tpu.memory_space<hbm>>
      %dma_wait3A_515 = arith.constant 0 : i32
      %dma_wait3A_516 = tpu.memref_slice %arg6[%arg0, %add3A_258, %dma_wait3A_515] : memref<2x10240x64xf32, #tpu.memory_space<hbm>> -> memref<1x64x64xf32, #tpu.memory_space<hbm>>
      %dma_wait3A_517 = tpu.memref_squeeze %dma_wait3A_516 : memref<1x64x64xf32, #tpu.memory_space<hbm>> -> memref<64x64xf32, #tpu.memory_space<hbm>>
      tpu.wait_dma2 semaphore(%run_scoped3A : memref<!tpu.dma_semaphore, #tpu.memory_space<semaphore_mem>>) src(%arg27 : memref<64x64xf32, #tpu.memory_space<vmem>>) dst(%dma_wait3A_517 : memref<64x64xf32, #tpu.memory_space<hbm>>)
      tpu.yield
    }) : () -> ()
    %add3A_259 = arith.constant 320 : i32
    %add3A_260 = arith.addi %mul3A_2, %add3A_259 : i32
    "tpu.region"() ({
      %run_scoped3A = tpu.sem_alloc : memref<!tpu.dma_semaphore, #tpu.memory_space<semaphore_mem>>
      %dma_start3A_506 = arith.constant 0 : i32
      %dma_start3A_507 = tpu.memref_slice %arg28[%add3A_260, %dma_start3A_506] : memref<10240x64xf32, #tpu.memory_space<vmem_shared>> -> memref<64x64xf32, #tpu.memory_space<vmem_shared>>
      %dma_start3A_508 = arith.constant 0 : i32
      %dma_start3A_509 = tpu.memref_slice %arg28[%add3A_260, %dma_start3A_508] : memref<10240x64xf32, #tpu.memory_space<vmem_shared>> -> memref<64x64xf32, #tpu.memory_space<vmem_shared>>
      tpu.enqueue_dma source(%dma_start3A_509 : memref<64x64xf32, #tpu.memory_space<vmem_shared>>) target(%arg27 : memref<64x64xf32, #tpu.memory_space<vmem>>) target_semaphore(%run_scoped3A : memref<!tpu.dma_semaphore, #tpu.memory_space<semaphore_mem>>)
      %dma_wait3A_510 = arith.constant 0 : i32
      %dma_wait3A_511 = tpu.memref_slice %arg28[%add3A_260, %dma_wait3A_510] : memref<10240x64xf32, #tpu.memory_space<vmem_shared>> -> memref<64x64xf32, #tpu.memory_space<vmem_shared>>
      %dma_wait3A_512 = arith.constant 0 : i32
      %dma_wait3A_513 = tpu.memref_slice %arg28[%add3A_260, %dma_wait3A_512] : memref<10240x64xf32, #tpu.memory_space<vmem_shared>> -> memref<64x64xf32, #tpu.memory_space<vmem_shared>>
      tpu.wait_dma2 semaphore(%run_scoped3A : memref<!tpu.dma_semaphore, #tpu.memory_space<semaphore_mem>>) src(%dma_wait3A_513 : memref<64x64xf32, #tpu.memory_space<vmem_shared>>) dst(%arg27 : memref<64x64xf32, #tpu.memory_space<vmem>>)
      tpu.yield
    }) : () -> ()
    %add3A_261 = arith.constant 320 : i32
    %add3A_262 = arith.addi %mul3A_2, %add3A_261 : i32
    "tpu.region"() ({
      %run_scoped3A = tpu.sem_alloc : memref<!tpu.dma_semaphore, #tpu.memory_space<semaphore_mem>>
      %dma_start3A_506 = arith.constant 0 : i32
      %dma_start3A_507 = tpu.memref_slice %arg6[%arg0, %add3A_262, %dma_start3A_506] : memref<2x10240x64xf32, #tpu.memory_space<hbm>> -> memref<1x64x64xf32, #tpu.memory_space<hbm>>
      %dma_start3A_508 = tpu.memref_squeeze %dma_start3A_507 : memref<1x64x64xf32, #tpu.memory_space<hbm>> -> memref<64x64xf32, #tpu.memory_space<hbm>>
      %dma_start3A_509 = arith.constant 0 : i32
      %dma_start3A_510 = tpu.memref_slice %arg6[%arg0, %add3A_262, %dma_start3A_509] : memref<2x10240x64xf32, #tpu.memory_space<hbm>> -> memref<1x64x64xf32, #tpu.memory_space<hbm>>
      %dma_start3A_511 = tpu.memref_squeeze %dma_start3A_510 : memref<1x64x64xf32, #tpu.memory_space<hbm>> -> memref<64x64xf32, #tpu.memory_space<hbm>>
      tpu.enqueue_dma source(%arg27 : memref<64x64xf32, #tpu.memory_space<vmem>>) target(%dma_start3A_511 : memref<64x64xf32, #tpu.memory_space<hbm>>) target_semaphore(%run_scoped3A : memref<!tpu.dma_semaphore, #tpu.memory_space<semaphore_mem>>)
      %dma_wait3A_512 = arith.constant 0 : i32
      %dma_wait3A_513 = tpu.memref_slice %arg6[%arg0, %add3A_262, %dma_wait3A_512] : memref<2x10240x64xf32, #tpu.memory_space<hbm>> -> memref<1x64x64xf32, #tpu.memory_space<hbm>>
      %dma_wait3A_514 = tpu.memref_squeeze %dma_wait3A_513 : memref<1x64x64xf32, #tpu.memory_space<hbm>> -> memref<64x64xf32, #tpu.memory_space<hbm>>
      %dma_wait3A_515 = arith.constant 0 : i32
      %dma_wait3A_516 = tpu.memref_slice %arg6[%arg0, %add3A_262, %dma_wait3A_515] : memref<2x10240x64xf32, #tpu.memory_space<hbm>> -> memref<1x64x64xf32, #tpu.memory_space<hbm>>
      %dma_wait3A_517 = tpu.memref_squeeze %dma_wait3A_516 : memref<1x64x64xf32, #tpu.memory_space<hbm>> -> memref<64x64xf32, #tpu.memory_space<hbm>>
      tpu.wait_dma2 semaphore(%run_scoped3A : memref<!tpu.dma_semaphore, #tpu.memory_space<semaphore_mem>>) src(%arg27 : memref<64x64xf32, #tpu.memory_space<vmem>>) dst(%dma_wait3A_517 : memref<64x64xf32, #tpu.memory_space<hbm>>)
      tpu.yield
    }) : () -> ()
    %add3A_263 = arith.constant 384 : i32
    %add3A_264 = arith.addi %mul3A_2, %add3A_263 : i32
    "tpu.region"() ({
      %run_scoped3A = tpu.sem_alloc : memref<!tpu.dma_semaphore, #tpu.memory_space<semaphore_mem>>
      %dma_start3A_506 = arith.constant 0 : i32
      %dma_start3A_507 = tpu.memref_slice %arg28[%add3A_264, %dma_start3A_506] : memref<10240x64xf32, #tpu.memory_space<vmem_shared>> -> memref<64x64xf32, #tpu.memory_space<vmem_shared>>
      %dma_start3A_508 = arith.constant 0 : i32
      %dma_start3A_509 = tpu.memref_slice %arg28[%add3A_264, %dma_start3A_508] : memref<10240x64xf32, #tpu.memory_space<vmem_shared>> -> memref<64x64xf32, #tpu.memory_space<vmem_shared>>
      tpu.enqueue_dma source(%dma_start3A_509 : memref<64x64xf32, #tpu.memory_space<vmem_shared>>) target(%arg27 : memref<64x64xf32, #tpu.memory_space<vmem>>) target_semaphore(%run_scoped3A : memref<!tpu.dma_semaphore, #tpu.memory_space<semaphore_mem>>)
      %dma_wait3A_510 = arith.constant 0 : i32
      %dma_wait3A_511 = tpu.memref_slice %arg28[%add3A_264, %dma_wait3A_510] : memref<10240x64xf32, #tpu.memory_space<vmem_shared>> -> memref<64x64xf32, #tpu.memory_space<vmem_shared>>
      %dma_wait3A_512 = arith.constant 0 : i32
      %dma_wait3A_513 = tpu.memref_slice %arg28[%add3A_264, %dma_wait3A_512] : memref<10240x64xf32, #tpu.memory_space<vmem_shared>> -> memref<64x64xf32, #tpu.memory_space<vmem_shared>>
      tpu.wait_dma2 semaphore(%run_scoped3A : memref<!tpu.dma_semaphore, #tpu.memory_space<semaphore_mem>>) src(%dma_wait3A_513 : memref<64x64xf32, #tpu.memory_space<vmem_shared>>) dst(%arg27 : memref<64x64xf32, #tpu.memory_space<vmem>>)
      tpu.yield
    }) : () -> ()
    %add3A_265 = arith.constant 384 : i32
    %add3A_266 = arith.addi %mul3A_2, %add3A_265 : i32
    "tpu.region"() ({
      %run_scoped3A = tpu.sem_alloc : memref<!tpu.dma_semaphore, #tpu.memory_space<semaphore_mem>>
      %dma_start3A_506 = arith.constant 0 : i32
      %dma_start3A_507 = tpu.memref_slice %arg6[%arg0, %add3A_266, %dma_start3A_506] : memref<2x10240x64xf32, #tpu.memory_space<hbm>> -> memref<1x64x64xf32, #tpu.memory_space<hbm>>
      %dma_start3A_508 = tpu.memref_squeeze %dma_start3A_507 : memref<1x64x64xf32, #tpu.memory_space<hbm>> -> memref<64x64xf32, #tpu.memory_space<hbm>>
      %dma_start3A_509 = arith.constant 0 : i32
      %dma_start3A_510 = tpu.memref_slice %arg6[%arg0, %add3A_266, %dma_start3A_509] : memref<2x10240x64xf32, #tpu.memory_space<hbm>> -> memref<1x64x64xf32, #tpu.memory_space<hbm>>
      %dma_start3A_511 = tpu.memref_squeeze %dma_start3A_510 : memref<1x64x64xf32, #tpu.memory_space<hbm>> -> memref<64x64xf32, #tpu.memory_space<hbm>>
      tpu.enqueue_dma source(%arg27 : memref<64x64xf32, #tpu.memory_space<vmem>>) target(%dma_start3A_511 : memref<64x64xf32, #tpu.memory_space<hbm>>) target_semaphore(%run_scoped3A : memref<!tpu.dma_semaphore, #tpu.memory_space<semaphore_mem>>)
      %dma_wait3A_512 = arith.constant 0 : i32
      %dma_wait3A_513 = tpu.memref_slice %arg6[%arg0, %add3A_266, %dma_wait3A_512] : memref<2x10240x64xf32, #tpu.memory_space<hbm>> -> memref<1x64x64xf32, #tpu.memory_space<hbm>>
      %dma_wait3A_514 = tpu.memref_squeeze %dma_wait3A_513 : memref<1x64x64xf32, #tpu.memory_space<hbm>> -> memref<64x64xf32, #tpu.memory_space<hbm>>
      %dma_wait3A_515 = arith.constant 0 : i32
      %dma_wait3A_516 = tpu.memref_slice %arg6[%arg0, %add3A_266, %dma_wait3A_515] : memref<2x10240x64xf32, #tpu.memory_space<hbm>> -> memref<1x64x64xf32, #tpu.memory_space<hbm>>
      %dma_wait3A_517 = tpu.memref_squeeze %dma_wait3A_516 : memref<1x64x64xf32, #tpu.memory_space<hbm>> -> memref<64x64xf32, #tpu.memory_space<hbm>>
      tpu.wait_dma2 semaphore(%run_scoped3A : memref<!tpu.dma_semaphore, #tpu.memory_space<semaphore_mem>>) src(%arg27 : memref<64x64xf32, #tpu.memory_space<vmem>>) dst(%dma_wait3A_517 : memref<64x64xf32, #tpu.memory_space<hbm>>)
      tpu.yield
    }) : () -> ()
    %add3A_267 = arith.constant 448 : i32
    %add3A_268 = arith.addi %mul3A_2, %add3A_267 : i32
    "tpu.region"() ({
      %run_scoped3A = tpu.sem_alloc : memref<!tpu.dma_semaphore, #tpu.memory_space<semaphore_mem>>
      %dma_start3A_506 = arith.constant 0 : i32
      %dma_start3A_507 = tpu.memref_slice %arg28[%add3A_268, %dma_start3A_506] : memref<10240x64xf32, #tpu.memory_space<vmem_shared>> -> memref<64x64xf32, #tpu.memory_space<vmem_shared>>
      %dma_start3A_508 = arith.constant 0 : i32
      %dma_start3A_509 = tpu.memref_slice %arg28[%add3A_268, %dma_start3A_508] : memref<10240x64xf32, #tpu.memory_space<vmem_shared>> -> memref<64x64xf32, #tpu.memory_space<vmem_shared>>
      tpu.enqueue_dma source(%dma_start3A_509 : memref<64x64xf32, #tpu.memory_space<vmem_shared>>) target(%arg27 : memref<64x64xf32, #tpu.memory_space<vmem>>) target_semaphore(%run_scoped3A : memref<!tpu.dma_semaphore, #tpu.memory_space<semaphore_mem>>)
      %dma_wait3A_510 = arith.constant 0 : i32
      %dma_wait3A_511 = tpu.memref_slice %arg28[%add3A_268, %dma_wait3A_510] : memref<10240x64xf32, #tpu.memory_space<vmem_shared>> -> memref<64x64xf32, #tpu.memory_space<vmem_shared>>
      %dma_wait3A_512 = arith.constant 0 : i32
      %dma_wait3A_513 = tpu.memref_slice %arg28[%add3A_268, %dma_wait3A_512] : memref<10240x64xf32, #tpu.memory_space<vmem_shared>> -> memref<64x64xf32, #tpu.memory_space<vmem_shared>>
      tpu.wait_dma2 semaphore(%run_scoped3A : memref<!tpu.dma_semaphore, #tpu.memory_space<semaphore_mem>>) src(%dma_wait3A_513 : memref<64x64xf32, #tpu.memory_space<vmem_shared>>) dst(%arg27 : memref<64x64xf32, #tpu.memory_space<vmem>>)
      tpu.yield
    }) : () -> ()
    %add3A_269 = arith.constant 448 : i32
    %add3A_270 = arith.addi %mul3A_2, %add3A_269 : i32
    "tpu.region"() ({
      %run_scoped3A = tpu.sem_alloc : memref<!tpu.dma_semaphore, #tpu.memory_space<semaphore_mem>>
      %dma_start3A_506 = arith.constant 0 : i32
      %dma_start3A_507 = tpu.memref_slice %arg6[%arg0, %add3A_270, %dma_start3A_506] : memref<2x10240x64xf32, #tpu.memory_space<hbm>> -> memref<1x64x64xf32, #tpu.memory_space<hbm>>
      %dma_start3A_508 = tpu.memref_squeeze %dma_start3A_507 : memref<1x64x64xf32, #tpu.memory_space<hbm>> -> memref<64x64xf32, #tpu.memory_space<hbm>>
      %dma_start3A_509 = arith.constant 0 : i32
      %dma_start3A_510 = tpu.memref_slice %arg6[%arg0, %add3A_270, %dma_start3A_509] : memref<2x10240x64xf32, #tpu.memory_space<hbm>> -> memref<1x64x64xf32, #tpu.memory_space<hbm>>
      %dma_start3A_511 = tpu.memref_squeeze %dma_start3A_510 : memref<1x64x64xf32, #tpu.memory_space<hbm>> -> memref<64x64xf32, #tpu.memory_space<hbm>>
      tpu.enqueue_dma source(%arg27 : memref<64x64xf32, #tpu.memory_space<vmem>>) target(%dma_start3A_511 : memref<64x64xf32, #tpu.memory_space<hbm>>) target_semaphore(%run_scoped3A : memref<!tpu.dma_semaphore, #tpu.memory_space<semaphore_mem>>)
      %dma_wait3A_512 = arith.constant 0 : i32
      %dma_wait3A_513 = tpu.memref_slice %arg6[%arg0, %add3A_270, %dma_wait3A_512] : memref<2x10240x64xf32, #tpu.memory_space<hbm>> -> memref<1x64x64xf32, #tpu.memory_space<hbm>>
      %dma_wait3A_514 = tpu.memref_squeeze %dma_wait3A_513 : memref<1x64x64xf32, #tpu.memory_space<hbm>> -> memref<64x64xf32, #tpu.memory_space<hbm>>
      %dma_wait3A_515 = arith.constant 0 : i32
      %dma_wait3A_516 = tpu.memref_slice %arg6[%arg0, %add3A_270, %dma_wait3A_515] : memref<2x10240x64xf32, #tpu.memory_space<hbm>> -> memref<1x64x64xf32, #tpu.memory_space<hbm>>
      %dma_wait3A_517 = tpu.memref_squeeze %dma_wait3A_516 : memref<1x64x64xf32, #tpu.memory_space<hbm>> -> memref<64x64xf32, #tpu.memory_space<hbm>>
      tpu.wait_dma2 semaphore(%run_scoped3A : memref<!tpu.dma_semaphore, #tpu.memory_space<semaphore_mem>>) src(%arg27 : memref<64x64xf32, #tpu.memory_space<vmem>>) dst(%dma_wait3A_517 : memref<64x64xf32, #tpu.memory_space<hbm>>)
      tpu.yield
    }) : () -> ()
    %add3A_271 = arith.constant 512 : i32
    %add3A_272 = arith.addi %mul3A_2, %add3A_271 : i32
    "tpu.region"() ({
      %run_scoped3A = tpu.sem_alloc : memref<!tpu.dma_semaphore, #tpu.memory_space<semaphore_mem>>
      %dma_start3A_506 = arith.constant 0 : i32
      %dma_start3A_507 = tpu.memref_slice %arg28[%add3A_272, %dma_start3A_506] : memref<10240x64xf32, #tpu.memory_space<vmem_shared>> -> memref<64x64xf32, #tpu.memory_space<vmem_shared>>
      %dma_start3A_508 = arith.constant 0 : i32
      %dma_start3A_509 = tpu.memref_slice %arg28[%add3A_272, %dma_start3A_508] : memref<10240x64xf32, #tpu.memory_space<vmem_shared>> -> memref<64x64xf32, #tpu.memory_space<vmem_shared>>
      tpu.enqueue_dma source(%dma_start3A_509 : memref<64x64xf32, #tpu.memory_space<vmem_shared>>) target(%arg27 : memref<64x64xf32, #tpu.memory_space<vmem>>) target_semaphore(%run_scoped3A : memref<!tpu.dma_semaphore, #tpu.memory_space<semaphore_mem>>)
      %dma_wait3A_510 = arith.constant 0 : i32
      %dma_wait3A_511 = tpu.memref_slice %arg28[%add3A_272, %dma_wait3A_510] : memref<10240x64xf32, #tpu.memory_space<vmem_shared>> -> memref<64x64xf32, #tpu.memory_space<vmem_shared>>
      %dma_wait3A_512 = arith.constant 0 : i32
      %dma_wait3A_513 = tpu.memref_slice %arg28[%add3A_272, %dma_wait3A_512] : memref<10240x64xf32, #tpu.memory_space<vmem_shared>> -> memref<64x64xf32, #tpu.memory_space<vmem_shared>>
      tpu.wait_dma2 semaphore(%run_scoped3A : memref<!tpu.dma_semaphore, #tpu.memory_space<semaphore_mem>>) src(%dma_wait3A_513 : memref<64x64xf32, #tpu.memory_space<vmem_shared>>) dst(%arg27 : memref<64x64xf32, #tpu.memory_space<vmem>>)
      tpu.yield
    }) : () -> ()
    %add3A_273 = arith.constant 512 : i32
    %add3A_274 = arith.addi %mul3A_2, %add3A_273 : i32
    "tpu.region"() ({
      %run_scoped3A = tpu.sem_alloc : memref<!tpu.dma_semaphore, #tpu.memory_space<semaphore_mem>>
      %dma_start3A_506 = arith.constant 0 : i32
      %dma_start3A_507 = tpu.memref_slice %arg6[%arg0, %add3A_274, %dma_start3A_506] : memref<2x10240x64xf32, #tpu.memory_space<hbm>> -> memref<1x64x64xf32, #tpu.memory_space<hbm>>
      %dma_start3A_508 = tpu.memref_squeeze %dma_start3A_507 : memref<1x64x64xf32, #tpu.memory_space<hbm>> -> memref<64x64xf32, #tpu.memory_space<hbm>>
      %dma_start3A_509 = arith.constant 0 : i32
      %dma_start3A_510 = tpu.memref_slice %arg6[%arg0, %add3A_274, %dma_start3A_509] : memref<2x10240x64xf32, #tpu.memory_space<hbm>> -> memref<1x64x64xf32, #tpu.memory_space<hbm>>
      %dma_start3A_511 = tpu.memref_squeeze %dma_start3A_510 : memref<1x64x64xf32, #tpu.memory_space<hbm>> -> memref<64x64xf32, #tpu.memory_space<hbm>>
      tpu.enqueue_dma source(%arg27 : memref<64x64xf32, #tpu.memory_space<vmem>>) target(%dma_start3A_511 : memref<64x64xf32, #tpu.memory_space<hbm>>) target_semaphore(%run_scoped3A : memref<!tpu.dma_semaphore, #tpu.memory_space<semaphore_mem>>)
      %dma_wait3A_512 = arith.constant 0 : i32
      %dma_wait3A_513 = tpu.memref_slice %arg6[%arg0, %add3A_274, %dma_wait3A_512] : memref<2x10240x64xf32, #tpu.memory_space<hbm>> -> memref<1x64x64xf32, #tpu.memory_space<hbm>>
      %dma_wait3A_514 = tpu.memref_squeeze %dma_wait3A_513 : memref<1x64x64xf32, #tpu.memory_space<hbm>> -> memref<64x64xf32, #tpu.memory_space<hbm>>
      %dma_wait3A_515 = arith.constant 0 : i32
      %dma_wait3A_516 = tpu.memref_slice %arg6[%arg0, %add3A_274, %dma_wait3A_515] : memref<2x10240x64xf32, #tpu.memory_space<hbm>> -> memref<1x64x64xf32, #tpu.memory_space<hbm>>
      %dma_wait3A_517 = tpu.memref_squeeze %dma_wait3A_516 : memref<1x64x64xf32, #tpu.memory_space<hbm>> -> memref<64x64xf32, #tpu.memory_space<hbm>>
      tpu.wait_dma2 semaphore(%run_scoped3A : memref<!tpu.dma_semaphore, #tpu.memory_space<semaphore_mem>>) src(%arg27 : memref<64x64xf32, #tpu.memory_space<vmem>>) dst(%dma_wait3A_517 : memref<64x64xf32, #tpu.memory_space<hbm>>)
      tpu.yield
    }) : () -> ()
    %add3A_275 = arith.constant 576 : i32
    %add3A_276 = arith.addi %mul3A_2, %add3A_275 : i32
    "tpu.region"() ({
      %run_scoped3A = tpu.sem_alloc : memref<!tpu.dma_semaphore, #tpu.memory_space<semaphore_mem>>
      %dma_start3A_506 = arith.constant 0 : i32
      %dma_start3A_507 = tpu.memref_slice %arg28[%add3A_276, %dma_start3A_506] : memref<10240x64xf32, #tpu.memory_space<vmem_shared>> -> memref<64x64xf32, #tpu.memory_space<vmem_shared>>
      %dma_start3A_508 = arith.constant 0 : i32
      %dma_start3A_509 = tpu.memref_slice %arg28[%add3A_276, %dma_start3A_508] : memref<10240x64xf32, #tpu.memory_space<vmem_shared>> -> memref<64x64xf32, #tpu.memory_space<vmem_shared>>
      tpu.enqueue_dma source(%dma_start3A_509 : memref<64x64xf32, #tpu.memory_space<vmem_shared>>) target(%arg27 : memref<64x64xf32, #tpu.memory_space<vmem>>) target_semaphore(%run_scoped3A : memref<!tpu.dma_semaphore, #tpu.memory_space<semaphore_mem>>)
      %dma_wait3A_510 = arith.constant 0 : i32
      %dma_wait3A_511 = tpu.memref_slice %arg28[%add3A_276, %dma_wait3A_510] : memref<10240x64xf32, #tpu.memory_space<vmem_shared>> -> memref<64x64xf32, #tpu.memory_space<vmem_shared>>
      %dma_wait3A_512 = arith.constant 0 : i32
      %dma_wait3A_513 = tpu.memref_slice %arg28[%add3A_276, %dma_wait3A_512] : memref<10240x64xf32, #tpu.memory_space<vmem_shared>> -> memref<64x64xf32, #tpu.memory_space<vmem_shared>>
      tpu.wait_dma2 semaphore(%run_scoped3A : memref<!tpu.dma_semaphore, #tpu.memory_space<semaphore_mem>>) src(%dma_wait3A_513 : memref<64x64xf32, #tpu.memory_space<vmem_shared>>) dst(%arg27 : memref<64x64xf32, #tpu.memory_space<vmem>>)
      tpu.yield
    }) : () -> ()
    %add3A_277 = arith.constant 576 : i32
    %add3A_278 = arith.addi %mul3A_2, %add3A_277 : i32
    "tpu.region"() ({
      %run_scoped3A = tpu.sem_alloc : memref<!tpu.dma_semaphore, #tpu.memory_space<semaphore_mem>>
      %dma_start3A_506 = arith.constant 0 : i32
      %dma_start3A_507 = tpu.memref_slice %arg6[%arg0, %add3A_278, %dma_start3A_506] : memref<2x10240x64xf32, #tpu.memory_space<hbm>> -> memref<1x64x64xf32, #tpu.memory_space<hbm>>
      %dma_start3A_508 = tpu.memref_squeeze %dma_start3A_507 : memref<1x64x64xf32, #tpu.memory_space<hbm>> -> memref<64x64xf32, #tpu.memory_space<hbm>>
      %dma_start3A_509 = arith.constant 0 : i32
      %dma_start3A_510 = tpu.memref_slice %arg6[%arg0, %add3A_278, %dma_start3A_509] : memref<2x10240x64xf32, #tpu.memory_space<hbm>> -> memref<1x64x64xf32, #tpu.memory_space<hbm>>
      %dma_start3A_511 = tpu.memref_squeeze %dma_start3A_510 : memref<1x64x64xf32, #tpu.memory_space<hbm>> -> memref<64x64xf32, #tpu.memory_space<hbm>>
      tpu.enqueue_dma source(%arg27 : memref<64x64xf32, #tpu.memory_space<vmem>>) target(%dma_start3A_511 : memref<64x64xf32, #tpu.memory_space<hbm>>) target_semaphore(%run_scoped3A : memref<!tpu.dma_semaphore, #tpu.memory_space<semaphore_mem>>)
      %dma_wait3A_512 = arith.constant 0 : i32
      %dma_wait3A_513 = tpu.memref_slice %arg6[%arg0, %add3A_278, %dma_wait3A_512] : memref<2x10240x64xf32, #tpu.memory_space<hbm>> -> memref<1x64x64xf32, #tpu.memory_space<hbm>>
      %dma_wait3A_514 = tpu.memref_squeeze %dma_wait3A_513 : memref<1x64x64xf32, #tpu.memory_space<hbm>> -> memref<64x64xf32, #tpu.memory_space<hbm>>
      %dma_wait3A_515 = arith.constant 0 : i32
      %dma_wait3A_516 = tpu.memref_slice %arg6[%arg0, %add3A_278, %dma_wait3A_515] : memref<2x10240x64xf32, #tpu.memory_space<hbm>> -> memref<1x64x64xf32, #tpu.memory_space<hbm>>
      %dma_wait3A_517 = tpu.memref_squeeze %dma_wait3A_516 : memref<1x64x64xf32, #tpu.memory_space<hbm>> -> memref<64x64xf32, #tpu.memory_space<hbm>>
      tpu.wait_dma2 semaphore(%run_scoped3A : memref<!tpu.dma_semaphore, #tpu.memory_space<semaphore_mem>>) src(%arg27 : memref<64x64xf32, #tpu.memory_space<vmem>>) dst(%dma_wait3A_517 : memref<64x64xf32, #tpu.memory_space<hbm>>)
      tpu.yield
    }) : () -> ()
    %barrier3A_279 = arith.constant 0 : index
    tpu.barrier barrier_id(%barrier3A_279)
    %add3A_280 = arith.constant 0 : i32
    %add3A_281 = arith.addi %mul3A_2, %add3A_280 : i32
    "tpu.region"() ({
      %run_scoped3A = tpu.sem_alloc : memref<!tpu.dma_semaphore, #tpu.memory_space<semaphore_mem>>
      %dma_start3A_506 = arith.constant 0 : i32
      %dma_start3A_507 = tpu.memref_slice %arg28[%add3A_281, %dma_start3A_506] : memref<10240x64xf32, #tpu.memory_space<vmem_shared>> -> memref<64x64xf32, #tpu.memory_space<vmem_shared>>
      %dma_start3A_508 = arith.constant 0 : i32
      %dma_start3A_509 = tpu.memref_slice %arg28[%add3A_281, %dma_start3A_508] : memref<10240x64xf32, #tpu.memory_space<vmem_shared>> -> memref<64x64xf32, #tpu.memory_space<vmem_shared>>
      tpu.enqueue_dma source(%arg26 : memref<64x64xf32, #tpu.memory_space<vmem>>) target(%dma_start3A_509 : memref<64x64xf32, #tpu.memory_space<vmem_shared>>) target_semaphore(%run_scoped3A : memref<!tpu.dma_semaphore, #tpu.memory_space<semaphore_mem>>)
      %dma_wait3A_510 = arith.constant 0 : i32
      %dma_wait3A_511 = tpu.memref_slice %arg28[%add3A_281, %dma_wait3A_510] : memref<10240x64xf32, #tpu.memory_space<vmem_shared>> -> memref<64x64xf32, #tpu.memory_space<vmem_shared>>
      %dma_wait3A_512 = arith.constant 0 : i32
      %dma_wait3A_513 = tpu.memref_slice %arg28[%add3A_281, %dma_wait3A_512] : memref<10240x64xf32, #tpu.memory_space<vmem_shared>> -> memref<64x64xf32, #tpu.memory_space<vmem_shared>>
      tpu.wait_dma2 semaphore(%run_scoped3A : memref<!tpu.dma_semaphore, #tpu.memory_space<semaphore_mem>>) src(%arg26 : memref<64x64xf32, #tpu.memory_space<vmem>>) dst(%dma_wait3A_513 : memref<64x64xf32, #tpu.memory_space<vmem_shared>>)
      tpu.yield
    }) : () -> ()
    %add3A_282 = arith.constant 64 : i32
    %add3A_283 = arith.addi %mul3A_2, %add3A_282 : i32
    "tpu.region"() ({
      %run_scoped3A = tpu.sem_alloc : memref<!tpu.dma_semaphore, #tpu.memory_space<semaphore_mem>>
      %dma_start3A_506 = arith.constant 0 : i32
      %dma_start3A_507 = tpu.memref_slice %arg28[%add3A_283, %dma_start3A_506] : memref<10240x64xf32, #tpu.memory_space<vmem_shared>> -> memref<64x64xf32, #tpu.memory_space<vmem_shared>>
      %dma_start3A_508 = arith.constant 0 : i32
      %dma_start3A_509 = tpu.memref_slice %arg28[%add3A_283, %dma_start3A_508] : memref<10240x64xf32, #tpu.memory_space<vmem_shared>> -> memref<64x64xf32, #tpu.memory_space<vmem_shared>>
      tpu.enqueue_dma source(%arg26 : memref<64x64xf32, #tpu.memory_space<vmem>>) target(%dma_start3A_509 : memref<64x64xf32, #tpu.memory_space<vmem_shared>>) target_semaphore(%run_scoped3A : memref<!tpu.dma_semaphore, #tpu.memory_space<semaphore_mem>>)
      %dma_wait3A_510 = arith.constant 0 : i32
      %dma_wait3A_511 = tpu.memref_slice %arg28[%add3A_283, %dma_wait3A_510] : memref<10240x64xf32, #tpu.memory_space<vmem_shared>> -> memref<64x64xf32, #tpu.memory_space<vmem_shared>>
      %dma_wait3A_512 = arith.constant 0 : i32
      %dma_wait3A_513 = tpu.memref_slice %arg28[%add3A_283, %dma_wait3A_512] : memref<10240x64xf32, #tpu.memory_space<vmem_shared>> -> memref<64x64xf32, #tpu.memory_space<vmem_shared>>
      tpu.wait_dma2 semaphore(%run_scoped3A : memref<!tpu.dma_semaphore, #tpu.memory_space<semaphore_mem>>) src(%arg26 : memref<64x64xf32, #tpu.memory_space<vmem>>) dst(%dma_wait3A_513 : memref<64x64xf32, #tpu.memory_space<vmem_shared>>)
      tpu.yield
    }) : () -> ()
    %add3A_284 = arith.constant 128 : i32
    %add3A_285 = arith.addi %mul3A_2, %add3A_284 : i32
    "tpu.region"() ({
      %run_scoped3A = tpu.sem_alloc : memref<!tpu.dma_semaphore, #tpu.memory_space<semaphore_mem>>
      %dma_start3A_506 = arith.constant 0 : i32
      %dma_start3A_507 = tpu.memref_slice %arg28[%add3A_285, %dma_start3A_506] : memref<10240x64xf32, #tpu.memory_space<vmem_shared>> -> memref<64x64xf32, #tpu.memory_space<vmem_shared>>
      %dma_start3A_508 = arith.constant 0 : i32
      %dma_start3A_509 = tpu.memref_slice %arg28[%add3A_285, %dma_start3A_508] : memref<10240x64xf32, #tpu.memory_space<vmem_shared>> -> memref<64x64xf32, #tpu.memory_space<vmem_shared>>
      tpu.enqueue_dma source(%arg26 : memref<64x64xf32, #tpu.memory_space<vmem>>) target(%dma_start3A_509 : memref<64x64xf32, #tpu.memory_space<vmem_shared>>) target_semaphore(%run_scoped3A : memref<!tpu.dma_semaphore, #tpu.memory_space<semaphore_mem>>)
      %dma_wait3A_510 = arith.constant 0 : i32
      %dma_wait3A_511 = tpu.memref_slice %arg28[%add3A_285, %dma_wait3A_510] : memref<10240x64xf32, #tpu.memory_space<vmem_shared>> -> memref<64x64xf32, #tpu.memory_space<vmem_shared>>
      %dma_wait3A_512 = arith.constant 0 : i32
      %dma_wait3A_513 = tpu.memref_slice %arg28[%add3A_285, %dma_wait3A_512] : memref<10240x64xf32, #tpu.memory_space<vmem_shared>> -> memref<64x64xf32, #tpu.memory_space<vmem_shared>>
      tpu.wait_dma2 semaphore(%run_scoped3A : memref<!tpu.dma_semaphore, #tpu.memory_space<semaphore_mem>>) src(%arg26 : memref<64x64xf32, #tpu.memory_space<vmem>>) dst(%dma_wait3A_513 : memref<64x64xf32, #tpu.memory_space<vmem_shared>>)
      tpu.yield
    }) : () -> ()
    %add3A_286 = arith.constant 192 : i32
    %add3A_287 = arith.addi %mul3A_2, %add3A_286 : i32
    "tpu.region"() ({
      %run_scoped3A = tpu.sem_alloc : memref<!tpu.dma_semaphore, #tpu.memory_space<semaphore_mem>>
      %dma_start3A_506 = arith.constant 0 : i32
      %dma_start3A_507 = tpu.memref_slice %arg28[%add3A_287, %dma_start3A_506] : memref<10240x64xf32, #tpu.memory_space<vmem_shared>> -> memref<64x64xf32, #tpu.memory_space<vmem_shared>>
      %dma_start3A_508 = arith.constant 0 : i32
      %dma_start3A_509 = tpu.memref_slice %arg28[%add3A_287, %dma_start3A_508] : memref<10240x64xf32, #tpu.memory_space<vmem_shared>> -> memref<64x64xf32, #tpu.memory_space<vmem_shared>>
      tpu.enqueue_dma source(%arg26 : memref<64x64xf32, #tpu.memory_space<vmem>>) target(%dma_start3A_509 : memref<64x64xf32, #tpu.memory_space<vmem_shared>>) target_semaphore(%run_scoped3A : memref<!tpu.dma_semaphore, #tpu.memory_space<semaphore_mem>>)
      %dma_wait3A_510 = arith.constant 0 : i32
      %dma_wait3A_511 = tpu.memref_slice %arg28[%add3A_287, %dma_wait3A_510] : memref<10240x64xf32, #tpu.memory_space<vmem_shared>> -> memref<64x64xf32, #tpu.memory_space<vmem_shared>>
      %dma_wait3A_512 = arith.constant 0 : i32
      %dma_wait3A_513 = tpu.memref_slice %arg28[%add3A_287, %dma_wait3A_512] : memref<10240x64xf32, #tpu.memory_space<vmem_shared>> -> memref<64x64xf32, #tpu.memory_space<vmem_shared>>
      tpu.wait_dma2 semaphore(%run_scoped3A : memref<!tpu.dma_semaphore, #tpu.memory_space<semaphore_mem>>) src(%arg26 : memref<64x64xf32, #tpu.memory_space<vmem>>) dst(%dma_wait3A_513 : memref<64x64xf32, #tpu.memory_space<vmem_shared>>)
      tpu.yield
    }) : () -> ()
    %add3A_288 = arith.constant 256 : i32
    %add3A_289 = arith.addi %mul3A_2, %add3A_288 : i32
    "tpu.region"() ({
      %run_scoped3A = tpu.sem_alloc : memref<!tpu.dma_semaphore, #tpu.memory_space<semaphore_mem>>
      %dma_start3A_506 = arith.constant 0 : i32
      %dma_start3A_507 = tpu.memref_slice %arg28[%add3A_289, %dma_start3A_506] : memref<10240x64xf32, #tpu.memory_space<vmem_shared>> -> memref<64x64xf32, #tpu.memory_space<vmem_shared>>
      %dma_start3A_508 = arith.constant 0 : i32
      %dma_start3A_509 = tpu.memref_slice %arg28[%add3A_289, %dma_start3A_508] : memref<10240x64xf32, #tpu.memory_space<vmem_shared>> -> memref<64x64xf32, #tpu.memory_space<vmem_shared>>
      tpu.enqueue_dma source(%arg26 : memref<64x64xf32, #tpu.memory_space<vmem>>) target(%dma_start3A_509 : memref<64x64xf32, #tpu.memory_space<vmem_shared>>) target_semaphore(%run_scoped3A : memref<!tpu.dma_semaphore, #tpu.memory_space<semaphore_mem>>)
      %dma_wait3A_510 = arith.constant 0 : i32
      %dma_wait3A_511 = tpu.memref_slice %arg28[%add3A_289, %dma_wait3A_510] : memref<10240x64xf32, #tpu.memory_space<vmem_shared>> -> memref<64x64xf32, #tpu.memory_space<vmem_shared>>
      %dma_wait3A_512 = arith.constant 0 : i32
      %dma_wait3A_513 = tpu.memref_slice %arg28[%add3A_289, %dma_wait3A_512] : memref<10240x64xf32, #tpu.memory_space<vmem_shared>> -> memref<64x64xf32, #tpu.memory_space<vmem_shared>>
      tpu.wait_dma2 semaphore(%run_scoped3A : memref<!tpu.dma_semaphore, #tpu.memory_space<semaphore_mem>>) src(%arg26 : memref<64x64xf32, #tpu.memory_space<vmem>>) dst(%dma_wait3A_513 : memref<64x64xf32, #tpu.memory_space<vmem_shared>>)
      tpu.yield
    }) : () -> ()
    %add3A_290 = arith.constant 320 : i32
    %add3A_291 = arith.addi %mul3A_2, %add3A_290 : i32
    "tpu.region"() ({
      %run_scoped3A = tpu.sem_alloc : memref<!tpu.dma_semaphore, #tpu.memory_space<semaphore_mem>>
      %dma_start3A_506 = arith.constant 0 : i32
      %dma_start3A_507 = tpu.memref_slice %arg28[%add3A_291, %dma_start3A_506] : memref<10240x64xf32, #tpu.memory_space<vmem_shared>> -> memref<64x64xf32, #tpu.memory_space<vmem_shared>>
      %dma_start3A_508 = arith.constant 0 : i32
      %dma_start3A_509 = tpu.memref_slice %arg28[%add3A_291, %dma_start3A_508] : memref<10240x64xf32, #tpu.memory_space<vmem_shared>> -> memref<64x64xf32, #tpu.memory_space<vmem_shared>>
      tpu.enqueue_dma source(%arg26 : memref<64x64xf32, #tpu.memory_space<vmem>>) target(%dma_start3A_509 : memref<64x64xf32, #tpu.memory_space<vmem_shared>>) target_semaphore(%run_scoped3A : memref<!tpu.dma_semaphore, #tpu.memory_space<semaphore_mem>>)
      %dma_wait3A_510 = arith.constant 0 : i32
      %dma_wait3A_511 = tpu.memref_slice %arg28[%add3A_291, %dma_wait3A_510] : memref<10240x64xf32, #tpu.memory_space<vmem_shared>> -> memref<64x64xf32, #tpu.memory_space<vmem_shared>>
      %dma_wait3A_512 = arith.constant 0 : i32
      %dma_wait3A_513 = tpu.memref_slice %arg28[%add3A_291, %dma_wait3A_512] : memref<10240x64xf32, #tpu.memory_space<vmem_shared>> -> memref<64x64xf32, #tpu.memory_space<vmem_shared>>
      tpu.wait_dma2 semaphore(%run_scoped3A : memref<!tpu.dma_semaphore, #tpu.memory_space<semaphore_mem>>) src(%arg26 : memref<64x64xf32, #tpu.memory_space<vmem>>) dst(%dma_wait3A_513 : memref<64x64xf32, #tpu.memory_space<vmem_shared>>)
      tpu.yield
    }) : () -> ()
    %add3A_292 = arith.constant 384 : i32
    %add3A_293 = arith.addi %mul3A_2, %add3A_292 : i32
    "tpu.region"() ({
      %run_scoped3A = tpu.sem_alloc : memref<!tpu.dma_semaphore, #tpu.memory_space<semaphore_mem>>
      %dma_start3A_506 = arith.constant 0 : i32
      %dma_start3A_507 = tpu.memref_slice %arg28[%add3A_293, %dma_start3A_506] : memref<10240x64xf32, #tpu.memory_space<vmem_shared>> -> memref<64x64xf32, #tpu.memory_space<vmem_shared>>
      %dma_start3A_508 = arith.constant 0 : i32
      %dma_start3A_509 = tpu.memref_slice %arg28[%add3A_293, %dma_start3A_508] : memref<10240x64xf32, #tpu.memory_space<vmem_shared>> -> memref<64x64xf32, #tpu.memory_space<vmem_shared>>
      tpu.enqueue_dma source(%arg26 : memref<64x64xf32, #tpu.memory_space<vmem>>) target(%dma_start3A_509 : memref<64x64xf32, #tpu.memory_space<vmem_shared>>) target_semaphore(%run_scoped3A : memref<!tpu.dma_semaphore, #tpu.memory_space<semaphore_mem>>)
      %dma_wait3A_510 = arith.constant 0 : i32
      %dma_wait3A_511 = tpu.memref_slice %arg28[%add3A_293, %dma_wait3A_510] : memref<10240x64xf32, #tpu.memory_space<vmem_shared>> -> memref<64x64xf32, #tpu.memory_space<vmem_shared>>
      %dma_wait3A_512 = arith.constant 0 : i32
      %dma_wait3A_513 = tpu.memref_slice %arg28[%add3A_293, %dma_wait3A_512] : memref<10240x64xf32, #tpu.memory_space<vmem_shared>> -> memref<64x64xf32, #tpu.memory_space<vmem_shared>>
      tpu.wait_dma2 semaphore(%run_scoped3A : memref<!tpu.dma_semaphore, #tpu.memory_space<semaphore_mem>>) src(%arg26 : memref<64x64xf32, #tpu.memory_space<vmem>>) dst(%dma_wait3A_513 : memref<64x64xf32, #tpu.memory_space<vmem_shared>>)
      tpu.yield
    }) : () -> ()
    %add3A_294 = arith.constant 448 : i32
    %add3A_295 = arith.addi %mul3A_2, %add3A_294 : i32
    "tpu.region"() ({
      %run_scoped3A = tpu.sem_alloc : memref<!tpu.dma_semaphore, #tpu.memory_space<semaphore_mem>>
      %dma_start3A_506 = arith.constant 0 : i32
      %dma_start3A_507 = tpu.memref_slice %arg28[%add3A_295, %dma_start3A_506] : memref<10240x64xf32, #tpu.memory_space<vmem_shared>> -> memref<64x64xf32, #tpu.memory_space<vmem_shared>>
      %dma_start3A_508 = arith.constant 0 : i32
      %dma_start3A_509 = tpu.memref_slice %arg28[%add3A_295, %dma_start3A_508] : memref<10240x64xf32, #tpu.memory_space<vmem_shared>> -> memref<64x64xf32, #tpu.memory_space<vmem_shared>>
      tpu.enqueue_dma source(%arg26 : memref<64x64xf32, #tpu.memory_space<vmem>>) target(%dma_start3A_509 : memref<64x64xf32, #tpu.memory_space<vmem_shared>>) target_semaphore(%run_scoped3A : memref<!tpu.dma_semaphore, #tpu.memory_space<semaphore_mem>>)
      %dma_wait3A_510 = arith.constant 0 : i32
      %dma_wait3A_511 = tpu.memref_slice %arg28[%add3A_295, %dma_wait3A_510] : memref<10240x64xf32, #tpu.memory_space<vmem_shared>> -> memref<64x64xf32, #tpu.memory_space<vmem_shared>>
      %dma_wait3A_512 = arith.constant 0 : i32
      %dma_wait3A_513 = tpu.memref_slice %arg28[%add3A_295, %dma_wait3A_512] : memref<10240x64xf32, #tpu.memory_space<vmem_shared>> -> memref<64x64xf32, #tpu.memory_space<vmem_shared>>
      tpu.wait_dma2 semaphore(%run_scoped3A : memref<!tpu.dma_semaphore, #tpu.memory_space<semaphore_mem>>) src(%arg26 : memref<64x64xf32, #tpu.memory_space<vmem>>) dst(%dma_wait3A_513 : memref<64x64xf32, #tpu.memory_space<vmem_shared>>)
      tpu.yield
    }) : () -> ()
    %add3A_296 = arith.constant 512 : i32
    %add3A_297 = arith.addi %mul3A_2, %add3A_296 : i32
    "tpu.region"() ({
      %run_scoped3A = tpu.sem_alloc : memref<!tpu.dma_semaphore, #tpu.memory_space<semaphore_mem>>
      %dma_start3A_506 = arith.constant 0 : i32
      %dma_start3A_507 = tpu.memref_slice %arg28[%add3A_297, %dma_start3A_506] : memref<10240x64xf32, #tpu.memory_space<vmem_shared>> -> memref<64x64xf32, #tpu.memory_space<vmem_shared>>
      %dma_start3A_508 = arith.constant 0 : i32
      %dma_start3A_509 = tpu.memref_slice %arg28[%add3A_297, %dma_start3A_508] : memref<10240x64xf32, #tpu.memory_space<vmem_shared>> -> memref<64x64xf32, #tpu.memory_space<vmem_shared>>
      tpu.enqueue_dma source(%arg26 : memref<64x64xf32, #tpu.memory_space<vmem>>) target(%dma_start3A_509 : memref<64x64xf32, #tpu.memory_space<vmem_shared>>) target_semaphore(%run_scoped3A : memref<!tpu.dma_semaphore, #tpu.memory_space<semaphore_mem>>)
      %dma_wait3A_510 = arith.constant 0 : i32
      %dma_wait3A_511 = tpu.memref_slice %arg28[%add3A_297, %dma_wait3A_510] : memref<10240x64xf32, #tpu.memory_space<vmem_shared>> -> memref<64x64xf32, #tpu.memory_space<vmem_shared>>
      %dma_wait3A_512 = arith.constant 0 : i32
      %dma_wait3A_513 = tpu.memref_slice %arg28[%add3A_297, %dma_wait3A_512] : memref<10240x64xf32, #tpu.memory_space<vmem_shared>> -> memref<64x64xf32, #tpu.memory_space<vmem_shared>>
      tpu.wait_dma2 semaphore(%run_scoped3A : memref<!tpu.dma_semaphore, #tpu.memory_space<semaphore_mem>>) src(%arg26 : memref<64x64xf32, #tpu.memory_space<vmem>>) dst(%dma_wait3A_513 : memref<64x64xf32, #tpu.memory_space<vmem_shared>>)
      tpu.yield
    }) : () -> ()
    %add3A_298 = arith.constant 576 : i32
    %add3A_299 = arith.addi %mul3A_2, %add3A_298 : i32
    "tpu.region"() ({
      %run_scoped3A = tpu.sem_alloc : memref<!tpu.dma_semaphore, #tpu.memory_space<semaphore_mem>>
      %dma_start3A_506 = arith.constant 0 : i32
      %dma_start3A_507 = tpu.memref_slice %arg28[%add3A_299, %dma_start3A_506] : memref<10240x64xf32, #tpu.memory_space<vmem_shared>> -> memref<64x64xf32, #tpu.memory_space<vmem_shared>>
      %dma_start3A_508 = arith.constant 0 : i32
      %dma_start3A_509 = tpu.memref_slice %arg28[%add3A_299, %dma_start3A_508] : memref<10240x64xf32, #tpu.memory_space<vmem_shared>> -> memref<64x64xf32, #tpu.memory_space<vmem_shared>>
      tpu.enqueue_dma source(%arg26 : memref<64x64xf32, #tpu.memory_space<vmem>>) target(%dma_start3A_509 : memref<64x64xf32, #tpu.memory_space<vmem_shared>>) target_semaphore(%run_scoped3A : memref<!tpu.dma_semaphore, #tpu.memory_space<semaphore_mem>>)
      %dma_wait3A_510 = arith.constant 0 : i32
      %dma_wait3A_511 = tpu.memref_slice %arg28[%add3A_299, %dma_wait3A_510] : memref<10240x64xf32, #tpu.memory_space<vmem_shared>> -> memref<64x64xf32, #tpu.memory_space<vmem_shared>>
      %dma_wait3A_512 = arith.constant 0 : i32
      %dma_wait3A_513 = tpu.memref_slice %arg28[%add3A_299, %dma_wait3A_512] : memref<10240x64xf32, #tpu.memory_space<vmem_shared>> -> memref<64x64xf32, #tpu.memory_space<vmem_shared>>
      tpu.wait_dma2 semaphore(%run_scoped3A : memref<!tpu.dma_semaphore, #tpu.memory_space<semaphore_mem>>) src(%arg26 : memref<64x64xf32, #tpu.memory_space<vmem>>) dst(%dma_wait3A_513 : memref<64x64xf32, #tpu.memory_space<vmem_shared>>)
      tpu.yield
    }) : () -> ()
    %barrier3A_300 = arith.constant 0 : index
    tpu.barrier barrier_id(%barrier3A_300)
    %dma_start3A_301 = arith.constant 0 : i32
    %dma_start3A_302 = arith.constant 0 : i32
    %dma_start3A_303 = tpu.memref_slice %arg9[%dma_start3A_301, %dma_start3A_302] : memref<80x125xi32, #tpu.memory_space<vmem>> -> memref<1x125xi32, #tpu.memory_space<vmem>>
    %dma_start3A_304 = tpu.memref_squeeze %dma_start3A_303 : memref<1x125xi32, #tpu.memory_space<vmem>> -> memref<125xi32, #tpu.memory_space<vmem>>
    %dma_start3A_305 = arith.constant 0 : i32
    %dma_start3A_306 = arith.constant 0 : i32
    %dma_start3A_307 = tpu.memref_slice %arg3[%dma_start3A_305, %dma_start3A_306] : memref<10000x64xf32, #tpu.memory_space<hbm>> -> memref<10000x64xf32, #tpu.memory_space<hbm>>
    tpu.enqueue_indirect_dma source(%dma_start3A_307 : memref<10000x64xf32, #tpu.memory_space<hbm>>) target(%arg11 : memref<125x64xf32, #tpu.memory_space<vmem>>) offsets(%dma_start3A_304 : memref<125xi32, #tpu.memory_space<vmem>>) semaphore(%arg16 : memref<!tpu.dma_semaphore, #tpu.memory_space<semaphore_mem>>)
    %dma_start3A_308 = arith.constant 1 : i32
    %dma_start3A_309 = arith.constant 0 : i32
    %dma_start3A_310 = tpu.memref_slice %arg9[%dma_start3A_308, %dma_start3A_309] : memref<80x125xi32, #tpu.memory_space<vmem>> -> memref<1x125xi32, #tpu.memory_space<vmem>>
    %dma_start3A_311 = tpu.memref_squeeze %dma_start3A_310 : memref<1x125xi32, #tpu.memory_space<vmem>> -> memref<125xi32, #tpu.memory_space<vmem>>
    %dma_start3A_312 = arith.constant 0 : i32
    %dma_start3A_313 = arith.constant 0 : i32
    %dma_start3A_314 = tpu.memref_slice %arg3[%dma_start3A_312, %dma_start3A_313] : memref<10000x64xf32, #tpu.memory_space<hbm>> -> memref<10000x64xf32, #tpu.memory_space<hbm>>
    tpu.enqueue_indirect_dma source(%dma_start3A_314 : memref<10000x64xf32, #tpu.memory_space<hbm>>) target(%arg12 : memref<125x64xf32, #tpu.memory_space<vmem>>) offsets(%dma_start3A_311 : memref<125xi32, #tpu.memory_space<vmem>>) semaphore(%arg17 : memref<!tpu.dma_semaphore, #tpu.memory_space<semaphore_mem>>)
    %dma_start3A_315 = arith.constant 2 : i32
    %dma_start3A_316 = arith.constant 0 : i32
    %dma_start3A_317 = tpu.memref_slice %arg9[%dma_start3A_315, %dma_start3A_316] : memref<80x125xi32, #tpu.memory_space<vmem>> -> memref<1x125xi32, #tpu.memory_space<vmem>>
    %dma_start3A_318 = tpu.memref_squeeze %dma_start3A_317 : memref<1x125xi32, #tpu.memory_space<vmem>> -> memref<125xi32, #tpu.memory_space<vmem>>
    %dma_start3A_319 = arith.constant 0 : i32
    %dma_start3A_320 = arith.constant 0 : i32
    %dma_start3A_321 = tpu.memref_slice %arg3[%dma_start3A_319, %dma_start3A_320] : memref<10000x64xf32, #tpu.memory_space<hbm>> -> memref<10000x64xf32, #tpu.memory_space<hbm>>
    tpu.enqueue_indirect_dma source(%dma_start3A_321 : memref<10000x64xf32, #tpu.memory_space<hbm>>) target(%arg13 : memref<125x64xf32, #tpu.memory_space<vmem>>) offsets(%dma_start3A_318 : memref<125xi32, #tpu.memory_space<vmem>>) semaphore(%arg18 : memref<!tpu.dma_semaphore, #tpu.memory_space<semaphore_mem>>)
    %dma_start3A_322 = arith.constant 3 : i32
    %dma_start3A_323 = arith.constant 0 : i32
    %dma_start3A_324 = tpu.memref_slice %arg9[%dma_start3A_322, %dma_start3A_323] : memref<80x125xi32, #tpu.memory_space<vmem>> -> memref<1x125xi32, #tpu.memory_space<vmem>>
    %dma_start3A_325 = tpu.memref_squeeze %dma_start3A_324 : memref<1x125xi32, #tpu.memory_space<vmem>> -> memref<125xi32, #tpu.memory_space<vmem>>
    %dma_start3A_326 = arith.constant 0 : i32
    %dma_start3A_327 = arith.constant 0 : i32
    %dma_start3A_328 = tpu.memref_slice %arg3[%dma_start3A_326, %dma_start3A_327] : memref<10000x64xf32, #tpu.memory_space<hbm>> -> memref<10000x64xf32, #tpu.memory_space<hbm>>
    tpu.enqueue_indirect_dma source(%dma_start3A_328 : memref<10000x64xf32, #tpu.memory_space<hbm>>) target(%arg14 : memref<125x64xf32, #tpu.memory_space<vmem>>) offsets(%dma_start3A_325 : memref<125xi32, #tpu.memory_space<vmem>>) semaphore(%arg19 : memref<!tpu.dma_semaphore, #tpu.memory_space<semaphore_mem>>)
    %dma_start3A_329 = arith.constant 4 : i32
    %dma_start3A_330 = arith.constant 0 : i32
    %dma_start3A_331 = tpu.memref_slice %arg9[%dma_start3A_329, %dma_start3A_330] : memref<80x125xi32, #tpu.memory_space<vmem>> -> memref<1x125xi32, #tpu.memory_space<vmem>>
    %dma_start3A_332 = tpu.memref_squeeze %dma_start3A_331 : memref<1x125xi32, #tpu.memory_space<vmem>> -> memref<125xi32, #tpu.memory_space<vmem>>
    %dma_start3A_333 = arith.constant 0 : i32
    %dma_start3A_334 = arith.constant 0 : i32
    %dma_start3A_335 = tpu.memref_slice %arg3[%dma_start3A_333, %dma_start3A_334] : memref<10000x64xf32, #tpu.memory_space<hbm>> -> memref<10000x64xf32, #tpu.memory_space<hbm>>
    tpu.enqueue_indirect_dma source(%dma_start3A_335 : memref<10000x64xf32, #tpu.memory_space<hbm>>) target(%arg15 : memref<125x64xf32, #tpu.memory_space<vmem>>) offsets(%dma_start3A_332 : memref<125xi32, #tpu.memory_space<vmem>>) semaphore(%arg20 : memref<!tpu.dma_semaphore, #tpu.memory_space<semaphore_mem>>)
    %scan3A_336 = arith.constant 0 : i32
    %scan3A_337 = arith.constant 0 : i32
    %scan3A_338 = arith.constant 15 : i32
    %scan3A_339 = arith.addi %scan3A_337, %scan3A_338 : i32
    %scan3A_340 = arith.constant 1 : i32
    %scan3A_341 = scf.for %scan3A_506 = %scan3A_337 to %scan3A_339 step %scan3A_340 iter_args(%scan3A_507 = %scan3A_336) -> (i32)  : i32 {
      %mul3A_508 = arith.constant 5 : i32
      %mul3A_509 = arith.muli %scan3A_506, %mul3A_508 : i32
      %dma_wait3A_510 = arith.constant 0 : i32
      %dma_wait3A_511 = arith.constant 0 : i32
      %dma_wait3A_512 = tpu.memref_slice %arg9[%dma_wait3A_510, %dma_wait3A_511] : memref<80x125xi32, #tpu.memory_space<vmem>> -> memref<1x125xi32, #tpu.memory_space<vmem>>
      %dma_wait3A_513 = tpu.memref_squeeze %dma_wait3A_512 : memref<1x125xi32, #tpu.memory_space<vmem>> -> memref<125xi32, #tpu.memory_space<vmem>>
      %dma_wait3A_514 = arith.constant 0 : i32
      %dma_wait3A_515 = arith.constant 0 : i32
      %dma_wait3A_516 = tpu.memref_slice %arg3[%dma_wait3A_514, %dma_wait3A_515] : memref<10000x64xf32, #tpu.memory_space<hbm>> -> memref<10000x64xf32, #tpu.memory_space<hbm>>
      tpu.wait_indirect_dma semaphore(%arg16 : memref<!tpu.dma_semaphore, #tpu.memory_space<semaphore_mem>>) src(%dma_wait3A_516 : memref<10000x64xf32, #tpu.memory_space<hbm>>) dst(%arg11 : memref<125x64xf32, #tpu.memory_space<vmem>>)
      %add3A_517 = arith.constant 0 : i32
      %add3A_518 = arith.addi %mul3A_509, %add3A_517 : i32
      %dma_start3A_519 = arith.constant 0 : i32
      %dma_start3A_520 = tpu.memref_slice %arg10[%add3A_518, %dma_start3A_519] : memref<80x125xi32, #tpu.memory_space<vmem>> -> memref<1x125xi32, #tpu.memory_space<vmem>>
      %dma_start3A_521 = tpu.memref_squeeze %dma_start3A_520 : memref<1x125xi32, #tpu.memory_space<vmem>> -> memref<125xi32, #tpu.memory_space<vmem>>
      %dma_start3A_522 = arith.constant 0 : i32
      %dma_start3A_523 = arith.constant 0 : i32
      %dma_start3A_524 = tpu.memref_slice %arg28[%dma_start3A_522, %dma_start3A_523] : memref<10240x64xf32, #tpu.memory_space<vmem_shared>> -> memref<10240x64xf32, #tpu.memory_space<vmem_shared>>
      tpu.enqueue_indirect_dma source(%arg11 : memref<125x64xf32, #tpu.memory_space<vmem>>) target(%dma_start3A_524 : memref<10240x64xf32, #tpu.memory_space<vmem_shared>>) offsets(%dma_start3A_521 : memref<125xi32, #tpu.memory_space<vmem>>) semaphore(%arg21 : memref<!tpu.dma_semaphore, #tpu.memory_space<semaphore_mem>>) {add = true}
      %dma_wait3A_525 = arith.constant 0 : i32
      %dma_wait3A_526 = arith.constant 0 : i32
      %dma_wait3A_527 = tpu.memref_slice %arg9[%dma_wait3A_525, %dma_wait3A_526] : memref<80x125xi32, #tpu.memory_space<vmem>> -> memref<1x125xi32, #tpu.memory_space<vmem>>
      %dma_wait3A_528 = tpu.memref_squeeze %dma_wait3A_527 : memref<1x125xi32, #tpu.memory_space<vmem>> -> memref<125xi32, #tpu.memory_space<vmem>>
      %dma_wait3A_529 = arith.constant 0 : i32
      %dma_wait3A_530 = arith.constant 0 : i32
      %dma_wait3A_531 = tpu.memref_slice %arg3[%dma_wait3A_529, %dma_wait3A_530] : memref<10000x64xf32, #tpu.memory_space<hbm>> -> memref<10000x64xf32, #tpu.memory_space<hbm>>
      tpu.wait_indirect_dma semaphore(%arg17 : memref<!tpu.dma_semaphore, #tpu.memory_space<semaphore_mem>>) src(%dma_wait3A_531 : memref<10000x64xf32, #tpu.memory_space<hbm>>) dst(%arg12 : memref<125x64xf32, #tpu.memory_space<vmem>>)
      %add3A_532 = arith.constant 1 : i32
      %add3A_533 = arith.addi %mul3A_509, %add3A_532 : i32
      %dma_start3A_534 = arith.constant 0 : i32
      %dma_start3A_535 = tpu.memref_slice %arg10[%add3A_533, %dma_start3A_534] : memref<80x125xi32, #tpu.memory_space<vmem>> -> memref<1x125xi32, #tpu.memory_space<vmem>>
      %dma_start3A_536 = tpu.memref_squeeze %dma_start3A_535 : memref<1x125xi32, #tpu.memory_space<vmem>> -> memref<125xi32, #tpu.memory_space<vmem>>
      %dma_start3A_537 = arith.constant 0 : i32
      %dma_start3A_538 = arith.constant 0 : i32
      %dma_start3A_539 = tpu.memref_slice %arg28[%dma_start3A_537, %dma_start3A_538] : memref<10240x64xf32, #tpu.memory_space<vmem_shared>> -> memref<10240x64xf32, #tpu.memory_space<vmem_shared>>
      tpu.enqueue_indirect_dma source(%arg12 : memref<125x64xf32, #tpu.memory_space<vmem>>) target(%dma_start3A_539 : memref<10240x64xf32, #tpu.memory_space<vmem_shared>>) offsets(%dma_start3A_536 : memref<125xi32, #tpu.memory_space<vmem>>) semaphore(%arg22 : memref<!tpu.dma_semaphore, #tpu.memory_space<semaphore_mem>>) {add = true}
      %dma_wait3A_540 = arith.constant 0 : i32
      %dma_wait3A_541 = arith.constant 0 : i32
      %dma_wait3A_542 = tpu.memref_slice %arg9[%dma_wait3A_540, %dma_wait3A_541] : memref<80x125xi32, #tpu.memory_space<vmem>> -> memref<1x125xi32, #tpu.memory_space<vmem>>
      %dma_wait3A_543 = tpu.memref_squeeze %dma_wait3A_542 : memref<1x125xi32, #tpu.memory_space<vmem>> -> memref<125xi32, #tpu.memory_space<vmem>>
      %dma_wait3A_544 = arith.constant 0 : i32
      %dma_wait3A_545 = arith.constant 0 : i32
      %dma_wait3A_546 = tpu.memref_slice %arg3[%dma_wait3A_544, %dma_wait3A_545] : memref<10000x64xf32, #tpu.memory_space<hbm>> -> memref<10000x64xf32, #tpu.memory_space<hbm>>
      tpu.wait_indirect_dma semaphore(%arg18 : memref<!tpu.dma_semaphore, #tpu.memory_space<semaphore_mem>>) src(%dma_wait3A_546 : memref<10000x64xf32, #tpu.memory_space<hbm>>) dst(%arg13 : memref<125x64xf32, #tpu.memory_space<vmem>>)
      %add3A_547 = arith.constant 2 : i32
      %add3A_548 = arith.addi %mul3A_509, %add3A_547 : i32
      %dma_start3A_549 = arith.constant 0 : i32
      %dma_start3A_550 = tpu.memref_slice %arg10[%add3A_548, %dma_start3A_549] : memref<80x125xi32, #tpu.memory_space<vmem>> -> memref<1x125xi32, #tpu.memory_space<vmem>>
      %dma_start3A_551 = tpu.memref_squeeze %dma_start3A_550 : memref<1x125xi32, #tpu.memory_space<vmem>> -> memref<125xi32, #tpu.memory_space<vmem>>
      %dma_start3A_552 = arith.constant 0 : i32
      %dma_start3A_553 = arith.constant 0 : i32
      %dma_start3A_554 = tpu.memref_slice %arg28[%dma_start3A_552, %dma_start3A_553] : memref<10240x64xf32, #tpu.memory_space<vmem_shared>> -> memref<10240x64xf32, #tpu.memory_space<vmem_shared>>
      tpu.enqueue_indirect_dma source(%arg13 : memref<125x64xf32, #tpu.memory_space<vmem>>) target(%dma_start3A_554 : memref<10240x64xf32, #tpu.memory_space<vmem_shared>>) offsets(%dma_start3A_551 : memref<125xi32, #tpu.memory_space<vmem>>) semaphore(%arg23 : memref<!tpu.dma_semaphore, #tpu.memory_space<semaphore_mem>>) {add = true}
      %dma_wait3A_555 = arith.constant 0 : i32
      %dma_wait3A_556 = arith.constant 0 : i32
      %dma_wait3A_557 = tpu.memref_slice %arg9[%dma_wait3A_555, %dma_wait3A_556] : memref<80x125xi32, #tpu.memory_space<vmem>> -> memref<1x125xi32, #tpu.memory_space<vmem>>
      %dma_wait3A_558 = tpu.memref_squeeze %dma_wait3A_557 : memref<1x125xi32, #tpu.memory_space<vmem>> -> memref<125xi32, #tpu.memory_space<vmem>>
      %dma_wait3A_559 = arith.constant 0 : i32
      %dma_wait3A_560 = arith.constant 0 : i32
      %dma_wait3A_561 = tpu.memref_slice %arg3[%dma_wait3A_559, %dma_wait3A_560] : memref<10000x64xf32, #tpu.memory_space<hbm>> -> memref<10000x64xf32, #tpu.memory_space<hbm>>
      tpu.wait_indirect_dma semaphore(%arg19 : memref<!tpu.dma_semaphore, #tpu.memory_space<semaphore_mem>>) src(%dma_wait3A_561 : memref<10000x64xf32, #tpu.memory_space<hbm>>) dst(%arg14 : memref<125x64xf32, #tpu.memory_space<vmem>>)
      %add3A_562 = arith.constant 3 : i32
      %add3A_563 = arith.addi %mul3A_509, %add3A_562 : i32
      %dma_start3A_564 = arith.constant 0 : i32
      %dma_start3A_565 = tpu.memref_slice %arg10[%add3A_563, %dma_start3A_564] : memref<80x125xi32, #tpu.memory_space<vmem>> -> memref<1x125xi32, #tpu.memory_space<vmem>>
      %dma_start3A_566 = tpu.memref_squeeze %dma_start3A_565 : memref<1x125xi32, #tpu.memory_space<vmem>> -> memref<125xi32, #tpu.memory_space<vmem>>
      %dma_start3A_567 = arith.constant 0 : i32
      %dma_start3A_568 = arith.constant 0 : i32
      %dma_start3A_569 = tpu.memref_slice %arg28[%dma_start3A_567, %dma_start3A_568] : memref<10240x64xf32, #tpu.memory_space<vmem_shared>> -> memref<10240x64xf32, #tpu.memory_space<vmem_shared>>
      tpu.enqueue_indirect_dma source(%arg14 : memref<125x64xf32, #tpu.memory_space<vmem>>) target(%dma_start3A_569 : memref<10240x64xf32, #tpu.memory_space<vmem_shared>>) offsets(%dma_start3A_566 : memref<125xi32, #tpu.memory_space<vmem>>) semaphore(%arg24 : memref<!tpu.dma_semaphore, #tpu.memory_space<semaphore_mem>>) {add = true}
      %dma_wait3A_570 = arith.constant 0 : i32
      %dma_wait3A_571 = arith.constant 0 : i32
      %dma_wait3A_572 = tpu.memref_slice %arg9[%dma_wait3A_570, %dma_wait3A_571] : memref<80x125xi32, #tpu.memory_space<vmem>> -> memref<1x125xi32, #tpu.memory_space<vmem>>
      %dma_wait3A_573 = tpu.memref_squeeze %dma_wait3A_572 : memref<1x125xi32, #tpu.memory_space<vmem>> -> memref<125xi32, #tpu.memory_space<vmem>>
      %dma_wait3A_574 = arith.constant 0 : i32
      %dma_wait3A_575 = arith.constant 0 : i32
      %dma_wait3A_576 = tpu.memref_slice %arg3[%dma_wait3A_574, %dma_wait3A_575] : memref<10000x64xf32, #tpu.memory_space<hbm>> -> memref<10000x64xf32, #tpu.memory_space<hbm>>
      tpu.wait_indirect_dma semaphore(%arg20 : memref<!tpu.dma_semaphore, #tpu.memory_space<semaphore_mem>>) src(%dma_wait3A_576 : memref<10000x64xf32, #tpu.memory_space<hbm>>) dst(%arg15 : memref<125x64xf32, #tpu.memory_space<vmem>>)
      %add3A_577 = arith.constant 4 : i32
      %add3A_578 = arith.addi %mul3A_509, %add3A_577 : i32
      %dma_start3A_579 = arith.constant 0 : i32
      %dma_start3A_580 = tpu.memref_slice %arg10[%add3A_578, %dma_start3A_579] : memref<80x125xi32, #tpu.memory_space<vmem>> -> memref<1x125xi32, #tpu.memory_space<vmem>>
      %dma_start3A_581 = tpu.memref_squeeze %dma_start3A_580 : memref<1x125xi32, #tpu.memory_space<vmem>> -> memref<125xi32, #tpu.memory_space<vmem>>
      %dma_start3A_582 = arith.constant 0 : i32
      %dma_start3A_583 = arith.constant 0 : i32
      %dma_start3A_584 = tpu.memref_slice %arg28[%dma_start3A_582, %dma_start3A_583] : memref<10240x64xf32, #tpu.memory_space<vmem_shared>> -> memref<10240x64xf32, #tpu.memory_space<vmem_shared>>
      tpu.enqueue_indirect_dma source(%arg15 : memref<125x64xf32, #tpu.memory_space<vmem>>) target(%dma_start3A_584 : memref<10240x64xf32, #tpu.memory_space<vmem_shared>>) offsets(%dma_start3A_581 : memref<125xi32, #tpu.memory_space<vmem>>) semaphore(%arg25 : memref<!tpu.dma_semaphore, #tpu.memory_space<semaphore_mem>>) {add = true}
      %dma_wait3A_585 = arith.constant 0 : i32
      %dma_wait3A_586 = arith.constant 0 : i32
      %dma_wait3A_587 = tpu.memref_slice %arg10[%dma_wait3A_585, %dma_wait3A_586] : memref<80x125xi32, #tpu.memory_space<vmem>> -> memref<1x125xi32, #tpu.memory_space<vmem>>
      %dma_wait3A_588 = tpu.memref_squeeze %dma_wait3A_587 : memref<1x125xi32, #tpu.memory_space<vmem>> -> memref<125xi32, #tpu.memory_space<vmem>>
      %dma_wait3A_589 = arith.constant 0 : i32
      %dma_wait3A_590 = arith.constant 0 : i32
      %dma_wait3A_591 = tpu.memref_slice %arg28[%dma_wait3A_589, %dma_wait3A_590] : memref<10240x64xf32, #tpu.memory_space<vmem_shared>> -> memref<10240x64xf32, #tpu.memory_space<vmem_shared>>
      tpu.wait_indirect_dma semaphore(%arg21 : memref<!tpu.dma_semaphore, #tpu.memory_space<semaphore_mem>>) src(%arg11 : memref<125x64xf32, #tpu.memory_space<vmem>>) dst(%dma_wait3A_591 : memref<10240x64xf32, #tpu.memory_space<vmem_shared>>)
      %add3A_592 = arith.constant 5 : i32
      %add3A_593 = arith.addi %mul3A_509, %add3A_592 : i32
      %add3A_594 = arith.constant 0 : i32
      %add3A_595 = arith.addi %add3A_593, %add3A_594 : i32
      %dma_start3A_596 = arith.constant 0 : i32
      %dma_start3A_597 = tpu.memref_slice %arg9[%add3A_595, %dma_start3A_596] : memref<80x125xi32, #tpu.memory_space<vmem>> -> memref<1x125xi32, #tpu.memory_space<vmem>>
      %dma_start3A_598 = tpu.memref_squeeze %dma_start3A_597 : memref<1x125xi32, #tpu.memory_space<vmem>> -> memref<125xi32, #tpu.memory_space<vmem>>
      %dma_start3A_599 = arith.constant 0 : i32
      %dma_start3A_600 = arith.constant 0 : i32
      %dma_start3A_601 = tpu.memref_slice %arg3[%dma_start3A_599, %dma_start3A_600] : memref<10000x64xf32, #tpu.memory_space<hbm>> -> memref<10000x64xf32, #tpu.memory_space<hbm>>
      tpu.enqueue_indirect_dma source(%dma_start3A_601 : memref<10000x64xf32, #tpu.memory_space<hbm>>) target(%arg11 : memref<125x64xf32, #tpu.memory_space<vmem>>) offsets(%dma_start3A_598 : memref<125xi32, #tpu.memory_space<vmem>>) semaphore(%arg16 : memref<!tpu.dma_semaphore, #tpu.memory_space<semaphore_mem>>)
      %dma_wait3A_602 = arith.constant 0 : i32
      %dma_wait3A_603 = arith.constant 0 : i32
      %dma_wait3A_604 = tpu.memref_slice %arg10[%dma_wait3A_602, %dma_wait3A_603] : memref<80x125xi32, #tpu.memory_space<vmem>> -> memref<1x125xi32, #tpu.memory_space<vmem>>
      %dma_wait3A_605 = tpu.memref_squeeze %dma_wait3A_604 : memref<1x125xi32, #tpu.memory_space<vmem>> -> memref<125xi32, #tpu.memory_space<vmem>>
      %dma_wait3A_606 = arith.constant 0 : i32
      %dma_wait3A_607 = arith.constant 0 : i32
      %dma_wait3A_608 = tpu.memref_slice %arg28[%dma_wait3A_606, %dma_wait3A_607] : memref<10240x64xf32, #tpu.memory_space<vmem_shared>> -> memref<10240x64xf32, #tpu.memory_space<vmem_shared>>
      tpu.wait_indirect_dma semaphore(%arg22 : memref<!tpu.dma_semaphore, #tpu.memory_space<semaphore_mem>>) src(%arg12 : memref<125x64xf32, #tpu.memory_space<vmem>>) dst(%dma_wait3A_608 : memref<10240x64xf32, #tpu.memory_space<vmem_shared>>)
      %add3A_609 = arith.constant 5 : i32
      %add3A_610 = arith.addi %mul3A_509, %add3A_609 : i32
      %add3A_611 = arith.constant 1 : i32
      %add3A_612 = arith.addi %add3A_610, %add3A_611 : i32
      %dma_start3A_613 = arith.constant 0 : i32
      %dma_start3A_614 = tpu.memref_slice %arg9[%add3A_612, %dma_start3A_613] : memref<80x125xi32, #tpu.memory_space<vmem>> -> memref<1x125xi32, #tpu.memory_space<vmem>>
      %dma_start3A_615 = tpu.memref_squeeze %dma_start3A_614 : memref<1x125xi32, #tpu.memory_space<vmem>> -> memref<125xi32, #tpu.memory_space<vmem>>
      %dma_start3A_616 = arith.constant 0 : i32
      %dma_start3A_617 = arith.constant 0 : i32
      %dma_start3A_618 = tpu.memref_slice %arg3[%dma_start3A_616, %dma_start3A_617] : memref<10000x64xf32, #tpu.memory_space<hbm>> -> memref<10000x64xf32, #tpu.memory_space<hbm>>
      tpu.enqueue_indirect_dma source(%dma_start3A_618 : memref<10000x64xf32, #tpu.memory_space<hbm>>) target(%arg12 : memref<125x64xf32, #tpu.memory_space<vmem>>) offsets(%dma_start3A_615 : memref<125xi32, #tpu.memory_space<vmem>>) semaphore(%arg17 : memref<!tpu.dma_semaphore, #tpu.memory_space<semaphore_mem>>)
      %dma_wait3A_619 = arith.constant 0 : i32
      %dma_wait3A_620 = arith.constant 0 : i32
      %dma_wait3A_621 = tpu.memref_slice %arg10[%dma_wait3A_619, %dma_wait3A_620] : memref<80x125xi32, #tpu.memory_space<vmem>> -> memref<1x125xi32, #tpu.memory_space<vmem>>
      %dma_wait3A_622 = tpu.memref_squeeze %dma_wait3A_621 : memref<1x125xi32, #tpu.memory_space<vmem>> -> memref<125xi32, #tpu.memory_space<vmem>>
      %dma_wait3A_623 = arith.constant 0 : i32
      %dma_wait3A_624 = arith.constant 0 : i32
      %dma_wait3A_625 = tpu.memref_slice %arg28[%dma_wait3A_623, %dma_wait3A_624] : memref<10240x64xf32, #tpu.memory_space<vmem_shared>> -> memref<10240x64xf32, #tpu.memory_space<vmem_shared>>
      tpu.wait_indirect_dma semaphore(%arg23 : memref<!tpu.dma_semaphore, #tpu.memory_space<semaphore_mem>>) src(%arg13 : memref<125x64xf32, #tpu.memory_space<vmem>>) dst(%dma_wait3A_625 : memref<10240x64xf32, #tpu.memory_space<vmem_shared>>)
      %add3A_626 = arith.constant 5 : i32
      %add3A_627 = arith.addi %mul3A_509, %add3A_626 : i32
      %add3A_628 = arith.constant 2 : i32
      %add3A_629 = arith.addi %add3A_627, %add3A_628 : i32
      %dma_start3A_630 = arith.constant 0 : i32
      %dma_start3A_631 = tpu.memref_slice %arg9[%add3A_629, %dma_start3A_630] : memref<80x125xi32, #tpu.memory_space<vmem>> -> memref<1x125xi32, #tpu.memory_space<vmem>>
      %dma_start3A_632 = tpu.memref_squeeze %dma_start3A_631 : memref<1x125xi32, #tpu.memory_space<vmem>> -> memref<125xi32, #tpu.memory_space<vmem>>
      %dma_start3A_633 = arith.constant 0 : i32
      %dma_start3A_634 = arith.constant 0 : i32
      %dma_start3A_635 = tpu.memref_slice %arg3[%dma_start3A_633, %dma_start3A_634] : memref<10000x64xf32, #tpu.memory_space<hbm>> -> memref<10000x64xf32, #tpu.memory_space<hbm>>
      tpu.enqueue_indirect_dma source(%dma_start3A_635 : memref<10000x64xf32, #tpu.memory_space<hbm>>) target(%arg13 : memref<125x64xf32, #tpu.memory_space<vmem>>) offsets(%dma_start3A_632 : memref<125xi32, #tpu.memory_space<vmem>>) semaphore(%arg18 : memref<!tpu.dma_semaphore, #tpu.memory_space<semaphore_mem>>)
      %dma_wait3A_636 = arith.constant 0 : i32
      %dma_wait3A_637 = arith.constant 0 : i32
      %dma_wait3A_638 = tpu.memref_slice %arg10[%dma_wait3A_636, %dma_wait3A_637] : memref<80x125xi32, #tpu.memory_space<vmem>> -> memref<1x125xi32, #tpu.memory_space<vmem>>
      %dma_wait3A_639 = tpu.memref_squeeze %dma_wait3A_638 : memref<1x125xi32, #tpu.memory_space<vmem>> -> memref<125xi32, #tpu.memory_space<vmem>>
      %dma_wait3A_640 = arith.constant 0 : i32
      %dma_wait3A_641 = arith.constant 0 : i32
      %dma_wait3A_642 = tpu.memref_slice %arg28[%dma_wait3A_640, %dma_wait3A_641] : memref<10240x64xf32, #tpu.memory_space<vmem_shared>> -> memref<10240x64xf32, #tpu.memory_space<vmem_shared>>
      tpu.wait_indirect_dma semaphore(%arg24 : memref<!tpu.dma_semaphore, #tpu.memory_space<semaphore_mem>>) src(%arg14 : memref<125x64xf32, #tpu.memory_space<vmem>>) dst(%dma_wait3A_642 : memref<10240x64xf32, #tpu.memory_space<vmem_shared>>)
      %add3A_643 = arith.constant 5 : i32
      %add3A_644 = arith.addi %mul3A_509, %add3A_643 : i32
      %add3A_645 = arith.constant 3 : i32
      %add3A_646 = arith.addi %add3A_644, %add3A_645 : i32
      %dma_start3A_647 = arith.constant 0 : i32
      %dma_start3A_648 = tpu.memref_slice %arg9[%add3A_646, %dma_start3A_647] : memref<80x125xi32, #tpu.memory_space<vmem>> -> memref<1x125xi32, #tpu.memory_space<vmem>>
      %dma_start3A_649 = tpu.memref_squeeze %dma_start3A_648 : memref<1x125xi32, #tpu.memory_space<vmem>> -> memref<125xi32, #tpu.memory_space<vmem>>
      %dma_start3A_650 = arith.constant 0 : i32
      %dma_start3A_651 = arith.constant 0 : i32
      %dma_start3A_652 = tpu.memref_slice %arg3[%dma_start3A_650, %dma_start3A_651] : memref<10000x64xf32, #tpu.memory_space<hbm>> -> memref<10000x64xf32, #tpu.memory_space<hbm>>
      tpu.enqueue_indirect_dma source(%dma_start3A_652 : memref<10000x64xf32, #tpu.memory_space<hbm>>) target(%arg14 : memref<125x64xf32, #tpu.memory_space<vmem>>) offsets(%dma_start3A_649 : memref<125xi32, #tpu.memory_space<vmem>>) semaphore(%arg19 : memref<!tpu.dma_semaphore, #tpu.memory_space<semaphore_mem>>)
      %dma_wait3A_653 = arith.constant 0 : i32
      %dma_wait3A_654 = arith.constant 0 : i32
      %dma_wait3A_655 = tpu.memref_slice %arg10[%dma_wait3A_653, %dma_wait3A_654] : memref<80x125xi32, #tpu.memory_space<vmem>> -> memref<1x125xi32, #tpu.memory_space<vmem>>
      %dma_wait3A_656 = tpu.memref_squeeze %dma_wait3A_655 : memref<1x125xi32, #tpu.memory_space<vmem>> -> memref<125xi32, #tpu.memory_space<vmem>>
      %dma_wait3A_657 = arith.constant 0 : i32
      %dma_wait3A_658 = arith.constant 0 : i32
      %dma_wait3A_659 = tpu.memref_slice %arg28[%dma_wait3A_657, %dma_wait3A_658] : memref<10240x64xf32, #tpu.memory_space<vmem_shared>> -> memref<10240x64xf32, #tpu.memory_space<vmem_shared>>
      tpu.wait_indirect_dma semaphore(%arg25 : memref<!tpu.dma_semaphore, #tpu.memory_space<semaphore_mem>>) src(%arg15 : memref<125x64xf32, #tpu.memory_space<vmem>>) dst(%dma_wait3A_659 : memref<10240x64xf32, #tpu.memory_space<vmem_shared>>)
      %add3A_660 = arith.constant 5 : i32
      %add3A_661 = arith.addi %mul3A_509, %add3A_660 : i32
      %add3A_662 = arith.constant 4 : i32
      %add3A_663 = arith.addi %add3A_661, %add3A_662 : i32
      %dma_start3A_664 = arith.constant 0 : i32
      %dma_start3A_665 = tpu.memref_slice %arg9[%add3A_663, %dma_start3A_664] : memref<80x125xi32, #tpu.memory_space<vmem>> -> memref<1x125xi32, #tpu.memory_space<vmem>>
      %dma_start3A_666 = tpu.memref_squeeze %dma_start3A_665 : memref<1x125xi32, #tpu.memory_space<vmem>> -> memref<125xi32, #tpu.memory_space<vmem>>
      %dma_start3A_667 = arith.constant 0 : i32
      %dma_start3A_668 = arith.constant 0 : i32
      %dma_start3A_669 = tpu.memref_slice %arg3[%dma_start3A_667, %dma_start3A_668] : memref<10000x64xf32, #tpu.memory_space<hbm>> -> memref<10000x64xf32, #tpu.memory_space<hbm>>
      tpu.enqueue_indirect_dma source(%dma_start3A_669 : memref<10000x64xf32, #tpu.memory_space<hbm>>) target(%arg15 : memref<125x64xf32, #tpu.memory_space<vmem>>) offsets(%dma_start3A_666 : memref<125xi32, #tpu.memory_space<vmem>>) semaphore(%arg20 : memref<!tpu.dma_semaphore, #tpu.memory_space<semaphore_mem>>)
      %scan3A_670 = arith.constant 0 : i32
      scf.yield %scan3A_670 : i32
    }
    %scan3A_342 = arith.constant 15 : i32
    %dma_wait3A_343 = arith.constant 0 : i32
    %dma_wait3A_344 = arith.constant 0 : i32
    %dma_wait3A_345 = tpu.memref_slice %arg9[%dma_wait3A_343, %dma_wait3A_344] : memref<80x125xi32, #tpu.memory_space<vmem>> -> memref<1x125xi32, #tpu.memory_space<vmem>>
    %dma_wait3A_346 = tpu.memref_squeeze %dma_wait3A_345 : memref<1x125xi32, #tpu.memory_space<vmem>> -> memref<125xi32, #tpu.memory_space<vmem>>
    %dma_wait3A_347 = arith.constant 0 : i32
    %dma_wait3A_348 = arith.constant 0 : i32
    %dma_wait3A_349 = tpu.memref_slice %arg3[%dma_wait3A_347, %dma_wait3A_348] : memref<10000x64xf32, #tpu.memory_space<hbm>> -> memref<10000x64xf32, #tpu.memory_space<hbm>>
    tpu.wait_indirect_dma semaphore(%arg16 : memref<!tpu.dma_semaphore, #tpu.memory_space<semaphore_mem>>) src(%dma_wait3A_349 : memref<10000x64xf32, #tpu.memory_space<hbm>>) dst(%arg11 : memref<125x64xf32, #tpu.memory_space<vmem>>)
    %dma_start3A_350 = arith.constant 75 : i32
    %dma_start3A_351 = arith.constant 0 : i32
    %dma_start3A_352 = tpu.memref_slice %arg10[%dma_start3A_350, %dma_start3A_351] : memref<80x125xi32, #tpu.memory_space<vmem>> -> memref<1x125xi32, #tpu.memory_space<vmem>>
    %dma_start3A_353 = tpu.memref_squeeze %dma_start3A_352 : memref<1x125xi32, #tpu.memory_space<vmem>> -> memref<125xi32, #tpu.memory_space<vmem>>
    %dma_start3A_354 = arith.constant 0 : i32
    %dma_start3A_355 = arith.constant 0 : i32
    %dma_start3A_356 = tpu.memref_slice %arg28[%dma_start3A_354, %dma_start3A_355] : memref<10240x64xf32, #tpu.memory_space<vmem_shared>> -> memref<10240x64xf32, #tpu.memory_space<vmem_shared>>
    tpu.enqueue_indirect_dma source(%arg11 : memref<125x64xf32, #tpu.memory_space<vmem>>) target(%dma_start3A_356 : memref<10240x64xf32, #tpu.memory_space<vmem_shared>>) offsets(%dma_start3A_353 : memref<125xi32, #tpu.memory_space<vmem>>) semaphore(%arg21 : memref<!tpu.dma_semaphore, #tpu.memory_space<semaphore_mem>>) {add = true}
    %dma_wait3A_357 = arith.constant 0 : i32
    %dma_wait3A_358 = arith.constant 0 : i32
    %dma_wait3A_359 = tpu.memref_slice %arg9[%dma_wait3A_357, %dma_wait3A_358] : memref<80x125xi32, #tpu.memory_space<vmem>> -> memref<1x125xi32, #tpu.memory_space<vmem>>
    %dma_wait3A_360 = tpu.memref_squeeze %dma_wait3A_359 : memref<1x125xi32, #tpu.memory_space<vmem>> -> memref<125xi32, #tpu.memory_space<vmem>>
    %dma_wait3A_361 = arith.constant 0 : i32
    %dma_wait3A_362 = arith.constant 0 : i32
    %dma_wait3A_363 = tpu.memref_slice %arg3[%dma_wait3A_361, %dma_wait3A_362] : memref<10000x64xf32, #tpu.memory_space<hbm>> -> memref<10000x64xf32, #tpu.memory_space<hbm>>
    tpu.wait_indirect_dma semaphore(%arg17 : memref<!tpu.dma_semaphore, #tpu.memory_space<semaphore_mem>>) src(%dma_wait3A_363 : memref<10000x64xf32, #tpu.memory_space<hbm>>) dst(%arg12 : memref<125x64xf32, #tpu.memory_space<vmem>>)
    %dma_start3A_364 = arith.constant 76 : i32
    %dma_start3A_365 = arith.constant 0 : i32
    %dma_start3A_366 = tpu.memref_slice %arg10[%dma_start3A_364, %dma_start3A_365] : memref<80x125xi32, #tpu.memory_space<vmem>> -> memref<1x125xi32, #tpu.memory_space<vmem>>
    %dma_start3A_367 = tpu.memref_squeeze %dma_start3A_366 : memref<1x125xi32, #tpu.memory_space<vmem>> -> memref<125xi32, #tpu.memory_space<vmem>>
    %dma_start3A_368 = arith.constant 0 : i32
    %dma_start3A_369 = arith.constant 0 : i32
    %dma_start3A_370 = tpu.memref_slice %arg28[%dma_start3A_368, %dma_start3A_369] : memref<10240x64xf32, #tpu.memory_space<vmem_shared>> -> memref<10240x64xf32, #tpu.memory_space<vmem_shared>>
    tpu.enqueue_indirect_dma source(%arg12 : memref<125x64xf32, #tpu.memory_space<vmem>>) target(%dma_start3A_370 : memref<10240x64xf32, #tpu.memory_space<vmem_shared>>) offsets(%dma_start3A_367 : memref<125xi32, #tpu.memory_space<vmem>>) semaphore(%arg22 : memref<!tpu.dma_semaphore, #tpu.memory_space<semaphore_mem>>) {add = true}
    %dma_wait3A_371 = arith.constant 0 : i32
    %dma_wait3A_372 = arith.constant 0 : i32
    %dma_wait3A_373 = tpu.memref_slice %arg9[%dma_wait3A_371, %dma_wait3A_372] : memref<80x125xi32, #tpu.memory_space<vmem>> -> memref<1x125xi32, #tpu.memory_space<vmem>>
    %dma_wait3A_374 = tpu.memref_squeeze %dma_wait3A_373 : memref<1x125xi32, #tpu.memory_space<vmem>> -> memref<125xi32, #tpu.memory_space<vmem>>
    %dma_wait3A_375 = arith.constant 0 : i32
    %dma_wait3A_376 = arith.constant 0 : i32
    %dma_wait3A_377 = tpu.memref_slice %arg3[%dma_wait3A_375, %dma_wait3A_376] : memref<10000x64xf32, #tpu.memory_space<hbm>> -> memref<10000x64xf32, #tpu.memory_space<hbm>>
    tpu.wait_indirect_dma semaphore(%arg18 : memref<!tpu.dma_semaphore, #tpu.memory_space<semaphore_mem>>) src(%dma_wait3A_377 : memref<10000x64xf32, #tpu.memory_space<hbm>>) dst(%arg13 : memref<125x64xf32, #tpu.memory_space<vmem>>)
    %dma_start3A_378 = arith.constant 77 : i32
    %dma_start3A_379 = arith.constant 0 : i32
    %dma_start3A_380 = tpu.memref_slice %arg10[%dma_start3A_378, %dma_start3A_379] : memref<80x125xi32, #tpu.memory_space<vmem>> -> memref<1x125xi32, #tpu.memory_space<vmem>>
    %dma_start3A_381 = tpu.memref_squeeze %dma_start3A_380 : memref<1x125xi32, #tpu.memory_space<vmem>> -> memref<125xi32, #tpu.memory_space<vmem>>
    %dma_start3A_382 = arith.constant 0 : i32
    %dma_start3A_383 = arith.constant 0 : i32
    %dma_start3A_384 = tpu.memref_slice %arg28[%dma_start3A_382, %dma_start3A_383] : memref<10240x64xf32, #tpu.memory_space<vmem_shared>> -> memref<10240x64xf32, #tpu.memory_space<vmem_shared>>
    tpu.enqueue_indirect_dma source(%arg13 : memref<125x64xf32, #tpu.memory_space<vmem>>) target(%dma_start3A_384 : memref<10240x64xf32, #tpu.memory_space<vmem_shared>>) offsets(%dma_start3A_381 : memref<125xi32, #tpu.memory_space<vmem>>) semaphore(%arg23 : memref<!tpu.dma_semaphore, #tpu.memory_space<semaphore_mem>>) {add = true}
    %dma_wait3A_385 = arith.constant 0 : i32
    %dma_wait3A_386 = arith.constant 0 : i32
    %dma_wait3A_387 = tpu.memref_slice %arg9[%dma_wait3A_385, %dma_wait3A_386] : memref<80x125xi32, #tpu.memory_space<vmem>> -> memref<1x125xi32, #tpu.memory_space<vmem>>
    %dma_wait3A_388 = tpu.memref_squeeze %dma_wait3A_387 : memref<1x125xi32, #tpu.memory_space<vmem>> -> memref<125xi32, #tpu.memory_space<vmem>>
    %dma_wait3A_389 = arith.constant 0 : i32
    %dma_wait3A_390 = arith.constant 0 : i32
    %dma_wait3A_391 = tpu.memref_slice %arg3[%dma_wait3A_389, %dma_wait3A_390] : memref<10000x64xf32, #tpu.memory_space<hbm>> -> memref<10000x64xf32, #tpu.memory_space<hbm>>
    tpu.wait_indirect_dma semaphore(%arg19 : memref<!tpu.dma_semaphore, #tpu.memory_space<semaphore_mem>>) src(%dma_wait3A_391 : memref<10000x64xf32, #tpu.memory_space<hbm>>) dst(%arg14 : memref<125x64xf32, #tpu.memory_space<vmem>>)
    %dma_start3A_392 = arith.constant 78 : i32
    %dma_start3A_393 = arith.constant 0 : i32
    %dma_start3A_394 = tpu.memref_slice %arg10[%dma_start3A_392, %dma_start3A_393] : memref<80x125xi32, #tpu.memory_space<vmem>> -> memref<1x125xi32, #tpu.memory_space<vmem>>
    %dma_start3A_395 = tpu.memref_squeeze %dma_start3A_394 : memref<1x125xi32, #tpu.memory_space<vmem>> -> memref<125xi32, #tpu.memory_space<vmem>>
    %dma_start3A_396 = arith.constant 0 : i32
    %dma_start3A_397 = arith.constant 0 : i32
    %dma_start3A_398 = tpu.memref_slice %arg28[%dma_start3A_396, %dma_start3A_397] : memref<10240x64xf32, #tpu.memory_space<vmem_shared>> -> memref<10240x64xf32, #tpu.memory_space<vmem_shared>>
    tpu.enqueue_indirect_dma source(%arg14 : memref<125x64xf32, #tpu.memory_space<vmem>>) target(%dma_start3A_398 : memref<10240x64xf32, #tpu.memory_space<vmem_shared>>) offsets(%dma_start3A_395 : memref<125xi32, #tpu.memory_space<vmem>>) semaphore(%arg24 : memref<!tpu.dma_semaphore, #tpu.memory_space<semaphore_mem>>) {add = true}
    %dma_wait3A_399 = arith.constant 0 : i32
    %dma_wait3A_400 = arith.constant 0 : i32
    %dma_wait3A_401 = tpu.memref_slice %arg9[%dma_wait3A_399, %dma_wait3A_400] : memref<80x125xi32, #tpu.memory_space<vmem>> -> memref<1x125xi32, #tpu.memory_space<vmem>>
    %dma_wait3A_402 = tpu.memref_squeeze %dma_wait3A_401 : memref<1x125xi32, #tpu.memory_space<vmem>> -> memref<125xi32, #tpu.memory_space<vmem>>
    %dma_wait3A_403 = arith.constant 0 : i32
    %dma_wait3A_404 = arith.constant 0 : i32
    %dma_wait3A_405 = tpu.memref_slice %arg3[%dma_wait3A_403, %dma_wait3A_404] : memref<10000x64xf32, #tpu.memory_space<hbm>> -> memref<10000x64xf32, #tpu.memory_space<hbm>>
    tpu.wait_indirect_dma semaphore(%arg20 : memref<!tpu.dma_semaphore, #tpu.memory_space<semaphore_mem>>) src(%dma_wait3A_405 : memref<10000x64xf32, #tpu.memory_space<hbm>>) dst(%arg15 : memref<125x64xf32, #tpu.memory_space<vmem>>)
    %dma_start3A_406 = arith.constant 79 : i32
    %dma_start3A_407 = arith.constant 0 : i32
    %dma_start3A_408 = tpu.memref_slice %arg10[%dma_start3A_406, %dma_start3A_407] : memref<80x125xi32, #tpu.memory_space<vmem>> -> memref<1x125xi32, #tpu.memory_space<vmem>>
    %dma_start3A_409 = tpu.memref_squeeze %dma_start3A_408 : memref<1x125xi32, #tpu.memory_space<vmem>> -> memref<125xi32, #tpu.memory_space<vmem>>
    %dma_start3A_410 = arith.constant 0 : i32
    %dma_start3A_411 = arith.constant 0 : i32
    %dma_start3A_412 = tpu.memref_slice %arg28[%dma_start3A_410, %dma_start3A_411] : memref<10240x64xf32, #tpu.memory_space<vmem_shared>> -> memref<10240x64xf32, #tpu.memory_space<vmem_shared>>
    tpu.enqueue_indirect_dma source(%arg15 : memref<125x64xf32, #tpu.memory_space<vmem>>) target(%dma_start3A_412 : memref<10240x64xf32, #tpu.memory_space<vmem_shared>>) offsets(%dma_start3A_409 : memref<125xi32, #tpu.memory_space<vmem>>) semaphore(%arg25 : memref<!tpu.dma_semaphore, #tpu.memory_space<semaphore_mem>>) {add = true}
    %dma_wait3A_413 = arith.constant 0 : i32
    %dma_wait3A_414 = arith.constant 0 : i32
    %dma_wait3A_415 = tpu.memref_slice %arg10[%dma_wait3A_413, %dma_wait3A_414] : memref<80x125xi32, #tpu.memory_space<vmem>> -> memref<1x125xi32, #tpu.memory_space<vmem>>
    %dma_wait3A_416 = tpu.memref_squeeze %dma_wait3A_415 : memref<1x125xi32, #tpu.memory_space<vmem>> -> memref<125xi32, #tpu.memory_space<vmem>>
    %dma_wait3A_417 = arith.constant 0 : i32
    %dma_wait3A_418 = arith.constant 0 : i32
    %dma_wait3A_419 = tpu.memref_slice %arg28[%dma_wait3A_417, %dma_wait3A_418] : memref<10240x64xf32, #tpu.memory_space<vmem_shared>> -> memref<10240x64xf32, #tpu.memory_space<vmem_shared>>
    tpu.wait_indirect_dma semaphore(%arg21 : memref<!tpu.dma_semaphore, #tpu.memory_space<semaphore_mem>>) src(%arg11 : memref<125x64xf32, #tpu.memory_space<vmem>>) dst(%dma_wait3A_419 : memref<10240x64xf32, #tpu.memory_space<vmem_shared>>)
    %dma_wait3A_420 = arith.constant 0 : i32
    %dma_wait3A_421 = arith.constant 0 : i32
    %dma_wait3A_422 = tpu.memref_slice %arg10[%dma_wait3A_420, %dma_wait3A_421] : memref<80x125xi32, #tpu.memory_space<vmem>> -> memref<1x125xi32, #tpu.memory_space<vmem>>
    %dma_wait3A_423 = tpu.memref_squeeze %dma_wait3A_422 : memref<1x125xi32, #tpu.memory_space<vmem>> -> memref<125xi32, #tpu.memory_space<vmem>>
    %dma_wait3A_424 = arith.constant 0 : i32
    %dma_wait3A_425 = arith.constant 0 : i32
    %dma_wait3A_426 = tpu.memref_slice %arg28[%dma_wait3A_424, %dma_wait3A_425] : memref<10240x64xf32, #tpu.memory_space<vmem_shared>> -> memref<10240x64xf32, #tpu.memory_space<vmem_shared>>
    tpu.wait_indirect_dma semaphore(%arg22 : memref<!tpu.dma_semaphore, #tpu.memory_space<semaphore_mem>>) src(%arg12 : memref<125x64xf32, #tpu.memory_space<vmem>>) dst(%dma_wait3A_426 : memref<10240x64xf32, #tpu.memory_space<vmem_shared>>)
    %dma_wait3A_427 = arith.constant 0 : i32
    %dma_wait3A_428 = arith.constant 0 : i32
    %dma_wait3A_429 = tpu.memref_slice %arg10[%dma_wait3A_427, %dma_wait3A_428] : memref<80x125xi32, #tpu.memory_space<vmem>> -> memref<1x125xi32, #tpu.memory_space<vmem>>
    %dma_wait3A_430 = tpu.memref_squeeze %dma_wait3A_429 : memref<1x125xi32, #tpu.memory_space<vmem>> -> memref<125xi32, #tpu.memory_space<vmem>>
    %dma_wait3A_431 = arith.constant 0 : i32
    %dma_wait3A_432 = arith.constant 0 : i32
    %dma_wait3A_433 = tpu.memref_slice %arg28[%dma_wait3A_431, %dma_wait3A_432] : memref<10240x64xf32, #tpu.memory_space<vmem_shared>> -> memref<10240x64xf32, #tpu.memory_space<vmem_shared>>
    tpu.wait_indirect_dma semaphore(%arg23 : memref<!tpu.dma_semaphore, #tpu.memory_space<semaphore_mem>>) src(%arg13 : memref<125x64xf32, #tpu.memory_space<vmem>>) dst(%dma_wait3A_433 : memref<10240x64xf32, #tpu.memory_space<vmem_shared>>)
    %dma_wait3A_434 = arith.constant 0 : i32
    %dma_wait3A_435 = arith.constant 0 : i32
    %dma_wait3A_436 = tpu.memref_slice %arg10[%dma_wait3A_434, %dma_wait3A_435] : memref<80x125xi32, #tpu.memory_space<vmem>> -> memref<1x125xi32, #tpu.memory_space<vmem>>
    %dma_wait3A_437 = tpu.memref_squeeze %dma_wait3A_436 : memref<1x125xi32, #tpu.memory_space<vmem>> -> memref<125xi32, #tpu.memory_space<vmem>>
    %dma_wait3A_438 = arith.constant 0 : i32
    %dma_wait3A_439 = arith.constant 0 : i32
    %dma_wait3A_440 = tpu.memref_slice %arg28[%dma_wait3A_438, %dma_wait3A_439] : memref<10240x64xf32, #tpu.memory_space<vmem_shared>> -> memref<10240x64xf32, #tpu.memory_space<vmem_shared>>
    tpu.wait_indirect_dma semaphore(%arg24 : memref<!tpu.dma_semaphore, #tpu.memory_space<semaphore_mem>>) src(%arg14 : memref<125x64xf32, #tpu.memory_space<vmem>>) dst(%dma_wait3A_440 : memref<10240x64xf32, #tpu.memory_space<vmem_shared>>)
    %dma_wait3A_441 = arith.constant 0 : i32
    %dma_wait3A_442 = arith.constant 0 : i32
    %dma_wait3A_443 = tpu.memref_slice %arg10[%dma_wait3A_441, %dma_wait3A_442] : memref<80x125xi32, #tpu.memory_space<vmem>> -> memref<1x125xi32, #tpu.memory_space<vmem>>
    %dma_wait3A_444 = tpu.memref_squeeze %dma_wait3A_443 : memref<1x125xi32, #tpu.memory_space<vmem>> -> memref<125xi32, #tpu.memory_space<vmem>>
    %dma_wait3A_445 = arith.constant 0 : i32
    %dma_wait3A_446 = arith.constant 0 : i32
    %dma_wait3A_447 = tpu.memref_slice %arg28[%dma_wait3A_445, %dma_wait3A_446] : memref<10240x64xf32, #tpu.memory_space<vmem_shared>> -> memref<10240x64xf32, #tpu.memory_space<vmem_shared>>
    tpu.wait_indirect_dma semaphore(%arg25 : memref<!tpu.dma_semaphore, #tpu.memory_space<semaphore_mem>>) src(%arg15 : memref<125x64xf32, #tpu.memory_space<vmem>>) dst(%dma_wait3A_447 : memref<10240x64xf32, #tpu.memory_space<vmem_shared>>)
    %barrier3A_448 = arith.constant 0 : index
    tpu.barrier barrier_id(%barrier3A_448)
    %add3A_449 = arith.constant 0 : i32
    %add3A_450 = arith.addi %mul3A_2, %add3A_449 : i32
    "tpu.region"() ({
      %run_scoped3A = tpu.sem_alloc : memref<!tpu.dma_semaphore, #tpu.memory_space<semaphore_mem>>
      %dma_start3A_506 = arith.constant 0 : i32
      %dma_start3A_507 = tpu.memref_slice %arg28[%add3A_450, %dma_start3A_506] : memref<10240x64xf32, #tpu.memory_space<vmem_shared>> -> memref<64x64xf32, #tpu.memory_space<vmem_shared>>
      %dma_start3A_508 = arith.constant 0 : i32
      %dma_start3A_509 = tpu.memref_slice %arg28[%add3A_450, %dma_start3A_508] : memref<10240x64xf32, #tpu.memory_space<vmem_shared>> -> memref<64x64xf32, #tpu.memory_space<vmem_shared>>
      tpu.enqueue_dma source(%dma_start3A_509 : memref<64x64xf32, #tpu.memory_space<vmem_shared>>) target(%arg27 : memref<64x64xf32, #tpu.memory_space<vmem>>) target_semaphore(%run_scoped3A : memref<!tpu.dma_semaphore, #tpu.memory_space<semaphore_mem>>)
      %dma_wait3A_510 = arith.constant 0 : i32
      %dma_wait3A_511 = tpu.memref_slice %arg28[%add3A_450, %dma_wait3A_510] : memref<10240x64xf32, #tpu.memory_space<vmem_shared>> -> memref<64x64xf32, #tpu.memory_space<vmem_shared>>
      %dma_wait3A_512 = arith.constant 0 : i32
      %dma_wait3A_513 = tpu.memref_slice %arg28[%add3A_450, %dma_wait3A_512] : memref<10240x64xf32, #tpu.memory_space<vmem_shared>> -> memref<64x64xf32, #tpu.memory_space<vmem_shared>>
      tpu.wait_dma2 semaphore(%run_scoped3A : memref<!tpu.dma_semaphore, #tpu.memory_space<semaphore_mem>>) src(%dma_wait3A_513 : memref<64x64xf32, #tpu.memory_space<vmem_shared>>) dst(%arg27 : memref<64x64xf32, #tpu.memory_space<vmem>>)
      tpu.yield
    }) : () -> ()
    %add3A_451 = arith.constant 0 : i32
    %add3A_452 = arith.addi %mul3A_2, %add3A_451 : i32
    "tpu.region"() ({
      %run_scoped3A = tpu.sem_alloc : memref<!tpu.dma_semaphore, #tpu.memory_space<semaphore_mem>>
      %dma_start3A_506 = arith.constant 0 : i32
      %dma_start3A_507 = tpu.memref_slice %arg7[%arg0, %add3A_452, %dma_start3A_506] : memref<2x10240x64xf32, #tpu.memory_space<hbm>> -> memref<1x64x64xf32, #tpu.memory_space<hbm>>
      %dma_start3A_508 = tpu.memref_squeeze %dma_start3A_507 : memref<1x64x64xf32, #tpu.memory_space<hbm>> -> memref<64x64xf32, #tpu.memory_space<hbm>>
      %dma_start3A_509 = arith.constant 0 : i32
      %dma_start3A_510 = tpu.memref_slice %arg7[%arg0, %add3A_452, %dma_start3A_509] : memref<2x10240x64xf32, #tpu.memory_space<hbm>> -> memref<1x64x64xf32, #tpu.memory_space<hbm>>
      %dma_start3A_511 = tpu.memref_squeeze %dma_start3A_510 : memref<1x64x64xf32, #tpu.memory_space<hbm>> -> memref<64x64xf32, #tpu.memory_space<hbm>>
      tpu.enqueue_dma source(%arg27 : memref<64x64xf32, #tpu.memory_space<vmem>>) target(%dma_start3A_511 : memref<64x64xf32, #tpu.memory_space<hbm>>) target_semaphore(%run_scoped3A : memref<!tpu.dma_semaphore, #tpu.memory_space<semaphore_mem>>)
      %dma_wait3A_512 = arith.constant 0 : i32
      %dma_wait3A_513 = tpu.memref_slice %arg7[%arg0, %add3A_452, %dma_wait3A_512] : memref<2x10240x64xf32, #tpu.memory_space<hbm>> -> memref<1x64x64xf32, #tpu.memory_space<hbm>>
      %dma_wait3A_514 = tpu.memref_squeeze %dma_wait3A_513 : memref<1x64x64xf32, #tpu.memory_space<hbm>> -> memref<64x64xf32, #tpu.memory_space<hbm>>
      %dma_wait3A_515 = arith.constant 0 : i32
      %dma_wait3A_516 = tpu.memref_slice %arg7[%arg0, %add3A_452, %dma_wait3A_515] : memref<2x10240x64xf32, #tpu.memory_space<hbm>> -> memref<1x64x64xf32, #tpu.memory_space<hbm>>
      %dma_wait3A_517 = tpu.memref_squeeze %dma_wait3A_516 : memref<1x64x64xf32, #tpu.memory_space<hbm>> -> memref<64x64xf32, #tpu.memory_space<hbm>>
      tpu.wait_dma2 semaphore(%run_scoped3A : memref<!tpu.dma_semaphore, #tpu.memory_space<semaphore_mem>>) src(%arg27 : memref<64x64xf32, #tpu.memory_space<vmem>>) dst(%dma_wait3A_517 : memref<64x64xf32, #tpu.memory_space<hbm>>)
      tpu.yield
    }) : () -> ()
    %add3A_453 = arith.constant 64 : i32
    %add3A_454 = arith.addi %mul3A_2, %add3A_453 : i32
    "tpu.region"() ({
      %run_scoped3A = tpu.sem_alloc : memref<!tpu.dma_semaphore, #tpu.memory_space<semaphore_mem>>
      %dma_start3A_506 = arith.constant 0 : i32
      %dma_start3A_507 = tpu.memref_slice %arg28[%add3A_454, %dma_start3A_506] : memref<10240x64xf32, #tpu.memory_space<vmem_shared>> -> memref<64x64xf32, #tpu.memory_space<vmem_shared>>
      %dma_start3A_508 = arith.constant 0 : i32
      %dma_start3A_509 = tpu.memref_slice %arg28[%add3A_454, %dma_start3A_508] : memref<10240x64xf32, #tpu.memory_space<vmem_shared>> -> memref<64x64xf32, #tpu.memory_space<vmem_shared>>
      tpu.enqueue_dma source(%dma_start3A_509 : memref<64x64xf32, #tpu.memory_space<vmem_shared>>) target(%arg27 : memref<64x64xf32, #tpu.memory_space<vmem>>) target_semaphore(%run_scoped3A : memref<!tpu.dma_semaphore, #tpu.memory_space<semaphore_mem>>)
      %dma_wait3A_510 = arith.constant 0 : i32
      %dma_wait3A_511 = tpu.memref_slice %arg28[%add3A_454, %dma_wait3A_510] : memref<10240x64xf32, #tpu.memory_space<vmem_shared>> -> memref<64x64xf32, #tpu.memory_space<vmem_shared>>
      %dma_wait3A_512 = arith.constant 0 : i32
      %dma_wait3A_513 = tpu.memref_slice %arg28[%add3A_454, %dma_wait3A_512] : memref<10240x64xf32, #tpu.memory_space<vmem_shared>> -> memref<64x64xf32, #tpu.memory_space<vmem_shared>>
      tpu.wait_dma2 semaphore(%run_scoped3A : memref<!tpu.dma_semaphore, #tpu.memory_space<semaphore_mem>>) src(%dma_wait3A_513 : memref<64x64xf32, #tpu.memory_space<vmem_shared>>) dst(%arg27 : memref<64x64xf32, #tpu.memory_space<vmem>>)
      tpu.yield
    }) : () -> ()
    %add3A_455 = arith.constant 64 : i32
    %add3A_456 = arith.addi %mul3A_2, %add3A_455 : i32
    "tpu.region"() ({
      %run_scoped3A = tpu.sem_alloc : memref<!tpu.dma_semaphore, #tpu.memory_space<semaphore_mem>>
      %dma_start3A_506 = arith.constant 0 : i32
      %dma_start3A_507 = tpu.memref_slice %arg7[%arg0, %add3A_456, %dma_start3A_506] : memref<2x10240x64xf32, #tpu.memory_space<hbm>> -> memref<1x64x64xf32, #tpu.memory_space<hbm>>
      %dma_start3A_508 = tpu.memref_squeeze %dma_start3A_507 : memref<1x64x64xf32, #tpu.memory_space<hbm>> -> memref<64x64xf32, #tpu.memory_space<hbm>>
      %dma_start3A_509 = arith.constant 0 : i32
      %dma_start3A_510 = tpu.memref_slice %arg7[%arg0, %add3A_456, %dma_start3A_509] : memref<2x10240x64xf32, #tpu.memory_space<hbm>> -> memref<1x64x64xf32, #tpu.memory_space<hbm>>
      %dma_start3A_511 = tpu.memref_squeeze %dma_start3A_510 : memref<1x64x64xf32, #tpu.memory_space<hbm>> -> memref<64x64xf32, #tpu.memory_space<hbm>>
      tpu.enqueue_dma source(%arg27 : memref<64x64xf32, #tpu.memory_space<vmem>>) target(%dma_start3A_511 : memref<64x64xf32, #tpu.memory_space<hbm>>) target_semaphore(%run_scoped3A : memref<!tpu.dma_semaphore, #tpu.memory_space<semaphore_mem>>)
      %dma_wait3A_512 = arith.constant 0 : i32
      %dma_wait3A_513 = tpu.memref_slice %arg7[%arg0, %add3A_456, %dma_wait3A_512] : memref<2x10240x64xf32, #tpu.memory_space<hbm>> -> memref<1x64x64xf32, #tpu.memory_space<hbm>>
      %dma_wait3A_514 = tpu.memref_squeeze %dma_wait3A_513 : memref<1x64x64xf32, #tpu.memory_space<hbm>> -> memref<64x64xf32, #tpu.memory_space<hbm>>
      %dma_wait3A_515 = arith.constant 0 : i32
      %dma_wait3A_516 = tpu.memref_slice %arg7[%arg0, %add3A_456, %dma_wait3A_515] : memref<2x10240x64xf32, #tpu.memory_space<hbm>> -> memref<1x64x64xf32, #tpu.memory_space<hbm>>
      %dma_wait3A_517 = tpu.memref_squeeze %dma_wait3A_516 : memref<1x64x64xf32, #tpu.memory_space<hbm>> -> memref<64x64xf32, #tpu.memory_space<hbm>>
      tpu.wait_dma2 semaphore(%run_scoped3A : memref<!tpu.dma_semaphore, #tpu.memory_space<semaphore_mem>>) src(%arg27 : memref<64x64xf32, #tpu.memory_space<vmem>>) dst(%dma_wait3A_517 : memref<64x64xf32, #tpu.memory_space<hbm>>)
      tpu.yield
    }) : () -> ()
    %add3A_457 = arith.constant 128 : i32
    %add3A_458 = arith.addi %mul3A_2, %add3A_457 : i32
    "tpu.region"() ({
      %run_scoped3A = tpu.sem_alloc : memref<!tpu.dma_semaphore, #tpu.memory_space<semaphore_mem>>
      %dma_start3A_506 = arith.constant 0 : i32
      %dma_start3A_507 = tpu.memref_slice %arg28[%add3A_458, %dma_start3A_506] : memref<10240x64xf32, #tpu.memory_space<vmem_shared>> -> memref<64x64xf32, #tpu.memory_space<vmem_shared>>
      %dma_start3A_508 = arith.constant 0 : i32
      %dma_start3A_509 = tpu.memref_slice %arg28[%add3A_458, %dma_start3A_508] : memref<10240x64xf32, #tpu.memory_space<vmem_shared>> -> memref<64x64xf32, #tpu.memory_space<vmem_shared>>
      tpu.enqueue_dma source(%dma_start3A_509 : memref<64x64xf32, #tpu.memory_space<vmem_shared>>) target(%arg27 : memref<64x64xf32, #tpu.memory_space<vmem>>) target_semaphore(%run_scoped3A : memref<!tpu.dma_semaphore, #tpu.memory_space<semaphore_mem>>)
      %dma_wait3A_510 = arith.constant 0 : i32
      %dma_wait3A_511 = tpu.memref_slice %arg28[%add3A_458, %dma_wait3A_510] : memref<10240x64xf32, #tpu.memory_space<vmem_shared>> -> memref<64x64xf32, #tpu.memory_space<vmem_shared>>
      %dma_wait3A_512 = arith.constant 0 : i32
      %dma_wait3A_513 = tpu.memref_slice %arg28[%add3A_458, %dma_wait3A_512] : memref<10240x64xf32, #tpu.memory_space<vmem_shared>> -> memref<64x64xf32, #tpu.memory_space<vmem_shared>>
      tpu.wait_dma2 semaphore(%run_scoped3A : memref<!tpu.dma_semaphore, #tpu.memory_space<semaphore_mem>>) src(%dma_wait3A_513 : memref<64x64xf32, #tpu.memory_space<vmem_shared>>) dst(%arg27 : memref<64x64xf32, #tpu.memory_space<vmem>>)
      tpu.yield
    }) : () -> ()
    %add3A_459 = arith.constant 128 : i32
    %add3A_460 = arith.addi %mul3A_2, %add3A_459 : i32
    "tpu.region"() ({
      %run_scoped3A = tpu.sem_alloc : memref<!tpu.dma_semaphore, #tpu.memory_space<semaphore_mem>>
      %dma_start3A_506 = arith.constant 0 : i32
      %dma_start3A_507 = tpu.memref_slice %arg7[%arg0, %add3A_460, %dma_start3A_506] : memref<2x10240x64xf32, #tpu.memory_space<hbm>> -> memref<1x64x64xf32, #tpu.memory_space<hbm>>
      %dma_start3A_508 = tpu.memref_squeeze %dma_start3A_507 : memref<1x64x64xf32, #tpu.memory_space<hbm>> -> memref<64x64xf32, #tpu.memory_space<hbm>>
      %dma_start3A_509 = arith.constant 0 : i32
      %dma_start3A_510 = tpu.memref_slice %arg7[%arg0, %add3A_460, %dma_start3A_509] : memref<2x10240x64xf32, #tpu.memory_space<hbm>> -> memref<1x64x64xf32, #tpu.memory_space<hbm>>
      %dma_start3A_511 = tpu.memref_squeeze %dma_start3A_510 : memref<1x64x64xf32, #tpu.memory_space<hbm>> -> memref<64x64xf32, #tpu.memory_space<hbm>>
      tpu.enqueue_dma source(%arg27 : memref<64x64xf32, #tpu.memory_space<vmem>>) target(%dma_start3A_511 : memref<64x64xf32, #tpu.memory_space<hbm>>) target_semaphore(%run_scoped3A : memref<!tpu.dma_semaphore, #tpu.memory_space<semaphore_mem>>)
      %dma_wait3A_512 = arith.constant 0 : i32
      %dma_wait3A_513 = tpu.memref_slice %arg7[%arg0, %add3A_460, %dma_wait3A_512] : memref<2x10240x64xf32, #tpu.memory_space<hbm>> -> memref<1x64x64xf32, #tpu.memory_space<hbm>>
      %dma_wait3A_514 = tpu.memref_squeeze %dma_wait3A_513 : memref<1x64x64xf32, #tpu.memory_space<hbm>> -> memref<64x64xf32, #tpu.memory_space<hbm>>
      %dma_wait3A_515 = arith.constant 0 : i32
      %dma_wait3A_516 = tpu.memref_slice %arg7[%arg0, %add3A_460, %dma_wait3A_515] : memref<2x10240x64xf32, #tpu.memory_space<hbm>> -> memref<1x64x64xf32, #tpu.memory_space<hbm>>
      %dma_wait3A_517 = tpu.memref_squeeze %dma_wait3A_516 : memref<1x64x64xf32, #tpu.memory_space<hbm>> -> memref<64x64xf32, #tpu.memory_space<hbm>>
      tpu.wait_dma2 semaphore(%run_scoped3A : memref<!tpu.dma_semaphore, #tpu.memory_space<semaphore_mem>>) src(%arg27 : memref<64x64xf32, #tpu.memory_space<vmem>>) dst(%dma_wait3A_517 : memref<64x64xf32, #tpu.memory_space<hbm>>)
      tpu.yield
    }) : () -> ()
    %add3A_461 = arith.constant 192 : i32
    %add3A_462 = arith.addi %mul3A_2, %add3A_461 : i32
    "tpu.region"() ({
      %run_scoped3A = tpu.sem_alloc : memref<!tpu.dma_semaphore, #tpu.memory_space<semaphore_mem>>
      %dma_start3A_506 = arith.constant 0 : i32
      %dma_start3A_507 = tpu.memref_slice %arg28[%add3A_462, %dma_start3A_506] : memref<10240x64xf32, #tpu.memory_space<vmem_shared>> -> memref<64x64xf32, #tpu.memory_space<vmem_shared>>
      %dma_start3A_508 = arith.constant 0 : i32
      %dma_start3A_509 = tpu.memref_slice %arg28[%add3A_462, %dma_start3A_508] : memref<10240x64xf32, #tpu.memory_space<vmem_shared>> -> memref<64x64xf32, #tpu.memory_space<vmem_shared>>
      tpu.enqueue_dma source(%dma_start3A_509 : memref<64x64xf32, #tpu.memory_space<vmem_shared>>) target(%arg27 : memref<64x64xf32, #tpu.memory_space<vmem>>) target_semaphore(%run_scoped3A : memref<!tpu.dma_semaphore, #tpu.memory_space<semaphore_mem>>)
      %dma_wait3A_510 = arith.constant 0 : i32
      %dma_wait3A_511 = tpu.memref_slice %arg28[%add3A_462, %dma_wait3A_510] : memref<10240x64xf32, #tpu.memory_space<vmem_shared>> -> memref<64x64xf32, #tpu.memory_space<vmem_shared>>
      %dma_wait3A_512 = arith.constant 0 : i32
      %dma_wait3A_513 = tpu.memref_slice %arg28[%add3A_462, %dma_wait3A_512] : memref<10240x64xf32, #tpu.memory_space<vmem_shared>> -> memref<64x64xf32, #tpu.memory_space<vmem_shared>>
      tpu.wait_dma2 semaphore(%run_scoped3A : memref<!tpu.dma_semaphore, #tpu.memory_space<semaphore_mem>>) src(%dma_wait3A_513 : memref<64x64xf32, #tpu.memory_space<vmem_shared>>) dst(%arg27 : memref<64x64xf32, #tpu.memory_space<vmem>>)
      tpu.yield
    }) : () -> ()
    %add3A_463 = arith.constant 192 : i32
    %add3A_464 = arith.addi %mul3A_2, %add3A_463 : i32
    "tpu.region"() ({
      %run_scoped3A = tpu.sem_alloc : memref<!tpu.dma_semaphore, #tpu.memory_space<semaphore_mem>>
      %dma_start3A_506 = arith.constant 0 : i32
      %dma_start3A_507 = tpu.memref_slice %arg7[%arg0, %add3A_464, %dma_start3A_506] : memref<2x10240x64xf32, #tpu.memory_space<hbm>> -> memref<1x64x64xf32, #tpu.memory_space<hbm>>
      %dma_start3A_508 = tpu.memref_squeeze %dma_start3A_507 : memref<1x64x64xf32, #tpu.memory_space<hbm>> -> memref<64x64xf32, #tpu.memory_space<hbm>>
      %dma_start3A_509 = arith.constant 0 : i32
      %dma_start3A_510 = tpu.memref_slice %arg7[%arg0, %add3A_464, %dma_start3A_509] : memref<2x10240x64xf32, #tpu.memory_space<hbm>> -> memref<1x64x64xf32, #tpu.memory_space<hbm>>
      %dma_start3A_511 = tpu.memref_squeeze %dma_start3A_510 : memref<1x64x64xf32, #tpu.memory_space<hbm>> -> memref<64x64xf32, #tpu.memory_space<hbm>>
      tpu.enqueue_dma source(%arg27 : memref<64x64xf32, #tpu.memory_space<vmem>>) target(%dma_start3A_511 : memref<64x64xf32, #tpu.memory_space<hbm>>) target_semaphore(%run_scoped3A : memref<!tpu.dma_semaphore, #tpu.memory_space<semaphore_mem>>)
      %dma_wait3A_512 = arith.constant 0 : i32
      %dma_wait3A_513 = tpu.memref_slice %arg7[%arg0, %add3A_464, %dma_wait3A_512] : memref<2x10240x64xf32, #tpu.memory_space<hbm>> -> memref<1x64x64xf32, #tpu.memory_space<hbm>>
      %dma_wait3A_514 = tpu.memref_squeeze %dma_wait3A_513 : memref<1x64x64xf32, #tpu.memory_space<hbm>> -> memref<64x64xf32, #tpu.memory_space<hbm>>
      %dma_wait3A_515 = arith.constant 0 : i32
      %dma_wait3A_516 = tpu.memref_slice %arg7[%arg0, %add3A_464, %dma_wait3A_515] : memref<2x10240x64xf32, #tpu.memory_space<hbm>> -> memref<1x64x64xf32, #tpu.memory_space<hbm>>
      %dma_wait3A_517 = tpu.memref_squeeze %dma_wait3A_516 : memref<1x64x64xf32, #tpu.memory_space<hbm>> -> memref<64x64xf32, #tpu.memory_space<hbm>>
      tpu.wait_dma2 semaphore(%run_scoped3A : memref<!tpu.dma_semaphore, #tpu.memory_space<semaphore_mem>>) src(%arg27 : memref<64x64xf32, #tpu.memory_space<vmem>>) dst(%dma_wait3A_517 : memref<64x64xf32, #tpu.memory_space<hbm>>)
      tpu.yield
    }) : () -> ()
    %add3A_465 = arith.constant 256 : i32
    %add3A_466 = arith.addi %mul3A_2, %add3A_465 : i32
    "tpu.region"() ({
      %run_scoped3A = tpu.sem_alloc : memref<!tpu.dma_semaphore, #tpu.memory_space<semaphore_mem>>
      %dma_start3A_506 = arith.constant 0 : i32
      %dma_start3A_507 = tpu.memref_slice %arg28[%add3A_466, %dma_start3A_506] : memref<10240x64xf32, #tpu.memory_space<vmem_shared>> -> memref<64x64xf32, #tpu.memory_space<vmem_shared>>
      %dma_start3A_508 = arith.constant 0 : i32
      %dma_start3A_509 = tpu.memref_slice %arg28[%add3A_466, %dma_start3A_508] : memref<10240x64xf32, #tpu.memory_space<vmem_shared>> -> memref<64x64xf32, #tpu.memory_space<vmem_shared>>
      tpu.enqueue_dma source(%dma_start3A_509 : memref<64x64xf32, #tpu.memory_space<vmem_shared>>) target(%arg27 : memref<64x64xf32, #tpu.memory_space<vmem>>) target_semaphore(%run_scoped3A : memref<!tpu.dma_semaphore, #tpu.memory_space<semaphore_mem>>)
      %dma_wait3A_510 = arith.constant 0 : i32
      %dma_wait3A_511 = tpu.memref_slice %arg28[%add3A_466, %dma_wait3A_510] : memref<10240x64xf32, #tpu.memory_space<vmem_shared>> -> memref<64x64xf32, #tpu.memory_space<vmem_shared>>
      %dma_wait3A_512 = arith.constant 0 : i32
      %dma_wait3A_513 = tpu.memref_slice %arg28[%add3A_466, %dma_wait3A_512] : memref<10240x64xf32, #tpu.memory_space<vmem_shared>> -> memref<64x64xf32, #tpu.memory_space<vmem_shared>>
      tpu.wait_dma2 semaphore(%run_scoped3A : memref<!tpu.dma_semaphore, #tpu.memory_space<semaphore_mem>>) src(%dma_wait3A_513 : memref<64x64xf32, #tpu.memory_space<vmem_shared>>) dst(%arg27 : memref<64x64xf32, #tpu.memory_space<vmem>>)
      tpu.yield
    }) : () -> ()
    %add3A_467 = arith.constant 256 : i32
    %add3A_468 = arith.addi %mul3A_2, %add3A_467 : i32
    "tpu.region"() ({
      %run_scoped3A = tpu.sem_alloc : memref<!tpu.dma_semaphore, #tpu.memory_space<semaphore_mem>>
      %dma_start3A_506 = arith.constant 0 : i32
      %dma_start3A_507 = tpu.memref_slice %arg7[%arg0, %add3A_468, %dma_start3A_506] : memref<2x10240x64xf32, #tpu.memory_space<hbm>> -> memref<1x64x64xf32, #tpu.memory_space<hbm>>
      %dma_start3A_508 = tpu.memref_squeeze %dma_start3A_507 : memref<1x64x64xf32, #tpu.memory_space<hbm>> -> memref<64x64xf32, #tpu.memory_space<hbm>>
      %dma_start3A_509 = arith.constant 0 : i32
      %dma_start3A_510 = tpu.memref_slice %arg7[%arg0, %add3A_468, %dma_start3A_509] : memref<2x10240x64xf32, #tpu.memory_space<hbm>> -> memref<1x64x64xf32, #tpu.memory_space<hbm>>
      %dma_start3A_511 = tpu.memref_squeeze %dma_start3A_510 : memref<1x64x64xf32, #tpu.memory_space<hbm>> -> memref<64x64xf32, #tpu.memory_space<hbm>>
      tpu.enqueue_dma source(%arg27 : memref<64x64xf32, #tpu.memory_space<vmem>>) target(%dma_start3A_511 : memref<64x64xf32, #tpu.memory_space<hbm>>) target_semaphore(%run_scoped3A : memref<!tpu.dma_semaphore, #tpu.memory_space<semaphore_mem>>)
      %dma_wait3A_512 = arith.constant 0 : i32
      %dma_wait3A_513 = tpu.memref_slice %arg7[%arg0, %add3A_468, %dma_wait3A_512] : memref<2x10240x64xf32, #tpu.memory_space<hbm>> -> memref<1x64x64xf32, #tpu.memory_space<hbm>>
      %dma_wait3A_514 = tpu.memref_squeeze %dma_wait3A_513 : memref<1x64x64xf32, #tpu.memory_space<hbm>> -> memref<64x64xf32, #tpu.memory_space<hbm>>
      %dma_wait3A_515 = arith.constant 0 : i32
      %dma_wait3A_516 = tpu.memref_slice %arg7[%arg0, %add3A_468, %dma_wait3A_515] : memref<2x10240x64xf32, #tpu.memory_space<hbm>> -> memref<1x64x64xf32, #tpu.memory_space<hbm>>
      %dma_wait3A_517 = tpu.memref_squeeze %dma_wait3A_516 : memref<1x64x64xf32, #tpu.memory_space<hbm>> -> memref<64x64xf32, #tpu.memory_space<hbm>>
      tpu.wait_dma2 semaphore(%run_scoped3A : memref<!tpu.dma_semaphore, #tpu.memory_space<semaphore_mem>>) src(%arg27 : memref<64x64xf32, #tpu.memory_space<vmem>>) dst(%dma_wait3A_517 : memref<64x64xf32, #tpu.memory_space<hbm>>)
      tpu.yield
    }) : () -> ()
    %add3A_469 = arith.constant 320 : i32
    %add3A_470 = arith.addi %mul3A_2, %add3A_469 : i32
    "tpu.region"() ({
      %run_scoped3A = tpu.sem_alloc : memref<!tpu.dma_semaphore, #tpu.memory_space<semaphore_mem>>
      %dma_start3A_506 = arith.constant 0 : i32
      %dma_start3A_507 = tpu.memref_slice %arg28[%add3A_470, %dma_start3A_506] : memref<10240x64xf32, #tpu.memory_space<vmem_shared>> -> memref<64x64xf32, #tpu.memory_space<vmem_shared>>
      %dma_start3A_508 = arith.constant 0 : i32
      %dma_start3A_509 = tpu.memref_slice %arg28[%add3A_470, %dma_start3A_508] : memref<10240x64xf32, #tpu.memory_space<vmem_shared>> -> memref<64x64xf32, #tpu.memory_space<vmem_shared>>
      tpu.enqueue_dma source(%dma_start3A_509 : memref<64x64xf32, #tpu.memory_space<vmem_shared>>) target(%arg27 : memref<64x64xf32, #tpu.memory_space<vmem>>) target_semaphore(%run_scoped3A : memref<!tpu.dma_semaphore, #tpu.memory_space<semaphore_mem>>)
      %dma_wait3A_510 = arith.constant 0 : i32
      %dma_wait3A_511 = tpu.memref_slice %arg28[%add3A_470, %dma_wait3A_510] : memref<10240x64xf32, #tpu.memory_space<vmem_shared>> -> memref<64x64xf32, #tpu.memory_space<vmem_shared>>
      %dma_wait3A_512 = arith.constant 0 : i32
      %dma_wait3A_513 = tpu.memref_slice %arg28[%add3A_470, %dma_wait3A_512] : memref<10240x64xf32, #tpu.memory_space<vmem_shared>> -> memref<64x64xf32, #tpu.memory_space<vmem_shared>>
      tpu.wait_dma2 semaphore(%run_scoped3A : memref<!tpu.dma_semaphore, #tpu.memory_space<semaphore_mem>>) src(%dma_wait3A_513 : memref<64x64xf32, #tpu.memory_space<vmem_shared>>) dst(%arg27 : memref<64x64xf32, #tpu.memory_space<vmem>>)
      tpu.yield
    }) : () -> ()
    %add3A_471 = arith.constant 320 : i32
    %add3A_472 = arith.addi %mul3A_2, %add3A_471 : i32
    "tpu.region"() ({
      %run_scoped3A = tpu.sem_alloc : memref<!tpu.dma_semaphore, #tpu.memory_space<semaphore_mem>>
      %dma_start3A_506 = arith.constant 0 : i32
      %dma_start3A_507 = tpu.memref_slice %arg7[%arg0, %add3A_472, %dma_start3A_506] : memref<2x10240x64xf32, #tpu.memory_space<hbm>> -> memref<1x64x64xf32, #tpu.memory_space<hbm>>
      %dma_start3A_508 = tpu.memref_squeeze %dma_start3A_507 : memref<1x64x64xf32, #tpu.memory_space<hbm>> -> memref<64x64xf32, #tpu.memory_space<hbm>>
      %dma_start3A_509 = arith.constant 0 : i32
      %dma_start3A_510 = tpu.memref_slice %arg7[%arg0, %add3A_472, %dma_start3A_509] : memref<2x10240x64xf32, #tpu.memory_space<hbm>> -> memref<1x64x64xf32, #tpu.memory_space<hbm>>
      %dma_start3A_511 = tpu.memref_squeeze %dma_start3A_510 : memref<1x64x64xf32, #tpu.memory_space<hbm>> -> memref<64x64xf32, #tpu.memory_space<hbm>>
      tpu.enqueue_dma source(%arg27 : memref<64x64xf32, #tpu.memory_space<vmem>>) target(%dma_start3A_511 : memref<64x64xf32, #tpu.memory_space<hbm>>) target_semaphore(%run_scoped3A : memref<!tpu.dma_semaphore, #tpu.memory_space<semaphore_mem>>)
      %dma_wait3A_512 = arith.constant 0 : i32
      %dma_wait3A_513 = tpu.memref_slice %arg7[%arg0, %add3A_472, %dma_wait3A_512] : memref<2x10240x64xf32, #tpu.memory_space<hbm>> -> memref<1x64x64xf32, #tpu.memory_space<hbm>>
      %dma_wait3A_514 = tpu.memref_squeeze %dma_wait3A_513 : memref<1x64x64xf32, #tpu.memory_space<hbm>> -> memref<64x64xf32, #tpu.memory_space<hbm>>
      %dma_wait3A_515 = arith.constant 0 : i32
      %dma_wait3A_516 = tpu.memref_slice %arg7[%arg0, %add3A_472, %dma_wait3A_515] : memref<2x10240x64xf32, #tpu.memory_space<hbm>> -> memref<1x64x64xf32, #tpu.memory_space<hbm>>
      %dma_wait3A_517 = tpu.memref_squeeze %dma_wait3A_516 : memref<1x64x64xf32, #tpu.memory_space<hbm>> -> memref<64x64xf32, #tpu.memory_space<hbm>>
      tpu.wait_dma2 semaphore(%run_scoped3A : memref<!tpu.dma_semaphore, #tpu.memory_space<semaphore_mem>>) src(%arg27 : memref<64x64xf32, #tpu.memory_space<vmem>>) dst(%dma_wait3A_517 : memref<64x64xf32, #tpu.memory_space<hbm>>)
      tpu.yield
    }) : () -> ()
    %add3A_473 = arith.constant 384 : i32
    %add3A_474 = arith.addi %mul3A_2, %add3A_473 : i32
    "tpu.region"() ({
      %run_scoped3A = tpu.sem_alloc : memref<!tpu.dma_semaphore, #tpu.memory_space<semaphore_mem>>
      %dma_start3A_506 = arith.constant 0 : i32
      %dma_start3A_507 = tpu.memref_slice %arg28[%add3A_474, %dma_start3A_506] : memref<10240x64xf32, #tpu.memory_space<vmem_shared>> -> memref<64x64xf32, #tpu.memory_space<vmem_shared>>
      %dma_start3A_508 = arith.constant 0 : i32
      %dma_start3A_509 = tpu.memref_slice %arg28[%add3A_474, %dma_start3A_508] : memref<10240x64xf32, #tpu.memory_space<vmem_shared>> -> memref<64x64xf32, #tpu.memory_space<vmem_shared>>
      tpu.enqueue_dma source(%dma_start3A_509 : memref<64x64xf32, #tpu.memory_space<vmem_shared>>) target(%arg27 : memref<64x64xf32, #tpu.memory_space<vmem>>) target_semaphore(%run_scoped3A : memref<!tpu.dma_semaphore, #tpu.memory_space<semaphore_mem>>)
      %dma_wait3A_510 = arith.constant 0 : i32
      %dma_wait3A_511 = tpu.memref_slice %arg28[%add3A_474, %dma_wait3A_510] : memref<10240x64xf32, #tpu.memory_space<vmem_shared>> -> memref<64x64xf32, #tpu.memory_space<vmem_shared>>
      %dma_wait3A_512 = arith.constant 0 : i32
      %dma_wait3A_513 = tpu.memref_slice %arg28[%add3A_474, %dma_wait3A_512] : memref<10240x64xf32, #tpu.memory_space<vmem_shared>> -> memref<64x64xf32, #tpu.memory_space<vmem_shared>>
      tpu.wait_dma2 semaphore(%run_scoped3A : memref<!tpu.dma_semaphore, #tpu.memory_space<semaphore_mem>>) src(%dma_wait3A_513 : memref<64x64xf32, #tpu.memory_space<vmem_shared>>) dst(%arg27 : memref<64x64xf32, #tpu.memory_space<vmem>>)
      tpu.yield
    }) : () -> ()
    %add3A_475 = arith.constant 384 : i32
    %add3A_476 = arith.addi %mul3A_2, %add3A_475 : i32
    "tpu.region"() ({
      %run_scoped3A = tpu.sem_alloc : memref<!tpu.dma_semaphore, #tpu.memory_space<semaphore_mem>>
      %dma_start3A_506 = arith.constant 0 : i32
      %dma_start3A_507 = tpu.memref_slice %arg7[%arg0, %add3A_476, %dma_start3A_506] : memref<2x10240x64xf32, #tpu.memory_space<hbm>> -> memref<1x64x64xf32, #tpu.memory_space<hbm>>
      %dma_start3A_508 = tpu.memref_squeeze %dma_start3A_507 : memref<1x64x64xf32, #tpu.memory_space<hbm>> -> memref<64x64xf32, #tpu.memory_space<hbm>>
      %dma_start3A_509 = arith.constant 0 : i32
      %dma_start3A_510 = tpu.memref_slice %arg7[%arg0, %add3A_476, %dma_start3A_509] : memref<2x10240x64xf32, #tpu.memory_space<hbm>> -> memref<1x64x64xf32, #tpu.memory_space<hbm>>
      %dma_start3A_511 = tpu.memref_squeeze %dma_start3A_510 : memref<1x64x64xf32, #tpu.memory_space<hbm>> -> memref<64x64xf32, #tpu.memory_space<hbm>>
      tpu.enqueue_dma source(%arg27 : memref<64x64xf32, #tpu.memory_space<vmem>>) target(%dma_start3A_511 : memref<64x64xf32, #tpu.memory_space<hbm>>) target_semaphore(%run_scoped3A : memref<!tpu.dma_semaphore, #tpu.memory_space<semaphore_mem>>)
      %dma_wait3A_512 = arith.constant 0 : i32
      %dma_wait3A_513 = tpu.memref_slice %arg7[%arg0, %add3A_476, %dma_wait3A_512] : memref<2x10240x64xf32, #tpu.memory_space<hbm>> -> memref<1x64x64xf32, #tpu.memory_space<hbm>>
      %dma_wait3A_514 = tpu.memref_squeeze %dma_wait3A_513 : memref<1x64x64xf32, #tpu.memory_space<hbm>> -> memref<64x64xf32, #tpu.memory_space<hbm>>
      %dma_wait3A_515 = arith.constant 0 : i32
      %dma_wait3A_516 = tpu.memref_slice %arg7[%arg0, %add3A_476, %dma_wait3A_515] : memref<2x10240x64xf32, #tpu.memory_space<hbm>> -> memref<1x64x64xf32, #tpu.memory_space<hbm>>
      %dma_wait3A_517 = tpu.memref_squeeze %dma_wait3A_516 : memref<1x64x64xf32, #tpu.memory_space<hbm>> -> memref<64x64xf32, #tpu.memory_space<hbm>>
      tpu.wait_dma2 semaphore(%run_scoped3A : memref<!tpu.dma_semaphore, #tpu.memory_space<semaphore_mem>>) src(%arg27 : memref<64x64xf32, #tpu.memory_space<vmem>>) dst(%dma_wait3A_517 : memref<64x64xf32, #tpu.memory_space<hbm>>)
      tpu.yield
    }) : () -> ()
    %add3A_477 = arith.constant 448 : i32
    %add3A_478 = arith.addi %mul3A_2, %add3A_477 : i32
    "tpu.region"() ({
      %run_scoped3A = tpu.sem_alloc : memref<!tpu.dma_semaphore, #tpu.memory_space<semaphore_mem>>
      %dma_start3A_506 = arith.constant 0 : i32
      %dma_start3A_507 = tpu.memref_slice %arg28[%add3A_478, %dma_start3A_506] : memref<10240x64xf32, #tpu.memory_space<vmem_shared>> -> memref<64x64xf32, #tpu.memory_space<vmem_shared>>
      %dma_start3A_508 = arith.constant 0 : i32
      %dma_start3A_509 = tpu.memref_slice %arg28[%add3A_478, %dma_start3A_508] : memref<10240x64xf32, #tpu.memory_space<vmem_shared>> -> memref<64x64xf32, #tpu.memory_space<vmem_shared>>
      tpu.enqueue_dma source(%dma_start3A_509 : memref<64x64xf32, #tpu.memory_space<vmem_shared>>) target(%arg27 : memref<64x64xf32, #tpu.memory_space<vmem>>) target_semaphore(%run_scoped3A : memref<!tpu.dma_semaphore, #tpu.memory_space<semaphore_mem>>)
      %dma_wait3A_510 = arith.constant 0 : i32
      %dma_wait3A_511 = tpu.memref_slice %arg28[%add3A_478, %dma_wait3A_510] : memref<10240x64xf32, #tpu.memory_space<vmem_shared>> -> memref<64x64xf32, #tpu.memory_space<vmem_shared>>
      %dma_wait3A_512 = arith.constant 0 : i32
      %dma_wait3A_513 = tpu.memref_slice %arg28[%add3A_478, %dma_wait3A_512] : memref<10240x64xf32, #tpu.memory_space<vmem_shared>> -> memref<64x64xf32, #tpu.memory_space<vmem_shared>>
      tpu.wait_dma2 semaphore(%run_scoped3A : memref<!tpu.dma_semaphore, #tpu.memory_space<semaphore_mem>>) src(%dma_wait3A_513 : memref<64x64xf32, #tpu.memory_space<vmem_shared>>) dst(%arg27 : memref<64x64xf32, #tpu.memory_space<vmem>>)
      tpu.yield
    }) : () -> ()
    %add3A_479 = arith.constant 448 : i32
    %add3A_480 = arith.addi %mul3A_2, %add3A_479 : i32
    "tpu.region"() ({
      %run_scoped3A = tpu.sem_alloc : memref<!tpu.dma_semaphore, #tpu.memory_space<semaphore_mem>>
      %dma_start3A_506 = arith.constant 0 : i32
      %dma_start3A_507 = tpu.memref_slice %arg7[%arg0, %add3A_480, %dma_start3A_506] : memref<2x10240x64xf32, #tpu.memory_space<hbm>> -> memref<1x64x64xf32, #tpu.memory_space<hbm>>
      %dma_start3A_508 = tpu.memref_squeeze %dma_start3A_507 : memref<1x64x64xf32, #tpu.memory_space<hbm>> -> memref<64x64xf32, #tpu.memory_space<hbm>>
      %dma_start3A_509 = arith.constant 0 : i32
      %dma_start3A_510 = tpu.memref_slice %arg7[%arg0, %add3A_480, %dma_start3A_509] : memref<2x10240x64xf32, #tpu.memory_space<hbm>> -> memref<1x64x64xf32, #tpu.memory_space<hbm>>
      %dma_start3A_511 = tpu.memref_squeeze %dma_start3A_510 : memref<1x64x64xf32, #tpu.memory_space<hbm>> -> memref<64x64xf32, #tpu.memory_space<hbm>>
      tpu.enqueue_dma source(%arg27 : memref<64x64xf32, #tpu.memory_space<vmem>>) target(%dma_start3A_511 : memref<64x64xf32, #tpu.memory_space<hbm>>) target_semaphore(%run_scoped3A : memref<!tpu.dma_semaphore, #tpu.memory_space<semaphore_mem>>)
      %dma_wait3A_512 = arith.constant 0 : i32
      %dma_wait3A_513 = tpu.memref_slice %arg7[%arg0, %add3A_480, %dma_wait3A_512] : memref<2x10240x64xf32, #tpu.memory_space<hbm>> -> memref<1x64x64xf32, #tpu.memory_space<hbm>>
      %dma_wait3A_514 = tpu.memref_squeeze %dma_wait3A_513 : memref<1x64x64xf32, #tpu.memory_space<hbm>> -> memref<64x64xf32, #tpu.memory_space<hbm>>
      %dma_wait3A_515 = arith.constant 0 : i32
      %dma_wait3A_516 = tpu.memref_slice %arg7[%arg0, %add3A_480, %dma_wait3A_515] : memref<2x10240x64xf32, #tpu.memory_space<hbm>> -> memref<1x64x64xf32, #tpu.memory_space<hbm>>
      %dma_wait3A_517 = tpu.memref_squeeze %dma_wait3A_516 : memref<1x64x64xf32, #tpu.memory_space<hbm>> -> memref<64x64xf32, #tpu.memory_space<hbm>>
      tpu.wait_dma2 semaphore(%run_scoped3A : memref<!tpu.dma_semaphore, #tpu.memory_space<semaphore_mem>>) src(%arg27 : memref<64x64xf32, #tpu.memory_space<vmem>>) dst(%dma_wait3A_517 : memref<64x64xf32, #tpu.memory_space<hbm>>)
      tpu.yield
    }) : () -> ()
    %add3A_481 = arith.constant 512 : i32
    %add3A_482 = arith.addi %mul3A_2, %add3A_481 : i32
    "tpu.region"() ({
      %run_scoped3A = tpu.sem_alloc : memref<!tpu.dma_semaphore, #tpu.memory_space<semaphore_mem>>
      %dma_start3A_506 = arith.constant 0 : i32
      %dma_start3A_507 = tpu.memref_slice %arg28[%add3A_482, %dma_start3A_506] : memref<10240x64xf32, #tpu.memory_space<vmem_shared>> -> memref<64x64xf32, #tpu.memory_space<vmem_shared>>
      %dma_start3A_508 = arith.constant 0 : i32
      %dma_start3A_509 = tpu.memref_slice %arg28[%add3A_482, %dma_start3A_508] : memref<10240x64xf32, #tpu.memory_space<vmem_shared>> -> memref<64x64xf32, #tpu.memory_space<vmem_shared>>
      tpu.enqueue_dma source(%dma_start3A_509 : memref<64x64xf32, #tpu.memory_space<vmem_shared>>) target(%arg27 : memref<64x64xf32, #tpu.memory_space<vmem>>) target_semaphore(%run_scoped3A : memref<!tpu.dma_semaphore, #tpu.memory_space<semaphore_mem>>)
      %dma_wait3A_510 = arith.constant 0 : i32
      %dma_wait3A_511 = tpu.memref_slice %arg28[%add3A_482, %dma_wait3A_510] : memref<10240x64xf32, #tpu.memory_space<vmem_shared>> -> memref<64x64xf32, #tpu.memory_space<vmem_shared>>
      %dma_wait3A_512 = arith.constant 0 : i32
      %dma_wait3A_513 = tpu.memref_slice %arg28[%add3A_482, %dma_wait3A_512] : memref<10240x64xf32, #tpu.memory_space<vmem_shared>> -> memref<64x64xf32, #tpu.memory_space<vmem_shared>>
      tpu.wait_dma2 semaphore(%run_scoped3A : memref<!tpu.dma_semaphore, #tpu.memory_space<semaphore_mem>>) src(%dma_wait3A_513 : memref<64x64xf32, #tpu.memory_space<vmem_shared>>) dst(%arg27 : memref<64x64xf32, #tpu.memory_space<vmem>>)
      tpu.yield
    }) : () -> ()
    %add3A_483 = arith.constant 512 : i32
    %add3A_484 = arith.addi %mul3A_2, %add3A_483 : i32
    "tpu.region"() ({
      %run_scoped3A = tpu.sem_alloc : memref<!tpu.dma_semaphore, #tpu.memory_space<semaphore_mem>>
      %dma_start3A_506 = arith.constant 0 : i32
      %dma_start3A_507 = tpu.memref_slice %arg7[%arg0, %add3A_484, %dma_start3A_506] : memref<2x10240x64xf32, #tpu.memory_space<hbm>> -> memref<1x64x64xf32, #tpu.memory_space<hbm>>
      %dma_start3A_508 = tpu.memref_squeeze %dma_start3A_507 : memref<1x64x64xf32, #tpu.memory_space<hbm>> -> memref<64x64xf32, #tpu.memory_space<hbm>>
      %dma_start3A_509 = arith.constant 0 : i32
      %dma_start3A_510 = tpu.memref_slice %arg7[%arg0, %add3A_484, %dma_start3A_509] : memref<2x10240x64xf32, #tpu.memory_space<hbm>> -> memref<1x64x64xf32, #tpu.memory_space<hbm>>
      %dma_start3A_511 = tpu.memref_squeeze %dma_start3A_510 : memref<1x64x64xf32, #tpu.memory_space<hbm>> -> memref<64x64xf32, #tpu.memory_space<hbm>>
      tpu.enqueue_dma source(%arg27 : memref<64x64xf32, #tpu.memory_space<vmem>>) target(%dma_start3A_511 : memref<64x64xf32, #tpu.memory_space<hbm>>) target_semaphore(%run_scoped3A : memref<!tpu.dma_semaphore, #tpu.memory_space<semaphore_mem>>)
      %dma_wait3A_512 = arith.constant 0 : i32
      %dma_wait3A_513 = tpu.memref_slice %arg7[%arg0, %add3A_484, %dma_wait3A_512] : memref<2x10240x64xf32, #tpu.memory_space<hbm>> -> memref<1x64x64xf32, #tpu.memory_space<hbm>>
      %dma_wait3A_514 = tpu.memref_squeeze %dma_wait3A_513 : memref<1x64x64xf32, #tpu.memory_space<hbm>> -> memref<64x64xf32, #tpu.memory_space<hbm>>
      %dma_wait3A_515 = arith.constant 0 : i32
      %dma_wait3A_516 = tpu.memref_slice %arg7[%arg0, %add3A_484, %dma_wait3A_515] : memref<2x10240x64xf32, #tpu.memory_space<hbm>> -> memref<1x64x64xf32, #tpu.memory_space<hbm>>
      %dma_wait3A_517 = tpu.memref_squeeze %dma_wait3A_516 : memref<1x64x64xf32, #tpu.memory_space<hbm>> -> memref<64x64xf32, #tpu.memory_space<hbm>>
      tpu.wait_dma2 semaphore(%run_scoped3A : memref<!tpu.dma_semaphore, #tpu.memory_space<semaphore_mem>>) src(%arg27 : memref<64x64xf32, #tpu.memory_space<vmem>>) dst(%dma_wait3A_517 : memref<64x64xf32, #tpu.memory_space<hbm>>)
      tpu.yield
    }) : () -> ()
    %add3A_485 = arith.constant 576 : i32
    %add3A_486 = arith.addi %mul3A_2, %add3A_485 : i32
    "tpu.region"() ({
      %run_scoped3A = tpu.sem_alloc : memref<!tpu.dma_semaphore, #tpu.memory_space<semaphore_mem>>
      %dma_start3A_506 = arith.constant 0 : i32
      %dma_start3A_507 = tpu.memref_slice %arg28[%add3A_486, %dma_start3A_506] : memref<10240x64xf32, #tpu.memory_space<vmem_shared>> -> memref<64x64xf32, #tpu.memory_space<vmem_shared>>
      %dma_start3A_508 = arith.constant 0 : i32
      %dma_start3A_509 = tpu.memref_slice %arg28[%add3A_486, %dma_start3A_508] : memref<10240x64xf32, #tpu.memory_space<vmem_shared>> -> memref<64x64xf32, #tpu.memory_space<vmem_shared>>
      tpu.enqueue_dma source(%dma_start3A_509 : memref<64x64xf32, #tpu.memory_space<vmem_shared>>) target(%arg27 : memref<64x64xf32, #tpu.memory_space<vmem>>) target_semaphore(%run_scoped3A : memref<!tpu.dma_semaphore, #tpu.memory_space<semaphore_mem>>)
      %dma_wait3A_510 = arith.constant 0 : i32
      %dma_wait3A_511 = tpu.memref_slice %arg28[%add3A_486, %dma_wait3A_510] : memref<10240x64xf32, #tpu.memory_space<vmem_shared>> -> memref<64x64xf32, #tpu.memory_space<vmem_shared>>
      %dma_wait3A_512 = arith.constant 0 : i32
      %dma_wait3A_513 = tpu.memref_slice %arg28[%add3A_486, %dma_wait3A_512] : memref<10240x64xf32, #tpu.memory_space<vmem_shared>> -> memref<64x64xf32, #tpu.memory_space<vmem_shared>>
      tpu.wait_dma2 semaphore(%run_scoped3A : memref<!tpu.dma_semaphore, #tpu.memory_space<semaphore_mem>>) src(%dma_wait3A_513 : memref<64x64xf32, #tpu.memory_space<vmem_shared>>) dst(%arg27 : memref<64x64xf32, #tpu.memory_space<vmem>>)
      tpu.yield
    }) : () -> ()
    %add3A_487 = arith.constant 576 : i32
    %add3A_488 = arith.addi %mul3A_2, %add3A_487 : i32
    "tpu.region"() ({
      %run_scoped3A = tpu.sem_alloc : memref<!tpu.dma_semaphore, #tpu.memory_space<semaphore_mem>>
      %dma_start3A_506 = arith.constant 0 : i32
      %dma_start3A_507 = tpu.memref_slice %arg7[%arg0, %add3A_488, %dma_start3A_506] : memref<2x10240x64xf32, #tpu.memory_space<hbm>> -> memref<1x64x64xf32, #tpu.memory_space<hbm>>
      %dma_start3A_508 = tpu.memref_squeeze %dma_start3A_507 : memref<1x64x64xf32, #tpu.memory_space<hbm>> -> memref<64x64xf32, #tpu.memory_space<hbm>>
      %dma_start3A_509 = arith.constant 0 : i32
      %dma_start3A_510 = tpu.memref_slice %arg7[%arg0, %add3A_488, %dma_start3A_509] : memref<2x10240x64xf32, #tpu.memory_space<hbm>> -> memref<1x64x64xf32, #tpu.memory_space<hbm>>
      %dma_start3A_511 = tpu.memref_squeeze %dma_start3A_510 : memref<1x64x64xf32, #tpu.memory_space<hbm>> -> memref<64x64xf32, #tpu.memory_space<hbm>>
      tpu.enqueue_dma source(%arg27 : memref<64x64xf32, #tpu.memory_space<vmem>>) target(%dma_start3A_511 : memref<64x64xf32, #tpu.memory_space<hbm>>) target_semaphore(%run_scoped3A : memref<!tpu.dma_semaphore, #tpu.memory_space<semaphore_mem>>)
      %dma_wait3A_512 = arith.constant 0 : i32
      %dma_wait3A_513 = tpu.memref_slice %arg7[%arg0, %add3A_488, %dma_wait3A_512] : memref<2x10240x64xf32, #tpu.memory_space<hbm>> -> memref<1x64x64xf32, #tpu.memory_space<hbm>>
      %dma_wait3A_514 = tpu.memref_squeeze %dma_wait3A_513 : memref<1x64x64xf32, #tpu.memory_space<hbm>> -> memref<64x64xf32, #tpu.memory_space<hbm>>
      %dma_wait3A_515 = arith.constant 0 : i32
      %dma_wait3A_516 = tpu.memref_slice %arg7[%arg0, %add3A_488, %dma_wait3A_515] : memref<2x10240x64xf32, #tpu.memory_space<hbm>> -> memref<1x64x64xf32, #tpu.memory_space<hbm>>
      %dma_wait3A_517 = tpu.memref_squeeze %dma_wait3A_516 : memref<1x64x64xf32, #tpu.memory_space<hbm>> -> memref<64x64xf32, #tpu.memory_space<hbm>>
      tpu.wait_dma2 semaphore(%run_scoped3A : memref<!tpu.dma_semaphore, #tpu.memory_space<semaphore_mem>>) src(%arg27 : memref<64x64xf32, #tpu.memory_space<vmem>>) dst(%dma_wait3A_517 : memref<64x64xf32, #tpu.memory_space<hbm>>)
      tpu.yield
    }) : () -> ()
    %barrier3A_489 = arith.constant 0 : index
    tpu.barrier barrier_id(%barrier3A_489)
    %add3A_490 = arith.constant 0 : i32
    %add3A_491 = arith.addi %mul3A_2, %add3A_490 : i32
    "tpu.region"() ({
      %run_scoped3A = tpu.sem_alloc : memref<!tpu.dma_semaphore, #tpu.memory_space<semaphore_mem>>
      %dma_start3A_506 = arith.constant 0 : i32
      %dma_start3A_507 = tpu.memref_slice %arg31[%add3A_491, %dma_start3A_506] : memref<10240x16xf32, #tpu.memory_space<vmem_shared>> -> memref<160x16xf32, #tpu.memory_space<vmem_shared>>
      %dma_start3A_508 = arith.constant 0 : i32
      %dma_start3A_509 = tpu.memref_slice %arg31[%add3A_491, %dma_start3A_508] : memref<10240x16xf32, #tpu.memory_space<vmem_shared>> -> memref<160x16xf32, #tpu.memory_space<vmem_shared>>
      tpu.enqueue_dma source(%dma_start3A_509 : memref<160x16xf32, #tpu.memory_space<vmem_shared>>) target(%arg30 : memref<160x16xf32, #tpu.memory_space<vmem>>) target_semaphore(%run_scoped3A : memref<!tpu.dma_semaphore, #tpu.memory_space<semaphore_mem>>)
      %dma_wait3A_510 = arith.constant 0 : i32
      %dma_wait3A_511 = tpu.memref_slice %arg31[%add3A_491, %dma_wait3A_510] : memref<10240x16xf32, #tpu.memory_space<vmem_shared>> -> memref<160x16xf32, #tpu.memory_space<vmem_shared>>
      %dma_wait3A_512 = arith.constant 0 : i32
      %dma_wait3A_513 = tpu.memref_slice %arg31[%add3A_491, %dma_wait3A_512] : memref<10240x16xf32, #tpu.memory_space<vmem_shared>> -> memref<160x16xf32, #tpu.memory_space<vmem_shared>>
      tpu.wait_dma2 semaphore(%run_scoped3A : memref<!tpu.dma_semaphore, #tpu.memory_space<semaphore_mem>>) src(%dma_wait3A_513 : memref<160x16xf32, #tpu.memory_space<vmem_shared>>) dst(%arg30 : memref<160x16xf32, #tpu.memory_space<vmem>>)
      tpu.yield
    }) : () -> ()
    %add3A_492 = arith.constant 0 : i32
    %add3A_493 = arith.addi %mul3A_2, %add3A_492 : i32
    "tpu.region"() ({
      %run_scoped3A = tpu.sem_alloc : memref<!tpu.dma_semaphore, #tpu.memory_space<semaphore_mem>>
      %dma_start3A_506 = arith.constant 0 : i32
      %dma_start3A_507 = tpu.memref_slice %arg8[%arg0, %add3A_493, %dma_start3A_506] : memref<2x10240x16xf32, #tpu.memory_space<hbm>> -> memref<1x160x16xf32, #tpu.memory_space<hbm>>
      %dma_start3A_508 = tpu.memref_squeeze %dma_start3A_507 : memref<1x160x16xf32, #tpu.memory_space<hbm>> -> memref<160x16xf32, #tpu.memory_space<hbm>>
      %dma_start3A_509 = arith.constant 0 : i32
      %dma_start3A_510 = tpu.memref_slice %arg8[%arg0, %add3A_493, %dma_start3A_509] : memref<2x10240x16xf32, #tpu.memory_space<hbm>> -> memref<1x160x16xf32, #tpu.memory_space<hbm>>
      %dma_start3A_511 = tpu.memref_squeeze %dma_start3A_510 : memref<1x160x16xf32, #tpu.memory_space<hbm>> -> memref<160x16xf32, #tpu.memory_space<hbm>>
      tpu.enqueue_dma source(%arg30 : memref<160x16xf32, #tpu.memory_space<vmem>>) target(%dma_start3A_511 : memref<160x16xf32, #tpu.memory_space<hbm>>) target_semaphore(%run_scoped3A : memref<!tpu.dma_semaphore, #tpu.memory_space<semaphore_mem>>)
      %dma_wait3A_512 = arith.constant 0 : i32
      %dma_wait3A_513 = tpu.memref_slice %arg8[%arg0, %add3A_493, %dma_wait3A_512] : memref<2x10240x16xf32, #tpu.memory_space<hbm>> -> memref<1x160x16xf32, #tpu.memory_space<hbm>>
      %dma_wait3A_514 = tpu.memref_squeeze %dma_wait3A_513 : memref<1x160x16xf32, #tpu.memory_space<hbm>> -> memref<160x16xf32, #tpu.memory_space<hbm>>
      %dma_wait3A_515 = arith.constant 0 : i32
      %dma_wait3A_516 = tpu.memref_slice %arg8[%arg0, %add3A_493, %dma_wait3A_515] : memref<2x10240x16xf32, #tpu.memory_space<hbm>> -> memref<1x160x16xf32, #tpu.memory_space<hbm>>
      %dma_wait3A_517 = tpu.memref_squeeze %dma_wait3A_516 : memref<1x160x16xf32, #tpu.memory_space<hbm>> -> memref<160x16xf32, #tpu.memory_space<hbm>>
      tpu.wait_dma2 semaphore(%run_scoped3A : memref<!tpu.dma_semaphore, #tpu.memory_space<semaphore_mem>>) src(%arg30 : memref<160x16xf32, #tpu.memory_space<vmem>>) dst(%dma_wait3A_517 : memref<160x16xf32, #tpu.memory_space<hbm>>)
      tpu.yield
    }) : () -> ()
    %add3A_494 = arith.constant 160 : i32
    %add3A_495 = arith.addi %mul3A_2, %add3A_494 : i32
    "tpu.region"() ({
      %run_scoped3A = tpu.sem_alloc : memref<!tpu.dma_semaphore, #tpu.memory_space<semaphore_mem>>
      %dma_start3A_506 = arith.constant 0 : i32
      %dma_start3A_507 = tpu.memref_slice %arg31[%add3A_495, %dma_start3A_506] : memref<10240x16xf32, #tpu.memory_space<vmem_shared>> -> memref<160x16xf32, #tpu.memory_space<vmem_shared>>
      %dma_start3A_508 = arith.constant 0 : i32
      %dma_start3A_509 = tpu.memref_slice %arg31[%add3A_495, %dma_start3A_508] : memref<10240x16xf32, #tpu.memory_space<vmem_shared>> -> memref<160x16xf32, #tpu.memory_space<vmem_shared>>
      tpu.enqueue_dma source(%dma_start3A_509 : memref<160x16xf32, #tpu.memory_space<vmem_shared>>) target(%arg30 : memref<160x16xf32, #tpu.memory_space<vmem>>) target_semaphore(%run_scoped3A : memref<!tpu.dma_semaphore, #tpu.memory_space<semaphore_mem>>)
      %dma_wait3A_510 = arith.constant 0 : i32
      %dma_wait3A_511 = tpu.memref_slice %arg31[%add3A_495, %dma_wait3A_510] : memref<10240x16xf32, #tpu.memory_space<vmem_shared>> -> memref<160x16xf32, #tpu.memory_space<vmem_shared>>
      %dma_wait3A_512 = arith.constant 0 : i32
      %dma_wait3A_513 = tpu.memref_slice %arg31[%add3A_495, %dma_wait3A_512] : memref<10240x16xf32, #tpu.memory_space<vmem_shared>> -> memref<160x16xf32, #tpu.memory_space<vmem_shared>>
      tpu.wait_dma2 semaphore(%run_scoped3A : memref<!tpu.dma_semaphore, #tpu.memory_space<semaphore_mem>>) src(%dma_wait3A_513 : memref<160x16xf32, #tpu.memory_space<vmem_shared>>) dst(%arg30 : memref<160x16xf32, #tpu.memory_space<vmem>>)
      tpu.yield
    }) : () -> ()
    %add3A_496 = arith.constant 160 : i32
    %add3A_497 = arith.addi %mul3A_2, %add3A_496 : i32
    "tpu.region"() ({
      %run_scoped3A = tpu.sem_alloc : memref<!tpu.dma_semaphore, #tpu.memory_space<semaphore_mem>>
      %dma_start3A_506 = arith.constant 0 : i32
      %dma_start3A_507 = tpu.memref_slice %arg8[%arg0, %add3A_497, %dma_start3A_506] : memref<2x10240x16xf32, #tpu.memory_space<hbm>> -> memref<1x160x16xf32, #tpu.memory_space<hbm>>
      %dma_start3A_508 = tpu.memref_squeeze %dma_start3A_507 : memref<1x160x16xf32, #tpu.memory_space<hbm>> -> memref<160x16xf32, #tpu.memory_space<hbm>>
      %dma_start3A_509 = arith.constant 0 : i32
      %dma_start3A_510 = tpu.memref_slice %arg8[%arg0, %add3A_497, %dma_start3A_509] : memref<2x10240x16xf32, #tpu.memory_space<hbm>> -> memref<1x160x16xf32, #tpu.memory_space<hbm>>
      %dma_start3A_511 = tpu.memref_squeeze %dma_start3A_510 : memref<1x160x16xf32, #tpu.memory_space<hbm>> -> memref<160x16xf32, #tpu.memory_space<hbm>>
      tpu.enqueue_dma source(%arg30 : memref<160x16xf32, #tpu.memory_space<vmem>>) target(%dma_start3A_511 : memref<160x16xf32, #tpu.memory_space<hbm>>) target_semaphore(%run_scoped3A : memref<!tpu.dma_semaphore, #tpu.memory_space<semaphore_mem>>)
      %dma_wait3A_512 = arith.constant 0 : i32
      %dma_wait3A_513 = tpu.memref_slice %arg8[%arg0, %add3A_497, %dma_wait3A_512] : memref<2x10240x16xf32, #tpu.memory_space<hbm>> -> memref<1x160x16xf32, #tpu.memory_space<hbm>>
      %dma_wait3A_514 = tpu.memref_squeeze %dma_wait3A_513 : memref<1x160x16xf32, #tpu.memory_space<hbm>> -> memref<160x16xf32, #tpu.memory_space<hbm>>
      %dma_wait3A_515 = arith.constant 0 : i32
      %dma_wait3A_516 = tpu.memref_slice %arg8[%arg0, %add3A_497, %dma_wait3A_515] : memref<2x10240x16xf32, #tpu.memory_space<hbm>> -> memref<1x160x16xf32, #tpu.memory_space<hbm>>
      %dma_wait3A_517 = tpu.memref_squeeze %dma_wait3A_516 : memref<1x160x16xf32, #tpu.memory_space<hbm>> -> memref<160x16xf32, #tpu.memory_space<hbm>>
      tpu.wait_dma2 semaphore(%run_scoped3A : memref<!tpu.dma_semaphore, #tpu.memory_space<semaphore_mem>>) src(%arg30 : memref<160x16xf32, #tpu.memory_space<vmem>>) dst(%dma_wait3A_517 : memref<160x16xf32, #tpu.memory_space<hbm>>)
      tpu.yield
    }) : () -> ()
    %add3A_498 = arith.constant 320 : i32
    %add3A_499 = arith.addi %mul3A_2, %add3A_498 : i32
    "tpu.region"() ({
      %run_scoped3A = tpu.sem_alloc : memref<!tpu.dma_semaphore, #tpu.memory_space<semaphore_mem>>
      %dma_start3A_506 = arith.constant 0 : i32
      %dma_start3A_507 = tpu.memref_slice %arg31[%add3A_499, %dma_start3A_506] : memref<10240x16xf32, #tpu.memory_space<vmem_shared>> -> memref<160x16xf32, #tpu.memory_space<vmem_shared>>
      %dma_start3A_508 = arith.constant 0 : i32
      %dma_start3A_509 = tpu.memref_slice %arg31[%add3A_499, %dma_start3A_508] : memref<10240x16xf32, #tpu.memory_space<vmem_shared>> -> memref<160x16xf32, #tpu.memory_space<vmem_shared>>
      tpu.enqueue_dma source(%dma_start3A_509 : memref<160x16xf32, #tpu.memory_space<vmem_shared>>) target(%arg30 : memref<160x16xf32, #tpu.memory_space<vmem>>) target_semaphore(%run_scoped3A : memref<!tpu.dma_semaphore, #tpu.memory_space<semaphore_mem>>)
      %dma_wait3A_510 = arith.constant 0 : i32
      %dma_wait3A_511 = tpu.memref_slice %arg31[%add3A_499, %dma_wait3A_510] : memref<10240x16xf32, #tpu.memory_space<vmem_shared>> -> memref<160x16xf32, #tpu.memory_space<vmem_shared>>
      %dma_wait3A_512 = arith.constant 0 : i32
      %dma_wait3A_513 = tpu.memref_slice %arg31[%add3A_499, %dma_wait3A_512] : memref<10240x16xf32, #tpu.memory_space<vmem_shared>> -> memref<160x16xf32, #tpu.memory_space<vmem_shared>>
      tpu.wait_dma2 semaphore(%run_scoped3A : memref<!tpu.dma_semaphore, #tpu.memory_space<semaphore_mem>>) src(%dma_wait3A_513 : memref<160x16xf32, #tpu.memory_space<vmem_shared>>) dst(%arg30 : memref<160x16xf32, #tpu.memory_space<vmem>>)
      tpu.yield
    }) : () -> ()
    %add3A_500 = arith.constant 320 : i32
    %add3A_501 = arith.addi %mul3A_2, %add3A_500 : i32
    "tpu.region"() ({
      %run_scoped3A = tpu.sem_alloc : memref<!tpu.dma_semaphore, #tpu.memory_space<semaphore_mem>>
      %dma_start3A_506 = arith.constant 0 : i32
      %dma_start3A_507 = tpu.memref_slice %arg8[%arg0, %add3A_501, %dma_start3A_506] : memref<2x10240x16xf32, #tpu.memory_space<hbm>> -> memref<1x160x16xf32, #tpu.memory_space<hbm>>
      %dma_start3A_508 = tpu.memref_squeeze %dma_start3A_507 : memref<1x160x16xf32, #tpu.memory_space<hbm>> -> memref<160x16xf32, #tpu.memory_space<hbm>>
      %dma_start3A_509 = arith.constant 0 : i32
      %dma_start3A_510 = tpu.memref_slice %arg8[%arg0, %add3A_501, %dma_start3A_509] : memref<2x10240x16xf32, #tpu.memory_space<hbm>> -> memref<1x160x16xf32, #tpu.memory_space<hbm>>
      %dma_start3A_511 = tpu.memref_squeeze %dma_start3A_510 : memref<1x160x16xf32, #tpu.memory_space<hbm>> -> memref<160x16xf32, #tpu.memory_space<hbm>>
      tpu.enqueue_dma source(%arg30 : memref<160x16xf32, #tpu.memory_space<vmem>>) target(%dma_start3A_511 : memref<160x16xf32, #tpu.memory_space<hbm>>) target_semaphore(%run_scoped3A : memref<!tpu.dma_semaphore, #tpu.memory_space<semaphore_mem>>)
      %dma_wait3A_512 = arith.constant 0 : i32
      %dma_wait3A_513 = tpu.memref_slice %arg8[%arg0, %add3A_501, %dma_wait3A_512] : memref<2x10240x16xf32, #tpu.memory_space<hbm>> -> memref<1x160x16xf32, #tpu.memory_space<hbm>>
      %dma_wait3A_514 = tpu.memref_squeeze %dma_wait3A_513 : memref<1x160x16xf32, #tpu.memory_space<hbm>> -> memref<160x16xf32, #tpu.memory_space<hbm>>
      %dma_wait3A_515 = arith.constant 0 : i32
      %dma_wait3A_516 = tpu.memref_slice %arg8[%arg0, %add3A_501, %dma_wait3A_515] : memref<2x10240x16xf32, #tpu.memory_space<hbm>> -> memref<1x160x16xf32, #tpu.memory_space<hbm>>
      %dma_wait3A_517 = tpu.memref_squeeze %dma_wait3A_516 : memref<1x160x16xf32, #tpu.memory_space<hbm>> -> memref<160x16xf32, #tpu.memory_space<hbm>>
      tpu.wait_dma2 semaphore(%run_scoped3A : memref<!tpu.dma_semaphore, #tpu.memory_space<semaphore_mem>>) src(%arg30 : memref<160x16xf32, #tpu.memory_space<vmem>>) dst(%dma_wait3A_517 : memref<160x16xf32, #tpu.memory_space<hbm>>)
      tpu.yield
    }) : () -> ()
    %add3A_502 = arith.constant 480 : i32
    %add3A_503 = arith.addi %mul3A_2, %add3A_502 : i32
    "tpu.region"() ({
      %run_scoped3A = tpu.sem_alloc : memref<!tpu.dma_semaphore, #tpu.memory_space<semaphore_mem>>
      %dma_start3A_506 = arith.constant 0 : i32
      %dma_start3A_507 = tpu.memref_slice %arg31[%add3A_503, %dma_start3A_506] : memref<10240x16xf32, #tpu.memory_space<vmem_shared>> -> memref<160x16xf32, #tpu.memory_space<vmem_shared>>
      %dma_start3A_508 = arith.constant 0 : i32
      %dma_start3A_509 = tpu.memref_slice %arg31[%add3A_503, %dma_start3A_508] : memref<10240x16xf32, #tpu.memory_space<vmem_shared>> -> memref<160x16xf32, #tpu.memory_space<vmem_shared>>
      tpu.enqueue_dma source(%dma_start3A_509 : memref<160x16xf32, #tpu.memory_space<vmem_shared>>) target(%arg30 : memref<160x16xf32, #tpu.memory_space<vmem>>) target_semaphore(%run_scoped3A : memref<!tpu.dma_semaphore, #tpu.memory_space<semaphore_mem>>)
      %dma_wait3A_510 = arith.constant 0 : i32
      %dma_wait3A_511 = tpu.memref_slice %arg31[%add3A_503, %dma_wait3A_510] : memref<10240x16xf32, #tpu.memory_space<vmem_shared>> -> memref<160x16xf32, #tpu.memory_space<vmem_shared>>
      %dma_wait3A_512 = arith.constant 0 : i32
      %dma_wait3A_513 = tpu.memref_slice %arg31[%add3A_503, %dma_wait3A_512] : memref<10240x16xf32, #tpu.memory_space<vmem_shared>> -> memref<160x16xf32, #tpu.memory_space<vmem_shared>>
      tpu.wait_dma2 semaphore(%run_scoped3A : memref<!tpu.dma_semaphore, #tpu.memory_space<semaphore_mem>>) src(%dma_wait3A_513 : memref<160x16xf32, #tpu.memory_space<vmem_shared>>) dst(%arg30 : memref<160x16xf32, #tpu.memory_space<vmem>>)
      tpu.yield
    }) : () -> ()
    %add3A_504 = arith.constant 480 : i32
    %add3A_505 = arith.addi %mul3A_2, %add3A_504 : i32
    "tpu.region"() ({
      %run_scoped3A = tpu.sem_alloc : memref<!tpu.dma_semaphore, #tpu.memory_space<semaphore_mem>>
      %dma_start3A_506 = arith.constant 0 : i32
      %dma_start3A_507 = tpu.memref_slice %arg8[%arg0, %add3A_505, %dma_start3A_506] : memref<2x10240x16xf32, #tpu.memory_space<hbm>> -> memref<1x160x16xf32, #tpu.memory_space<hbm>>
      %dma_start3A_508 = tpu.memref_squeeze %dma_start3A_507 : memref<1x160x16xf32, #tpu.memory_space<hbm>> -> memref<160x16xf32, #tpu.memory_space<hbm>>
      %dma_start3A_509 = arith.constant 0 : i32
      %dma_start3A_510 = tpu.memref_slice %arg8[%arg0, %add3A_505, %dma_start3A_509] : memref<2x10240x16xf32, #tpu.memory_space<hbm>> -> memref<1x160x16xf32, #tpu.memory_space<hbm>>
      %dma_start3A_511 = tpu.memref_squeeze %dma_start3A_510 : memref<1x160x16xf32, #tpu.memory_space<hbm>> -> memref<160x16xf32, #tpu.memory_space<hbm>>
      tpu.enqueue_dma source(%arg30 : memref<160x16xf32, #tpu.memory_space<vmem>>) target(%dma_start3A_511 : memref<160x16xf32, #tpu.memory_space<hbm>>) target_semaphore(%run_scoped3A : memref<!tpu.dma_semaphore, #tpu.memory_space<semaphore_mem>>)
      %dma_wait3A_512 = arith.constant 0 : i32
      %dma_wait3A_513 = tpu.memref_slice %arg8[%arg0, %add3A_505, %dma_wait3A_512] : memref<2x10240x16xf32, #tpu.memory_space<hbm>> -> memref<1x160x16xf32, #tpu.memory_space<hbm>>
      %dma_wait3A_514 = tpu.memref_squeeze %dma_wait3A_513 : memref<1x160x16xf32, #tpu.memory_space<hbm>> -> memref<160x16xf32, #tpu.memory_space<hbm>>
      %dma_wait3A_515 = arith.constant 0 : i32
      %dma_wait3A_516 = tpu.memref_slice %arg8[%arg0, %add3A_505, %dma_wait3A_515] : memref<2x10240x16xf32, #tpu.memory_space<hbm>> -> memref<1x160x16xf32, #tpu.memory_space<hbm>>
      %dma_wait3A_517 = tpu.memref_squeeze %dma_wait3A_516 : memref<1x160x16xf32, #tpu.memory_space<hbm>> -> memref<160x16xf32, #tpu.memory_space<hbm>>
      tpu.wait_dma2 semaphore(%run_scoped3A : memref<!tpu.dma_semaphore, #tpu.memory_space<semaphore_mem>>) src(%arg30 : memref<160x16xf32, #tpu.memory_space<vmem>>) dst(%dma_wait3A_517 : memref<160x16xf32, #tpu.memory_space<hbm>>)
      tpu.yield
    }) : () -> ()
    return
  }
}

#map = affine_map<(d0, d1) -> (0, 0)>
#map1 = affine_map<(d0, d1) -> (0, 0, 0)>
module attributes {stable_mosaic.version = 14 : i64} {
  func.func @body(%arg0: i32, %arg1: i32, %arg2: memref<10000x64xf32, #tpu.memory_space<hbm>>, %arg3: memref<32x80x125xi32, #tpu.memory_space<hbm>>, %arg4: memref<32x80x125xi32, #tpu.memory_space<hbm>>, %arg5: memref<2x10240x64xf32, #tpu.memory_space<hbm>>, %arg6: memref<80x125xi32, #tpu.memory_space<vmem>>, %arg7: memref<80x125xi32, #tpu.memory_space<vmem>>, %arg8: memref<125x64xf32, #tpu.memory_space<vmem>>, %arg9: memref<125x64xf32, #tpu.memory_space<vmem>>, %arg10: memref<125x64xf32, #tpu.memory_space<vmem>>, %arg11: memref<125x64xf32, #tpu.memory_space<vmem>>, %arg12: memref<125x64xf32, #tpu.memory_space<vmem>>, %arg13: memref<!tpu.dma_semaphore, #tpu.memory_space<semaphore_mem>>, %arg14: memref<!tpu.dma_semaphore, #tpu.memory_space<semaphore_mem>>, %arg15: memref<!tpu.dma_semaphore, #tpu.memory_space<semaphore_mem>>, %arg16: memref<!tpu.dma_semaphore, #tpu.memory_space<semaphore_mem>>, %arg17: memref<!tpu.dma_semaphore, #tpu.memory_space<semaphore_mem>>, %arg18: memref<!tpu.dma_semaphore, #tpu.memory_space<semaphore_mem>>, %arg19: memref<!tpu.dma_semaphore, #tpu.memory_space<semaphore_mem>>, %arg20: memref<!tpu.dma_semaphore, #tpu.memory_space<semaphore_mem>>, %arg21: memref<!tpu.dma_semaphore, #tpu.memory_space<semaphore_mem>>, %arg22: memref<!tpu.dma_semaphore, #tpu.memory_space<semaphore_mem>>, %arg23: memref<64x64xf32, #tpu.memory_space<vmem>>, %arg24: memref<64x64xf32, #tpu.memory_space<vmem>>, %arg25: memref<10240x64xf32, #tpu.memory_space<vmem_shared>>) attributes {dimension_semantics = [#tpu.dimension_semantics<core_parallel>, #tpu.dimension_semantics<subcore_parallel>], iteration_bounds = array<i64: 2, 16>, scalar_prefetch = 0 : i64, scratch_operands = 20 : i64, tpu.core_type = #tpu.core_type<sc_vector_subcore>, window_params = [{transform_indices = #map}, {transform_indices = #map1}, {transform_indices = #map1}, {transform_indices = #map1}]} {
    %mul3A = arith.constant 16 : i32
    %mul3A_0 = arith.muli %arg0, %mul3A : i32
    %add3A = arith.addi %mul3A_0, %arg1 : i32
    %mul3A_1 = arith.constant 640 : i32
    %mul3A_2 = arith.muli %arg1, %mul3A_1 : i32
    "tpu.region"() ({
      %run_scoped3A = tpu.sem_alloc : memref<!tpu.dma_semaphore, #tpu.memory_space<semaphore_mem>>
      %dma_start3A_216 = arith.constant 0 : i32
      %dma_start3A_217 = arith.constant 0 : i32
      %dma_start3A_218 = tpu.memref_slice %arg3[%add3A, %dma_start3A_216, %dma_start3A_217] : memref<32x80x125xi32, #tpu.memory_space<hbm>> -> memref<1x80x125xi32, #tpu.memory_space<hbm>>
      %dma_start3A_219 = tpu.memref_squeeze %dma_start3A_218 : memref<1x80x125xi32, #tpu.memory_space<hbm>> -> memref<80x125xi32, #tpu.memory_space<hbm>>
      %dma_start3A_220 = arith.constant 0 : i32
      %dma_start3A_221 = arith.constant 0 : i32
      %dma_start3A_222 = tpu.memref_slice %arg3[%add3A, %dma_start3A_220, %dma_start3A_221] : memref<32x80x125xi32, #tpu.memory_space<hbm>> -> memref<1x80x125xi32, #tpu.memory_space<hbm>>
      %dma_start3A_223 = tpu.memref_squeeze %dma_start3A_222 : memref<1x80x125xi32, #tpu.memory_space<hbm>> -> memref<80x125xi32, #tpu.memory_space<hbm>>
      tpu.enqueue_dma source(%dma_start3A_223 : memref<80x125xi32, #tpu.memory_space<hbm>>) target(%arg6 : memref<80x125xi32, #tpu.memory_space<vmem>>) target_semaphore(%run_scoped3A : memref<!tpu.dma_semaphore, #tpu.memory_space<semaphore_mem>>)
      %dma_wait3A_224 = arith.constant 0 : i32
      %dma_wait3A_225 = arith.constant 0 : i32
      %dma_wait3A_226 = tpu.memref_slice %arg3[%add3A, %dma_wait3A_224, %dma_wait3A_225] : memref<32x80x125xi32, #tpu.memory_space<hbm>> -> memref<1x80x125xi32, #tpu.memory_space<hbm>>
      %dma_wait3A_227 = tpu.memref_squeeze %dma_wait3A_226 : memref<1x80x125xi32, #tpu.memory_space<hbm>> -> memref<80x125xi32, #tpu.memory_space<hbm>>
      %dma_wait3A_228 = arith.constant 0 : i32
      %dma_wait3A_229 = arith.constant 0 : i32
      %dma_wait3A_230 = tpu.memref_slice %arg3[%add3A, %dma_wait3A_228, %dma_wait3A_229] : memref<32x80x125xi32, #tpu.memory_space<hbm>> -> memref<1x80x125xi32, #tpu.memory_space<hbm>>
      %dma_wait3A_231 = tpu.memref_squeeze %dma_wait3A_230 : memref<1x80x125xi32, #tpu.memory_space<hbm>> -> memref<80x125xi32, #tpu.memory_space<hbm>>
      tpu.wait_dma2 semaphore(%run_scoped3A : memref<!tpu.dma_semaphore, #tpu.memory_space<semaphore_mem>>) src(%dma_wait3A_231 : memref<80x125xi32, #tpu.memory_space<hbm>>) dst(%arg6 : memref<80x125xi32, #tpu.memory_space<vmem>>)
      tpu.yield
    }) : () -> ()
    "tpu.region"() ({
      %run_scoped3A = tpu.sem_alloc : memref<!tpu.dma_semaphore, #tpu.memory_space<semaphore_mem>>
      %dma_start3A_216 = arith.constant 0 : i32
      %dma_start3A_217 = arith.constant 0 : i32
      %dma_start3A_218 = tpu.memref_slice %arg4[%add3A, %dma_start3A_216, %dma_start3A_217] : memref<32x80x125xi32, #tpu.memory_space<hbm>> -> memref<1x80x125xi32, #tpu.memory_space<hbm>>
      %dma_start3A_219 = tpu.memref_squeeze %dma_start3A_218 : memref<1x80x125xi32, #tpu.memory_space<hbm>> -> memref<80x125xi32, #tpu.memory_space<hbm>>
      %dma_start3A_220 = arith.constant 0 : i32
      %dma_start3A_221 = arith.constant 0 : i32
      %dma_start3A_222 = tpu.memref_slice %arg4[%add3A, %dma_start3A_220, %dma_start3A_221] : memref<32x80x125xi32, #tpu.memory_space<hbm>> -> memref<1x80x125xi32, #tpu.memory_space<hbm>>
      %dma_start3A_223 = tpu.memref_squeeze %dma_start3A_222 : memref<1x80x125xi32, #tpu.memory_space<hbm>> -> memref<80x125xi32, #tpu.memory_space<hbm>>
      tpu.enqueue_dma source(%dma_start3A_223 : memref<80x125xi32, #tpu.memory_space<hbm>>) target(%arg7 : memref<80x125xi32, #tpu.memory_space<vmem>>) target_semaphore(%run_scoped3A : memref<!tpu.dma_semaphore, #tpu.memory_space<semaphore_mem>>)
      %dma_wait3A_224 = arith.constant 0 : i32
      %dma_wait3A_225 = arith.constant 0 : i32
      %dma_wait3A_226 = tpu.memref_slice %arg4[%add3A, %dma_wait3A_224, %dma_wait3A_225] : memref<32x80x125xi32, #tpu.memory_space<hbm>> -> memref<1x80x125xi32, #tpu.memory_space<hbm>>
      %dma_wait3A_227 = tpu.memref_squeeze %dma_wait3A_226 : memref<1x80x125xi32, #tpu.memory_space<hbm>> -> memref<80x125xi32, #tpu.memory_space<hbm>>
      %dma_wait3A_228 = arith.constant 0 : i32
      %dma_wait3A_229 = arith.constant 0 : i32
      %dma_wait3A_230 = tpu.memref_slice %arg4[%add3A, %dma_wait3A_228, %dma_wait3A_229] : memref<32x80x125xi32, #tpu.memory_space<hbm>> -> memref<1x80x125xi32, #tpu.memory_space<hbm>>
      %dma_wait3A_231 = tpu.memref_squeeze %dma_wait3A_230 : memref<1x80x125xi32, #tpu.memory_space<hbm>> -> memref<80x125xi32, #tpu.memory_space<hbm>>
      tpu.wait_dma2 semaphore(%run_scoped3A : memref<!tpu.dma_semaphore, #tpu.memory_space<semaphore_mem>>) src(%dma_wait3A_231 : memref<80x125xi32, #tpu.memory_space<hbm>>) dst(%arg7 : memref<80x125xi32, #tpu.memory_space<vmem>>)
      tpu.yield
    }) : () -> ()
    %scan3A = arith.constant 0 : i32
    %scan3A_3 = arith.constant 0 : i32
    %scan3A_4 = arith.constant 64 : i32
    %scan3A_5 = arith.addi %scan3A_3, %scan3A_4 : i32
    %scan3A_6 = arith.constant 1 : i32
    %scan3A_7 = scf.for %scan3A_216 = %scan3A_3 to %scan3A_5 step %scan3A_6 iter_args(%scan3A_217 = %scan3A) -> (i32)  : i32 {
      %broadcast_in_dim3A = arith.constant 0.000000e+00 : f32
      %broadcast_in_dim3A_218 = vector.broadcast %broadcast_in_dim3A : f32 to vector<16xf32>
      %swap3A = arith.index_cast %scan3A_216 : i32 to index
      %swap3A_219 = arith.constant 0 : index
      %swap3A_220 = tpu.vector_load %arg23[%swap3A, %swap3A_219] {strides = array<i32>} : memref<64x64xf32, #tpu.memory_space<vmem>>, vector<1x16xf32>,
      %swap3A_221 = vector.shape_cast %swap3A_220 : vector<1x16xf32> to vector<16xf32>
      %swap3A_222 = vector.shape_cast %broadcast_in_dim3A_218 : vector<16xf32> to vector<1x16xf32>
      tpu.vector_store %arg23[%swap3A, %swap3A_219], %swap3A_222 {strides = array<i32>} : memref<64x64xf32, #tpu.memory_space<vmem>>, vector<1x16xf32>,
      %broadcast_in_dim3A_223 = arith.constant 0.000000e+00 : f32
      %broadcast_in_dim3A_224 = vector.broadcast %broadcast_in_dim3A_223 : f32 to vector<16xf32>
      %swap3A_225 = arith.index_cast %scan3A_216 : i32 to index
      %swap3A_226 = arith.constant 16 : index
      %swap3A_227 = tpu.vector_load %arg23[%swap3A_225, %swap3A_226] {strides = array<i32>} : memref<64x64xf32, #tpu.memory_space<vmem>>, vector<1x16xf32>,
      %swap3A_228 = vector.shape_cast %swap3A_227 : vector<1x16xf32> to vector<16xf32>
      %swap3A_229 = vector.shape_cast %broadcast_in_dim3A_224 : vector<16xf32> to vector<1x16xf32>
      tpu.vector_store %arg23[%swap3A_225, %swap3A_226], %swap3A_229 {strides = array<i32>} : memref<64x64xf32, #tpu.memory_space<vmem>>, vector<1x16xf32>,
      %broadcast_in_dim3A_230 = arith.constant 0.000000e+00 : f32
      %broadcast_in_dim3A_231 = vector.broadcast %broadcast_in_dim3A_230 : f32 to vector<16xf32>
      %swap3A_232 = arith.index_cast %scan3A_216 : i32 to index
      %swap3A_233 = arith.constant 32 : index
      %swap3A_234 = tpu.vector_load %arg23[%swap3A_232, %swap3A_233] {strides = array<i32>} : memref<64x64xf32, #tpu.memory_space<vmem>>, vector<1x16xf32>,
      %swap3A_235 = vector.shape_cast %swap3A_234 : vector<1x16xf32> to vector<16xf32>
      %swap3A_236 = vector.shape_cast %broadcast_in_dim3A_231 : vector<16xf32> to vector<1x16xf32>
      tpu.vector_store %arg23[%swap3A_232, %swap3A_233], %swap3A_236 {strides = array<i32>} : memref<64x64xf32, #tpu.memory_space<vmem>>, vector<1x16xf32>,
      %broadcast_in_dim3A_237 = arith.constant 0.000000e+00 : f32
      %broadcast_in_dim3A_238 = vector.broadcast %broadcast_in_dim3A_237 : f32 to vector<16xf32>
      %swap3A_239 = arith.index_cast %scan3A_216 : i32 to index
      %swap3A_240 = arith.constant 48 : index
      %swap3A_241 = tpu.vector_load %arg23[%swap3A_239, %swap3A_240] {strides = array<i32>} : memref<64x64xf32, #tpu.memory_space<vmem>>, vector<1x16xf32>,
      %swap3A_242 = vector.shape_cast %swap3A_241 : vector<1x16xf32> to vector<16xf32>
      %swap3A_243 = vector.shape_cast %broadcast_in_dim3A_238 : vector<16xf32> to vector<1x16xf32>
      tpu.vector_store %arg23[%swap3A_239, %swap3A_240], %swap3A_243 {strides = array<i32>} : memref<64x64xf32, #tpu.memory_space<vmem>>, vector<1x16xf32>,
      %scan3A_244 = arith.constant 0 : i32
      scf.yield %scan3A_244 : i32
    }
    %scan3A_8 = arith.constant 64 : i32
    %add3A_9 = arith.constant 0 : i32
    %add3A_10 = arith.addi %mul3A_2, %add3A_9 : i32
    "tpu.region"() ({
      %run_scoped3A = tpu.sem_alloc : memref<!tpu.dma_semaphore, #tpu.memory_space<semaphore_mem>>
      %dma_start3A_216 = arith.constant 0 : i32
      %dma_start3A_217 = tpu.memref_slice %arg25[%add3A_10, %dma_start3A_216] : memref<10240x64xf32, #tpu.memory_space<vmem_shared>> -> memref<64x64xf32, #tpu.memory_space<vmem_shared>>
      %dma_start3A_218 = arith.constant 0 : i32
      %dma_start3A_219 = tpu.memref_slice %arg25[%add3A_10, %dma_start3A_218] : memref<10240x64xf32, #tpu.memory_space<vmem_shared>> -> memref<64x64xf32, #tpu.memory_space<vmem_shared>>
      tpu.enqueue_dma source(%arg23 : memref<64x64xf32, #tpu.memory_space<vmem>>) target(%dma_start3A_219 : memref<64x64xf32, #tpu.memory_space<vmem_shared>>) target_semaphore(%run_scoped3A : memref<!tpu.dma_semaphore, #tpu.memory_space<semaphore_mem>>)
      %dma_wait3A_220 = arith.constant 0 : i32
      %dma_wait3A_221 = tpu.memref_slice %arg25[%add3A_10, %dma_wait3A_220] : memref<10240x64xf32, #tpu.memory_space<vmem_shared>> -> memref<64x64xf32, #tpu.memory_space<vmem_shared>>
      %dma_wait3A_222 = arith.constant 0 : i32
      %dma_wait3A_223 = tpu.memref_slice %arg25[%add3A_10, %dma_wait3A_222] : memref<10240x64xf32, #tpu.memory_space<vmem_shared>> -> memref<64x64xf32, #tpu.memory_space<vmem_shared>>
      tpu.wait_dma2 semaphore(%run_scoped3A : memref<!tpu.dma_semaphore, #tpu.memory_space<semaphore_mem>>) src(%arg23 : memref<64x64xf32, #tpu.memory_space<vmem>>) dst(%dma_wait3A_223 : memref<64x64xf32, #tpu.memory_space<vmem_shared>>)
      tpu.yield
    }) : () -> ()
    %add3A_11 = arith.constant 64 : i32
    %add3A_12 = arith.addi %mul3A_2, %add3A_11 : i32
    "tpu.region"() ({
      %run_scoped3A = tpu.sem_alloc : memref<!tpu.dma_semaphore, #tpu.memory_space<semaphore_mem>>
      %dma_start3A_216 = arith.constant 0 : i32
      %dma_start3A_217 = tpu.memref_slice %arg25[%add3A_12, %dma_start3A_216] : memref<10240x64xf32, #tpu.memory_space<vmem_shared>> -> memref<64x64xf32, #tpu.memory_space<vmem_shared>>
      %dma_start3A_218 = arith.constant 0 : i32
      %dma_start3A_219 = tpu.memref_slice %arg25[%add3A_12, %dma_start3A_218] : memref<10240x64xf32, #tpu.memory_space<vmem_shared>> -> memref<64x64xf32, #tpu.memory_space<vmem_shared>>
      tpu.enqueue_dma source(%arg23 : memref<64x64xf32, #tpu.memory_space<vmem>>) target(%dma_start3A_219 : memref<64x64xf32, #tpu.memory_space<vmem_shared>>) target_semaphore(%run_scoped3A : memref<!tpu.dma_semaphore, #tpu.memory_space<semaphore_mem>>)
      %dma_wait3A_220 = arith.constant 0 : i32
      %dma_wait3A_221 = tpu.memref_slice %arg25[%add3A_12, %dma_wait3A_220] : memref<10240x64xf32, #tpu.memory_space<vmem_shared>> -> memref<64x64xf32, #tpu.memory_space<vmem_shared>>
      %dma_wait3A_222 = arith.constant 0 : i32
      %dma_wait3A_223 = tpu.memref_slice %arg25[%add3A_12, %dma_wait3A_222] : memref<10240x64xf32, #tpu.memory_space<vmem_shared>> -> memref<64x64xf32, #tpu.memory_space<vmem_shared>>
      tpu.wait_dma2 semaphore(%run_scoped3A : memref<!tpu.dma_semaphore, #tpu.memory_space<semaphore_mem>>) src(%arg23 : memref<64x64xf32, #tpu.memory_space<vmem>>) dst(%dma_wait3A_223 : memref<64x64xf32, #tpu.memory_space<vmem_shared>>)
      tpu.yield
    }) : () -> ()
    %add3A_13 = arith.constant 128 : i32
    %add3A_14 = arith.addi %mul3A_2, %add3A_13 : i32
    "tpu.region"() ({
      %run_scoped3A = tpu.sem_alloc : memref<!tpu.dma_semaphore, #tpu.memory_space<semaphore_mem>>
      %dma_start3A_216 = arith.constant 0 : i32
      %dma_start3A_217 = tpu.memref_slice %arg25[%add3A_14, %dma_start3A_216] : memref<10240x64xf32, #tpu.memory_space<vmem_shared>> -> memref<64x64xf32, #tpu.memory_space<vmem_shared>>
      %dma_start3A_218 = arith.constant 0 : i32
      %dma_start3A_219 = tpu.memref_slice %arg25[%add3A_14, %dma_start3A_218] : memref<10240x64xf32, #tpu.memory_space<vmem_shared>> -> memref<64x64xf32, #tpu.memory_space<vmem_shared>>
      tpu.enqueue_dma source(%arg23 : memref<64x64xf32, #tpu.memory_space<vmem>>) target(%dma_start3A_219 : memref<64x64xf32, #tpu.memory_space<vmem_shared>>) target_semaphore(%run_scoped3A : memref<!tpu.dma_semaphore, #tpu.memory_space<semaphore_mem>>)
      %dma_wait3A_220 = arith.constant 0 : i32
      %dma_wait3A_221 = tpu.memref_slice %arg25[%add3A_14, %dma_wait3A_220] : memref<10240x64xf32, #tpu.memory_space<vmem_shared>> -> memref<64x64xf32, #tpu.memory_space<vmem_shared>>
      %dma_wait3A_222 = arith.constant 0 : i32
      %dma_wait3A_223 = tpu.memref_slice %arg25[%add3A_14, %dma_wait3A_222] : memref<10240x64xf32, #tpu.memory_space<vmem_shared>> -> memref<64x64xf32, #tpu.memory_space<vmem_shared>>
      tpu.wait_dma2 semaphore(%run_scoped3A : memref<!tpu.dma_semaphore, #tpu.memory_space<semaphore_mem>>) src(%arg23 : memref<64x64xf32, #tpu.memory_space<vmem>>) dst(%dma_wait3A_223 : memref<64x64xf32, #tpu.memory_space<vmem_shared>>)
      tpu.yield
    }) : () -> ()
    %add3A_15 = arith.constant 192 : i32
    %add3A_16 = arith.addi %mul3A_2, %add3A_15 : i32
    "tpu.region"() ({
      %run_scoped3A = tpu.sem_alloc : memref<!tpu.dma_semaphore, #tpu.memory_space<semaphore_mem>>
      %dma_start3A_216 = arith.constant 0 : i32
      %dma_start3A_217 = tpu.memref_slice %arg25[%add3A_16, %dma_start3A_216] : memref<10240x64xf32, #tpu.memory_space<vmem_shared>> -> memref<64x64xf32, #tpu.memory_space<vmem_shared>>
      %dma_start3A_218 = arith.constant 0 : i32
      %dma_start3A_219 = tpu.memref_slice %arg25[%add3A_16, %dma_start3A_218] : memref<10240x64xf32, #tpu.memory_space<vmem_shared>> -> memref<64x64xf32, #tpu.memory_space<vmem_shared>>
      tpu.enqueue_dma source(%arg23 : memref<64x64xf32, #tpu.memory_space<vmem>>) target(%dma_start3A_219 : memref<64x64xf32, #tpu.memory_space<vmem_shared>>) target_semaphore(%run_scoped3A : memref<!tpu.dma_semaphore, #tpu.memory_space<semaphore_mem>>)
      %dma_wait3A_220 = arith.constant 0 : i32
      %dma_wait3A_221 = tpu.memref_slice %arg25[%add3A_16, %dma_wait3A_220] : memref<10240x64xf32, #tpu.memory_space<vmem_shared>> -> memref<64x64xf32, #tpu.memory_space<vmem_shared>>
      %dma_wait3A_222 = arith.constant 0 : i32
      %dma_wait3A_223 = tpu.memref_slice %arg25[%add3A_16, %dma_wait3A_222] : memref<10240x64xf32, #tpu.memory_space<vmem_shared>> -> memref<64x64xf32, #tpu.memory_space<vmem_shared>>
      tpu.wait_dma2 semaphore(%run_scoped3A : memref<!tpu.dma_semaphore, #tpu.memory_space<semaphore_mem>>) src(%arg23 : memref<64x64xf32, #tpu.memory_space<vmem>>) dst(%dma_wait3A_223 : memref<64x64xf32, #tpu.memory_space<vmem_shared>>)
      tpu.yield
    }) : () -> ()
    %add3A_17 = arith.constant 256 : i32
    %add3A_18 = arith.addi %mul3A_2, %add3A_17 : i32
    "tpu.region"() ({
      %run_scoped3A = tpu.sem_alloc : memref<!tpu.dma_semaphore, #tpu.memory_space<semaphore_mem>>
      %dma_start3A_216 = arith.constant 0 : i32
      %dma_start3A_217 = tpu.memref_slice %arg25[%add3A_18, %dma_start3A_216] : memref<10240x64xf32, #tpu.memory_space<vmem_shared>> -> memref<64x64xf32, #tpu.memory_space<vmem_shared>>
      %dma_start3A_218 = arith.constant 0 : i32
      %dma_start3A_219 = tpu.memref_slice %arg25[%add3A_18, %dma_start3A_218] : memref<10240x64xf32, #tpu.memory_space<vmem_shared>> -> memref<64x64xf32, #tpu.memory_space<vmem_shared>>
      tpu.enqueue_dma source(%arg23 : memref<64x64xf32, #tpu.memory_space<vmem>>) target(%dma_start3A_219 : memref<64x64xf32, #tpu.memory_space<vmem_shared>>) target_semaphore(%run_scoped3A : memref<!tpu.dma_semaphore, #tpu.memory_space<semaphore_mem>>)
      %dma_wait3A_220 = arith.constant 0 : i32
      %dma_wait3A_221 = tpu.memref_slice %arg25[%add3A_18, %dma_wait3A_220] : memref<10240x64xf32, #tpu.memory_space<vmem_shared>> -> memref<64x64xf32, #tpu.memory_space<vmem_shared>>
      %dma_wait3A_222 = arith.constant 0 : i32
      %dma_wait3A_223 = tpu.memref_slice %arg25[%add3A_18, %dma_wait3A_222] : memref<10240x64xf32, #tpu.memory_space<vmem_shared>> -> memref<64x64xf32, #tpu.memory_space<vmem_shared>>
      tpu.wait_dma2 semaphore(%run_scoped3A : memref<!tpu.dma_semaphore, #tpu.memory_space<semaphore_mem>>) src(%arg23 : memref<64x64xf32, #tpu.memory_space<vmem>>) dst(%dma_wait3A_223 : memref<64x64xf32, #tpu.memory_space<vmem_shared>>)
      tpu.yield
    }) : () -> ()
    %add3A_19 = arith.constant 320 : i32
    %add3A_20 = arith.addi %mul3A_2, %add3A_19 : i32
    "tpu.region"() ({
      %run_scoped3A = tpu.sem_alloc : memref<!tpu.dma_semaphore, #tpu.memory_space<semaphore_mem>>
      %dma_start3A_216 = arith.constant 0 : i32
      %dma_start3A_217 = tpu.memref_slice %arg25[%add3A_20, %dma_start3A_216] : memref<10240x64xf32, #tpu.memory_space<vmem_shared>> -> memref<64x64xf32, #tpu.memory_space<vmem_shared>>
      %dma_start3A_218 = arith.constant 0 : i32
      %dma_start3A_219 = tpu.memref_slice %arg25[%add3A_20, %dma_start3A_218] : memref<10240x64xf32, #tpu.memory_space<vmem_shared>> -> memref<64x64xf32, #tpu.memory_space<vmem_shared>>
      tpu.enqueue_dma source(%arg23 : memref<64x64xf32, #tpu.memory_space<vmem>>) target(%dma_start3A_219 : memref<64x64xf32, #tpu.memory_space<vmem_shared>>) target_semaphore(%run_scoped3A : memref<!tpu.dma_semaphore, #tpu.memory_space<semaphore_mem>>)
      %dma_wait3A_220 = arith.constant 0 : i32
      %dma_wait3A_221 = tpu.memref_slice %arg25[%add3A_20, %dma_wait3A_220] : memref<10240x64xf32, #tpu.memory_space<vmem_shared>> -> memref<64x64xf32, #tpu.memory_space<vmem_shared>>
      %dma_wait3A_222 = arith.constant 0 : i32
      %dma_wait3A_223 = tpu.memref_slice %arg25[%add3A_20, %dma_wait3A_222] : memref<10240x64xf32, #tpu.memory_space<vmem_shared>> -> memref<64x64xf32, #tpu.memory_space<vmem_shared>>
      tpu.wait_dma2 semaphore(%run_scoped3A : memref<!tpu.dma_semaphore, #tpu.memory_space<semaphore_mem>>) src(%arg23 : memref<64x64xf32, #tpu.memory_space<vmem>>) dst(%dma_wait3A_223 : memref<64x64xf32, #tpu.memory_space<vmem_shared>>)
      tpu.yield
    }) : () -> ()
    %add3A_21 = arith.constant 384 : i32
    %add3A_22 = arith.addi %mul3A_2, %add3A_21 : i32
    "tpu.region"() ({
      %run_scoped3A = tpu.sem_alloc : memref<!tpu.dma_semaphore, #tpu.memory_space<semaphore_mem>>
      %dma_start3A_216 = arith.constant 0 : i32
      %dma_start3A_217 = tpu.memref_slice %arg25[%add3A_22, %dma_start3A_216] : memref<10240x64xf32, #tpu.memory_space<vmem_shared>> -> memref<64x64xf32, #tpu.memory_space<vmem_shared>>
      %dma_start3A_218 = arith.constant 0 : i32
      %dma_start3A_219 = tpu.memref_slice %arg25[%add3A_22, %dma_start3A_218] : memref<10240x64xf32, #tpu.memory_space<vmem_shared>> -> memref<64x64xf32, #tpu.memory_space<vmem_shared>>
      tpu.enqueue_dma source(%arg23 : memref<64x64xf32, #tpu.memory_space<vmem>>) target(%dma_start3A_219 : memref<64x64xf32, #tpu.memory_space<vmem_shared>>) target_semaphore(%run_scoped3A : memref<!tpu.dma_semaphore, #tpu.memory_space<semaphore_mem>>)
      %dma_wait3A_220 = arith.constant 0 : i32
      %dma_wait3A_221 = tpu.memref_slice %arg25[%add3A_22, %dma_wait3A_220] : memref<10240x64xf32, #tpu.memory_space<vmem_shared>> -> memref<64x64xf32, #tpu.memory_space<vmem_shared>>
      %dma_wait3A_222 = arith.constant 0 : i32
      %dma_wait3A_223 = tpu.memref_slice %arg25[%add3A_22, %dma_wait3A_222] : memref<10240x64xf32, #tpu.memory_space<vmem_shared>> -> memref<64x64xf32, #tpu.memory_space<vmem_shared>>
      tpu.wait_dma2 semaphore(%run_scoped3A : memref<!tpu.dma_semaphore, #tpu.memory_space<semaphore_mem>>) src(%arg23 : memref<64x64xf32, #tpu.memory_space<vmem>>) dst(%dma_wait3A_223 : memref<64x64xf32, #tpu.memory_space<vmem_shared>>)
      tpu.yield
    }) : () -> ()
    %add3A_23 = arith.constant 448 : i32
    %add3A_24 = arith.addi %mul3A_2, %add3A_23 : i32
    "tpu.region"() ({
      %run_scoped3A = tpu.sem_alloc : memref<!tpu.dma_semaphore, #tpu.memory_space<semaphore_mem>>
      %dma_start3A_216 = arith.constant 0 : i32
      %dma_start3A_217 = tpu.memref_slice %arg25[%add3A_24, %dma_start3A_216] : memref<10240x64xf32, #tpu.memory_space<vmem_shared>> -> memref<64x64xf32, #tpu.memory_space<vmem_shared>>
      %dma_start3A_218 = arith.constant 0 : i32
      %dma_start3A_219 = tpu.memref_slice %arg25[%add3A_24, %dma_start3A_218] : memref<10240x64xf32, #tpu.memory_space<vmem_shared>> -> memref<64x64xf32, #tpu.memory_space<vmem_shared>>
      tpu.enqueue_dma source(%arg23 : memref<64x64xf32, #tpu.memory_space<vmem>>) target(%dma_start3A_219 : memref<64x64xf32, #tpu.memory_space<vmem_shared>>) target_semaphore(%run_scoped3A : memref<!tpu.dma_semaphore, #tpu.memory_space<semaphore_mem>>)
      %dma_wait3A_220 = arith.constant 0 : i32
      %dma_wait3A_221 = tpu.memref_slice %arg25[%add3A_24, %dma_wait3A_220] : memref<10240x64xf32, #tpu.memory_space<vmem_shared>> -> memref<64x64xf32, #tpu.memory_space<vmem_shared>>
      %dma_wait3A_222 = arith.constant 0 : i32
      %dma_wait3A_223 = tpu.memref_slice %arg25[%add3A_24, %dma_wait3A_222] : memref<10240x64xf32, #tpu.memory_space<vmem_shared>> -> memref<64x64xf32, #tpu.memory_space<vmem_shared>>
      tpu.wait_dma2 semaphore(%run_scoped3A : memref<!tpu.dma_semaphore, #tpu.memory_space<semaphore_mem>>) src(%arg23 : memref<64x64xf32, #tpu.memory_space<vmem>>) dst(%dma_wait3A_223 : memref<64x64xf32, #tpu.memory_space<vmem_shared>>)
      tpu.yield
    }) : () -> ()
    %add3A_25 = arith.constant 512 : i32
    %add3A_26 = arith.addi %mul3A_2, %add3A_25 : i32
    "tpu.region"() ({
      %run_scoped3A = tpu.sem_alloc : memref<!tpu.dma_semaphore, #tpu.memory_space<semaphore_mem>>
      %dma_start3A_216 = arith.constant 0 : i32
      %dma_start3A_217 = tpu.memref_slice %arg25[%add3A_26, %dma_start3A_216] : memref<10240x64xf32, #tpu.memory_space<vmem_shared>> -> memref<64x64xf32, #tpu.memory_space<vmem_shared>>
      %dma_start3A_218 = arith.constant 0 : i32
      %dma_start3A_219 = tpu.memref_slice %arg25[%add3A_26, %dma_start3A_218] : memref<10240x64xf32, #tpu.memory_space<vmem_shared>> -> memref<64x64xf32, #tpu.memory_space<vmem_shared>>
      tpu.enqueue_dma source(%arg23 : memref<64x64xf32, #tpu.memory_space<vmem>>) target(%dma_start3A_219 : memref<64x64xf32, #tpu.memory_space<vmem_shared>>) target_semaphore(%run_scoped3A : memref<!tpu.dma_semaphore, #tpu.memory_space<semaphore_mem>>)
      %dma_wait3A_220 = arith.constant 0 : i32
      %dma_wait3A_221 = tpu.memref_slice %arg25[%add3A_26, %dma_wait3A_220] : memref<10240x64xf32, #tpu.memory_space<vmem_shared>> -> memref<64x64xf32, #tpu.memory_space<vmem_shared>>
      %dma_wait3A_222 = arith.constant 0 : i32
      %dma_wait3A_223 = tpu.memref_slice %arg25[%add3A_26, %dma_wait3A_222] : memref<10240x64xf32, #tpu.memory_space<vmem_shared>> -> memref<64x64xf32, #tpu.memory_space<vmem_shared>>
      tpu.wait_dma2 semaphore(%run_scoped3A : memref<!tpu.dma_semaphore, #tpu.memory_space<semaphore_mem>>) src(%arg23 : memref<64x64xf32, #tpu.memory_space<vmem>>) dst(%dma_wait3A_223 : memref<64x64xf32, #tpu.memory_space<vmem_shared>>)
      tpu.yield
    }) : () -> ()
    %add3A_27 = arith.constant 576 : i32
    %add3A_28 = arith.addi %mul3A_2, %add3A_27 : i32
    "tpu.region"() ({
      %run_scoped3A = tpu.sem_alloc : memref<!tpu.dma_semaphore, #tpu.memory_space<semaphore_mem>>
      %dma_start3A_216 = arith.constant 0 : i32
      %dma_start3A_217 = tpu.memref_slice %arg25[%add3A_28, %dma_start3A_216] : memref<10240x64xf32, #tpu.memory_space<vmem_shared>> -> memref<64x64xf32, #tpu.memory_space<vmem_shared>>
      %dma_start3A_218 = arith.constant 0 : i32
      %dma_start3A_219 = tpu.memref_slice %arg25[%add3A_28, %dma_start3A_218] : memref<10240x64xf32, #tpu.memory_space<vmem_shared>> -> memref<64x64xf32, #tpu.memory_space<vmem_shared>>
      tpu.enqueue_dma source(%arg23 : memref<64x64xf32, #tpu.memory_space<vmem>>) target(%dma_start3A_219 : memref<64x64xf32, #tpu.memory_space<vmem_shared>>) target_semaphore(%run_scoped3A : memref<!tpu.dma_semaphore, #tpu.memory_space<semaphore_mem>>)
      %dma_wait3A_220 = arith.constant 0 : i32
      %dma_wait3A_221 = tpu.memref_slice %arg25[%add3A_28, %dma_wait3A_220] : memref<10240x64xf32, #tpu.memory_space<vmem_shared>> -> memref<64x64xf32, #tpu.memory_space<vmem_shared>>
      %dma_wait3A_222 = arith.constant 0 : i32
      %dma_wait3A_223 = tpu.memref_slice %arg25[%add3A_28, %dma_wait3A_222] : memref<10240x64xf32, #tpu.memory_space<vmem_shared>> -> memref<64x64xf32, #tpu.memory_space<vmem_shared>>
      tpu.wait_dma2 semaphore(%run_scoped3A : memref<!tpu.dma_semaphore, #tpu.memory_space<semaphore_mem>>) src(%arg23 : memref<64x64xf32, #tpu.memory_space<vmem>>) dst(%dma_wait3A_223 : memref<64x64xf32, #tpu.memory_space<vmem_shared>>)
      tpu.yield
    }) : () -> ()
    %barrier3A = arith.constant 0 : index
    tpu.barrier barrier_id(%barrier3A)
    %dma_start3A = arith.constant 0 : i32
    %dma_start3A_29 = arith.constant 0 : i32
    %dma_start3A_30 = tpu.memref_slice %arg6[%dma_start3A, %dma_start3A_29] : memref<80x125xi32, #tpu.memory_space<vmem>> -> memref<1x125xi32, #tpu.memory_space<vmem>>
    %dma_start3A_31 = tpu.memref_squeeze %dma_start3A_30 : memref<1x125xi32, #tpu.memory_space<vmem>> -> memref<125xi32, #tpu.memory_space<vmem>>
    %dma_start3A_32 = arith.constant 0 : i32
    %dma_start3A_33 = arith.constant 0 : i32
    %dma_start3A_34 = tpu.memref_slice %arg2[%dma_start3A_32, %dma_start3A_33] : memref<10000x64xf32, #tpu.memory_space<hbm>> -> memref<10000x64xf32, #tpu.memory_space<hbm>>
    tpu.enqueue_indirect_dma source(%dma_start3A_34 : memref<10000x64xf32, #tpu.memory_space<hbm>>) target(%arg8 : memref<125x64xf32, #tpu.memory_space<vmem>>) offsets(%dma_start3A_31 : memref<125xi32, #tpu.memory_space<vmem>>) semaphore(%arg13 : memref<!tpu.dma_semaphore, #tpu.memory_space<semaphore_mem>>)
    %dma_start3A_35 = arith.constant 1 : i32
    %dma_start3A_36 = arith.constant 0 : i32
    %dma_start3A_37 = tpu.memref_slice %arg6[%dma_start3A_35, %dma_start3A_36] : memref<80x125xi32, #tpu.memory_space<vmem>> -> memref<1x125xi32, #tpu.memory_space<vmem>>
    %dma_start3A_38 = tpu.memref_squeeze %dma_start3A_37 : memref<1x125xi32, #tpu.memory_space<vmem>> -> memref<125xi32, #tpu.memory_space<vmem>>
    %dma_start3A_39 = arith.constant 0 : i32
    %dma_start3A_40 = arith.constant 0 : i32
    %dma_start3A_41 = tpu.memref_slice %arg2[%dma_start3A_39, %dma_start3A_40] : memref<10000x64xf32, #tpu.memory_space<hbm>> -> memref<10000x64xf32, #tpu.memory_space<hbm>>
    tpu.enqueue_indirect_dma source(%dma_start3A_41 : memref<10000x64xf32, #tpu.memory_space<hbm>>) target(%arg9 : memref<125x64xf32, #tpu.memory_space<vmem>>) offsets(%dma_start3A_38 : memref<125xi32, #tpu.memory_space<vmem>>) semaphore(%arg14 : memref<!tpu.dma_semaphore, #tpu.memory_space<semaphore_mem>>)
    %dma_start3A_42 = arith.constant 2 : i32
    %dma_start3A_43 = arith.constant 0 : i32
    %dma_start3A_44 = tpu.memref_slice %arg6[%dma_start3A_42, %dma_start3A_43] : memref<80x125xi32, #tpu.memory_space<vmem>> -> memref<1x125xi32, #tpu.memory_space<vmem>>
    %dma_start3A_45 = tpu.memref_squeeze %dma_start3A_44 : memref<1x125xi32, #tpu.memory_space<vmem>> -> memref<125xi32, #tpu.memory_space<vmem>>
    %dma_start3A_46 = arith.constant 0 : i32
    %dma_start3A_47 = arith.constant 0 : i32
    %dma_start3A_48 = tpu.memref_slice %arg2[%dma_start3A_46, %dma_start3A_47] : memref<10000x64xf32, #tpu.memory_space<hbm>> -> memref<10000x64xf32, #tpu.memory_space<hbm>>
    tpu.enqueue_indirect_dma source(%dma_start3A_48 : memref<10000x64xf32, #tpu.memory_space<hbm>>) target(%arg10 : memref<125x64xf32, #tpu.memory_space<vmem>>) offsets(%dma_start3A_45 : memref<125xi32, #tpu.memory_space<vmem>>) semaphore(%arg15 : memref<!tpu.dma_semaphore, #tpu.memory_space<semaphore_mem>>)
    %dma_start3A_49 = arith.constant 3 : i32
    %dma_start3A_50 = arith.constant 0 : i32
    %dma_start3A_51 = tpu.memref_slice %arg6[%dma_start3A_49, %dma_start3A_50] : memref<80x125xi32, #tpu.memory_space<vmem>> -> memref<1x125xi32, #tpu.memory_space<vmem>>
    %dma_start3A_52 = tpu.memref_squeeze %dma_start3A_51 : memref<1x125xi32, #tpu.memory_space<vmem>> -> memref<125xi32, #tpu.memory_space<vmem>>
    %dma_start3A_53 = arith.constant 0 : i32
    %dma_start3A_54 = arith.constant 0 : i32
    %dma_start3A_55 = tpu.memref_slice %arg2[%dma_start3A_53, %dma_start3A_54] : memref<10000x64xf32, #tpu.memory_space<hbm>> -> memref<10000x64xf32, #tpu.memory_space<hbm>>
    tpu.enqueue_indirect_dma source(%dma_start3A_55 : memref<10000x64xf32, #tpu.memory_space<hbm>>) target(%arg11 : memref<125x64xf32, #tpu.memory_space<vmem>>) offsets(%dma_start3A_52 : memref<125xi32, #tpu.memory_space<vmem>>) semaphore(%arg16 : memref<!tpu.dma_semaphore, #tpu.memory_space<semaphore_mem>>)
    %dma_start3A_56 = arith.constant 4 : i32
    %dma_start3A_57 = arith.constant 0 : i32
    %dma_start3A_58 = tpu.memref_slice %arg6[%dma_start3A_56, %dma_start3A_57] : memref<80x125xi32, #tpu.memory_space<vmem>> -> memref<1x125xi32, #tpu.memory_space<vmem>>
    %dma_start3A_59 = tpu.memref_squeeze %dma_start3A_58 : memref<1x125xi32, #tpu.memory_space<vmem>> -> memref<125xi32, #tpu.memory_space<vmem>>
    %dma_start3A_60 = arith.constant 0 : i32
    %dma_start3A_61 = arith.constant 0 : i32
    %dma_start3A_62 = tpu.memref_slice %arg2[%dma_start3A_60, %dma_start3A_61] : memref<10000x64xf32, #tpu.memory_space<hbm>> -> memref<10000x64xf32, #tpu.memory_space<hbm>>
    tpu.enqueue_indirect_dma source(%dma_start3A_62 : memref<10000x64xf32, #tpu.memory_space<hbm>>) target(%arg12 : memref<125x64xf32, #tpu.memory_space<vmem>>) offsets(%dma_start3A_59 : memref<125xi32, #tpu.memory_space<vmem>>) semaphore(%arg17 : memref<!tpu.dma_semaphore, #tpu.memory_space<semaphore_mem>>)
    %scan3A_63 = arith.constant 0 : i32
    %scan3A_64 = arith.constant 0 : i32
    %scan3A_65 = arith.constant 15 : i32
    %scan3A_66 = arith.addi %scan3A_64, %scan3A_65 : i32
    %scan3A_67 = arith.constant 1 : i32
    %scan3A_68 = scf.for %scan3A_216 = %scan3A_64 to %scan3A_66 step %scan3A_67 iter_args(%scan3A_217 = %scan3A_63) -> (i32)  : i32 {
      %mul3A_218 = arith.constant 5 : i32
      %mul3A_219 = arith.muli %scan3A_216, %mul3A_218 : i32
      %dma_wait3A_220 = arith.constant 0 : i32
      %dma_wait3A_221 = arith.constant 0 : i32
      %dma_wait3A_222 = tpu.memref_slice %arg6[%dma_wait3A_220, %dma_wait3A_221] : memref<80x125xi32, #tpu.memory_space<vmem>> -> memref<1x125xi32, #tpu.memory_space<vmem>>
      %dma_wait3A_223 = tpu.memref_squeeze %dma_wait3A_222 : memref<1x125xi32, #tpu.memory_space<vmem>> -> memref<125xi32, #tpu.memory_space<vmem>>
      %dma_wait3A_224 = arith.constant 0 : i32
      %dma_wait3A_225 = arith.constant 0 : i32
      %dma_wait3A_226 = tpu.memref_slice %arg2[%dma_wait3A_224, %dma_wait3A_225] : memref<10000x64xf32, #tpu.memory_space<hbm>> -> memref<10000x64xf32, #tpu.memory_space<hbm>>
      tpu.wait_indirect_dma semaphore(%arg13 : memref<!tpu.dma_semaphore, #tpu.memory_space<semaphore_mem>>) src(%dma_wait3A_226 : memref<10000x64xf32, #tpu.memory_space<hbm>>) dst(%arg8 : memref<125x64xf32, #tpu.memory_space<vmem>>)
      %add3A_227 = arith.constant 0 : i32
      %add3A_228 = arith.addi %mul3A_219, %add3A_227 : i32
      %dma_start3A_229 = arith.constant 0 : i32
      %dma_start3A_230 = tpu.memref_slice %arg7[%add3A_228, %dma_start3A_229] : memref<80x125xi32, #tpu.memory_space<vmem>> -> memref<1x125xi32, #tpu.memory_space<vmem>>
      %dma_start3A_231 = tpu.memref_squeeze %dma_start3A_230 : memref<1x125xi32, #tpu.memory_space<vmem>> -> memref<125xi32, #tpu.memory_space<vmem>>
      %dma_start3A_232 = arith.constant 0 : i32
      %dma_start3A_233 = arith.constant 0 : i32
      %dma_start3A_234 = tpu.memref_slice %arg25[%dma_start3A_232, %dma_start3A_233] : memref<10240x64xf32, #tpu.memory_space<vmem_shared>> -> memref<10240x64xf32, #tpu.memory_space<vmem_shared>>
      tpu.enqueue_indirect_dma source(%arg8 : memref<125x64xf32, #tpu.memory_space<vmem>>) target(%dma_start3A_234 : memref<10240x64xf32, #tpu.memory_space<vmem_shared>>) offsets(%dma_start3A_231 : memref<125xi32, #tpu.memory_space<vmem>>) semaphore(%arg18 : memref<!tpu.dma_semaphore, #tpu.memory_space<semaphore_mem>>) {add = true}
      %dma_wait3A_235 = arith.constant 0 : i32
      %dma_wait3A_236 = arith.constant 0 : i32
      %dma_wait3A_237 = tpu.memref_slice %arg6[%dma_wait3A_235, %dma_wait3A_236] : memref<80x125xi32, #tpu.memory_space<vmem>> -> memref<1x125xi32, #tpu.memory_space<vmem>>
      %dma_wait3A_238 = tpu.memref_squeeze %dma_wait3A_237 : memref<1x125xi32, #tpu.memory_space<vmem>> -> memref<125xi32, #tpu.memory_space<vmem>>
      %dma_wait3A_239 = arith.constant 0 : i32
      %dma_wait3A_240 = arith.constant 0 : i32
      %dma_wait3A_241 = tpu.memref_slice %arg2[%dma_wait3A_239, %dma_wait3A_240] : memref<10000x64xf32, #tpu.memory_space<hbm>> -> memref<10000x64xf32, #tpu.memory_space<hbm>>
      tpu.wait_indirect_dma semaphore(%arg14 : memref<!tpu.dma_semaphore, #tpu.memory_space<semaphore_mem>>) src(%dma_wait3A_241 : memref<10000x64xf32, #tpu.memory_space<hbm>>) dst(%arg9 : memref<125x64xf32, #tpu.memory_space<vmem>>)
      %add3A_242 = arith.constant 1 : i32
      %add3A_243 = arith.addi %mul3A_219, %add3A_242 : i32
      %dma_start3A_244 = arith.constant 0 : i32
      %dma_start3A_245 = tpu.memref_slice %arg7[%add3A_243, %dma_start3A_244] : memref<80x125xi32, #tpu.memory_space<vmem>> -> memref<1x125xi32, #tpu.memory_space<vmem>>
      %dma_start3A_246 = tpu.memref_squeeze %dma_start3A_245 : memref<1x125xi32, #tpu.memory_space<vmem>> -> memref<125xi32, #tpu.memory_space<vmem>>
      %dma_start3A_247 = arith.constant 0 : i32
      %dma_start3A_248 = arith.constant 0 : i32
      %dma_start3A_249 = tpu.memref_slice %arg25[%dma_start3A_247, %dma_start3A_248] : memref<10240x64xf32, #tpu.memory_space<vmem_shared>> -> memref<10240x64xf32, #tpu.memory_space<vmem_shared>>
      tpu.enqueue_indirect_dma source(%arg9 : memref<125x64xf32, #tpu.memory_space<vmem>>) target(%dma_start3A_249 : memref<10240x64xf32, #tpu.memory_space<vmem_shared>>) offsets(%dma_start3A_246 : memref<125xi32, #tpu.memory_space<vmem>>) semaphore(%arg19 : memref<!tpu.dma_semaphore, #tpu.memory_space<semaphore_mem>>) {add = true}
      %dma_wait3A_250 = arith.constant 0 : i32
      %dma_wait3A_251 = arith.constant 0 : i32
      %dma_wait3A_252 = tpu.memref_slice %arg6[%dma_wait3A_250, %dma_wait3A_251] : memref<80x125xi32, #tpu.memory_space<vmem>> -> memref<1x125xi32, #tpu.memory_space<vmem>>
      %dma_wait3A_253 = tpu.memref_squeeze %dma_wait3A_252 : memref<1x125xi32, #tpu.memory_space<vmem>> -> memref<125xi32, #tpu.memory_space<vmem>>
      %dma_wait3A_254 = arith.constant 0 : i32
      %dma_wait3A_255 = arith.constant 0 : i32
      %dma_wait3A_256 = tpu.memref_slice %arg2[%dma_wait3A_254, %dma_wait3A_255] : memref<10000x64xf32, #tpu.memory_space<hbm>> -> memref<10000x64xf32, #tpu.memory_space<hbm>>
      tpu.wait_indirect_dma semaphore(%arg15 : memref<!tpu.dma_semaphore, #tpu.memory_space<semaphore_mem>>) src(%dma_wait3A_256 : memref<10000x64xf32, #tpu.memory_space<hbm>>) dst(%arg10 : memref<125x64xf32, #tpu.memory_space<vmem>>)
      %add3A_257 = arith.constant 2 : i32
      %add3A_258 = arith.addi %mul3A_219, %add3A_257 : i32
      %dma_start3A_259 = arith.constant 0 : i32
      %dma_start3A_260 = tpu.memref_slice %arg7[%add3A_258, %dma_start3A_259] : memref<80x125xi32, #tpu.memory_space<vmem>> -> memref<1x125xi32, #tpu.memory_space<vmem>>
      %dma_start3A_261 = tpu.memref_squeeze %dma_start3A_260 : memref<1x125xi32, #tpu.memory_space<vmem>> -> memref<125xi32, #tpu.memory_space<vmem>>
      %dma_start3A_262 = arith.constant 0 : i32
      %dma_start3A_263 = arith.constant 0 : i32
      %dma_start3A_264 = tpu.memref_slice %arg25[%dma_start3A_262, %dma_start3A_263] : memref<10240x64xf32, #tpu.memory_space<vmem_shared>> -> memref<10240x64xf32, #tpu.memory_space<vmem_shared>>
      tpu.enqueue_indirect_dma source(%arg10 : memref<125x64xf32, #tpu.memory_space<vmem>>) target(%dma_start3A_264 : memref<10240x64xf32, #tpu.memory_space<vmem_shared>>) offsets(%dma_start3A_261 : memref<125xi32, #tpu.memory_space<vmem>>) semaphore(%arg20 : memref<!tpu.dma_semaphore, #tpu.memory_space<semaphore_mem>>) {add = true}
      %dma_wait3A_265 = arith.constant 0 : i32
      %dma_wait3A_266 = arith.constant 0 : i32
      %dma_wait3A_267 = tpu.memref_slice %arg6[%dma_wait3A_265, %dma_wait3A_266] : memref<80x125xi32, #tpu.memory_space<vmem>> -> memref<1x125xi32, #tpu.memory_space<vmem>>
      %dma_wait3A_268 = tpu.memref_squeeze %dma_wait3A_267 : memref<1x125xi32, #tpu.memory_space<vmem>> -> memref<125xi32, #tpu.memory_space<vmem>>
      %dma_wait3A_269 = arith.constant 0 : i32
      %dma_wait3A_270 = arith.constant 0 : i32
      %dma_wait3A_271 = tpu.memref_slice %arg2[%dma_wait3A_269, %dma_wait3A_270] : memref<10000x64xf32, #tpu.memory_space<hbm>> -> memref<10000x64xf32, #tpu.memory_space<hbm>>
      tpu.wait_indirect_dma semaphore(%arg16 : memref<!tpu.dma_semaphore, #tpu.memory_space<semaphore_mem>>) src(%dma_wait3A_271 : memref<10000x64xf32, #tpu.memory_space<hbm>>) dst(%arg11 : memref<125x64xf32, #tpu.memory_space<vmem>>)
      %add3A_272 = arith.constant 3 : i32
      %add3A_273 = arith.addi %mul3A_219, %add3A_272 : i32
      %dma_start3A_274 = arith.constant 0 : i32
      %dma_start3A_275 = tpu.memref_slice %arg7[%add3A_273, %dma_start3A_274] : memref<80x125xi32, #tpu.memory_space<vmem>> -> memref<1x125xi32, #tpu.memory_space<vmem>>
      %dma_start3A_276 = tpu.memref_squeeze %dma_start3A_275 : memref<1x125xi32, #tpu.memory_space<vmem>> -> memref<125xi32, #tpu.memory_space<vmem>>
      %dma_start3A_277 = arith.constant 0 : i32
      %dma_start3A_278 = arith.constant 0 : i32
      %dma_start3A_279 = tpu.memref_slice %arg25[%dma_start3A_277, %dma_start3A_278] : memref<10240x64xf32, #tpu.memory_space<vmem_shared>> -> memref<10240x64xf32, #tpu.memory_space<vmem_shared>>
      tpu.enqueue_indirect_dma source(%arg11 : memref<125x64xf32, #tpu.memory_space<vmem>>) target(%dma_start3A_279 : memref<10240x64xf32, #tpu.memory_space<vmem_shared>>) offsets(%dma_start3A_276 : memref<125xi32, #tpu.memory_space<vmem>>) semaphore(%arg21 : memref<!tpu.dma_semaphore, #tpu.memory_space<semaphore_mem>>) {add = true}
      %dma_wait3A_280 = arith.constant 0 : i32
      %dma_wait3A_281 = arith.constant 0 : i32
      %dma_wait3A_282 = tpu.memref_slice %arg6[%dma_wait3A_280, %dma_wait3A_281] : memref<80x125xi32, #tpu.memory_space<vmem>> -> memref<1x125xi32, #tpu.memory_space<vmem>>
      %dma_wait3A_283 = tpu.memref_squeeze %dma_wait3A_282 : memref<1x125xi32, #tpu.memory_space<vmem>> -> memref<125xi32, #tpu.memory_space<vmem>>
      %dma_wait3A_284 = arith.constant 0 : i32
      %dma_wait3A_285 = arith.constant 0 : i32
      %dma_wait3A_286 = tpu.memref_slice %arg2[%dma_wait3A_284, %dma_wait3A_285] : memref<10000x64xf32, #tpu.memory_space<hbm>> -> memref<10000x64xf32, #tpu.memory_space<hbm>>
      tpu.wait_indirect_dma semaphore(%arg17 : memref<!tpu.dma_semaphore, #tpu.memory_space<semaphore_mem>>) src(%dma_wait3A_286 : memref<10000x64xf32, #tpu.memory_space<hbm>>) dst(%arg12 : memref<125x64xf32, #tpu.memory_space<vmem>>)
      %add3A_287 = arith.constant 4 : i32
      %add3A_288 = arith.addi %mul3A_219, %add3A_287 : i32
      %dma_start3A_289 = arith.constant 0 : i32
      %dma_start3A_290 = tpu.memref_slice %arg7[%add3A_288, %dma_start3A_289] : memref<80x125xi32, #tpu.memory_space<vmem>> -> memref<1x125xi32, #tpu.memory_space<vmem>>
      %dma_start3A_291 = tpu.memref_squeeze %dma_start3A_290 : memref<1x125xi32, #tpu.memory_space<vmem>> -> memref<125xi32, #tpu.memory_space<vmem>>
      %dma_start3A_292 = arith.constant 0 : i32
      %dma_start3A_293 = arith.constant 0 : i32
      %dma_start3A_294 = tpu.memref_slice %arg25[%dma_start3A_292, %dma_start3A_293] : memref<10240x64xf32, #tpu.memory_space<vmem_shared>> -> memref<10240x64xf32, #tpu.memory_space<vmem_shared>>
      tpu.enqueue_indirect_dma source(%arg12 : memref<125x64xf32, #tpu.memory_space<vmem>>) target(%dma_start3A_294 : memref<10240x64xf32, #tpu.memory_space<vmem_shared>>) offsets(%dma_start3A_291 : memref<125xi32, #tpu.memory_space<vmem>>) semaphore(%arg22 : memref<!tpu.dma_semaphore, #tpu.memory_space<semaphore_mem>>) {add = true}
      %dma_wait3A_295 = arith.constant 0 : i32
      %dma_wait3A_296 = arith.constant 0 : i32
      %dma_wait3A_297 = tpu.memref_slice %arg7[%dma_wait3A_295, %dma_wait3A_296] : memref<80x125xi32, #tpu.memory_space<vmem>> -> memref<1x125xi32, #tpu.memory_space<vmem>>
      %dma_wait3A_298 = tpu.memref_squeeze %dma_wait3A_297 : memref<1x125xi32, #tpu.memory_space<vmem>> -> memref<125xi32, #tpu.memory_space<vmem>>
      %dma_wait3A_299 = arith.constant 0 : i32
      %dma_wait3A_300 = arith.constant 0 : i32
      %dma_wait3A_301 = tpu.memref_slice %arg25[%dma_wait3A_299, %dma_wait3A_300] : memref<10240x64xf32, #tpu.memory_space<vmem_shared>> -> memref<10240x64xf32, #tpu.memory_space<vmem_shared>>
      tpu.wait_indirect_dma semaphore(%arg18 : memref<!tpu.dma_semaphore, #tpu.memory_space<semaphore_mem>>) src(%arg8 : memref<125x64xf32, #tpu.memory_space<vmem>>) dst(%dma_wait3A_301 : memref<10240x64xf32, #tpu.memory_space<vmem_shared>>)
      %add3A_302 = arith.constant 5 : i32
      %add3A_303 = arith.addi %mul3A_219, %add3A_302 : i32
      %add3A_304 = arith.constant 0 : i32
      %add3A_305 = arith.addi %add3A_303, %add3A_304 : i32
      %dma_start3A_306 = arith.constant 0 : i32
      %dma_start3A_307 = tpu.memref_slice %arg6[%add3A_305, %dma_start3A_306] : memref<80x125xi32, #tpu.memory_space<vmem>> -> memref<1x125xi32, #tpu.memory_space<vmem>>
      %dma_start3A_308 = tpu.memref_squeeze %dma_start3A_307 : memref<1x125xi32, #tpu.memory_space<vmem>> -> memref<125xi32, #tpu.memory_space<vmem>>
      %dma_start3A_309 = arith.constant 0 : i32
      %dma_start3A_310 = arith.constant 0 : i32
      %dma_start3A_311 = tpu.memref_slice %arg2[%dma_start3A_309, %dma_start3A_310] : memref<10000x64xf32, #tpu.memory_space<hbm>> -> memref<10000x64xf32, #tpu.memory_space<hbm>>
      tpu.enqueue_indirect_dma source(%dma_start3A_311 : memref<10000x64xf32, #tpu.memory_space<hbm>>) target(%arg8 : memref<125x64xf32, #tpu.memory_space<vmem>>) offsets(%dma_start3A_308 : memref<125xi32, #tpu.memory_space<vmem>>) semaphore(%arg13 : memref<!tpu.dma_semaphore, #tpu.memory_space<semaphore_mem>>)
      %dma_wait3A_312 = arith.constant 0 : i32
      %dma_wait3A_313 = arith.constant 0 : i32
      %dma_wait3A_314 = tpu.memref_slice %arg7[%dma_wait3A_312, %dma_wait3A_313] : memref<80x125xi32, #tpu.memory_space<vmem>> -> memref<1x125xi32, #tpu.memory_space<vmem>>
      %dma_wait3A_315 = tpu.memref_squeeze %dma_wait3A_314 : memref<1x125xi32, #tpu.memory_space<vmem>> -> memref<125xi32, #tpu.memory_space<vmem>>
      %dma_wait3A_316 = arith.constant 0 : i32
      %dma_wait3A_317 = arith.constant 0 : i32
      %dma_wait3A_318 = tpu.memref_slice %arg25[%dma_wait3A_316, %dma_wait3A_317] : memref<10240x64xf32, #tpu.memory_space<vmem_shared>> -> memref<10240x64xf32, #tpu.memory_space<vmem_shared>>
      tpu.wait_indirect_dma semaphore(%arg19 : memref<!tpu.dma_semaphore, #tpu.memory_space<semaphore_mem>>) src(%arg9 : memref<125x64xf32, #tpu.memory_space<vmem>>) dst(%dma_wait3A_318 : memref<10240x64xf32, #tpu.memory_space<vmem_shared>>)
      %add3A_319 = arith.constant 5 : i32
      %add3A_320 = arith.addi %mul3A_219, %add3A_319 : i32
      %add3A_321 = arith.constant 1 : i32
      %add3A_322 = arith.addi %add3A_320, %add3A_321 : i32
      %dma_start3A_323 = arith.constant 0 : i32
      %dma_start3A_324 = tpu.memref_slice %arg6[%add3A_322, %dma_start3A_323] : memref<80x125xi32, #tpu.memory_space<vmem>> -> memref<1x125xi32, #tpu.memory_space<vmem>>
      %dma_start3A_325 = tpu.memref_squeeze %dma_start3A_324 : memref<1x125xi32, #tpu.memory_space<vmem>> -> memref<125xi32, #tpu.memory_space<vmem>>
      %dma_start3A_326 = arith.constant 0 : i32
      %dma_start3A_327 = arith.constant 0 : i32
      %dma_start3A_328 = tpu.memref_slice %arg2[%dma_start3A_326, %dma_start3A_327] : memref<10000x64xf32, #tpu.memory_space<hbm>> -> memref<10000x64xf32, #tpu.memory_space<hbm>>
      tpu.enqueue_indirect_dma source(%dma_start3A_328 : memref<10000x64xf32, #tpu.memory_space<hbm>>) target(%arg9 : memref<125x64xf32, #tpu.memory_space<vmem>>) offsets(%dma_start3A_325 : memref<125xi32, #tpu.memory_space<vmem>>) semaphore(%arg14 : memref<!tpu.dma_semaphore, #tpu.memory_space<semaphore_mem>>)
      %dma_wait3A_329 = arith.constant 0 : i32
      %dma_wait3A_330 = arith.constant 0 : i32
      %dma_wait3A_331 = tpu.memref_slice %arg7[%dma_wait3A_329, %dma_wait3A_330] : memref<80x125xi32, #tpu.memory_space<vmem>> -> memref<1x125xi32, #tpu.memory_space<vmem>>
      %dma_wait3A_332 = tpu.memref_squeeze %dma_wait3A_331 : memref<1x125xi32, #tpu.memory_space<vmem>> -> memref<125xi32, #tpu.memory_space<vmem>>
      %dma_wait3A_333 = arith.constant 0 : i32
      %dma_wait3A_334 = arith.constant 0 : i32
      %dma_wait3A_335 = tpu.memref_slice %arg25[%dma_wait3A_333, %dma_wait3A_334] : memref<10240x64xf32, #tpu.memory_space<vmem_shared>> -> memref<10240x64xf32, #tpu.memory_space<vmem_shared>>
      tpu.wait_indirect_dma semaphore(%arg20 : memref<!tpu.dma_semaphore, #tpu.memory_space<semaphore_mem>>) src(%arg10 : memref<125x64xf32, #tpu.memory_space<vmem>>) dst(%dma_wait3A_335 : memref<10240x64xf32, #tpu.memory_space<vmem_shared>>)
      %add3A_336 = arith.constant 5 : i32
      %add3A_337 = arith.addi %mul3A_219, %add3A_336 : i32
      %add3A_338 = arith.constant 2 : i32
      %add3A_339 = arith.addi %add3A_337, %add3A_338 : i32
      %dma_start3A_340 = arith.constant 0 : i32
      %dma_start3A_341 = tpu.memref_slice %arg6[%add3A_339, %dma_start3A_340] : memref<80x125xi32, #tpu.memory_space<vmem>> -> memref<1x125xi32, #tpu.memory_space<vmem>>
      %dma_start3A_342 = tpu.memref_squeeze %dma_start3A_341 : memref<1x125xi32, #tpu.memory_space<vmem>> -> memref<125xi32, #tpu.memory_space<vmem>>
      %dma_start3A_343 = arith.constant 0 : i32
      %dma_start3A_344 = arith.constant 0 : i32
      %dma_start3A_345 = tpu.memref_slice %arg2[%dma_start3A_343, %dma_start3A_344] : memref<10000x64xf32, #tpu.memory_space<hbm>> -> memref<10000x64xf32, #tpu.memory_space<hbm>>
      tpu.enqueue_indirect_dma source(%dma_start3A_345 : memref<10000x64xf32, #tpu.memory_space<hbm>>) target(%arg10 : memref<125x64xf32, #tpu.memory_space<vmem>>) offsets(%dma_start3A_342 : memref<125xi32, #tpu.memory_space<vmem>>) semaphore(%arg15 : memref<!tpu.dma_semaphore, #tpu.memory_space<semaphore_mem>>)
      %dma_wait3A_346 = arith.constant 0 : i32
      %dma_wait3A_347 = arith.constant 0 : i32
      %dma_wait3A_348 = tpu.memref_slice %arg7[%dma_wait3A_346, %dma_wait3A_347] : memref<80x125xi32, #tpu.memory_space<vmem>> -> memref<1x125xi32, #tpu.memory_space<vmem>>
      %dma_wait3A_349 = tpu.memref_squeeze %dma_wait3A_348 : memref<1x125xi32, #tpu.memory_space<vmem>> -> memref<125xi32, #tpu.memory_space<vmem>>
      %dma_wait3A_350 = arith.constant 0 : i32
      %dma_wait3A_351 = arith.constant 0 : i32
      %dma_wait3A_352 = tpu.memref_slice %arg25[%dma_wait3A_350, %dma_wait3A_351] : memref<10240x64xf32, #tpu.memory_space<vmem_shared>> -> memref<10240x64xf32, #tpu.memory_space<vmem_shared>>
      tpu.wait_indirect_dma semaphore(%arg21 : memref<!tpu.dma_semaphore, #tpu.memory_space<semaphore_mem>>) src(%arg11 : memref<125x64xf32, #tpu.memory_space<vmem>>) dst(%dma_wait3A_352 : memref<10240x64xf32, #tpu.memory_space<vmem_shared>>)
      %add3A_353 = arith.constant 5 : i32
      %add3A_354 = arith.addi %mul3A_219, %add3A_353 : i32
      %add3A_355 = arith.constant 3 : i32
      %add3A_356 = arith.addi %add3A_354, %add3A_355 : i32
      %dma_start3A_357 = arith.constant 0 : i32
      %dma_start3A_358 = tpu.memref_slice %arg6[%add3A_356, %dma_start3A_357] : memref<80x125xi32, #tpu.memory_space<vmem>> -> memref<1x125xi32, #tpu.memory_space<vmem>>
      %dma_start3A_359 = tpu.memref_squeeze %dma_start3A_358 : memref<1x125xi32, #tpu.memory_space<vmem>> -> memref<125xi32, #tpu.memory_space<vmem>>
      %dma_start3A_360 = arith.constant 0 : i32
      %dma_start3A_361 = arith.constant 0 : i32
      %dma_start3A_362 = tpu.memref_slice %arg2[%dma_start3A_360, %dma_start3A_361] : memref<10000x64xf32, #tpu.memory_space<hbm>> -> memref<10000x64xf32, #tpu.memory_space<hbm>>
      tpu.enqueue_indirect_dma source(%dma_start3A_362 : memref<10000x64xf32, #tpu.memory_space<hbm>>) target(%arg11 : memref<125x64xf32, #tpu.memory_space<vmem>>) offsets(%dma_start3A_359 : memref<125xi32, #tpu.memory_space<vmem>>) semaphore(%arg16 : memref<!tpu.dma_semaphore, #tpu.memory_space<semaphore_mem>>)
      %dma_wait3A_363 = arith.constant 0 : i32
      %dma_wait3A_364 = arith.constant 0 : i32
      %dma_wait3A_365 = tpu.memref_slice %arg7[%dma_wait3A_363, %dma_wait3A_364] : memref<80x125xi32, #tpu.memory_space<vmem>> -> memref<1x125xi32, #tpu.memory_space<vmem>>
      %dma_wait3A_366 = tpu.memref_squeeze %dma_wait3A_365 : memref<1x125xi32, #tpu.memory_space<vmem>> -> memref<125xi32, #tpu.memory_space<vmem>>
      %dma_wait3A_367 = arith.constant 0 : i32
      %dma_wait3A_368 = arith.constant 0 : i32
      %dma_wait3A_369 = tpu.memref_slice %arg25[%dma_wait3A_367, %dma_wait3A_368] : memref<10240x64xf32, #tpu.memory_space<vmem_shared>> -> memref<10240x64xf32, #tpu.memory_space<vmem_shared>>
      tpu.wait_indirect_dma semaphore(%arg22 : memref<!tpu.dma_semaphore, #tpu.memory_space<semaphore_mem>>) src(%arg12 : memref<125x64xf32, #tpu.memory_space<vmem>>) dst(%dma_wait3A_369 : memref<10240x64xf32, #tpu.memory_space<vmem_shared>>)
      %add3A_370 = arith.constant 5 : i32
      %add3A_371 = arith.addi %mul3A_219, %add3A_370 : i32
      %add3A_372 = arith.constant 4 : i32
      %add3A_373 = arith.addi %add3A_371, %add3A_372 : i32
      %dma_start3A_374 = arith.constant 0 : i32
      %dma_start3A_375 = tpu.memref_slice %arg6[%add3A_373, %dma_start3A_374] : memref<80x125xi32, #tpu.memory_space<vmem>> -> memref<1x125xi32, #tpu.memory_space<vmem>>
      %dma_start3A_376 = tpu.memref_squeeze %dma_start3A_375 : memref<1x125xi32, #tpu.memory_space<vmem>> -> memref<125xi32, #tpu.memory_space<vmem>>
      %dma_start3A_377 = arith.constant 0 : i32
      %dma_start3A_378 = arith.constant 0 : i32
      %dma_start3A_379 = tpu.memref_slice %arg2[%dma_start3A_377, %dma_start3A_378] : memref<10000x64xf32, #tpu.memory_space<hbm>> -> memref<10000x64xf32, #tpu.memory_space<hbm>>
      tpu.enqueue_indirect_dma source(%dma_start3A_379 : memref<10000x64xf32, #tpu.memory_space<hbm>>) target(%arg12 : memref<125x64xf32, #tpu.memory_space<vmem>>) offsets(%dma_start3A_376 : memref<125xi32, #tpu.memory_space<vmem>>) semaphore(%arg17 : memref<!tpu.dma_semaphore, #tpu.memory_space<semaphore_mem>>)
      %scan3A_380 = arith.constant 0 : i32
      scf.yield %scan3A_380 : i32
    }
    %scan3A_69 = arith.constant 15 : i32
    %dma_wait3A = arith.constant 0 : i32
    %dma_wait3A_70 = arith.constant 0 : i32
    %dma_wait3A_71 = tpu.memref_slice %arg6[%dma_wait3A, %dma_wait3A_70] : memref<80x125xi32, #tpu.memory_space<vmem>> -> memref<1x125xi32, #tpu.memory_space<vmem>>
    %dma_wait3A_72 = tpu.memref_squeeze %dma_wait3A_71 : memref<1x125xi32, #tpu.memory_space<vmem>> -> memref<125xi32, #tpu.memory_space<vmem>>
    %dma_wait3A_73 = arith.constant 0 : i32
    %dma_wait3A_74 = arith.constant 0 : i32
    %dma_wait3A_75 = tpu.memref_slice %arg2[%dma_wait3A_73, %dma_wait3A_74] : memref<10000x64xf32, #tpu.memory_space<hbm>> -> memref<10000x64xf32, #tpu.memory_space<hbm>>
    tpu.wait_indirect_dma semaphore(%arg13 : memref<!tpu.dma_semaphore, #tpu.memory_space<semaphore_mem>>) src(%dma_wait3A_75 : memref<10000x64xf32, #tpu.memory_space<hbm>>) dst(%arg8 : memref<125x64xf32, #tpu.memory_space<vmem>>)
    %dma_start3A_76 = arith.constant 75 : i32
    %dma_start3A_77 = arith.constant 0 : i32
    %dma_start3A_78 = tpu.memref_slice %arg7[%dma_start3A_76, %dma_start3A_77] : memref<80x125xi32, #tpu.memory_space<vmem>> -> memref<1x125xi32, #tpu.memory_space<vmem>>
    %dma_start3A_79 = tpu.memref_squeeze %dma_start3A_78 : memref<1x125xi32, #tpu.memory_space<vmem>> -> memref<125xi32, #tpu.memory_space<vmem>>
    %dma_start3A_80 = arith.constant 0 : i32
    %dma_start3A_81 = arith.constant 0 : i32
    %dma_start3A_82 = tpu.memref_slice %arg25[%dma_start3A_80, %dma_start3A_81] : memref<10240x64xf32, #tpu.memory_space<vmem_shared>> -> memref<10240x64xf32, #tpu.memory_space<vmem_shared>>
    tpu.enqueue_indirect_dma source(%arg8 : memref<125x64xf32, #tpu.memory_space<vmem>>) target(%dma_start3A_82 : memref<10240x64xf32, #tpu.memory_space<vmem_shared>>) offsets(%dma_start3A_79 : memref<125xi32, #tpu.memory_space<vmem>>) semaphore(%arg18 : memref<!tpu.dma_semaphore, #tpu.memory_space<semaphore_mem>>) {add = true}
    %dma_wait3A_83 = arith.constant 0 : i32
    %dma_wait3A_84 = arith.constant 0 : i32
    %dma_wait3A_85 = tpu.memref_slice %arg6[%dma_wait3A_83, %dma_wait3A_84] : memref<80x125xi32, #tpu.memory_space<vmem>> -> memref<1x125xi32, #tpu.memory_space<vmem>>
    %dma_wait3A_86 = tpu.memref_squeeze %dma_wait3A_85 : memref<1x125xi32, #tpu.memory_space<vmem>> -> memref<125xi32, #tpu.memory_space<vmem>>
    %dma_wait3A_87 = arith.constant 0 : i32
    %dma_wait3A_88 = arith.constant 0 : i32
    %dma_wait3A_89 = tpu.memref_slice %arg2[%dma_wait3A_87, %dma_wait3A_88] : memref<10000x64xf32, #tpu.memory_space<hbm>> -> memref<10000x64xf32, #tpu.memory_space<hbm>>
    tpu.wait_indirect_dma semaphore(%arg14 : memref<!tpu.dma_semaphore, #tpu.memory_space<semaphore_mem>>) src(%dma_wait3A_89 : memref<10000x64xf32, #tpu.memory_space<hbm>>) dst(%arg9 : memref<125x64xf32, #tpu.memory_space<vmem>>)
    %dma_start3A_90 = arith.constant 76 : i32
    %dma_start3A_91 = arith.constant 0 : i32
    %dma_start3A_92 = tpu.memref_slice %arg7[%dma_start3A_90, %dma_start3A_91] : memref<80x125xi32, #tpu.memory_space<vmem>> -> memref<1x125xi32, #tpu.memory_space<vmem>>
    %dma_start3A_93 = tpu.memref_squeeze %dma_start3A_92 : memref<1x125xi32, #tpu.memory_space<vmem>> -> memref<125xi32, #tpu.memory_space<vmem>>
    %dma_start3A_94 = arith.constant 0 : i32
    %dma_start3A_95 = arith.constant 0 : i32
    %dma_start3A_96 = tpu.memref_slice %arg25[%dma_start3A_94, %dma_start3A_95] : memref<10240x64xf32, #tpu.memory_space<vmem_shared>> -> memref<10240x64xf32, #tpu.memory_space<vmem_shared>>
    tpu.enqueue_indirect_dma source(%arg9 : memref<125x64xf32, #tpu.memory_space<vmem>>) target(%dma_start3A_96 : memref<10240x64xf32, #tpu.memory_space<vmem_shared>>) offsets(%dma_start3A_93 : memref<125xi32, #tpu.memory_space<vmem>>) semaphore(%arg19 : memref<!tpu.dma_semaphore, #tpu.memory_space<semaphore_mem>>) {add = true}
    %dma_wait3A_97 = arith.constant 0 : i32
    %dma_wait3A_98 = arith.constant 0 : i32
    %dma_wait3A_99 = tpu.memref_slice %arg6[%dma_wait3A_97, %dma_wait3A_98] : memref<80x125xi32, #tpu.memory_space<vmem>> -> memref<1x125xi32, #tpu.memory_space<vmem>>
    %dma_wait3A_100 = tpu.memref_squeeze %dma_wait3A_99 : memref<1x125xi32, #tpu.memory_space<vmem>> -> memref<125xi32, #tpu.memory_space<vmem>>
    %dma_wait3A_101 = arith.constant 0 : i32
    %dma_wait3A_102 = arith.constant 0 : i32
    %dma_wait3A_103 = tpu.memref_slice %arg2[%dma_wait3A_101, %dma_wait3A_102] : memref<10000x64xf32, #tpu.memory_space<hbm>> -> memref<10000x64xf32, #tpu.memory_space<hbm>>
    tpu.wait_indirect_dma semaphore(%arg15 : memref<!tpu.dma_semaphore, #tpu.memory_space<semaphore_mem>>) src(%dma_wait3A_103 : memref<10000x64xf32, #tpu.memory_space<hbm>>) dst(%arg10 : memref<125x64xf32, #tpu.memory_space<vmem>>)
    %dma_start3A_104 = arith.constant 77 : i32
    %dma_start3A_105 = arith.constant 0 : i32
    %dma_start3A_106 = tpu.memref_slice %arg7[%dma_start3A_104, %dma_start3A_105] : memref<80x125xi32, #tpu.memory_space<vmem>> -> memref<1x125xi32, #tpu.memory_space<vmem>>
    %dma_start3A_107 = tpu.memref_squeeze %dma_start3A_106 : memref<1x125xi32, #tpu.memory_space<vmem>> -> memref<125xi32, #tpu.memory_space<vmem>>
    %dma_start3A_108 = arith.constant 0 : i32
    %dma_start3A_109 = arith.constant 0 : i32
    %dma_start3A_110 = tpu.memref_slice %arg25[%dma_start3A_108, %dma_start3A_109] : memref<10240x64xf32, #tpu.memory_space<vmem_shared>> -> memref<10240x64xf32, #tpu.memory_space<vmem_shared>>
    tpu.enqueue_indirect_dma source(%arg10 : memref<125x64xf32, #tpu.memory_space<vmem>>) target(%dma_start3A_110 : memref<10240x64xf32, #tpu.memory_space<vmem_shared>>) offsets(%dma_start3A_107 : memref<125xi32, #tpu.memory_space<vmem>>) semaphore(%arg20 : memref<!tpu.dma_semaphore, #tpu.memory_space<semaphore_mem>>) {add = true}
    %dma_wait3A_111 = arith.constant 0 : i32
    %dma_wait3A_112 = arith.constant 0 : i32
    %dma_wait3A_113 = tpu.memref_slice %arg6[%dma_wait3A_111, %dma_wait3A_112] : memref<80x125xi32, #tpu.memory_space<vmem>> -> memref<1x125xi32, #tpu.memory_space<vmem>>
    %dma_wait3A_114 = tpu.memref_squeeze %dma_wait3A_113 : memref<1x125xi32, #tpu.memory_space<vmem>> -> memref<125xi32, #tpu.memory_space<vmem>>
    %dma_wait3A_115 = arith.constant 0 : i32
    %dma_wait3A_116 = arith.constant 0 : i32
    %dma_wait3A_117 = tpu.memref_slice %arg2[%dma_wait3A_115, %dma_wait3A_116] : memref<10000x64xf32, #tpu.memory_space<hbm>> -> memref<10000x64xf32, #tpu.memory_space<hbm>>
    tpu.wait_indirect_dma semaphore(%arg16 : memref<!tpu.dma_semaphore, #tpu.memory_space<semaphore_mem>>) src(%dma_wait3A_117 : memref<10000x64xf32, #tpu.memory_space<hbm>>) dst(%arg11 : memref<125x64xf32, #tpu.memory_space<vmem>>)
    %dma_start3A_118 = arith.constant 78 : i32
    %dma_start3A_119 = arith.constant 0 : i32
    %dma_start3A_120 = tpu.memref_slice %arg7[%dma_start3A_118, %dma_start3A_119] : memref<80x125xi32, #tpu.memory_space<vmem>> -> memref<1x125xi32, #tpu.memory_space<vmem>>
    %dma_start3A_121 = tpu.memref_squeeze %dma_start3A_120 : memref<1x125xi32, #tpu.memory_space<vmem>> -> memref<125xi32, #tpu.memory_space<vmem>>
    %dma_start3A_122 = arith.constant 0 : i32
    %dma_start3A_123 = arith.constant 0 : i32
    %dma_start3A_124 = tpu.memref_slice %arg25[%dma_start3A_122, %dma_start3A_123] : memref<10240x64xf32, #tpu.memory_space<vmem_shared>> -> memref<10240x64xf32, #tpu.memory_space<vmem_shared>>
    tpu.enqueue_indirect_dma source(%arg11 : memref<125x64xf32, #tpu.memory_space<vmem>>) target(%dma_start3A_124 : memref<10240x64xf32, #tpu.memory_space<vmem_shared>>) offsets(%dma_start3A_121 : memref<125xi32, #tpu.memory_space<vmem>>) semaphore(%arg21 : memref<!tpu.dma_semaphore, #tpu.memory_space<semaphore_mem>>) {add = true}
    %dma_wait3A_125 = arith.constant 0 : i32
    %dma_wait3A_126 = arith.constant 0 : i32
    %dma_wait3A_127 = tpu.memref_slice %arg6[%dma_wait3A_125, %dma_wait3A_126] : memref<80x125xi32, #tpu.memory_space<vmem>> -> memref<1x125xi32, #tpu.memory_space<vmem>>
    %dma_wait3A_128 = tpu.memref_squeeze %dma_wait3A_127 : memref<1x125xi32, #tpu.memory_space<vmem>> -> memref<125xi32, #tpu.memory_space<vmem>>
    %dma_wait3A_129 = arith.constant 0 : i32
    %dma_wait3A_130 = arith.constant 0 : i32
    %dma_wait3A_131 = tpu.memref_slice %arg2[%dma_wait3A_129, %dma_wait3A_130] : memref<10000x64xf32, #tpu.memory_space<hbm>> -> memref<10000x64xf32, #tpu.memory_space<hbm>>
    tpu.wait_indirect_dma semaphore(%arg17 : memref<!tpu.dma_semaphore, #tpu.memory_space<semaphore_mem>>) src(%dma_wait3A_131 : memref<10000x64xf32, #tpu.memory_space<hbm>>) dst(%arg12 : memref<125x64xf32, #tpu.memory_space<vmem>>)
    %dma_start3A_132 = arith.constant 79 : i32
    %dma_start3A_133 = arith.constant 0 : i32
    %dma_start3A_134 = tpu.memref_slice %arg7[%dma_start3A_132, %dma_start3A_133] : memref<80x125xi32, #tpu.memory_space<vmem>> -> memref<1x125xi32, #tpu.memory_space<vmem>>
    %dma_start3A_135 = tpu.memref_squeeze %dma_start3A_134 : memref<1x125xi32, #tpu.memory_space<vmem>> -> memref<125xi32, #tpu.memory_space<vmem>>
    %dma_start3A_136 = arith.constant 0 : i32
    %dma_start3A_137 = arith.constant 0 : i32
    %dma_start3A_138 = tpu.memref_slice %arg25[%dma_start3A_136, %dma_start3A_137] : memref<10240x64xf32, #tpu.memory_space<vmem_shared>> -> memref<10240x64xf32, #tpu.memory_space<vmem_shared>>
    tpu.enqueue_indirect_dma source(%arg12 : memref<125x64xf32, #tpu.memory_space<vmem>>) target(%dma_start3A_138 : memref<10240x64xf32, #tpu.memory_space<vmem_shared>>) offsets(%dma_start3A_135 : memref<125xi32, #tpu.memory_space<vmem>>) semaphore(%arg22 : memref<!tpu.dma_semaphore, #tpu.memory_space<semaphore_mem>>) {add = true}
    %dma_wait3A_139 = arith.constant 0 : i32
    %dma_wait3A_140 = arith.constant 0 : i32
    %dma_wait3A_141 = tpu.memref_slice %arg7[%dma_wait3A_139, %dma_wait3A_140] : memref<80x125xi32, #tpu.memory_space<vmem>> -> memref<1x125xi32, #tpu.memory_space<vmem>>
    %dma_wait3A_142 = tpu.memref_squeeze %dma_wait3A_141 : memref<1x125xi32, #tpu.memory_space<vmem>> -> memref<125xi32, #tpu.memory_space<vmem>>
    %dma_wait3A_143 = arith.constant 0 : i32
    %dma_wait3A_144 = arith.constant 0 : i32
    %dma_wait3A_145 = tpu.memref_slice %arg25[%dma_wait3A_143, %dma_wait3A_144] : memref<10240x64xf32, #tpu.memory_space<vmem_shared>> -> memref<10240x64xf32, #tpu.memory_space<vmem_shared>>
    tpu.wait_indirect_dma semaphore(%arg18 : memref<!tpu.dma_semaphore, #tpu.memory_space<semaphore_mem>>) src(%arg8 : memref<125x64xf32, #tpu.memory_space<vmem>>) dst(%dma_wait3A_145 : memref<10240x64xf32, #tpu.memory_space<vmem_shared>>)
    %dma_wait3A_146 = arith.constant 0 : i32
    %dma_wait3A_147 = arith.constant 0 : i32
    %dma_wait3A_148 = tpu.memref_slice %arg7[%dma_wait3A_146, %dma_wait3A_147] : memref<80x125xi32, #tpu.memory_space<vmem>> -> memref<1x125xi32, #tpu.memory_space<vmem>>
    %dma_wait3A_149 = tpu.memref_squeeze %dma_wait3A_148 : memref<1x125xi32, #tpu.memory_space<vmem>> -> memref<125xi32, #tpu.memory_space<vmem>>
    %dma_wait3A_150 = arith.constant 0 : i32
    %dma_wait3A_151 = arith.constant 0 : i32
    %dma_wait3A_152 = tpu.memref_slice %arg25[%dma_wait3A_150, %dma_wait3A_151] : memref<10240x64xf32, #tpu.memory_space<vmem_shared>> -> memref<10240x64xf32, #tpu.memory_space<vmem_shared>>
    tpu.wait_indirect_dma semaphore(%arg19 : memref<!tpu.dma_semaphore, #tpu.memory_space<semaphore_mem>>) src(%arg9 : memref<125x64xf32, #tpu.memory_space<vmem>>) dst(%dma_wait3A_152 : memref<10240x64xf32, #tpu.memory_space<vmem_shared>>)
    %dma_wait3A_153 = arith.constant 0 : i32
    %dma_wait3A_154 = arith.constant 0 : i32
    %dma_wait3A_155 = tpu.memref_slice %arg7[%dma_wait3A_153, %dma_wait3A_154] : memref<80x125xi32, #tpu.memory_space<vmem>> -> memref<1x125xi32, #tpu.memory_space<vmem>>
    %dma_wait3A_156 = tpu.memref_squeeze %dma_wait3A_155 : memref<1x125xi32, #tpu.memory_space<vmem>> -> memref<125xi32, #tpu.memory_space<vmem>>
    %dma_wait3A_157 = arith.constant 0 : i32
    %dma_wait3A_158 = arith.constant 0 : i32
    %dma_wait3A_159 = tpu.memref_slice %arg25[%dma_wait3A_157, %dma_wait3A_158] : memref<10240x64xf32, #tpu.memory_space<vmem_shared>> -> memref<10240x64xf32, #tpu.memory_space<vmem_shared>>
    tpu.wait_indirect_dma semaphore(%arg20 : memref<!tpu.dma_semaphore, #tpu.memory_space<semaphore_mem>>) src(%arg10 : memref<125x64xf32, #tpu.memory_space<vmem>>) dst(%dma_wait3A_159 : memref<10240x64xf32, #tpu.memory_space<vmem_shared>>)
    %dma_wait3A_160 = arith.constant 0 : i32
    %dma_wait3A_161 = arith.constant 0 : i32
    %dma_wait3A_162 = tpu.memref_slice %arg7[%dma_wait3A_160, %dma_wait3A_161] : memref<80x125xi32, #tpu.memory_space<vmem>> -> memref<1x125xi32, #tpu.memory_space<vmem>>
    %dma_wait3A_163 = tpu.memref_squeeze %dma_wait3A_162 : memref<1x125xi32, #tpu.memory_space<vmem>> -> memref<125xi32, #tpu.memory_space<vmem>>
    %dma_wait3A_164 = arith.constant 0 : i32
    %dma_wait3A_165 = arith.constant 0 : i32
    %dma_wait3A_166 = tpu.memref_slice %arg25[%dma_wait3A_164, %dma_wait3A_165] : memref<10240x64xf32, #tpu.memory_space<vmem_shared>> -> memref<10240x64xf32, #tpu.memory_space<vmem_shared>>
    tpu.wait_indirect_dma semaphore(%arg21 : memref<!tpu.dma_semaphore, #tpu.memory_space<semaphore_mem>>) src(%arg11 : memref<125x64xf32, #tpu.memory_space<vmem>>) dst(%dma_wait3A_166 : memref<10240x64xf32, #tpu.memory_space<vmem_shared>>)
    %dma_wait3A_167 = arith.constant 0 : i32
    %dma_wait3A_168 = arith.constant 0 : i32
    %dma_wait3A_169 = tpu.memref_slice %arg7[%dma_wait3A_167, %dma_wait3A_168] : memref<80x125xi32, #tpu.memory_space<vmem>> -> memref<1x125xi32, #tpu.memory_space<vmem>>
    %dma_wait3A_170 = tpu.memref_squeeze %dma_wait3A_169 : memref<1x125xi32, #tpu.memory_space<vmem>> -> memref<125xi32, #tpu.memory_space<vmem>>
    %dma_wait3A_171 = arith.constant 0 : i32
    %dma_wait3A_172 = arith.constant 0 : i32
    %dma_wait3A_173 = tpu.memref_slice %arg25[%dma_wait3A_171, %dma_wait3A_172] : memref<10240x64xf32, #tpu.memory_space<vmem_shared>> -> memref<10240x64xf32, #tpu.memory_space<vmem_shared>>
    tpu.wait_indirect_dma semaphore(%arg22 : memref<!tpu.dma_semaphore, #tpu.memory_space<semaphore_mem>>) src(%arg12 : memref<125x64xf32, #tpu.memory_space<vmem>>) dst(%dma_wait3A_173 : memref<10240x64xf32, #tpu.memory_space<vmem_shared>>)
    %barrier3A_174 = arith.constant 0 : index
    tpu.barrier barrier_id(%barrier3A_174)
    %add3A_175 = arith.constant 0 : i32
    %add3A_176 = arith.addi %mul3A_2, %add3A_175 : i32
    "tpu.region"() ({
      %run_scoped3A = tpu.sem_alloc : memref<!tpu.dma_semaphore, #tpu.memory_space<semaphore_mem>>
      %dma_start3A_216 = arith.constant 0 : i32
      %dma_start3A_217 = tpu.memref_slice %arg25[%add3A_176, %dma_start3A_216] : memref<10240x64xf32, #tpu.memory_space<vmem_shared>> -> memref<64x64xf32, #tpu.memory_space<vmem_shared>>
      %dma_start3A_218 = arith.constant 0 : i32
      %dma_start3A_219 = tpu.memref_slice %arg25[%add3A_176, %dma_start3A_218] : memref<10240x64xf32, #tpu.memory_space<vmem_shared>> -> memref<64x64xf32, #tpu.memory_space<vmem_shared>>
      tpu.enqueue_dma source(%dma_start3A_219 : memref<64x64xf32, #tpu.memory_space<vmem_shared>>) target(%arg24 : memref<64x64xf32, #tpu.memory_space<vmem>>) target_semaphore(%run_scoped3A : memref<!tpu.dma_semaphore, #tpu.memory_space<semaphore_mem>>)
      %dma_wait3A_220 = arith.constant 0 : i32
      %dma_wait3A_221 = tpu.memref_slice %arg25[%add3A_176, %dma_wait3A_220] : memref<10240x64xf32, #tpu.memory_space<vmem_shared>> -> memref<64x64xf32, #tpu.memory_space<vmem_shared>>
      %dma_wait3A_222 = arith.constant 0 : i32
      %dma_wait3A_223 = tpu.memref_slice %arg25[%add3A_176, %dma_wait3A_222] : memref<10240x64xf32, #tpu.memory_space<vmem_shared>> -> memref<64x64xf32, #tpu.memory_space<vmem_shared>>
      tpu.wait_dma2 semaphore(%run_scoped3A : memref<!tpu.dma_semaphore, #tpu.memory_space<semaphore_mem>>) src(%dma_wait3A_223 : memref<64x64xf32, #tpu.memory_space<vmem_shared>>) dst(%arg24 : memref<64x64xf32, #tpu.memory_space<vmem>>)
      tpu.yield
    }) : () -> ()
    %add3A_177 = arith.constant 0 : i32
    %add3A_178 = arith.addi %mul3A_2, %add3A_177 : i32
    "tpu.region"() ({
      %run_scoped3A = tpu.sem_alloc : memref<!tpu.dma_semaphore, #tpu.memory_space<semaphore_mem>>
      %dma_start3A_216 = arith.constant 0 : i32
      %dma_start3A_217 = tpu.memref_slice %arg5[%arg0, %add3A_178, %dma_start3A_216] : memref<2x10240x64xf32, #tpu.memory_space<hbm>> -> memref<1x64x64xf32, #tpu.memory_space<hbm>>
      %dma_start3A_218 = tpu.memref_squeeze %dma_start3A_217 : memref<1x64x64xf32, #tpu.memory_space<hbm>> -> memref<64x64xf32, #tpu.memory_space<hbm>>
      %dma_start3A_219 = arith.constant 0 : i32
      %dma_start3A_220 = tpu.memref_slice %arg5[%arg0, %add3A_178, %dma_start3A_219] : memref<2x10240x64xf32, #tpu.memory_space<hbm>> -> memref<1x64x64xf32, #tpu.memory_space<hbm>>
      %dma_start3A_221 = tpu.memref_squeeze %dma_start3A_220 : memref<1x64x64xf32, #tpu.memory_space<hbm>> -> memref<64x64xf32, #tpu.memory_space<hbm>>
      tpu.enqueue_dma source(%arg24 : memref<64x64xf32, #tpu.memory_space<vmem>>) target(%dma_start3A_221 : memref<64x64xf32, #tpu.memory_space<hbm>>) target_semaphore(%run_scoped3A : memref<!tpu.dma_semaphore, #tpu.memory_space<semaphore_mem>>)
      %dma_wait3A_222 = arith.constant 0 : i32
      %dma_wait3A_223 = tpu.memref_slice %arg5[%arg0, %add3A_178, %dma_wait3A_222] : memref<2x10240x64xf32, #tpu.memory_space<hbm>> -> memref<1x64x64xf32, #tpu.memory_space<hbm>>
      %dma_wait3A_224 = tpu.memref_squeeze %dma_wait3A_223 : memref<1x64x64xf32, #tpu.memory_space<hbm>> -> memref<64x64xf32, #tpu.memory_space<hbm>>
      %dma_wait3A_225 = arith.constant 0 : i32
      %dma_wait3A_226 = tpu.memref_slice %arg5[%arg0, %add3A_178, %dma_wait3A_225] : memref<2x10240x64xf32, #tpu.memory_space<hbm>> -> memref<1x64x64xf32, #tpu.memory_space<hbm>>
      %dma_wait3A_227 = tpu.memref_squeeze %dma_wait3A_226 : memref<1x64x64xf32, #tpu.memory_space<hbm>> -> memref<64x64xf32, #tpu.memory_space<hbm>>
      tpu.wait_dma2 semaphore(%run_scoped3A : memref<!tpu.dma_semaphore, #tpu.memory_space<semaphore_mem>>) src(%arg24 : memref<64x64xf32, #tpu.memory_space<vmem>>) dst(%dma_wait3A_227 : memref<64x64xf32, #tpu.memory_space<hbm>>)
      tpu.yield
    }) : () -> ()
    %add3A_179 = arith.constant 64 : i32
    %add3A_180 = arith.addi %mul3A_2, %add3A_179 : i32
    "tpu.region"() ({
      %run_scoped3A = tpu.sem_alloc : memref<!tpu.dma_semaphore, #tpu.memory_space<semaphore_mem>>
      %dma_start3A_216 = arith.constant 0 : i32
      %dma_start3A_217 = tpu.memref_slice %arg25[%add3A_180, %dma_start3A_216] : memref<10240x64xf32, #tpu.memory_space<vmem_shared>> -> memref<64x64xf32, #tpu.memory_space<vmem_shared>>
      %dma_start3A_218 = arith.constant 0 : i32
      %dma_start3A_219 = tpu.memref_slice %arg25[%add3A_180, %dma_start3A_218] : memref<10240x64xf32, #tpu.memory_space<vmem_shared>> -> memref<64x64xf32, #tpu.memory_space<vmem_shared>>
      tpu.enqueue_dma source(%dma_start3A_219 : memref<64x64xf32, #tpu.memory_space<vmem_shared>>) target(%arg24 : memref<64x64xf32, #tpu.memory_space<vmem>>) target_semaphore(%run_scoped3A : memref<!tpu.dma_semaphore, #tpu.memory_space<semaphore_mem>>)
      %dma_wait3A_220 = arith.constant 0 : i32
      %dma_wait3A_221 = tpu.memref_slice %arg25[%add3A_180, %dma_wait3A_220] : memref<10240x64xf32, #tpu.memory_space<vmem_shared>> -> memref<64x64xf32, #tpu.memory_space<vmem_shared>>
      %dma_wait3A_222 = arith.constant 0 : i32
      %dma_wait3A_223 = tpu.memref_slice %arg25[%add3A_180, %dma_wait3A_222] : memref<10240x64xf32, #tpu.memory_space<vmem_shared>> -> memref<64x64xf32, #tpu.memory_space<vmem_shared>>
      tpu.wait_dma2 semaphore(%run_scoped3A : memref<!tpu.dma_semaphore, #tpu.memory_space<semaphore_mem>>) src(%dma_wait3A_223 : memref<64x64xf32, #tpu.memory_space<vmem_shared>>) dst(%arg24 : memref<64x64xf32, #tpu.memory_space<vmem>>)
      tpu.yield
    }) : () -> ()
    %add3A_181 = arith.constant 64 : i32
    %add3A_182 = arith.addi %mul3A_2, %add3A_181 : i32
    "tpu.region"() ({
      %run_scoped3A = tpu.sem_alloc : memref<!tpu.dma_semaphore, #tpu.memory_space<semaphore_mem>>
      %dma_start3A_216 = arith.constant 0 : i32
      %dma_start3A_217 = tpu.memref_slice %arg5[%arg0, %add3A_182, %dma_start3A_216] : memref<2x10240x64xf32, #tpu.memory_space<hbm>> -> memref<1x64x64xf32, #tpu.memory_space<hbm>>
      %dma_start3A_218 = tpu.memref_squeeze %dma_start3A_217 : memref<1x64x64xf32, #tpu.memory_space<hbm>> -> memref<64x64xf32, #tpu.memory_space<hbm>>
      %dma_start3A_219 = arith.constant 0 : i32
      %dma_start3A_220 = tpu.memref_slice %arg5[%arg0, %add3A_182, %dma_start3A_219] : memref<2x10240x64xf32, #tpu.memory_space<hbm>> -> memref<1x64x64xf32, #tpu.memory_space<hbm>>
      %dma_start3A_221 = tpu.memref_squeeze %dma_start3A_220 : memref<1x64x64xf32, #tpu.memory_space<hbm>> -> memref<64x64xf32, #tpu.memory_space<hbm>>
      tpu.enqueue_dma source(%arg24 : memref<64x64xf32, #tpu.memory_space<vmem>>) target(%dma_start3A_221 : memref<64x64xf32, #tpu.memory_space<hbm>>) target_semaphore(%run_scoped3A : memref<!tpu.dma_semaphore, #tpu.memory_space<semaphore_mem>>)
      %dma_wait3A_222 = arith.constant 0 : i32
      %dma_wait3A_223 = tpu.memref_slice %arg5[%arg0, %add3A_182, %dma_wait3A_222] : memref<2x10240x64xf32, #tpu.memory_space<hbm>> -> memref<1x64x64xf32, #tpu.memory_space<hbm>>
      %dma_wait3A_224 = tpu.memref_squeeze %dma_wait3A_223 : memref<1x64x64xf32, #tpu.memory_space<hbm>> -> memref<64x64xf32, #tpu.memory_space<hbm>>
      %dma_wait3A_225 = arith.constant 0 : i32
      %dma_wait3A_226 = tpu.memref_slice %arg5[%arg0, %add3A_182, %dma_wait3A_225] : memref<2x10240x64xf32, #tpu.memory_space<hbm>> -> memref<1x64x64xf32, #tpu.memory_space<hbm>>
      %dma_wait3A_227 = tpu.memref_squeeze %dma_wait3A_226 : memref<1x64x64xf32, #tpu.memory_space<hbm>> -> memref<64x64xf32, #tpu.memory_space<hbm>>
      tpu.wait_dma2 semaphore(%run_scoped3A : memref<!tpu.dma_semaphore, #tpu.memory_space<semaphore_mem>>) src(%arg24 : memref<64x64xf32, #tpu.memory_space<vmem>>) dst(%dma_wait3A_227 : memref<64x64xf32, #tpu.memory_space<hbm>>)
      tpu.yield
    }) : () -> ()
    %add3A_183 = arith.constant 128 : i32
    %add3A_184 = arith.addi %mul3A_2, %add3A_183 : i32
    "tpu.region"() ({
      %run_scoped3A = tpu.sem_alloc : memref<!tpu.dma_semaphore, #tpu.memory_space<semaphore_mem>>
      %dma_start3A_216 = arith.constant 0 : i32
      %dma_start3A_217 = tpu.memref_slice %arg25[%add3A_184, %dma_start3A_216] : memref<10240x64xf32, #tpu.memory_space<vmem_shared>> -> memref<64x64xf32, #tpu.memory_space<vmem_shared>>
      %dma_start3A_218 = arith.constant 0 : i32
      %dma_start3A_219 = tpu.memref_slice %arg25[%add3A_184, %dma_start3A_218] : memref<10240x64xf32, #tpu.memory_space<vmem_shared>> -> memref<64x64xf32, #tpu.memory_space<vmem_shared>>
      tpu.enqueue_dma source(%dma_start3A_219 : memref<64x64xf32, #tpu.memory_space<vmem_shared>>) target(%arg24 : memref<64x64xf32, #tpu.memory_space<vmem>>) target_semaphore(%run_scoped3A : memref<!tpu.dma_semaphore, #tpu.memory_space<semaphore_mem>>)
      %dma_wait3A_220 = arith.constant 0 : i32
      %dma_wait3A_221 = tpu.memref_slice %arg25[%add3A_184, %dma_wait3A_220] : memref<10240x64xf32, #tpu.memory_space<vmem_shared>> -> memref<64x64xf32, #tpu.memory_space<vmem_shared>>
      %dma_wait3A_222 = arith.constant 0 : i32
      %dma_wait3A_223 = tpu.memref_slice %arg25[%add3A_184, %dma_wait3A_222] : memref<10240x64xf32, #tpu.memory_space<vmem_shared>> -> memref<64x64xf32, #tpu.memory_space<vmem_shared>>
      tpu.wait_dma2 semaphore(%run_scoped3A : memref<!tpu.dma_semaphore, #tpu.memory_space<semaphore_mem>>) src(%dma_wait3A_223 : memref<64x64xf32, #tpu.memory_space<vmem_shared>>) dst(%arg24 : memref<64x64xf32, #tpu.memory_space<vmem>>)
      tpu.yield
    }) : () -> ()
    %add3A_185 = arith.constant 128 : i32
    %add3A_186 = arith.addi %mul3A_2, %add3A_185 : i32
    "tpu.region"() ({
      %run_scoped3A = tpu.sem_alloc : memref<!tpu.dma_semaphore, #tpu.memory_space<semaphore_mem>>
      %dma_start3A_216 = arith.constant 0 : i32
      %dma_start3A_217 = tpu.memref_slice %arg5[%arg0, %add3A_186, %dma_start3A_216] : memref<2x10240x64xf32, #tpu.memory_space<hbm>> -> memref<1x64x64xf32, #tpu.memory_space<hbm>>
      %dma_start3A_218 = tpu.memref_squeeze %dma_start3A_217 : memref<1x64x64xf32, #tpu.memory_space<hbm>> -> memref<64x64xf32, #tpu.memory_space<hbm>>
      %dma_start3A_219 = arith.constant 0 : i32
      %dma_start3A_220 = tpu.memref_slice %arg5[%arg0, %add3A_186, %dma_start3A_219] : memref<2x10240x64xf32, #tpu.memory_space<hbm>> -> memref<1x64x64xf32, #tpu.memory_space<hbm>>
      %dma_start3A_221 = tpu.memref_squeeze %dma_start3A_220 : memref<1x64x64xf32, #tpu.memory_space<hbm>> -> memref<64x64xf32, #tpu.memory_space<hbm>>
      tpu.enqueue_dma source(%arg24 : memref<64x64xf32, #tpu.memory_space<vmem>>) target(%dma_start3A_221 : memref<64x64xf32, #tpu.memory_space<hbm>>) target_semaphore(%run_scoped3A : memref<!tpu.dma_semaphore, #tpu.memory_space<semaphore_mem>>)
      %dma_wait3A_222 = arith.constant 0 : i32
      %dma_wait3A_223 = tpu.memref_slice %arg5[%arg0, %add3A_186, %dma_wait3A_222] : memref<2x10240x64xf32, #tpu.memory_space<hbm>> -> memref<1x64x64xf32, #tpu.memory_space<hbm>>
      %dma_wait3A_224 = tpu.memref_squeeze %dma_wait3A_223 : memref<1x64x64xf32, #tpu.memory_space<hbm>> -> memref<64x64xf32, #tpu.memory_space<hbm>>
      %dma_wait3A_225 = arith.constant 0 : i32
      %dma_wait3A_226 = tpu.memref_slice %arg5[%arg0, %add3A_186, %dma_wait3A_225] : memref<2x10240x64xf32, #tpu.memory_space<hbm>> -> memref<1x64x64xf32, #tpu.memory_space<hbm>>
      %dma_wait3A_227 = tpu.memref_squeeze %dma_wait3A_226 : memref<1x64x64xf32, #tpu.memory_space<hbm>> -> memref<64x64xf32, #tpu.memory_space<hbm>>
      tpu.wait_dma2 semaphore(%run_scoped3A : memref<!tpu.dma_semaphore, #tpu.memory_space<semaphore_mem>>) src(%arg24 : memref<64x64xf32, #tpu.memory_space<vmem>>) dst(%dma_wait3A_227 : memref<64x64xf32, #tpu.memory_space<hbm>>)
      tpu.yield
    }) : () -> ()
    %add3A_187 = arith.constant 192 : i32
    %add3A_188 = arith.addi %mul3A_2, %add3A_187 : i32
    "tpu.region"() ({
      %run_scoped3A = tpu.sem_alloc : memref<!tpu.dma_semaphore, #tpu.memory_space<semaphore_mem>>
      %dma_start3A_216 = arith.constant 0 : i32
      %dma_start3A_217 = tpu.memref_slice %arg25[%add3A_188, %dma_start3A_216] : memref<10240x64xf32, #tpu.memory_space<vmem_shared>> -> memref<64x64xf32, #tpu.memory_space<vmem_shared>>
      %dma_start3A_218 = arith.constant 0 : i32
      %dma_start3A_219 = tpu.memref_slice %arg25[%add3A_188, %dma_start3A_218] : memref<10240x64xf32, #tpu.memory_space<vmem_shared>> -> memref<64x64xf32, #tpu.memory_space<vmem_shared>>
      tpu.enqueue_dma source(%dma_start3A_219 : memref<64x64xf32, #tpu.memory_space<vmem_shared>>) target(%arg24 : memref<64x64xf32, #tpu.memory_space<vmem>>) target_semaphore(%run_scoped3A : memref<!tpu.dma_semaphore, #tpu.memory_space<semaphore_mem>>)
      %dma_wait3A_220 = arith.constant 0 : i32
      %dma_wait3A_221 = tpu.memref_slice %arg25[%add3A_188, %dma_wait3A_220] : memref<10240x64xf32, #tpu.memory_space<vmem_shared>> -> memref<64x64xf32, #tpu.memory_space<vmem_shared>>
      %dma_wait3A_222 = arith.constant 0 : i32
      %dma_wait3A_223 = tpu.memref_slice %arg25[%add3A_188, %dma_wait3A_222] : memref<10240x64xf32, #tpu.memory_space<vmem_shared>> -> memref<64x64xf32, #tpu.memory_space<vmem_shared>>
      tpu.wait_dma2 semaphore(%run_scoped3A : memref<!tpu.dma_semaphore, #tpu.memory_space<semaphore_mem>>) src(%dma_wait3A_223 : memref<64x64xf32, #tpu.memory_space<vmem_shared>>) dst(%arg24 : memref<64x64xf32, #tpu.memory_space<vmem>>)
      tpu.yield
    }) : () -> ()
    %add3A_189 = arith.constant 192 : i32
    %add3A_190 = arith.addi %mul3A_2, %add3A_189 : i32
    "tpu.region"() ({
      %run_scoped3A = tpu.sem_alloc : memref<!tpu.dma_semaphore, #tpu.memory_space<semaphore_mem>>
      %dma_start3A_216 = arith.constant 0 : i32
      %dma_start3A_217 = tpu.memref_slice %arg5[%arg0, %add3A_190, %dma_start3A_216] : memref<2x10240x64xf32, #tpu.memory_space<hbm>> -> memref<1x64x64xf32, #tpu.memory_space<hbm>>
      %dma_start3A_218 = tpu.memref_squeeze %dma_start3A_217 : memref<1x64x64xf32, #tpu.memory_space<hbm>> -> memref<64x64xf32, #tpu.memory_space<hbm>>
      %dma_start3A_219 = arith.constant 0 : i32
      %dma_start3A_220 = tpu.memref_slice %arg5[%arg0, %add3A_190, %dma_start3A_219] : memref<2x10240x64xf32, #tpu.memory_space<hbm>> -> memref<1x64x64xf32, #tpu.memory_space<hbm>>
      %dma_start3A_221 = tpu.memref_squeeze %dma_start3A_220 : memref<1x64x64xf32, #tpu.memory_space<hbm>> -> memref<64x64xf32, #tpu.memory_space<hbm>>
      tpu.enqueue_dma source(%arg24 : memref<64x64xf32, #tpu.memory_space<vmem>>) target(%dma_start3A_221 : memref<64x64xf32, #tpu.memory_space<hbm>>) target_semaphore(%run_scoped3A : memref<!tpu.dma_semaphore, #tpu.memory_space<semaphore_mem>>)
      %dma_wait3A_222 = arith.constant 0 : i32
      %dma_wait3A_223 = tpu.memref_slice %arg5[%arg0, %add3A_190, %dma_wait3A_222] : memref<2x10240x64xf32, #tpu.memory_space<hbm>> -> memref<1x64x64xf32, #tpu.memory_space<hbm>>
      %dma_wait3A_224 = tpu.memref_squeeze %dma_wait3A_223 : memref<1x64x64xf32, #tpu.memory_space<hbm>> -> memref<64x64xf32, #tpu.memory_space<hbm>>
      %dma_wait3A_225 = arith.constant 0 : i32
      %dma_wait3A_226 = tpu.memref_slice %arg5[%arg0, %add3A_190, %dma_wait3A_225] : memref<2x10240x64xf32, #tpu.memory_space<hbm>> -> memref<1x64x64xf32, #tpu.memory_space<hbm>>
      %dma_wait3A_227 = tpu.memref_squeeze %dma_wait3A_226 : memref<1x64x64xf32, #tpu.memory_space<hbm>> -> memref<64x64xf32, #tpu.memory_space<hbm>>
      tpu.wait_dma2 semaphore(%run_scoped3A : memref<!tpu.dma_semaphore, #tpu.memory_space<semaphore_mem>>) src(%arg24 : memref<64x64xf32, #tpu.memory_space<vmem>>) dst(%dma_wait3A_227 : memref<64x64xf32, #tpu.memory_space<hbm>>)
      tpu.yield
    }) : () -> ()
    %add3A_191 = arith.constant 256 : i32
    %add3A_192 = arith.addi %mul3A_2, %add3A_191 : i32
    "tpu.region"() ({
      %run_scoped3A = tpu.sem_alloc : memref<!tpu.dma_semaphore, #tpu.memory_space<semaphore_mem>>
      %dma_start3A_216 = arith.constant 0 : i32
      %dma_start3A_217 = tpu.memref_slice %arg25[%add3A_192, %dma_start3A_216] : memref<10240x64xf32, #tpu.memory_space<vmem_shared>> -> memref<64x64xf32, #tpu.memory_space<vmem_shared>>
      %dma_start3A_218 = arith.constant 0 : i32
      %dma_start3A_219 = tpu.memref_slice %arg25[%add3A_192, %dma_start3A_218] : memref<10240x64xf32, #tpu.memory_space<vmem_shared>> -> memref<64x64xf32, #tpu.memory_space<vmem_shared>>
      tpu.enqueue_dma source(%dma_start3A_219 : memref<64x64xf32, #tpu.memory_space<vmem_shared>>) target(%arg24 : memref<64x64xf32, #tpu.memory_space<vmem>>) target_semaphore(%run_scoped3A : memref<!tpu.dma_semaphore, #tpu.memory_space<semaphore_mem>>)
      %dma_wait3A_220 = arith.constant 0 : i32
      %dma_wait3A_221 = tpu.memref_slice %arg25[%add3A_192, %dma_wait3A_220] : memref<10240x64xf32, #tpu.memory_space<vmem_shared>> -> memref<64x64xf32, #tpu.memory_space<vmem_shared>>
      %dma_wait3A_222 = arith.constant 0 : i32
      %dma_wait3A_223 = tpu.memref_slice %arg25[%add3A_192, %dma_wait3A_222] : memref<10240x64xf32, #tpu.memory_space<vmem_shared>> -> memref<64x64xf32, #tpu.memory_space<vmem_shared>>
      tpu.wait_dma2 semaphore(%run_scoped3A : memref<!tpu.dma_semaphore, #tpu.memory_space<semaphore_mem>>) src(%dma_wait3A_223 : memref<64x64xf32, #tpu.memory_space<vmem_shared>>) dst(%arg24 : memref<64x64xf32, #tpu.memory_space<vmem>>)
      tpu.yield
    }) : () -> ()
    %add3A_193 = arith.constant 256 : i32
    %add3A_194 = arith.addi %mul3A_2, %add3A_193 : i32
    "tpu.region"() ({
      %run_scoped3A = tpu.sem_alloc : memref<!tpu.dma_semaphore, #tpu.memory_space<semaphore_mem>>
      %dma_start3A_216 = arith.constant 0 : i32
      %dma_start3A_217 = tpu.memref_slice %arg5[%arg0, %add3A_194, %dma_start3A_216] : memref<2x10240x64xf32, #tpu.memory_space<hbm>> -> memref<1x64x64xf32, #tpu.memory_space<hbm>>
      %dma_start3A_218 = tpu.memref_squeeze %dma_start3A_217 : memref<1x64x64xf32, #tpu.memory_space<hbm>> -> memref<64x64xf32, #tpu.memory_space<hbm>>
      %dma_start3A_219 = arith.constant 0 : i32
      %dma_start3A_220 = tpu.memref_slice %arg5[%arg0, %add3A_194, %dma_start3A_219] : memref<2x10240x64xf32, #tpu.memory_space<hbm>> -> memref<1x64x64xf32, #tpu.memory_space<hbm>>
      %dma_start3A_221 = tpu.memref_squeeze %dma_start3A_220 : memref<1x64x64xf32, #tpu.memory_space<hbm>> -> memref<64x64xf32, #tpu.memory_space<hbm>>
      tpu.enqueue_dma source(%arg24 : memref<64x64xf32, #tpu.memory_space<vmem>>) target(%dma_start3A_221 : memref<64x64xf32, #tpu.memory_space<hbm>>) target_semaphore(%run_scoped3A : memref<!tpu.dma_semaphore, #tpu.memory_space<semaphore_mem>>)
      %dma_wait3A_222 = arith.constant 0 : i32
      %dma_wait3A_223 = tpu.memref_slice %arg5[%arg0, %add3A_194, %dma_wait3A_222] : memref<2x10240x64xf32, #tpu.memory_space<hbm>> -> memref<1x64x64xf32, #tpu.memory_space<hbm>>
      %dma_wait3A_224 = tpu.memref_squeeze %dma_wait3A_223 : memref<1x64x64xf32, #tpu.memory_space<hbm>> -> memref<64x64xf32, #tpu.memory_space<hbm>>
      %dma_wait3A_225 = arith.constant 0 : i32
      %dma_wait3A_226 = tpu.memref_slice %arg5[%arg0, %add3A_194, %dma_wait3A_225] : memref<2x10240x64xf32, #tpu.memory_space<hbm>> -> memref<1x64x64xf32, #tpu.memory_space<hbm>>
      %dma_wait3A_227 = tpu.memref_squeeze %dma_wait3A_226 : memref<1x64x64xf32, #tpu.memory_space<hbm>> -> memref<64x64xf32, #tpu.memory_space<hbm>>
      tpu.wait_dma2 semaphore(%run_scoped3A : memref<!tpu.dma_semaphore, #tpu.memory_space<semaphore_mem>>) src(%arg24 : memref<64x64xf32, #tpu.memory_space<vmem>>) dst(%dma_wait3A_227 : memref<64x64xf32, #tpu.memory_space<hbm>>)
      tpu.yield
    }) : () -> ()
    %add3A_195 = arith.constant 320 : i32
    %add3A_196 = arith.addi %mul3A_2, %add3A_195 : i32
    "tpu.region"() ({
      %run_scoped3A = tpu.sem_alloc : memref<!tpu.dma_semaphore, #tpu.memory_space<semaphore_mem>>
      %dma_start3A_216 = arith.constant 0 : i32
      %dma_start3A_217 = tpu.memref_slice %arg25[%add3A_196, %dma_start3A_216] : memref<10240x64xf32, #tpu.memory_space<vmem_shared>> -> memref<64x64xf32, #tpu.memory_space<vmem_shared>>
      %dma_start3A_218 = arith.constant 0 : i32
      %dma_start3A_219 = tpu.memref_slice %arg25[%add3A_196, %dma_start3A_218] : memref<10240x64xf32, #tpu.memory_space<vmem_shared>> -> memref<64x64xf32, #tpu.memory_space<vmem_shared>>
      tpu.enqueue_dma source(%dma_start3A_219 : memref<64x64xf32, #tpu.memory_space<vmem_shared>>) target(%arg24 : memref<64x64xf32, #tpu.memory_space<vmem>>) target_semaphore(%run_scoped3A : memref<!tpu.dma_semaphore, #tpu.memory_space<semaphore_mem>>)
      %dma_wait3A_220 = arith.constant 0 : i32
      %dma_wait3A_221 = tpu.memref_slice %arg25[%add3A_196, %dma_wait3A_220] : memref<10240x64xf32, #tpu.memory_space<vmem_shared>> -> memref<64x64xf32, #tpu.memory_space<vmem_shared>>
      %dma_wait3A_222 = arith.constant 0 : i32
      %dma_wait3A_223 = tpu.memref_slice %arg25[%add3A_196, %dma_wait3A_222] : memref<10240x64xf32, #tpu.memory_space<vmem_shared>> -> memref<64x64xf32, #tpu.memory_space<vmem_shared>>
      tpu.wait_dma2 semaphore(%run_scoped3A : memref<!tpu.dma_semaphore, #tpu.memory_space<semaphore_mem>>) src(%dma_wait3A_223 : memref<64x64xf32, #tpu.memory_space<vmem_shared>>) dst(%arg24 : memref<64x64xf32, #tpu.memory_space<vmem>>)
      tpu.yield
    }) : () -> ()
    %add3A_197 = arith.constant 320 : i32
    %add3A_198 = arith.addi %mul3A_2, %add3A_197 : i32
    "tpu.region"() ({
      %run_scoped3A = tpu.sem_alloc : memref<!tpu.dma_semaphore, #tpu.memory_space<semaphore_mem>>
      %dma_start3A_216 = arith.constant 0 : i32
      %dma_start3A_217 = tpu.memref_slice %arg5[%arg0, %add3A_198, %dma_start3A_216] : memref<2x10240x64xf32, #tpu.memory_space<hbm>> -> memref<1x64x64xf32, #tpu.memory_space<hbm>>
      %dma_start3A_218 = tpu.memref_squeeze %dma_start3A_217 : memref<1x64x64xf32, #tpu.memory_space<hbm>> -> memref<64x64xf32, #tpu.memory_space<hbm>>
      %dma_start3A_219 = arith.constant 0 : i32
      %dma_start3A_220 = tpu.memref_slice %arg5[%arg0, %add3A_198, %dma_start3A_219] : memref<2x10240x64xf32, #tpu.memory_space<hbm>> -> memref<1x64x64xf32, #tpu.memory_space<hbm>>
      %dma_start3A_221 = tpu.memref_squeeze %dma_start3A_220 : memref<1x64x64xf32, #tpu.memory_space<hbm>> -> memref<64x64xf32, #tpu.memory_space<hbm>>
      tpu.enqueue_dma source(%arg24 : memref<64x64xf32, #tpu.memory_space<vmem>>) target(%dma_start3A_221 : memref<64x64xf32, #tpu.memory_space<hbm>>) target_semaphore(%run_scoped3A : memref<!tpu.dma_semaphore, #tpu.memory_space<semaphore_mem>>)
      %dma_wait3A_222 = arith.constant 0 : i32
      %dma_wait3A_223 = tpu.memref_slice %arg5[%arg0, %add3A_198, %dma_wait3A_222] : memref<2x10240x64xf32, #tpu.memory_space<hbm>> -> memref<1x64x64xf32, #tpu.memory_space<hbm>>
      %dma_wait3A_224 = tpu.memref_squeeze %dma_wait3A_223 : memref<1x64x64xf32, #tpu.memory_space<hbm>> -> memref<64x64xf32, #tpu.memory_space<hbm>>
      %dma_wait3A_225 = arith.constant 0 : i32
      %dma_wait3A_226 = tpu.memref_slice %arg5[%arg0, %add3A_198, %dma_wait3A_225] : memref<2x10240x64xf32, #tpu.memory_space<hbm>> -> memref<1x64x64xf32, #tpu.memory_space<hbm>>
      %dma_wait3A_227 = tpu.memref_squeeze %dma_wait3A_226 : memref<1x64x64xf32, #tpu.memory_space<hbm>> -> memref<64x64xf32, #tpu.memory_space<hbm>>
      tpu.wait_dma2 semaphore(%run_scoped3A : memref<!tpu.dma_semaphore, #tpu.memory_space<semaphore_mem>>) src(%arg24 : memref<64x64xf32, #tpu.memory_space<vmem>>) dst(%dma_wait3A_227 : memref<64x64xf32, #tpu.memory_space<hbm>>)
      tpu.yield
    }) : () -> ()
    %add3A_199 = arith.constant 384 : i32
    %add3A_200 = arith.addi %mul3A_2, %add3A_199 : i32
    "tpu.region"() ({
      %run_scoped3A = tpu.sem_alloc : memref<!tpu.dma_semaphore, #tpu.memory_space<semaphore_mem>>
      %dma_start3A_216 = arith.constant 0 : i32
      %dma_start3A_217 = tpu.memref_slice %arg25[%add3A_200, %dma_start3A_216] : memref<10240x64xf32, #tpu.memory_space<vmem_shared>> -> memref<64x64xf32, #tpu.memory_space<vmem_shared>>
      %dma_start3A_218 = arith.constant 0 : i32
      %dma_start3A_219 = tpu.memref_slice %arg25[%add3A_200, %dma_start3A_218] : memref<10240x64xf32, #tpu.memory_space<vmem_shared>> -> memref<64x64xf32, #tpu.memory_space<vmem_shared>>
      tpu.enqueue_dma source(%dma_start3A_219 : memref<64x64xf32, #tpu.memory_space<vmem_shared>>) target(%arg24 : memref<64x64xf32, #tpu.memory_space<vmem>>) target_semaphore(%run_scoped3A : memref<!tpu.dma_semaphore, #tpu.memory_space<semaphore_mem>>)
      %dma_wait3A_220 = arith.constant 0 : i32
      %dma_wait3A_221 = tpu.memref_slice %arg25[%add3A_200, %dma_wait3A_220] : memref<10240x64xf32, #tpu.memory_space<vmem_shared>> -> memref<64x64xf32, #tpu.memory_space<vmem_shared>>
      %dma_wait3A_222 = arith.constant 0 : i32
      %dma_wait3A_223 = tpu.memref_slice %arg25[%add3A_200, %dma_wait3A_222] : memref<10240x64xf32, #tpu.memory_space<vmem_shared>> -> memref<64x64xf32, #tpu.memory_space<vmem_shared>>
      tpu.wait_dma2 semaphore(%run_scoped3A : memref<!tpu.dma_semaphore, #tpu.memory_space<semaphore_mem>>) src(%dma_wait3A_223 : memref<64x64xf32, #tpu.memory_space<vmem_shared>>) dst(%arg24 : memref<64x64xf32, #tpu.memory_space<vmem>>)
      tpu.yield
    }) : () -> ()
    %add3A_201 = arith.constant 384 : i32
    %add3A_202 = arith.addi %mul3A_2, %add3A_201 : i32
    "tpu.region"() ({
      %run_scoped3A = tpu.sem_alloc : memref<!tpu.dma_semaphore, #tpu.memory_space<semaphore_mem>>
      %dma_start3A_216 = arith.constant 0 : i32
      %dma_start3A_217 = tpu.memref_slice %arg5[%arg0, %add3A_202, %dma_start3A_216] : memref<2x10240x64xf32, #tpu.memory_space<hbm>> -> memref<1x64x64xf32, #tpu.memory_space<hbm>>
      %dma_start3A_218 = tpu.memref_squeeze %dma_start3A_217 : memref<1x64x64xf32, #tpu.memory_space<hbm>> -> memref<64x64xf32, #tpu.memory_space<hbm>>
      %dma_start3A_219 = arith.constant 0 : i32
      %dma_start3A_220 = tpu.memref_slice %arg5[%arg0, %add3A_202, %dma_start3A_219] : memref<2x10240x64xf32, #tpu.memory_space<hbm>> -> memref<1x64x64xf32, #tpu.memory_space<hbm>>
      %dma_start3A_221 = tpu.memref_squeeze %dma_start3A_220 : memref<1x64x64xf32, #tpu.memory_space<hbm>> -> memref<64x64xf32, #tpu.memory_space<hbm>>
      tpu.enqueue_dma source(%arg24 : memref<64x64xf32, #tpu.memory_space<vmem>>) target(%dma_start3A_221 : memref<64x64xf32, #tpu.memory_space<hbm>>) target_semaphore(%run_scoped3A : memref<!tpu.dma_semaphore, #tpu.memory_space<semaphore_mem>>)
      %dma_wait3A_222 = arith.constant 0 : i32
      %dma_wait3A_223 = tpu.memref_slice %arg5[%arg0, %add3A_202, %dma_wait3A_222] : memref<2x10240x64xf32, #tpu.memory_space<hbm>> -> memref<1x64x64xf32, #tpu.memory_space<hbm>>
      %dma_wait3A_224 = tpu.memref_squeeze %dma_wait3A_223 : memref<1x64x64xf32, #tpu.memory_space<hbm>> -> memref<64x64xf32, #tpu.memory_space<hbm>>
      %dma_wait3A_225 = arith.constant 0 : i32
      %dma_wait3A_226 = tpu.memref_slice %arg5[%arg0, %add3A_202, %dma_wait3A_225] : memref<2x10240x64xf32, #tpu.memory_space<hbm>> -> memref<1x64x64xf32, #tpu.memory_space<hbm>>
      %dma_wait3A_227 = tpu.memref_squeeze %dma_wait3A_226 : memref<1x64x64xf32, #tpu.memory_space<hbm>> -> memref<64x64xf32, #tpu.memory_space<hbm>>
      tpu.wait_dma2 semaphore(%run_scoped3A : memref<!tpu.dma_semaphore, #tpu.memory_space<semaphore_mem>>) src(%arg24 : memref<64x64xf32, #tpu.memory_space<vmem>>) dst(%dma_wait3A_227 : memref<64x64xf32, #tpu.memory_space<hbm>>)
      tpu.yield
    }) : () -> ()
    %add3A_203 = arith.constant 448 : i32
    %add3A_204 = arith.addi %mul3A_2, %add3A_203 : i32
    "tpu.region"() ({
      %run_scoped3A = tpu.sem_alloc : memref<!tpu.dma_semaphore, #tpu.memory_space<semaphore_mem>>
      %dma_start3A_216 = arith.constant 0 : i32
      %dma_start3A_217 = tpu.memref_slice %arg25[%add3A_204, %dma_start3A_216] : memref<10240x64xf32, #tpu.memory_space<vmem_shared>> -> memref<64x64xf32, #tpu.memory_space<vmem_shared>>
      %dma_start3A_218 = arith.constant 0 : i32
      %dma_start3A_219 = tpu.memref_slice %arg25[%add3A_204, %dma_start3A_218] : memref<10240x64xf32, #tpu.memory_space<vmem_shared>> -> memref<64x64xf32, #tpu.memory_space<vmem_shared>>
      tpu.enqueue_dma source(%dma_start3A_219 : memref<64x64xf32, #tpu.memory_space<vmem_shared>>) target(%arg24 : memref<64x64xf32, #tpu.memory_space<vmem>>) target_semaphore(%run_scoped3A : memref<!tpu.dma_semaphore, #tpu.memory_space<semaphore_mem>>)
      %dma_wait3A_220 = arith.constant 0 : i32
      %dma_wait3A_221 = tpu.memref_slice %arg25[%add3A_204, %dma_wait3A_220] : memref<10240x64xf32, #tpu.memory_space<vmem_shared>> -> memref<64x64xf32, #tpu.memory_space<vmem_shared>>
      %dma_wait3A_222 = arith.constant 0 : i32
      %dma_wait3A_223 = tpu.memref_slice %arg25[%add3A_204, %dma_wait3A_222] : memref<10240x64xf32, #tpu.memory_space<vmem_shared>> -> memref<64x64xf32, #tpu.memory_space<vmem_shared>>
      tpu.wait_dma2 semaphore(%run_scoped3A : memref<!tpu.dma_semaphore, #tpu.memory_space<semaphore_mem>>) src(%dma_wait3A_223 : memref<64x64xf32, #tpu.memory_space<vmem_shared>>) dst(%arg24 : memref<64x64xf32, #tpu.memory_space<vmem>>)
      tpu.yield
    }) : () -> ()
    %add3A_205 = arith.constant 448 : i32
    %add3A_206 = arith.addi %mul3A_2, %add3A_205 : i32
    "tpu.region"() ({
      %run_scoped3A = tpu.sem_alloc : memref<!tpu.dma_semaphore, #tpu.memory_space<semaphore_mem>>
      %dma_start3A_216 = arith.constant 0 : i32
      %dma_start3A_217 = tpu.memref_slice %arg5[%arg0, %add3A_206, %dma_start3A_216] : memref<2x10240x64xf32, #tpu.memory_space<hbm>> -> memref<1x64x64xf32, #tpu.memory_space<hbm>>
      %dma_start3A_218 = tpu.memref_squeeze %dma_start3A_217 : memref<1x64x64xf32, #tpu.memory_space<hbm>> -> memref<64x64xf32, #tpu.memory_space<hbm>>
      %dma_start3A_219 = arith.constant 0 : i32
      %dma_start3A_220 = tpu.memref_slice %arg5[%arg0, %add3A_206, %dma_start3A_219] : memref<2x10240x64xf32, #tpu.memory_space<hbm>> -> memref<1x64x64xf32, #tpu.memory_space<hbm>>
      %dma_start3A_221 = tpu.memref_squeeze %dma_start3A_220 : memref<1x64x64xf32, #tpu.memory_space<hbm>> -> memref<64x64xf32, #tpu.memory_space<hbm>>
      tpu.enqueue_dma source(%arg24 : memref<64x64xf32, #tpu.memory_space<vmem>>) target(%dma_start3A_221 : memref<64x64xf32, #tpu.memory_space<hbm>>) target_semaphore(%run_scoped3A : memref<!tpu.dma_semaphore, #tpu.memory_space<semaphore_mem>>)
      %dma_wait3A_222 = arith.constant 0 : i32
      %dma_wait3A_223 = tpu.memref_slice %arg5[%arg0, %add3A_206, %dma_wait3A_222] : memref<2x10240x64xf32, #tpu.memory_space<hbm>> -> memref<1x64x64xf32, #tpu.memory_space<hbm>>
      %dma_wait3A_224 = tpu.memref_squeeze %dma_wait3A_223 : memref<1x64x64xf32, #tpu.memory_space<hbm>> -> memref<64x64xf32, #tpu.memory_space<hbm>>
      %dma_wait3A_225 = arith.constant 0 : i32
      %dma_wait3A_226 = tpu.memref_slice %arg5[%arg0, %add3A_206, %dma_wait3A_225] : memref<2x10240x64xf32, #tpu.memory_space<hbm>> -> memref<1x64x64xf32, #tpu.memory_space<hbm>>
      %dma_wait3A_227 = tpu.memref_squeeze %dma_wait3A_226 : memref<1x64x64xf32, #tpu.memory_space<hbm>> -> memref<64x64xf32, #tpu.memory_space<hbm>>
      tpu.wait_dma2 semaphore(%run_scoped3A : memref<!tpu.dma_semaphore, #tpu.memory_space<semaphore_mem>>) src(%arg24 : memref<64x64xf32, #tpu.memory_space<vmem>>) dst(%dma_wait3A_227 : memref<64x64xf32, #tpu.memory_space<hbm>>)
      tpu.yield
    }) : () -> ()
    %add3A_207 = arith.constant 512 : i32
    %add3A_208 = arith.addi %mul3A_2, %add3A_207 : i32
    "tpu.region"() ({
      %run_scoped3A = tpu.sem_alloc : memref<!tpu.dma_semaphore, #tpu.memory_space<semaphore_mem>>
      %dma_start3A_216 = arith.constant 0 : i32
      %dma_start3A_217 = tpu.memref_slice %arg25[%add3A_208, %dma_start3A_216] : memref<10240x64xf32, #tpu.memory_space<vmem_shared>> -> memref<64x64xf32, #tpu.memory_space<vmem_shared>>
      %dma_start3A_218 = arith.constant 0 : i32
      %dma_start3A_219 = tpu.memref_slice %arg25[%add3A_208, %dma_start3A_218] : memref<10240x64xf32, #tpu.memory_space<vmem_shared>> -> memref<64x64xf32, #tpu.memory_space<vmem_shared>>
      tpu.enqueue_dma source(%dma_start3A_219 : memref<64x64xf32, #tpu.memory_space<vmem_shared>>) target(%arg24 : memref<64x64xf32, #tpu.memory_space<vmem>>) target_semaphore(%run_scoped3A : memref<!tpu.dma_semaphore, #tpu.memory_space<semaphore_mem>>)
      %dma_wait3A_220 = arith.constant 0 : i32
      %dma_wait3A_221 = tpu.memref_slice %arg25[%add3A_208, %dma_wait3A_220] : memref<10240x64xf32, #tpu.memory_space<vmem_shared>> -> memref<64x64xf32, #tpu.memory_space<vmem_shared>>
      %dma_wait3A_222 = arith.constant 0 : i32
      %dma_wait3A_223 = tpu.memref_slice %arg25[%add3A_208, %dma_wait3A_222] : memref<10240x64xf32, #tpu.memory_space<vmem_shared>> -> memref<64x64xf32, #tpu.memory_space<vmem_shared>>
      tpu.wait_dma2 semaphore(%run_scoped3A : memref<!tpu.dma_semaphore, #tpu.memory_space<semaphore_mem>>) src(%dma_wait3A_223 : memref<64x64xf32, #tpu.memory_space<vmem_shared>>) dst(%arg24 : memref<64x64xf32, #tpu.memory_space<vmem>>)
      tpu.yield
    }) : () -> ()
    %add3A_209 = arith.constant 512 : i32
    %add3A_210 = arith.addi %mul3A_2, %add3A_209 : i32
    "tpu.region"() ({
      %run_scoped3A = tpu.sem_alloc : memref<!tpu.dma_semaphore, #tpu.memory_space<semaphore_mem>>
      %dma_start3A_216 = arith.constant 0 : i32
      %dma_start3A_217 = tpu.memref_slice %arg5[%arg0, %add3A_210, %dma_start3A_216] : memref<2x10240x64xf32, #tpu.memory_space<hbm>> -> memref<1x64x64xf32, #tpu.memory_space<hbm>>
      %dma_start3A_218 = tpu.memref_squeeze %dma_start3A_217 : memref<1x64x64xf32, #tpu.memory_space<hbm>> -> memref<64x64xf32, #tpu.memory_space<hbm>>
      %dma_start3A_219 = arith.constant 0 : i32
      %dma_start3A_220 = tpu.memref_slice %arg5[%arg0, %add3A_210, %dma_start3A_219] : memref<2x10240x64xf32, #tpu.memory_space<hbm>> -> memref<1x64x64xf32, #tpu.memory_space<hbm>>
      %dma_start3A_221 = tpu.memref_squeeze %dma_start3A_220 : memref<1x64x64xf32, #tpu.memory_space<hbm>> -> memref<64x64xf32, #tpu.memory_space<hbm>>
      tpu.enqueue_dma source(%arg24 : memref<64x64xf32, #tpu.memory_space<vmem>>) target(%dma_start3A_221 : memref<64x64xf32, #tpu.memory_space<hbm>>) target_semaphore(%run_scoped3A : memref<!tpu.dma_semaphore, #tpu.memory_space<semaphore_mem>>)
      %dma_wait3A_222 = arith.constant 0 : i32
      %dma_wait3A_223 = tpu.memref_slice %arg5[%arg0, %add3A_210, %dma_wait3A_222] : memref<2x10240x64xf32, #tpu.memory_space<hbm>> -> memref<1x64x64xf32, #tpu.memory_space<hbm>>
      %dma_wait3A_224 = tpu.memref_squeeze %dma_wait3A_223 : memref<1x64x64xf32, #tpu.memory_space<hbm>> -> memref<64x64xf32, #tpu.memory_space<hbm>>
      %dma_wait3A_225 = arith.constant 0 : i32
      %dma_wait3A_226 = tpu.memref_slice %arg5[%arg0, %add3A_210, %dma_wait3A_225] : memref<2x10240x64xf32, #tpu.memory_space<hbm>> -> memref<1x64x64xf32, #tpu.memory_space<hbm>>
      %dma_wait3A_227 = tpu.memref_squeeze %dma_wait3A_226 : memref<1x64x64xf32, #tpu.memory_space<hbm>> -> memref<64x64xf32, #tpu.memory_space<hbm>>
      tpu.wait_dma2 semaphore(%run_scoped3A : memref<!tpu.dma_semaphore, #tpu.memory_space<semaphore_mem>>) src(%arg24 : memref<64x64xf32, #tpu.memory_space<vmem>>) dst(%dma_wait3A_227 : memref<64x64xf32, #tpu.memory_space<hbm>>)
      tpu.yield
    }) : () -> ()
    %add3A_211 = arith.constant 576 : i32
    %add3A_212 = arith.addi %mul3A_2, %add3A_211 : i32
    "tpu.region"() ({
      %run_scoped3A = tpu.sem_alloc : memref<!tpu.dma_semaphore, #tpu.memory_space<semaphore_mem>>
      %dma_start3A_216 = arith.constant 0 : i32
      %dma_start3A_217 = tpu.memref_slice %arg25[%add3A_212, %dma_start3A_216] : memref<10240x64xf32, #tpu.memory_space<vmem_shared>> -> memref<64x64xf32, #tpu.memory_space<vmem_shared>>
      %dma_start3A_218 = arith.constant 0 : i32
      %dma_start3A_219 = tpu.memref_slice %arg25[%add3A_212, %dma_start3A_218] : memref<10240x64xf32, #tpu.memory_space<vmem_shared>> -> memref<64x64xf32, #tpu.memory_space<vmem_shared>>
      tpu.enqueue_dma source(%dma_start3A_219 : memref<64x64xf32, #tpu.memory_space<vmem_shared>>) target(%arg24 : memref<64x64xf32, #tpu.memory_space<vmem>>) target_semaphore(%run_scoped3A : memref<!tpu.dma_semaphore, #tpu.memory_space<semaphore_mem>>)
      %dma_wait3A_220 = arith.constant 0 : i32
      %dma_wait3A_221 = tpu.memref_slice %arg25[%add3A_212, %dma_wait3A_220] : memref<10240x64xf32, #tpu.memory_space<vmem_shared>> -> memref<64x64xf32, #tpu.memory_space<vmem_shared>>
      %dma_wait3A_222 = arith.constant 0 : i32
      %dma_wait3A_223 = tpu.memref_slice %arg25[%add3A_212, %dma_wait3A_222] : memref<10240x64xf32, #tpu.memory_space<vmem_shared>> -> memref<64x64xf32, #tpu.memory_space<vmem_shared>>
      tpu.wait_dma2 semaphore(%run_scoped3A : memref<!tpu.dma_semaphore, #tpu.memory_space<semaphore_mem>>) src(%dma_wait3A_223 : memref<64x64xf32, #tpu.memory_space<vmem_shared>>) dst(%arg24 : memref<64x64xf32, #tpu.memory_space<vmem>>)
      tpu.yield
    }) : () -> ()
    %add3A_213 = arith.constant 576 : i32
    %add3A_214 = arith.addi %mul3A_2, %add3A_213 : i32
    "tpu.region"() ({
      %run_scoped3A = tpu.sem_alloc : memref<!tpu.dma_semaphore, #tpu.memory_space<semaphore_mem>>
      %dma_start3A_216 = arith.constant 0 : i32
      %dma_start3A_217 = tpu.memref_slice %arg5[%arg0, %add3A_214, %dma_start3A_216] : memref<2x10240x64xf32, #tpu.memory_space<hbm>> -> memref<1x64x64xf32, #tpu.memory_space<hbm>>
      %dma_start3A_218 = tpu.memref_squeeze %dma_start3A_217 : memref<1x64x64xf32, #tpu.memory_space<hbm>> -> memref<64x64xf32, #tpu.memory_space<hbm>>
      %dma_start3A_219 = arith.constant 0 : i32
      %dma_start3A_220 = tpu.memref_slice %arg5[%arg0, %add3A_214, %dma_start3A_219] : memref<2x10240x64xf32, #tpu.memory_space<hbm>> -> memref<1x64x64xf32, #tpu.memory_space<hbm>>
      %dma_start3A_221 = tpu.memref_squeeze %dma_start3A_220 : memref<1x64x64xf32, #tpu.memory_space<hbm>> -> memref<64x64xf32, #tpu.memory_space<hbm>>
      tpu.enqueue_dma source(%arg24 : memref<64x64xf32, #tpu.memory_space<vmem>>) target(%dma_start3A_221 : memref<64x64xf32, #tpu.memory_space<hbm>>) target_semaphore(%run_scoped3A : memref<!tpu.dma_semaphore, #tpu.memory_space<semaphore_mem>>)
      %dma_wait3A_222 = arith.constant 0 : i32
      %dma_wait3A_223 = tpu.memref_slice %arg5[%arg0, %add3A_214, %dma_wait3A_222] : memref<2x10240x64xf32, #tpu.memory_space<hbm>> -> memref<1x64x64xf32, #tpu.memory_space<hbm>>
      %dma_wait3A_224 = tpu.memref_squeeze %dma_wait3A_223 : memref<1x64x64xf32, #tpu.memory_space<hbm>> -> memref<64x64xf32, #tpu.memory_space<hbm>>
      %dma_wait3A_225 = arith.constant 0 : i32
      %dma_wait3A_226 = tpu.memref_slice %arg5[%arg0, %add3A_214, %dma_wait3A_225] : memref<2x10240x64xf32, #tpu.memory_space<hbm>> -> memref<1x64x64xf32, #tpu.memory_space<hbm>>
      %dma_wait3A_227 = tpu.memref_squeeze %dma_wait3A_226 : memref<1x64x64xf32, #tpu.memory_space<hbm>> -> memref<64x64xf32, #tpu.memory_space<hbm>>
      tpu.wait_dma2 semaphore(%run_scoped3A : memref<!tpu.dma_semaphore, #tpu.memory_space<semaphore_mem>>) src(%arg24 : memref<64x64xf32, #tpu.memory_space<vmem>>) dst(%dma_wait3A_227 : memref<64x64xf32, #tpu.memory_space<hbm>>)
      tpu.yield
    }) : () -> ()
    %barrier3A_215 = arith.constant 0 : index
    tpu.barrier barrier_id(%barrier3A_215)
    return
  }
}

module attributes {stable_mosaic.version = 14 : i64} {
  func.func @body(%arg0: i32, %arg1: memref<1x400x64xf32, #tpu.memory_space<vmem>>, %arg2: memref<1x400x64xf32, #tpu.memory_space<vmem>>, %arg3: memref<1x400x64xf32, #tpu.memory_space<vmem>>, %arg4: memref<1x400x64xf32, #tpu.memory_space<vmem>>, %arg5: memref<1x400x16xf32, #tpu.memory_space<vmem>>, %arg6: memref<1x400x16xf32, #tpu.memory_space<vmem>>, %arg7: memref<400x128xf32, #tpu.memory_space<vmem>>, %arg8: memref<128x128xf32, #tpu.memory_space<vmem>>, %arg9: memref<128x128xf32, #tpu.memory_space<vmem>>, %arg10: memref<128xf32, #tpu.memory_space<vmem>>, %arg11: memref<64x128xf32, #tpu.memory_space<vmem>>, %arg12: memref<64x128xf32, #tpu.memory_space<vmem>>, %arg13: memref<64xf32, #tpu.memory_space<vmem>>, %arg14: memref<400x64xf32, #tpu.memory_space<vmem>>, %arg15: memref<400x64xf32, #tpu.memory_space<vmem>>) attributes {dimension_semantics = [#tpu.dimension_semantics<arbitrary>], iteration_bounds = array<i64: 25>, scalar_prefetch = 0 : i64, scratch_operands = 0 : i64, tpu.core_type = #tpu.core_type<tc>, window_params = [{transform_indices = @transform_0, window_bounds = array<i64: 1, 400, 64>}, {transform_indices = @transform_1, window_bounds = array<i64: 1, 400, 64>}, {transform_indices = @transform_2, window_bounds = array<i64: 1, 400, 64>}, {transform_indices = @transform_3, window_bounds = array<i64: 1, 400, 64>}, {transform_indices = @transform_4, window_bounds = array<i64: 1, 400, 16>}, {transform_indices = @transform_5, window_bounds = array<i64: 1, 400, 16>}, {transform_indices = @transform_6, window_bounds = array<i64: 400, 128>}, {pipeline_mode = #tpu.pipeline_mode<synchronous>, transform_indices = @transform_7, window_bounds = array<i64: 128, 128>}, {pipeline_mode = #tpu.pipeline_mode<synchronous>, transform_indices = @transform_8, window_bounds = array<i64: 128, 128>}, {pipeline_mode = #tpu.pipeline_mode<synchronous>, transform_indices = @transform_9, window_bounds = array<i64: 128>}, {pipeline_mode = #tpu.pipeline_mode<synchronous>, transform_indices = @transform_10, window_bounds = array<i64: 64, 128>}, {pipeline_mode = #tpu.pipeline_mode<synchronous>, transform_indices = @transform_11, window_bounds = array<i64: 64, 128>}, {pipeline_mode = #tpu.pipeline_mode<synchronous>, transform_indices = @transform_12, window_bounds = array<i64: 64>}, {transform_indices = @transform_13, window_bounds = array<i64: 400, 64>}, {transform_indices = @transform_14, window_bounds = array<i64: 400, 64>}]} {
    %get3A = arith.constant 0 : index
    %get3A_0 = arith.constant 0 : index
    %get3A_1 = arith.constant 0 : index
    %get3A_2 = vector.load %arg5[%get3A, %get3A_0, %get3A_1] : memref<1x400x16xf32, #tpu.memory_space<vmem>>, vector<1x400x16xf32>
    %get3A_3 = vector.shape_cast %get3A_2 : vector<1x400x16xf32> to vector<400x16xf32>
    %get3A_4 = arith.constant 0 : index
    %get3A_5 = arith.constant 0 : index
    %get3A_6 = arith.constant 0 : index
    %get3A_7 = vector.load %arg6[%get3A_4, %get3A_5, %get3A_6] : memref<1x400x16xf32, #tpu.memory_space<vmem>>, vector<1x400x16xf32>
    %get3A_8 = vector.shape_cast %get3A_7 : vector<1x400x16xf32> to vector<400x16xf32>
    %add3A = arith.addf %get3A_3, %get3A_8 : vector<400x16xf32>
    %slice3A = vector.extract_strided_slice %add3A {offsets = [0, 0], sizes = [400, 1], strides = [1, 1]} : vector<400x16xf32> to vector<400x1xf32>
    %max3A = arith.constant 1.000000e+00 : f32
    %max3A_9 = vector.broadcast %max3A : f32 to vector<400x1xf32>
    %max3A_10 = arith.maximumf %slice3A, %max3A_9 : vector<400x1xf32>
    %get3A_11 = arith.constant 0 : index
    %get3A_12 = arith.constant 0 : index
    %get3A_13 = arith.constant 0 : index
    %get3A_14 = vector.load %arg1[%get3A_11, %get3A_12, %get3A_13] : memref<1x400x64xf32, #tpu.memory_space<vmem>>, vector<1x400x64xf32>
    %get3A_15 = vector.shape_cast %get3A_14 : vector<1x400x64xf32> to vector<400x64xf32>
    %get3A_16 = arith.constant 0 : index
    %get3A_17 = arith.constant 0 : index
    %get3A_18 = arith.constant 0 : index
    %get3A_19 = vector.load %arg2[%get3A_16, %get3A_17, %get3A_18] : memref<1x400x64xf32, #tpu.memory_space<vmem>>, vector<1x400x64xf32>
    %get3A_20 = vector.shape_cast %get3A_19 : vector<1x400x64xf32> to vector<400x64xf32>
    %add3A_21 = arith.addf %get3A_15, %get3A_20 : vector<400x64xf32>
    %div3A = vector.broadcast %max3A_10 : vector<400x1xf32> to vector<400x64xf32>
    %div3A_22 = arith.divf %add3A_21, %div3A : vector<400x64xf32>
    %get3A_23 = arith.constant 0 : index
    %get3A_24 = arith.constant 0 : index
    %get3A_25 = arith.constant 0 : index
    %get3A_26 = vector.load %arg3[%get3A_23, %get3A_24, %get3A_25] : memref<1x400x64xf32, #tpu.memory_space<vmem>>, vector<1x400x64xf32>
    %get3A_27 = vector.shape_cast %get3A_26 : vector<1x400x64xf32> to vector<400x64xf32>
    %get3A_28 = arith.constant 0 : index
    %get3A_29 = arith.constant 0 : index
    %get3A_30 = arith.constant 0 : index
    %get3A_31 = vector.load %arg4[%get3A_28, %get3A_29, %get3A_30] : memref<1x400x64xf32, #tpu.memory_space<vmem>>, vector<1x400x64xf32>
    %get3A_32 = vector.shape_cast %get3A_31 : vector<1x400x64xf32> to vector<400x64xf32>
    %add3A_33 = arith.addf %get3A_27, %get3A_32 : vector<400x64xf32>
    %div3A_34 = vector.broadcast %max3A_10 : vector<400x1xf32> to vector<400x64xf32>
    %div3A_35 = arith.divf %add3A_33, %div3A_34 : vector<400x64xf32>
    %get3A_36 = arith.constant 0 : index
    %get3A_37 = arith.constant 0 : index
    %get3A_38 = vector.load %arg8[%get3A_36, %get3A_37] : memref<128x128xf32, #tpu.memory_space<vmem>>, vector<128x128xf32>
    %slice3A_39 = vector.extract_strided_slice %get3A_38 {offsets = [0, 0], sizes = [128, 64], strides = [1, 1]} : vector<128x128xf32> to vector<128x64xf32>
    %dot_general3A = arith.constant dense<0.000000e+00> : vector<400x128xf32>
    %dot_general3A_40 = tpu.matmul %div3A_22, %slice3A_39, %dot_general3A {dimension_numbers = #tpu.dot_dimension_numbers<[1], [1], [0], [0], [0, 0, 1, 0], [], []>, transpose_lhs_hint = false} : vector<400x64xf32>, vector<128x64xf32>, vector<400x128xf32> -> vector<400x128xf32>
    %slice3A_41 = vector.extract_strided_slice %get3A_38 {offsets = [0, 64], sizes = [128, 64], strides = [1, 1]} : vector<128x128xf32> to vector<128x64xf32>
    %dot_general3A_42 = arith.constant dense<0.000000e+00> : vector<400x128xf32>
    %dot_general3A_43 = tpu.matmul %div3A_35, %slice3A_41, %dot_general3A_42 {dimension_numbers = #tpu.dot_dimension_numbers<[1], [1], [0], [0], [0, 0, 1, 0], [], []>, transpose_lhs_hint = false} : vector<400x64xf32>, vector<128x64xf32>, vector<400x128xf32> -> vector<400x128xf32>
    %add3A_44 = arith.addf %dot_general3A_40, %dot_general3A_43 : vector<400x128xf32>
    %get3A_45 = arith.constant 0 : index
    %get3A_46 = arith.constant 0 : index
    %get3A_47 = vector.load %arg7[%get3A_45, %get3A_46] : memref<400x128xf32, #tpu.memory_space<vmem>>, vector<400x128xf32>
    %get3A_48 = arith.constant 0 : index
    %get3A_49 = arith.constant 0 : index
    %get3A_50 = vector.load %arg9[%get3A_48, %get3A_49] : memref<128x128xf32, #tpu.memory_space<vmem>>, vector<128x128xf32>
    %dot_general3A_51 = arith.constant dense<0.000000e+00> : vector<400x128xf32>
    %dot_general3A_52 = tpu.matmul %get3A_47, %get3A_50, %dot_general3A_51 {dimension_numbers = #tpu.dot_dimension_numbers<[1], [1], [0], [0], [0, 0, 1, 0], [], []>, transpose_lhs_hint = false} : vector<400x128xf32>, vector<128x128xf32>, vector<400x128xf32> -> vector<400x128xf32>
    %add3A_53 = arith.addf %add3A_44, %dot_general3A_52 : vector<400x128xf32>
    %get3A_54 = arith.constant 0 : index
    %get3A_55 = vector.load %arg10[%get3A_54] : memref<128xf32, #tpu.memory_space<vmem>>, vector<128xf32>
    %broadcast_in_dim3A = vector.shape_cast %get3A_55 : vector<128xf32> to vector<1x128xf32>
    %add3A_56 = vector.broadcast %broadcast_in_dim3A : vector<1x128xf32> to vector<400x128xf32>
    %add3A_57 = arith.addf %add3A_53, %add3A_56 : vector<400x128xf32>
    %max3A_58 = arith.constant 0.000000e+00 : f32
    %max3A_59 = vector.broadcast %max3A_58 : f32 to vector<400x128xf32>
    %max3A_60 = arith.maximumf %add3A_57, %max3A_59 : vector<400x128xf32>
    %get3A_61 = arith.constant 0 : index
    %get3A_62 = arith.constant 0 : index
    %get3A_63 = vector.load %arg11[%get3A_61, %get3A_62] : memref<64x128xf32, #tpu.memory_space<vmem>>, vector<64x128xf32>
    %dot_general3A_64 = arith.constant dense<0.000000e+00> : vector<400x64xf32>
    %dot_general3A_65 = tpu.matmul %max3A_60, %get3A_63, %dot_general3A_64 {dimension_numbers = #tpu.dot_dimension_numbers<[1], [1], [0], [0], [0, 0, 1, 0], [], []>, transpose_lhs_hint = false} : vector<400x128xf32>, vector<64x128xf32>, vector<400x64xf32> -> vector<400x64xf32>
    %swap3A = arith.constant 0 : index
    %swap3A_66 = arith.constant 0 : index
    %swap3A_67 = vector.load %arg14[%swap3A, %swap3A_66] : memref<400x64xf32, #tpu.memory_space<vmem>>, vector<400x64xf32>
    tpu.vector_store %arg14[%swap3A, %swap3A_66], %dot_general3A_65 {strides = array<i32>} : memref<400x64xf32, #tpu.memory_space<vmem>>, vector<400x64xf32>,
    %get3A_68 = arith.constant 0 : index
    %get3A_69 = arith.constant 0 : index
    %get3A_70 = vector.load %arg12[%get3A_68, %get3A_69] : memref<64x128xf32, #tpu.memory_space<vmem>>, vector<64x128xf32>
    %dot_general3A_71 = arith.constant dense<0.000000e+00> : vector<400x64xf32>
    %dot_general3A_72 = tpu.matmul %max3A_60, %get3A_70, %dot_general3A_71 {dimension_numbers = #tpu.dot_dimension_numbers<[1], [1], [0], [0], [0, 0, 1, 0], [], []>, transpose_lhs_hint = false} : vector<400x128xf32>, vector<64x128xf32>, vector<400x64xf32> -> vector<400x64xf32>
    %get3A_73 = arith.constant 0 : index
    %get3A_74 = vector.load %arg13[%get3A_73] : memref<64xf32, #tpu.memory_space<vmem>>, vector<64xf32>
    %broadcast_in_dim3A_75 = vector.shape_cast %get3A_74 : vector<64xf32> to vector<1x64xf32>
    %add3A_76 = vector.broadcast %broadcast_in_dim3A_75 : vector<1x64xf32> to vector<400x64xf32>
    %add3A_77 = arith.addf %dot_general3A_72, %add3A_76 : vector<400x64xf32>
    %swap3A_78 = arith.constant 0 : index
    %swap3A_79 = arith.constant 0 : index
    %swap3A_80 = vector.load %arg15[%swap3A_78, %swap3A_79] : memref<400x64xf32, #tpu.memory_space<vmem>>, vector<400x64xf32>
    tpu.vector_store %arg15[%swap3A_78, %swap3A_79], %add3A_77 {strides = array<i32>} : memref<400x64xf32, #tpu.memory_space<vmem>>, vector<400x64xf32>,
    return
  }
  func.func @transform_0(%arg0: i32) -> (i32, i32, i32) {
    %c0_i32 = arith.constant 0 : i32
    %c0_i32_0 = arith.constant 0 : i32
    %c0_i32_1 = arith.constant 0 : i32
    return %c0_i32, %arg0, %c0_i32_0 : i32, i32, i32
  }
  func.func @transform_1(%arg0: i32) -> (i32, i32, i32) {
    %c1_i32 = arith.constant 1 : i32
    %c0_i32 = arith.constant 0 : i32
    %c0_i32_0 = arith.constant 0 : i32
    return %c1_i32, %arg0, %c0_i32 : i32, i32, i32
  }
  func.func @transform_2(%arg0: i32) -> (i32, i32, i32) {
    %c0_i32 = arith.constant 0 : i32
    %c0_i32_0 = arith.constant 0 : i32
    %c0_i32_1 = arith.constant 0 : i32
    return %c0_i32, %arg0, %c0_i32_0 : i32, i32, i32
  }
  func.func @transform_3(%arg0: i32) -> (i32, i32, i32) {
    %c1_i32 = arith.constant 1 : i32
    %c0_i32 = arith.constant 0 : i32
    %c0_i32_0 = arith.constant 0 : i32
    return %c1_i32, %arg0, %c0_i32 : i32, i32, i32
  }
  func.func @transform_4(%arg0: i32) -> (i32, i32, i32) {
    %c0_i32 = arith.constant 0 : i32
    %c0_i32_0 = arith.constant 0 : i32
    %c0_i32_1 = arith.constant 0 : i32
    return %c0_i32, %arg0, %c0_i32_0 : i32, i32, i32
  }
  func.func @transform_5(%arg0: i32) -> (i32, i32, i32) {
    %c1_i32 = arith.constant 1 : i32
    %c0_i32 = arith.constant 0 : i32
    %c0_i32_0 = arith.constant 0 : i32
    return %c1_i32, %arg0, %c0_i32 : i32, i32, i32
  }
  func.func @transform_6(%arg0: i32) -> (i32, i32) {
    %c0_i32 = arith.constant 0 : i32
    %c0_i32_0 = arith.constant 0 : i32
    return %arg0, %c0_i32 : i32, i32
  }
  func.func @transform_7(%arg0: i32) -> (i32, i32) {
    %c0_i32 = arith.constant 0 : i32
    %c0_i32_0 = arith.constant 0 : i32
    %c0_i32_1 = arith.constant 0 : i32
    return %c0_i32, %c0_i32_0 : i32, i32
  }
  func.func @transform_8(%arg0: i32) -> (i32, i32) {
    %c0_i32 = arith.constant 0 : i32
    %c0_i32_0 = arith.constant 0 : i32
    %c0_i32_1 = arith.constant 0 : i32
    return %c0_i32, %c0_i32_0 : i32, i32
  }
  func.func @transform_9(%arg0: i32) -> i32 {
    %c0_i32 = arith.constant 0 : i32
    %c0_i32_0 = arith.constant 0 : i32
    return %c0_i32 : i32
  }
  func.func @transform_10(%arg0: i32) -> (i32, i32) {
    %c0_i32 = arith.constant 0 : i32
    %c0_i32_0 = arith.constant 0 : i32
    %c0_i32_1 = arith.constant 0 : i32
    return %c0_i32, %c0_i32_0 : i32, i32
  }
  func.func @transform_11(%arg0: i32) -> (i32, i32) {
    %c0_i32 = arith.constant 0 : i32
    %c0_i32_0 = arith.constant 0 : i32
    %c0_i32_1 = arith.constant 0 : i32
    return %c0_i32, %c0_i32_0 : i32, i32
  }
  func.func @transform_12(%arg0: i32) -> i32 {
    %c0_i32 = arith.constant 0 : i32
    %c0_i32_0 = arith.constant 0 : i32
    return %c0_i32 : i32
  }
  func.func @transform_13(%arg0: i32) -> (i32, i32) {
    %c0_i32 = arith.constant 0 : i32
    %c0_i32_0 = arith.constant 0 : i32
    return %arg0, %c0_i32 : i32, i32
  }
  func.func @transform_14(%arg0: i32) -> (i32, i32) {
    %c0_i32 = arith.constant 0 : i32
    %c0_i32_0 = arith.constant 0 : i32
    return %arg0, %c0_i32 : i32, i32
  }
}

module attributes {stable_mosaic.version = 14 : i64} {
  func.func @body(%arg0: i32, %arg1: memref<1x400x64xf32, #tpu.memory_space<vmem>>, %arg2: memref<1x400x64xf32, #tpu.memory_space<vmem>>, %arg3: memref<1x400x16xf32, #tpu.memory_space<vmem>>, %arg4: memref<1x400x16xf32, #tpu.memory_space<vmem>>, %arg5: memref<400x64xf32, #tpu.memory_space<vmem>>, %arg6: memref<40x64xf32, #tpu.memory_space<vmem>>, %arg7: memref<40xf32, #tpu.memory_space<vmem>>, %arg8: memref<400x40xf32, #tpu.memory_space<vmem>>) attributes {dimension_semantics = [#tpu.dimension_semantics<arbitrary>], iteration_bounds = array<i64: 25>, scalar_prefetch = 0 : i64, scratch_operands = 0 : i64, tpu.core_type = #tpu.core_type<tc>, window_params = [{transform_indices = @transform_0, window_bounds = array<i64: 1, 400, 64>}, {transform_indices = @transform_1, window_bounds = array<i64: 1, 400, 64>}, {transform_indices = @transform_2, window_bounds = array<i64: 1, 400, 16>}, {transform_indices = @transform_3, window_bounds = array<i64: 1, 400, 16>}, {transform_indices = @transform_4, window_bounds = array<i64: 400, 64>}, {pipeline_mode = #tpu.pipeline_mode<synchronous>, transform_indices = @transform_5, window_bounds = array<i64: 40, 64>}, {pipeline_mode = #tpu.pipeline_mode<synchronous>, transform_indices = @transform_6, window_bounds = array<i64: 40>}, {transform_indices = @transform_7, window_bounds = array<i64: 400, 40>}]} {
    %get3A = arith.constant 0 : index
    %get3A_0 = arith.constant 0 : index
    %get3A_1 = arith.constant 0 : index
    %get3A_2 = vector.load %arg3[%get3A, %get3A_0, %get3A_1] : memref<1x400x16xf32, #tpu.memory_space<vmem>>, vector<1x400x16xf32>
    %get3A_3 = vector.shape_cast %get3A_2 : vector<1x400x16xf32> to vector<400x16xf32>
    %get3A_4 = arith.constant 0 : index
    %get3A_5 = arith.constant 0 : index
    %get3A_6 = arith.constant 0 : index
    %get3A_7 = vector.load %arg4[%get3A_4, %get3A_5, %get3A_6] : memref<1x400x16xf32, #tpu.memory_space<vmem>>, vector<1x400x16xf32>
    %get3A_8 = vector.shape_cast %get3A_7 : vector<1x400x16xf32> to vector<400x16xf32>
    %add3A = arith.addf %get3A_3, %get3A_8 : vector<400x16xf32>
    %slice3A = vector.extract_strided_slice %add3A {offsets = [0, 0], sizes = [400, 1], strides = [1, 1]} : vector<400x16xf32> to vector<400x1xf32>
    %max3A = arith.constant 1.000000e+00 : f32
    %max3A_9 = vector.broadcast %max3A : f32 to vector<400x1xf32>
    %max3A_10 = arith.maximumf %slice3A, %max3A_9 : vector<400x1xf32>
    %get3A_11 = arith.constant 0 : index
    %get3A_12 = arith.constant 0 : index
    %get3A_13 = arith.constant 0 : index
    %get3A_14 = vector.load %arg1[%get3A_11, %get3A_12, %get3A_13] : memref<1x400x64xf32, #tpu.memory_space<vmem>>, vector<1x400x64xf32>
    %get3A_15 = vector.shape_cast %get3A_14 : vector<1x400x64xf32> to vector<400x64xf32>
    %get3A_16 = arith.constant 0 : index
    %get3A_17 = arith.constant 0 : index
    %get3A_18 = arith.constant 0 : index
    %get3A_19 = vector.load %arg2[%get3A_16, %get3A_17, %get3A_18] : memref<1x400x64xf32, #tpu.memory_space<vmem>>, vector<1x400x64xf32>
    %get3A_20 = vector.shape_cast %get3A_19 : vector<1x400x64xf32> to vector<400x64xf32>
    %add3A_21 = arith.addf %get3A_15, %get3A_20 : vector<400x64xf32>
    %div3A = vector.broadcast %max3A_10 : vector<400x1xf32> to vector<400x64xf32>
    %div3A_22 = arith.divf %add3A_21, %div3A : vector<400x64xf32>
    %get3A_23 = arith.constant 0 : index
    %get3A_24 = arith.constant 0 : index
    %get3A_25 = vector.load %arg5[%get3A_23, %get3A_24] : memref<400x64xf32, #tpu.memory_space<vmem>>, vector<400x64xf32>
    %add3A_26 = arith.addf %div3A_22, %get3A_25 : vector<400x64xf32>
    %max3A_27 = arith.constant 0.000000e+00 : f32
    %max3A_28 = vector.broadcast %max3A_27 : f32 to vector<400x64xf32>
    %max3A_29 = arith.maximumf %add3A_26, %max3A_28 : vector<400x64xf32>
    %get3A_30 = arith.constant 0 : index
    %get3A_31 = arith.constant 0 : index
    %get3A_32 = vector.load %arg6[%get3A_30, %get3A_31] : memref<40x64xf32, #tpu.memory_space<vmem>>, vector<40x64xf32>
    %dot_general3A = arith.constant dense<0.000000e+00> : vector<400x40xf32>
    %dot_general3A_33 = tpu.matmul %max3A_29, %get3A_32, %dot_general3A {dimension_numbers = #tpu.dot_dimension_numbers<[1], [1], [0], [0], [0, 0, 1, 0], [], []>, transpose_lhs_hint = false} : vector<400x64xf32>, vector<40x64xf32>, vector<400x40xf32> -> vector<400x40xf32>
    %get3A_34 = arith.constant 0 : index
    %get3A_35 = vector.load %arg7[%get3A_34] : memref<40xf32, #tpu.memory_space<vmem>>, vector<40xf32>
    %broadcast_in_dim3A = vector.shape_cast %get3A_35 : vector<40xf32> to vector<1x40xf32>
    %add3A_36 = vector.broadcast %broadcast_in_dim3A : vector<1x40xf32> to vector<400x40xf32>
    %add3A_37 = arith.addf %dot_general3A_33, %add3A_36 : vector<400x40xf32>
    %reduce_max3A = arith.constant dense<0xFF800000> : vector<400xf32>
    %reduce_max3A_38 = vector.multi_reduction <maximumf>, %add3A_37, %reduce_max3A [1] : vector<400x40xf32> to vector<400xf32>
    %broadcast_in_dim3A_39 = vector.shape_cast %reduce_max3A_38 : vector<400xf32> to vector<400x1xf32>
    %sub3A = vector.broadcast %broadcast_in_dim3A_39 : vector<400x1xf32> to vector<400x40xf32>
    %sub3A_40 = arith.subf %add3A_37, %sub3A : vector<400x40xf32>
    %exp3A = math.exp %sub3A_40 : vector<400x40xf32>
    %reduce_sum3A = arith.constant dense<0.000000e+00> : vector<400xf32>
    %reduce_sum3A_41 = vector.multi_reduction <add>, %exp3A, %reduce_sum3A [1] : vector<400x40xf32> to vector<400xf32>
    %broadcast_in_dim3A_42 = vector.shape_cast %reduce_sum3A_41 : vector<400xf32> to vector<400x1xf32>
    %div3A_43 = vector.broadcast %broadcast_in_dim3A_42 : vector<400x1xf32> to vector<400x40xf32>
    %div3A_44 = arith.divf %exp3A, %div3A_43 : vector<400x40xf32>
    %swap3A = arith.constant 0 : index
    %swap3A_45 = arith.constant 0 : index
    %swap3A_46 = vector.load %arg8[%swap3A, %swap3A_45] : memref<400x40xf32, #tpu.memory_space<vmem>>, vector<400x40xf32>
    tpu.vector_store %arg8[%swap3A, %swap3A_45], %div3A_44 {strides = array<i32>} : memref<400x40xf32, #tpu.memory_space<vmem>>, vector<400x40xf32>,
    return
  }
  func.func @transform_0(%arg0: i32) -> (i32, i32, i32) {
    %c0_i32 = arith.constant 0 : i32
    %c0_i32_0 = arith.constant 0 : i32
    %c0_i32_1 = arith.constant 0 : i32
    return %c0_i32, %arg0, %c0_i32_0 : i32, i32, i32
  }
  func.func @transform_1(%arg0: i32) -> (i32, i32, i32) {
    %c1_i32 = arith.constant 1 : i32
    %c0_i32 = arith.constant 0 : i32
    %c0_i32_0 = arith.constant 0 : i32
    return %c1_i32, %arg0, %c0_i32 : i32, i32, i32
  }
  func.func @transform_2(%arg0: i32) -> (i32, i32, i32) {
    %c0_i32 = arith.constant 0 : i32
    %c0_i32_0 = arith.constant 0 : i32
    %c0_i32_1 = arith.constant 0 : i32
    return %c0_i32, %arg0, %c0_i32_0 : i32, i32, i32
  }
  func.func @transform_3(%arg0: i32) -> (i32, i32, i32) {
    %c1_i32 = arith.constant 1 : i32
    %c0_i32 = arith.constant 0 : i32
    %c0_i32_0 = arith.constant 0 : i32
    return %c1_i32, %arg0, %c0_i32 : i32, i32, i32
  }
  func.func @transform_4(%arg0: i32) -> (i32, i32) {
    %c0_i32 = arith.constant 0 : i32
    %c0_i32_0 = arith.constant 0 : i32
    return %arg0, %c0_i32 : i32, i32
  }
  func.func @transform_5(%arg0: i32) -> (i32, i32) {
    %c0_i32 = arith.constant 0 : i32
    %c0_i32_0 = arith.constant 0 : i32
    %c0_i32_1 = arith.constant 0 : i32
    return %c0_i32, %c0_i32_0 : i32, i32
  }
  func.func @transform_6(%arg0: i32) -> i32 {
    %c0_i32 = arith.constant 0 : i32
    %c0_i32_0 = arith.constant 0 : i32
    return %c0_i32 : i32
  }
  func.func @transform_7(%arg0: i32) -> (i32, i32) {
    %c0_i32 = arith.constant 0 : i32
    %c0_i32_0 = arith.constant 0 : i32
    return %arg0, %c0_i32 : i32, i32
  }
}

</mosaic_0001>

<sc_bundles>
// kernel: kernel.6.cloned.1.call-start
scs
__scs_entry_jumppad:
0x0: {  	(pc) =	sbr.rel $0x88, $3  }
0x1: {  	(tag) =	ssettag $0x0;
	lr =	simm.s32 $0x1  }
0x2: {  	[smem:$0x3F97] =	sst lr;
	_ =	strace $0xD0000000  }
0x3: {  	_ = 	snop  }
0x4: {  	_ = 	snop  }
0x5: {  	_ = 	snop  }
0x6: {  	_ = 	snop  }
0x7: {  	_ = 	snop  }
__scs_overlays_trampoline_lowered:
0x8: {  	[smem:$0x3FA6] =	sst s0  }
0x9: {  	[smem:$0x3FA7] =	sst s1  }
0xa: {  	[smem:$0x3FA8] =	sst s2  }
0xb: {  	[smem:$0x3FA9] =	sst s3  }
0xc: {  	[smem:$0x3FAA] =	sst s4  }
0xd: {  	[smem:$0x3FAB] =	sst s5  }
0xe: {  	[smem:$0x3FAC] =	sst s6  }
0xf: {  	[smem:$0x3FAD] =	sst s7  }
0x10: {  	[smem:$0x3FAE] =	sst s8  }
0x11: {  	[smem:$0x3FAF] =	sst s9;
	s0 =	simm.s32 @!p0 $0x0  }
0x12: {  	s1 =	sld [smem:$0x3F95];
	s0 =	simm.s32 @p0 $0x1  }
0x13: {  	[smem:$0x3FB0] =	sst s0;
	s0 =	simm.s32 @!p1 $0x0  }
0x14: {  	s2 =	sld [smem:$0x3F94];
	s0 =	simm.s32 @p1 $0x1  }
0x15: {  	[smem:$0x3FB1] =	sst s0;
	s0 =	simm.s32 @!p2 $0x0  }
0x16: {  	s3 =	sld [smem:$0x3FDB];
	s0 =	simm.s32 @p2 $0x1  }
0x17: {  	s4 =	simm.s32 $0x1BF5;
	[smem:$0x3FB3] =	sst s0  }
0x18: {  	s0 =	sld [smem:$0x3F96];
	_ =	swait.ge [sflag:s4], $0x0  }
0x19: {  	s7 =	sld [smem:$0x3F97]  }
0x1a: {  	s8 =	sadd.s32 $0xFFFFE003, lr  }
0x1b: {  	s9 =	sadd.s32 $0xFFFFFEF7, lr;
	s5 =	simm.s32 $0xFFFFFFFF;
	p2 =	slt.u32 s8, $0xFFFFF086  }
0x1c: {  	p1 =	slt.u32 s9, $0xF7A;
	s5 =	simm.s32 @!p2 $0x0  }
0x1d: {  	s5 =	simm.s32 @p1 $0x1;
	p0 =	seq.s32 s7, s2  }
0x1e: {  	s7 =	smul.u32 @!p0 $0xF7A, s2;
	p2 =	seq.s32 @!p0 s5, $0x0  }
0x1f: {  	s9 =	smul.u32 $0xF7A, s1;
	s8 =	simm.s32 @!p0 $0x1BF5;
	p2 =	por !p2, p0  }
0x20: {  	[sflag:s8] =	ssyncset.s32 @!p0 $0xFFFFF086;
	s6 =	sadd.s32 @!p0 s3, s7;
	s7 =	simm.s32 @!p0 $0x108  }
0x21: {  	s3 =	sadd.s32 s3, s9;
	s6 =	sadd.s32 @!p0 $0x88, s6;
	s7 =	simm.s32 @p2 $0x1082  }
0x22: {  	[simem:s7], [sflag:s8] =	dma.local @!p0 [hbm:s6], $0xF7A  }
0x23: {  	s9 =	sor.u32 $0xD0000000, s2;
	s6 =	simm.s32 $0x108;
	_ =	swait.ge @!p0 [sflag:s8], $0x0  }
0x24: {  	s3 =	sadd.s32 $0x88, s3;
	s6 =	simm.s32 @!p1 $0x1082;
	[sflag:s4] =	ssyncset.s32 $0xFFFFF086  }
0x25: {  	[simem:s6], [sflag:s4] =	dma.local [hbm:s3], $0xF7A  }
0x26: {  	[smem:$0x3F97] =	sst s1;
	(tag) =	ssettag s2;
	_ =	strace s9  }
0x27: {  	s1 =	sld [smem:$0x3FA7]  }
0x28: {  	s2 =	sld [smem:$0x3FA8]  }
0x29: {  	s4 =	sld [smem:$0x3FAA]  }
0x2a: {  	p0 =	seq.s32 s5, $0x0;
	s5 =	sld [smem:$0x3FAB]  }
0x2b: {  	s6 =	sld [smem:$0x3FAC]  }
0x2c: {  	s7 =	sld [smem:$0x3FAD]  }
0x2d: {  	s3 =	simm.s32 $0x108;
	s8 =	sld [smem:$0x3FAE]  }
0x2e: {  	s3 =	simm.s32 @!p0 $0x1082;
	s9 =	sld [smem:$0x3FAF]  }
0x2f: {  	lr =	sadd.s32 s0, s3;
	s0 =	sld [smem:$0x3FA6]  }
0x30: {  	s3 =	sld [smem:$0x3FA9]  }
0x31: {  	[smem:$0x3FB2] =	sst s10  }
0x32: {  	s10 =	sld [smem:$0x3FB0];
	_ =	sdelay $0x3  }
0x33: {  	p0 =	seq.s32 s10, $0x1;
	s10 =	sld [smem:$0x3FB2];
	_ =	sdelay $0x3  }
0x34: {  	[smem:$0x3FB2] =	sst s10  }
0x35: {  	s10 =	sld [smem:$0x3FB1];
	_ =	sdelay $0x3  }
0x36: {  	p1 =	seq.s32 s10, $0x1;
	s10 =	sld [smem:$0x3FB2];
	_ =	sdelay $0x3  }
0x37: {  	[smem:$0x3FB2] =	sst s10  }
0x38: {  	s10 =	sld [smem:$0x3FB3]  }
0x39: {  	_ = 	snop;
	(pc) =	sbr.ind lr, $3  }
0x3a: {  	_ = 	snop  }
0x3b: {  	_ = 	snop  }
0x3c: {  	p2 =	seq.s32 s10, $0x1;
	s10 =	sld [smem:$0x3FB2]  }
0x3d: {  	_ =	shalt  }
0x3e: {  	_ =	shalt  }
0x3f: {  	_ =	shalt  }
0x40: {  	_ =	shalt  }
0x41: {  	_ =	shalt  }
0x42: {  	_ =	shalt  }
0x43: {  	_ =	shalt  }
0x44: {  	_ =	shalt  }
0x45: {  	_ =	shalt  }
0x46: {  	_ =	shalt  }
0x47: {  	_ =	shalt  }
0x48: {  	_ =	shalt  }
0x49: {  	_ =	shalt  }
0x4a: {  	_ =	shalt  }
0x4b: {  	_ =	shalt  }
0x4c: {  	_ =	shalt  }
0x4d: {  	_ =	shalt  }
0x4e: {  	_ =	shalt  }
0x4f: {  	_ =	shalt  }
0x50: {  	_ =	shalt  }
0x51: {  	_ =	shalt  }
0x52: {  	_ =	shalt  }
0x53: {  	_ =	shalt  }
0x54: {  	_ =	shalt  }
0x55: {  	_ =	shalt  }
0x56: {  	_ =	shalt  }
0x57: {  	_ =	shalt  }
0x58: {  	_ =	shalt  }
0x59: {  	_ =	shalt  }
0x5a: {  	_ =	shalt  }
0x5b: {  	_ =	shalt  }
0x5c: {  	_ =	shalt  }
0x5d: {  	_ =	shalt  }
0x5e: {  	_ =	shalt  }
0x5f: {  	_ =	shalt  }
0x60: {  	_ =	shalt  }
0x61: {  	_ =	shalt  }
0x62: {  	_ =	shalt  }
0x63: {  	_ =	shalt  }
0x64: {  	_ =	shalt  }
0x65: {  	_ =	shalt  }
0x66: {  	_ =	shalt  }
0x67: {  	_ =	shalt  }
0x68: {  	_ =	shalt  }
0x69: {  	_ =	shalt  }
0x6a: {  	_ =	shalt  }
0x6b: {  	_ =	shalt  }
0x6c: {  	_ =	shalt  }
0x6d: {  	_ =	shalt  }
0x6e: {  	_ =	shalt  }
0x6f: {  	_ =	shalt  }
0x70: {  	_ =	shalt  }
0x71: {  	_ =	shalt  }
0x72: {  	_ =	shalt  }
0x73: {  	_ =	shalt  }
0x74: {  	_ =	shalt  }
0x75: {  	_ =	shalt  }
0x76: {  	_ =	shalt  }
0x77: {  	_ =	shalt  }
0x78: {  	_ =	shalt  }
0x79: {  	_ =	shalt  }
0x7a: {  	_ =	shalt  }
0x7b: {  	_ =	shalt  }
0x7c: {  	_ =	shalt  }
0x7d: {  	_ =	shalt  }
0x7e: {  	_ =	shalt  }
0x7f: {  	_ =	shalt  }
0x80: {  	_ =	shalt  }
0x81: {  	_ =	shalt  }
0x82: {  	_ =	shalt  }
0x83: {  	_ =	shalt  }
0x84: {  	_ =	shalt  }
0x85: {  	_ =	shalt  }
0x86: {  	_ =	shalt  }
0x87: {  	_ =	shalt  }
.Lfunc_end0:
.L_simem_size_0:
called_computation_lowered:
.L_overlay_start_0:
0x88: {  	s2 =	sld [smem:$0x3FD9]  }
0x89: {  	s3 =	sld [smem:$0x3FFE];
	_ =	sdelay $0x1  }
0x8a: {  	s1 =	srdreg.scid  }
0x8b: {  	s0 =	sand.u32 $0x1, s1  }
0x8c: {  	s17 =	sshll.u32 s0, $0xA;
	s2 =	sadd.s32 s3, s2  }
0x8d: {  	s2 =	sadd.s32 s2, s17  }
0x8e: {  	[smem:$0x3FBE] =	sst s2  }
0x8f: {  	_ = 	snop  }
0x90: {  	s2 =	sld [smem:$0x3FD0];
	(tm) =	ssettm $0x1  }
0x91: {  	s18 =	sld [smem:$0x3FFB];
	_ =	sdelay $0x3  }
0x92: {  	_ =	strace s18  }
0x93: {  	s3 =	sld [smem:$0x3FFC];
	_ =	sdelay $0x3  }
0x94: {  	_ =	strace s3  }
0x95: {  	s3 =	sld [smem:$0x3FFD];
	_ =	sdelay $0x3  }
0x96: {  	_ =	strace s3  }
0x97: {  	_ =	strace $0x8FFFFFFF  }
0x98: {  	s19 =	sld [smem:$0x3FDB];
	_ =	sdelay $0x1  }
0x99: {  	s4 =	simm.s32 $_scs_section_size  }
0x9a: {  	s5 =	simm.s32 $_size__tile_overlayer_lowered;
	s6 =	simm.s32 $_tile_overlayer_lowered  }
0x9b: {  	s22 =	simm.s32 $0x1BFF;
	s21 =	sshll.u32 s6, $0x1;
	s3 =	sadd.s32 s4, s19  }
0x9c: {  	s7 =	simm.s32 $0x0;
	s20 =	sshll.u32 s5, $0x1;
	s5 =	sadd.s32 s21, s3  }
0x9d: {  	[timem:s7], [sflag:s22] =	dma.local [hbm:s5], s20  }
0x9e: {  	_ =	swait.ge [sflag:s22], s20  }
0x9f: {  	s4 =	ssub.s32 $0x0, s20;
	[sflag:s22] =	ssyncset.done $0x0  }
0xa0: {  	[sflag:s22] =	ssyncadd.s32 s4;
	_ =	sdelay $0x1  }
0xa1: {  	s23 =	simm.s32 $0x1B8B  }
0xa2: {  	_ =	swait.ge [sflag:s23], $0x1  }
0xa3: {  	[sflag:s23] =	ssyncset.done $0x0  }
0xa4: {  	s25 =	simm.s32 $0x1B8E;
	s24 =	sld [smem:$0x3FFE];
	[sflag:s23] =	ssyncadd.s32 $0xFFFFFFFF  }
0xa5: {  	s26 =	simm.s32 $execute0_lowered;
	[smem:$0x3FD2] =	sst s25  }
0xa6: {  	s5 =	sshll.u32 s26, $0x1;
	_ =	strace $0x80000046;
	[dreg:$0x1] =	wrdreg $0xFFFFFFFF  }
0xa7: {  	s28 =	simm.s32 $_size_execute0_lowered;
	s3 =	sadd.s32 s3, s5;
	[dreg:$0x0] =	wrdreg $0x0  }
0xa8: {  	s5 =	sshll.u32 s28, $0x1;
	[dreg:$0x2] =	wrdreg s3  }
0xa9: {  	[dreg:$0x3] =	wrdreg s5  }
0xaa: {  	[dreg:$0x4] =	wrdreg $0xC0  }
0xab: {  	_ =	task [dreg:s7], $0x5FFFF  }
0xac: {  	[dreg:$0x1] =	wrdreg $0xFFFFFFFF  }
0xad: {  	[dreg:$0x0] =	wrdreg $0x60  }
0xae: {  	[dreg:$0x2] =	wrdreg s24  }
0xaf: {  	[dreg:$0x3] =	wrdreg s2  }
0xb0: {  	[dreg:$0x4] =	wrdreg $0x1BE100  }
0xb1: {  	[dreg:$0x5] =	wrdreg $0x10C400  }
0xb2: {  	[dreg:$0x6] =	wrdreg $0x9  }
0xb3: {  	_ =	task.clear_ibuf [dreg:s7], $0x7FFFF;
	_ =	strace $0x90000046  }
0xb4: {  	s29 =	simm.s32 $0x9;
	_ =	strace $0x80000048  }
0xb5: {  	_ =	swait.ge [sflag:s29], $0x1  }
0xb6: {  	[sflag:s29] =	ssyncadd.s32 $0xFFFFFFFF  }
0xb7: {  	_ =	strace $0x90000048  }
0xb8: {  	_ =	sfence  }
0xb9: {  	s30 =	sld [smem:$0x0];
	_ =	sdelay $0x2  }
0xba: {  	s31 =	sshll.u32 s1, $0xD;
	s1 =	sshrl.u32 s1, $0x2  }
0xbb: {  	s3 =	sand.u32 $0x4000, s31;
	s1 =	sadd.s32 s1, s30  }
0xbc: {  	s0 =	sor.u32 s3, s0;
	s1 =	sshll.u32 s1, $0x11  }
0xbd: {  	s0 =	sor.u32 s1, s0  }
0xbe: {  	s0 =	sadd.s32 $0x8F2B, s0  }
0xbf: {  	[sflag:s0] =	ssyncadd.remote.s32 $0x1  }
0xc0: {  	_ =	sfence.sel $0xFFFF  }
0xc1: {  	[dreg:$0x0] =	wrdreg $0xFFFFFFFF;
	(pc) =	sbr.abs _section_cstart, $3  }
0xc2: {  	[dreg:$0x1] =	wrdreg $0xFFFFFFFF  }
0xc3: {  	_ =	task.clear_ibuf [dreg:s7], $0x2FFFF;
	_ =	strace $0x9FFFFFFF  }
0xc4: {  	(tm) =	ssettm $0x7FFFFFFF  }
0xc5: {  	_ =	shalt  }
tec
execute0_lowered:
.L_overlay_start_1:
0x0: {  	(tag) =	ssettag $0x1  }
0x1: {  	s26 =	stileid.u32  }
0x2: {  	s0 =	srdreg.scid;
	s2 =	smul.u32 $0x280, s26  }
0x3: {  	s4 =	rddreg [dreg:$0x0];
	s13 =	sand.u32 $0x1, s0;
	s1 =	smul.u32 $0xA000, s26  }
0x4: {  	s14 =	sadd.s32 $0x5B800, s4;
	s25 =	sadd.s32 $0x33800, s4;
	s0 =	ssub.s32 $0x2, s13  }
0x5: {  	s15 =	smul.u32 $0xA0000, s13;
	s3 =	sshrl.u32 s0, $0x1;
	s12 =	sadd.s32 $0x140, s2  }
0x6: {  	s2 =	sor.u32 $0x1000, s1;
	s5 =	sadd.s32 $0x3000, s1;
	s6 =	sadd.s32 $0x4000, s1  }
0x7: {  	s8 =	sadd.s32 $0x6000, s1;
	s9 =	sadd.s32 $0x7000, s1;
	s0 =	ssub.s32 s0, s3  }
0x8: {  	s3 =	sadd.s32 $0x2000, s1;
	s7 =	sshll.u32 s12, $0x6;
	s16 =	sadd.s32 s1, s15  }
0x9: {  	s17 =	sadd.s32 s15, s2;
	s19 =	sadd.s32 s15, s5;
	s16 =	sshrl.u32 s16, $0x3  }
0xa: {  	s20 =	sadd.s32 s15, s6;
	s18 =	sadd.s32 s15, s3;
	s28 =	sadd.s32 s14, s16  }
0xb: {  	s17 =	sshrl.u32 s17, $0x3;
	s16 =	sadd.s32 s25, s16;
	[dreg:$0x5] =	wrdreg s28  }
0xc: {  	s21 =	sadd.s32 s15, s7;
	s28 =	sadd.s32 s14, s17;
	[dreg:$0xf] =	wrdreg s16  }
0xd: {  	s21 =	sshrl.u32 s21, $0x3;
	s17 =	sadd.s32 s25, s17;
	[dreg:$0x6] =	wrdreg s28  }
0xe: {  	s18 =	sshrl.u32 s18, $0x3;
	s16 =	sadd.s32 s25, s21;
	[dreg:$0x10] =	wrdreg s17  }
0xf: {  	s22 =	sadd.s32 s15, s8;
	s28 =	sadd.s32 s14, s18;
	[dreg:$0x14] =	wrdreg s16  }
0x10: {  	s22 =	sshrl.u32 s22, $0x3;
	s18 =	sadd.s32 s25, s18;
	[dreg:$0x7] =	wrdreg s28  }
0x11: {  	s19 =	sshrl.u32 s19, $0x3;
	s17 =	sadd.s32 s25, s22;
	[dreg:$0x11] =	wrdreg s18  }
0x12: {  	s23 =	sadd.s32 s15, s9;
	s28 =	sadd.s32 s14, s19;
	[dreg:$0x15] =	wrdreg s17  }
0x13: {  	s23 =	sshrl.u32 s23, $0x3;
	s19 =	sadd.s32 s25, s19;
	[dreg:$0x8] =	wrdreg s28  }
0x14: {  	s20 =	sshrl.u32 s20, $0x3;
	s18 =	sadd.s32 s25, s23;
	[dreg:$0x12] =	wrdreg s19  }
0x15: {  	s10 =	sadd.s32 $0x8000, s1;
	s28 =	sadd.s32 s14, s20;
	[dreg:$0x16] =	wrdreg s18  }
0x16: {  	s24 =	sadd.s32 s15, s10;
	s20 =	sadd.s32 s25, s20;
	[dreg:$0x9] =	wrdreg s28  }
0x17: {  	s24 =	sshrl.u32 s24, $0x3;
	s28 =	sadd.s32 s14, s21;
	[dreg:$0x13] =	wrdreg s20  }
0x18: {  	s29 =	simm.s32 $0x8E80;
	s20 =	sadd.s32 s25, s24;
	[dreg:$0xa] =	wrdreg s28  }
0x19: {  	s11 =	sadd.s32 $0x9000, s1;
	s28 =	sadd.s32 s14, s22;
	[dreg:$0x17] =	wrdreg s20  }
0x1a: {  	s15 =	sadd.s32 s15, s11;
	s20 =	simm.s32 $0x0;
	[dreg:$0xb] =	wrdreg s28  }
0x1b: {  	s15 =	sshrl.u32 s15, $0x3;
	s28 =	sadd.s32 s14, s23;
	[smem:$0x7FF] =	sst s20  }
0x1c: {  	s16 =	smul.u32 $0x2800, s26;
	s19 =	sshll.u32 s13, $0x4;
	[dreg:$0xc] =	wrdreg s28  }
0x1d: {  	s13 =	smul.u32 $0x28000, s13;
	s28 =	sadd.s32 s14, s24;
	s24 =	rddreg [dreg:$0x1]  }
0x1e: {  	s14 =	sadd.s32 s14, s15;
	s15 =	sadd.s32 s25, s15;
	s25 =	rddreg [dreg:$0x2]  }
0x1f: {  	s30 =	simm.s32 $0x1;
	s21 =	sadd.s32 s16, s13;
	[dreg:$0xd] =	wrdreg s28  }
0x20: {  	s18 =	sadd.s32 $0x83800, s4;
	s17 =	sshrl.u32 s21, $0x3;
	[dreg:$0xe] =	wrdreg s14  }
0x21: {  	s12 =	sshll.u32 s12, $0x4;
	s17 =	sadd.s32 s18, s17;
	[dreg:$0x18] =	wrdreg s15  }
0x22: {  	s14 =	sor.u32 s26, s19;
	s15 =	sadd.s32 $0xA00, s16;
	[dreg:$0x19] =	wrdreg s17  }
0x23: {  	s19 =	sadd.s32 $0x1E00, s16;
	s26 =	sadd.s32 s13, s12;
	s14 =	smul.u32 $0x500, s14  }
0x24: {  	s22 =	sadd.s32 s13, s15;
	s13 =	sadd.s32 s13, s19;
	s21 =	sshrl.u32 s26, $0x3  }
0x25: {  	s26 =	rddreg [dreg:$0x3];
	s23 =	sshrl.u32 s22, $0x3;
	s21 =	sadd.s32 s18, s21  }
0x26: {  	s13 =	sshrl.u32 s13, $0x3;
	s17 =	sadd.s32 s18, s23;
	[dreg:$0x1b] =	wrdreg s21  }
0x27: {  	s31 =	sadd.s32 $0x1FE00, s4;
	s13 =	sadd.s32 s18, s13;
	[dreg:$0x1a] =	wrdreg s17  }
0x28: {  	s18 =	sadd.s32 s24, s14;
	s21 =	sadd.s32 s14, s4;
	[dreg:$0x1c] =	wrdreg s13  }
0x29: {  	s22 =	sadd.s32 $0x2400, s21;
	_ =	strace $0x80000047;
	[dreg:$0x1d] =	wrdreg s18  }
0x2a: {  	s0 =	smax.u32 s0, $0x1;
	s23 =	sadd.s32 s15, s25;
	[dreg:$0x1e] =	wrdreg s22  }
0x2b: {  	s12 =	sadd.s32 s12, s25;
	s28 =	simm.s32 $0xCD00;
	[smem:$0x7F0] =	sst s23  }
0x2c: {  	s1 =	sadd.s32 s1, s26;
	s13 =	sadd.s32 s19, s25;
	[smem:$0x7F1] =	sst s12  }
0x2d: {  	s24 =	sadd.s32 $0xC400, s4;
	s14 =	sadd.s32 s16, s25;
	[smem:$0x7F2] =	sst s13  }
0x2e: {  	s15 =	sadd.s32 s2, s26;
	s16 =	sadd.s32 s5, s26;
	[smem:$0x7F3] =	sst s1  }
0x2f: {  	s2 =	simm.s32 $0x4;
	s4 =	simm.s32 $0x6;
	[smem:$0x7F4] =	sst s15  }
0x30: {  	s5 =	simm.s32 $0x7;
	s17 =	sadd.s32 s6, s26;
	[smem:$0x7F5] =	sst s16  }
0x31: {  	s19 =	sadd.s32 s7, s26;
	s21 =	sadd.s32 s8, s26;
	[smem:$0x7F6] =	sst s17  }
0x32: {  	s6 =	simm.s32 $0x8;
	s7 =	simm.s32 $0x9;
	[smem:$0x7F7] =	sst s19  }
0x33: {  	s8 =	simm.s32 $0xA;
	s18 =	sadd.s32 s3, s26;
	[smem:$0x7F8] =	sst s21  }
0x34: {  	s22 =	sadd.s32 s9, s26;
	s23 =	sadd.s32 s10, s26;
	s17 =	sadd.s32 s11, s26  }
0x35: {  	[smem:$0x7FB] =	sst s0;
	s16 =	simm.s32 $0xC;
	s11 =	simm.s32 $0x1B410  }
0x36: {  	s19 =	simm.s32 $0x7D;
	s21 =	simm.s32 $0x5000;
	[dreg:$0x1f] =	wrdreg s14  }
0x37: {  	s0 =	simm.s32 $0xADC0;
	s15 =	simm.s32 $0x1AC40;
	[smem:$0x7F9] =	sst s22  }
0x38: {  	s1 =	simm.s32 $0x3;
	s3 =	simm.s32 $0x5;
	[smem:$0x7FA] =	sst s23  }
0x39: {  	s9 =	simm.s32 $0xB;
	s12 =	simm.s32 $0x0;
	[smem:$0x7FC] =	sst s17  }
0x3a: {  	v0 =	vimm.f32 $0.0e+00;
	v1 =	vimm.f32 $1.000000000e+00;
	s23 =	simm.s32 $0x6F40;
	s22 =	simm.s32 $0x2;
	[smem:$0x7FD] =	sst s18  }
.LBB2_1:
0x3b: {  	[smem:$0x7EF] =	sst s12  }
0x3c: {  	s10 =	rddreg [dreg:$0x1d]  }
0x3d: {  	[tilespmem:s20], [sflag:$0xC] =	stream.linear.gather [hbm4b:s10+s20], $0x2800, $0x38;
	[tilespmem:$0x1E610] =	vst v63  }
0x3e: {  	_ =	swait.ge [sflag:s16], $0x2800  }
0x3f: {  	[sflag:s16] =	ssyncset.done $0x0  }
0x40: {  	s10 =	simm.s32 $0x2800;
	s13 =	rddreg [dreg:$0x1e];
	[sflag:s16] =	ssyncadd.s32 $0xFFFFD800  }
0x41: {  	[tilespmem:s10], [sflag:$0xC] =	stream.linear.gather [hbm4b:s13+s20], $0x2800, $0x38;
	[tilespmem:$0x1E610] =	vst v63  }
0x42: {  	_ =	swait.ge [sflag:s16], $0x2800  }
0x43: {  	[sflag:s16] =	ssyncset.done $0x0  }
0x44: {  	s12 =	simm.s32 $0x0;
	[sflag:s16] =	ssyncadd.s32 $0xFFFFD800  }
.LBB2_2:
0x45: {  	p0 =	sne.s32 s12, $0x3F00  }
.Ltmp0:
0x46: {  	s13 =	sshra.s32 s12, $0x2;
	(pc) =	sbr.rel @p0 .LBB2_2-.Ltmp0, $4  }
0x47: {  	[tilespmem:s13+$0xEC40] =	vst v0  }
0x48: {  	[tilespmem:s13+$0xEC50] =	vst v0  }
0x49: {  	[tilespmem:s13+$0xEC60] =	vst v0  }
0x4a: {  	s12 =	sadd.s32 $0x100, s12;
	[tilespmem:s13+$0xEC70] =	vst v0  }
0x4b: {  	s12 =	simm.s32 $0x40;
	s13 =	simm.s32 $0x0  }
.LBB2_4:
0x4c: {  	p0 =	sne.s32 s12, $0x27C0;
	[tilespmem:s13+$0x1B410] =	vst v0;
	s13 =	smov.u32 s12;
	s12 =	sadd.s32 $0x40, s12  }
.Ltmp1:
0x4d: {  	(pc) =	sbr.rel @p0 .LBB2_4-.Ltmp1, $2  }
0x4e: {  	_ =	sdelay $0x2  }
0x4f: {  	s13 =	sshra.s32 s13, $0x2  }
0x50: {  	[tilespmem:s13+$0x1B410] =	vst v0  }
0x51: {  	[spmem:s14] =	stream.linear.scatter [tilespmem:s11], [sflag:$0xC], $0xA00, $0x38;
	[tilespmem:$0x1E610] =	vst v63  }
0x52: {  	_ =	swait.ge [sflag:s16], $0xA00  }
0x53: {  	s12 =	sld [smem:$0x7F0]  }
0x54: {  	[sflag:s16] =	ssyncset.done $0x0  }
0x55: {  	[sflag:s16] =	ssyncadd.s32 $0xFFFFF600  }
0x56: {  	[spmem:s12] =	stream.linear.scatter [tilespmem:s11], [sflag:$0xC], $0xA00, $0x38;
	[tilespmem:$0x1E610] =	vst v63  }
0x57: {  	_ =	swait.ge [sflag:s16], $0xA00  }
0x58: {  	s14 =	sld [smem:$0x7F1]  }
0x59: {  	[sflag:s16] =	ssyncset.done $0x0  }
0x5a: {  	[sflag:s16] =	ssyncadd.s32 $0xFFFFF600  }
0x5b: {  	[spmem:s14] =	stream.linear.scatter [tilespmem:s11], [sflag:$0xC], $0xA00, $0x38;
	[tilespmem:$0x1E610] =	vst v63  }
0x5c: {  	_ =	swait.ge [sflag:s16], $0xA00  }
0x5d: {  	s20 =	sld [smem:$0x7F2]  }
0x5e: {  	[sflag:s16] =	ssyncset.done $0x0  }
0x5f: {  	[sflag:s16] =	ssyncadd.s32 $0xFFFFF600  }
0x60: {  	[spmem:s20] =	stream.linear.scatter [tilespmem:s11], [sflag:$0xC], $0xA00, $0x38;
	[tilespmem:$0x1E610] =	vst v63  }
0x61: {  	_ =	swait.ge [sflag:s16], $0xA00  }
0x62: {  	[sflag:s16] =	ssyncset.done $0x0  }
0x63: {  	s13 =	simm.s32 $0x0;
	s12 =	simm.s32 $0x40;
	[sflag:s16] =	ssyncadd.s32 $0xFFFFF600  }
.LBB2_6:
0x64: {  	p0 =	sne.s32 s12, $0x1F00;
	[tilespmem:s13+$0x1AC40] =	vst v1;
	s13 =	smov.u32 s12;
	s12 =	sadd.s32 $0x40, s12  }
.Ltmp2:
0x65: {  	(pc) =	sbr.rel @p0 .LBB2_6-.Ltmp2, $2  }
0x66: {  	_ =	sdelay $0x2  }
0x67: {  	s13 =	sshra.s32 s13, $0x2  }
0x68: {  	s12 =	sld [smem:$0x7F3];
	_ =	sdelay $0x1  }
0x69: {  	[tilespmem:s13+$0x1AC40] =	vst v1;
	s13 =	simm.s32 $0xEC40  }
0x6a: {  	[spmem:s12] =	stream.linear.scatter [tilespmem:s13], [sflag:$0xC], $0x1000, $0x38;
	[tilespmem:$0x1E610] =	vst v63  }
0x6b: {  	_ =	swait.ge [sflag:s16], $0x1000  }
0x6c: {  	s20 =	sld [smem:$0x7F4]  }
0x6d: {  	[sflag:s16] =	ssyncset.done $0x0  }
0x6e: {  	[sflag:s16] =	ssyncadd.s32 $0xFFFFF000  }
0x6f: {  	[spmem:s20] =	stream.linear.scatter [tilespmem:s13], [sflag:$0xC], $0x1000, $0x38;
	[tilespmem:$0x1E610] =	vst v63  }
0x70: {  	_ =	swait.ge [sflag:s16], $0x1000  }
0x71: {  	[sflag:s16] =	ssyncset.done $0x0  }
0x72: {  	[sflag:s16] =	ssyncadd.s32 $0xFFFFF000  }
0x73: {  	[spmem:s18] =	stream.linear.scatter [tilespmem:s13], [sflag:$0xC], $0x1000, $0x38;
	[tilespmem:$0x1E610] =	vst v63  }
0x74: {  	_ =	swait.ge [sflag:s16], $0x1000  }
0x75: {  	s11 =	sld [smem:$0x7F5]  }
0x76: {  	[sflag:s16] =	ssyncset.done $0x0  }
0x77: {  	[sflag:s16] =	ssyncadd.s32 $0xFFFFF000  }
0x78: {  	[spmem:s11] =	stream.linear.scatter [tilespmem:s13], [sflag:$0xC], $0x1000, $0x38;
	[tilespmem:$0x1E610] =	vst v63  }
0x79: {  	_ =	swait.ge [sflag:s16], $0x1000  }
0x7a: {  	s10 =	sld [smem:$0x7F6]  }
0x7b: {  	[sflag:s16] =	ssyncset.done $0x0  }
0x7c: {  	[sflag:s16] =	ssyncadd.s32 $0xFFFFF000  }
0x7d: {  	[spmem:s10] =	stream.linear.scatter [tilespmem:s13], [sflag:$0xC], $0x1000, $0x38;
	[tilespmem:$0x1E610] =	vst v63  }
0x7e: {  	_ =	swait.ge [sflag:s16], $0x1000  }
0x7f: {  	s10 =	sld [smem:$0x7F7]  }
0x80: {  	[sflag:s16] =	ssyncset.done $0x0  }
0x81: {  	[sflag:s16] =	ssyncadd.s32 $0xFFFFF000  }
0x82: {  	[spmem:s10] =	stream.linear.scatter [tilespmem:s13], [sflag:$0xC], $0x1000, $0x38;
	[tilespmem:$0x1E610] =	vst v63  }
0x83: {  	_ =	swait.ge [sflag:s16], $0x1000  }
0x84: {  	s11 =	sld [smem:$0x7F8]  }
0x85: {  	[sflag:s16] =	ssyncset.done $0x0  }
0x86: {  	[sflag:s16] =	ssyncadd.s32 $0xFFFFF000  }
0x87: {  	[spmem:s11] =	stream.linear.scatter [tilespmem:s13], [sflag:$0xC], $0x1000, $0x38;
	[tilespmem:$0x1E610] =	vst v63  }
0x88: {  	_ =	swait.ge [sflag:s16], $0x1000  }
0x89: {  	s12 =	sld [smem:$0x7F9]  }
0x8a: {  	[sflag:s16] =	ssyncset.done $0x0  }
0x8b: {  	[sflag:s16] =	ssyncadd.s32 $0xFFFFF000  }
0x8c: {  	[spmem:s12] =	stream.linear.scatter [tilespmem:s13], [sflag:$0xC], $0x1000, $0x38;
	[tilespmem:$0x1E610] =	vst v63  }
0x8d: {  	_ =	swait.ge [sflag:s16], $0x1000  }
0x8e: {  	s14 =	sld [smem:$0x7FA]  }
0x8f: {  	[sflag:s16] =	ssyncset.done $0x0  }
0x90: {  	[sflag:s16] =	ssyncadd.s32 $0xFFFFF000  }
0x91: {  	[spmem:s14] =	stream.linear.scatter [tilespmem:s13], [sflag:$0xC], $0x1000, $0x38;
	[tilespmem:$0x1E610] =	vst v63  }
0x92: {  	_ =	swait.ge [sflag:s16], $0x1000  }
0x93: {  	[sflag:s16] =	ssyncset.done $0x0  }
0x94: {  	[sflag:s16] =	ssyncadd.s32 $0xFFFFF000  }
0x95: {  	[spmem:s17] =	stream.linear.scatter [tilespmem:s13], [sflag:$0xC], $0x1000, $0x38;
	[tilespmem:$0x1E610] =	vst v63  }
0x96: {  	_ =	swait.ge [sflag:s16], $0x1000  }
0x97: {  	[sflag:s16] =	ssyncset.done $0x0  }
0x98: {  	[sflag:s16] =	ssyncadd.s32 $0xFFFFF000  }
0x99: {  	s17 =	simm.s32 $0x0;
	[bflag:$0x0] =	sbarrier.arrive $0xFFFF  }
0x9a: {  	[tilespmem:s21], [sflag:$0x1] =	stream.indirect.gather [hbm4b:s31+s19], $0x40, s17, s19, $0xb8;
	[tilespmem:$0x1E610] =	vst v63  }
0x9b: {  	s20 =	simm.s32 $0x80  }
0x9c: {  	[tilespmem:s23], [sflag:$0x2] =	stream.indirect.gather [hbm4b:s31+s19], $0x40, s20, s19, $0xb8;
	[tilespmem:$0x1E610] =	vst v63  }
0x9d: {  	s11 =	simm.s32 $0x100  }
0x9e: {  	[tilespmem:s29], [sflag:$0x3] =	stream.indirect.gather [hbm4b:s31+s19], $0x40, s11, s19, $0xb8;
	[tilespmem:$0x1E610] =	vst v63  }
0x9f: {  	s12 =	simm.s32 $0x180  }
0xa0: {  	[tilespmem:s0], [sflag:$0x4] =	stream.indirect.gather [hbm4b:s31+s19], $0x40, s12, s19, $0xb8;
	[tilespmem:$0x1E610] =	vst v63  }
0xa1: {  	s13 =	simm.s32 $0x200  }
0xa2: {  	[tilespmem:s28], [sflag:$0x5] =	stream.indirect.gather [hbm4b:s31+s19], $0x40, s13, s19, $0xb8;
	[tilespmem:$0x1E610] =	vst v63  }
0xa3: {  	_ =	swait.ge [sflag:s30], $0x1F40  }
0xa4: {  	[sflag:s30] =	ssyncset.done $0x0  }
0xa5: {  	s14 =	simm.s32 $0x2800;
	[sflag:s30] =	ssyncadd.s32 $0xFFFFE0C0  }
0xa6: {  	[spmem:s26] =	stream.indirect.scatter.add.f32 [tilespmem:s21], [sflag:$0x6], $0x40, s14, s19, $0xb8;
	[tilespmem:$0x1E610] =	vst v63  }
0xa7: {  	_ = 	snop  }
0xa8: {  	[spmem:s25] =	stream.indirect.scatter.add.f32 [tilespmem:s15], [sflag:$0xB], $0x10, s14, s19, $0xb8;
	[tilespmem:$0x1E610] =	vst v63  }
0xa9: {  	_ =	swait.ge [sflag:s22], $0x1F40  }
0xaa: {  	[sflag:s22] =	ssyncset.done $0x0  }
0xab: {  	s17 =	simm.s32 $0x2880;
	[sflag:s22] =	ssyncadd.s32 $0xFFFFE0C0  }
0xac: {  	[spmem:s26] =	stream.indirect.scatter.add.f32 [tilespmem:s23], [sflag:$0x7], $0x40, s17, s19, $0xb8;
	[tilespmem:$0x1E610] =	vst v63  }
0xad: {  	_ = 	snop  }
0xae: {  	[spmem:s25] =	stream.indirect.scatter.add.f32 [tilespmem:s15], [sflag:$0xB], $0x10, s17, s19, $0xb8;
	[tilespmem:$0x1E610] =	vst v63  }
0xaf: {  	_ =	swait.ge [sflag:s1], $0x1F40  }
0xb0: {  	[sflag:s1] =	ssyncset.done $0x0  }
0xb1: {  	s20 =	simm.s32 $0x2900;
	[sflag:s1] =	ssyncadd.s32 $0xFFFFE0C0  }
0xb2: {  	[spmem:s26] =	stream.indirect.scatter.add.f32 [tilespmem:s29], [sflag:$0x8], $0x40, s20, s19, $0xb8;
	[tilespmem:$0x1E610] =	vst v63  }
0xb3: {  	_ = 	snop  }
0xb4: {  	[spmem:s25] =	stream.indirect.scatter.add.f32 [tilespmem:s15], [sflag:$0xB], $0x10, s20, s19, $0xb8;
	[tilespmem:$0x1E610] =	vst v63  }
0xb5: {  	_ =	swait.ge [sflag:s2], $0x1F40  }
0xb6: {  	[sflag:s2] =	ssyncset.done $0x0  }
0xb7: {  	s10 =	simm.s32 $0x2980;
	[sflag:s2] =	ssyncadd.s32 $0xFFFFE0C0  }
0xb8: {  	[spmem:s26] =	stream.indirect.scatter.add.f32 [tilespmem:s0], [sflag:$0x9], $0x40, s10, s19, $0xb8;
	[tilespmem:$0x1E610] =	vst v63  }
0xb9: {  	_ = 	snop  }
0xba: {  	[spmem:s25] =	stream.indirect.scatter.add.f32 [tilespmem:s15], [sflag:$0xB], $0x10, s10, s19, $0xb8;
	[tilespmem:$0x1E610] =	vst v63  }
0xbb: {  	_ =	swait.ge [sflag:s3], $0x1F40  }
0xbc: {  	[sflag:s3] =	ssyncset.done $0x0  }
0xbd: {  	s11 =	simm.s32 $0x2A00;
	[sflag:s3] =	ssyncadd.s32 $0xFFFFE0C0  }
0xbe: {  	[spmem:s26] =	stream.indirect.scatter.add.f32 [tilespmem:s28], [sflag:$0xA], $0x40, s11, s19, $0xb8;
	[tilespmem:$0x1E610] =	vst v63  }
0xbf: {  	_ = 	snop  }
0xc0: {  	[spmem:s25] =	stream.indirect.scatter.add.f32 [tilespmem:s15], [sflag:$0xB], $0x10, s11, s19, $0xb8;
	[tilespmem:$0x1E610] =	vst v63  }
0xc1: {  	_ =	swait.ge [sflag:s4], $0x1F40  }
0xc2: {  	[sflag:s4] =	ssyncset.done $0x0  }
0xc3: {  	s13 =	simm.s32 $0x280;
	[sflag:s4] =	ssyncadd.s32 $0xFFFFE0C0  }
0xc4: {  	[tilespmem:s21], [sflag:$0x1] =	stream.indirect.gather [hbm4b:s31+s19], $0x40, s13, s19, $0xb8;
	[tilespmem:$0x1E610] =	vst v63  }
0xc5: {  	_ =	swait.ge [sflag:s5], $0x1F40  }
0xc6: {  	[sflag:s5] =	ssyncset.done $0x0  }
0xc7: {  	s14 =	simm.s32 $0x300;
	[sflag:s5] =	ssyncadd.s32 $0xFFFFE0C0  }
0xc8: {  	[tilespmem:s23], [sflag:$0x2] =	stream.indirect.gather [hbm4b:s31+s19], $0x40, s14, s19, $0xb8;
	[tilespmem:$0x1E610] =	vst v63  }
0xc9: {  	_ =	swait.ge [sflag:s6], $0x1F40  }
0xca: {  	[sflag:s6] =	ssyncset.done $0x0  }
0xcb: {  	s17 =	simm.s32 $0x380;
	[sflag:s6] =	ssyncadd.s32 $0xFFFFE0C0  }
0xcc: {  	[tilespmem:s29], [sflag:$0x3] =	stream.indirect.gather [hbm4b:s31+s19], $0x40, s17, s19, $0xb8;
	[tilespmem:$0x1E610] =	vst v63  }
0xcd: {  	_ =	swait.ge [sflag:s7], $0x1F40  }
0xce: {  	[sflag:s7] =	ssyncset.done $0x0  }
0xcf: {  	s20 =	simm.s32 $0x400;
	[sflag:s7] =	ssyncadd.s32 $0xFFFFE0C0  }
0xd0: {  	[tilespmem:s0], [sflag:$0x4] =	stream.indirect.gather [hbm4b:s31+s19], $0x40, s20, s19, $0xb8;
	[tilespmem:$0x1E610] =	vst v63  }
0xd1: {  	_ =	swait.ge [sflag:s8], $0x1F40  }
0xd2: {  	[sflag:s8] =	ssyncset.done $0x0  }
0xd3: {  	s12 =	simm.s32 $0xA00;
	s13 =	simm.s32 $0x480;
	[sflag:s8] =	ssyncadd.s32 $0xFFFFE0C0  }
.LBB2_8:
0xd4: {  	[tilespmem:s28], [sflag:$0x5] =	stream.indirect.gather [hbm4b:s31+s19], $0x40, s13, s19, $0xb8;
	[tilespmem:$0x1E610] =	vst v63  }
0xd5: {  	s13 =	smov.u32 s12  }
0xd6: {  	p0 =	sne.s32 s12, $0x8C00;
	s12 =	sadd.s32 $0xA00, s12;
	_ =	swait.ge [sflag:s30], $0x1F40  }
0xd7: {  	s13 =	sshra.s32 s13, $0x2;
	[sflag:s30] =	ssyncset.done $0x0  }
0xd8: {  	s14 =	sadd.s32 $0x2800, s13;
	[sflag:s30] =	ssyncadd.s32 $0xFFFFE0C0  }
0xd9: {  	[spmem:s26] =	stream.indirect.scatter.add.f32 [tilespmem:s21], [sflag:$0x6], $0x40, s14, s19, $0xb8;
	[tilespmem:$0x1E610] =	vst v63  }
0xda: {  	_ = 	snop  }
0xdb: {  	[spmem:s25] =	stream.indirect.scatter.add.f32 [tilespmem:s15], [sflag:$0xB], $0x10, s14, s19, $0xb8;
	[tilespmem:$0x1E610] =	vst v63  }
0xdc: {  	_ =	swait.ge [sflag:s22], $0x1F40  }
0xdd: {  	[sflag:s22] =	ssyncset.done $0x0  }
0xde: {  	s14 =	sadd.s32 $0x2880, s13;
	[sflag:s22] =	ssyncadd.s32 $0xFFFFE0C0  }
0xdf: {  	[spmem:s26] =	stream.indirect.scatter.add.f32 [tilespmem:s23], [sflag:$0x7], $0x40, s14, s19, $0xb8;
	[tilespmem:$0x1E610] =	vst v63  }
0xe0: {  	_ = 	snop  }
0xe1: {  	[spmem:s25] =	stream.indirect.scatter.add.f32 [tilespmem:s15], [sflag:$0xB], $0x10, s14, s19, $0xb8;
	[tilespmem:$0x1E610] =	vst v63  }
0xe2: {  	_ =	swait.ge [sflag:s1], $0x1F40  }
0xe3: {  	[sflag:s1] =	ssyncset.done $0x0  }
0xe4: {  	s14 =	sadd.s32 $0x2900, s13;
	[sflag:s1] =	ssyncadd.s32 $0xFFFFE0C0  }
0xe5: {  	[spmem:s26] =	stream.indirect.scatter.add.f32 [tilespmem:s29], [sflag:$0x8], $0x40, s14, s19, $0xb8;
	[tilespmem:$0x1E610] =	vst v63  }
0xe6: {  	_ = 	snop  }
0xe7: {  	[spmem:s25] =	stream.indirect.scatter.add.f32 [tilespmem:s15], [sflag:$0xB], $0x10, s14, s19, $0xb8;
	[tilespmem:$0x1E610] =	vst v63  }
0xe8: {  	_ =	swait.ge [sflag:s2], $0x1F40  }
0xe9: {  	[sflag:s2] =	ssyncset.done $0x0  }
0xea: {  	s14 =	sadd.s32 $0x2980, s13;
	[sflag:s2] =	ssyncadd.s32 $0xFFFFE0C0  }
0xeb: {  	[spmem:s26] =	stream.indirect.scatter.add.f32 [tilespmem:s0], [sflag:$0x9], $0x40, s14, s19, $0xb8;
	[tilespmem:$0x1E610] =	vst v63  }
0xec: {  	_ = 	snop  }
0xed: {  	[spmem:s25] =	stream.indirect.scatter.add.f32 [tilespmem:s15], [sflag:$0xB], $0x10, s14, s19, $0xb8;
	[tilespmem:$0x1E610] =	vst v63  }
0xee: {  	_ =	swait.ge [sflag:s3], $0x1F40  }
0xef: {  	[sflag:s3] =	ssyncset.done $0x0  }
0xf0: {  	s14 =	sadd.s32 $0x2A00, s13;
	[sflag:s3] =	ssyncadd.s32 $0xFFFFE0C0  }
0xf1: {  	[spmem:s26] =	stream.indirect.scatter.add.f32 [tilespmem:s28], [sflag:$0xA], $0x40, s14, s19, $0xb8;
	[tilespmem:$0x1E610] =	vst v63  }
0xf2: {  	_ = 	snop  }
0xf3: {  	[spmem:s25] =	stream.indirect.scatter.add.f32 [tilespmem:s15], [sflag:$0xB], $0x10, s14, s19, $0xb8;
	[tilespmem:$0x1E610] =	vst v63  }
0xf4: {  	_ =	swait.ge [sflag:s4], $0x1F40  }
0xf5: {  	[sflag:s4] =	ssyncset.done $0x0  }
0xf6: {  	s14 =	sadd.s32 $0x280, s13;
	[sflag:s4] =	ssyncadd.s32 $0xFFFFE0C0  }
0xf7: {  	[tilespmem:s21], [sflag:$0x1] =	stream.indirect.gather [hbm4b:s31+s19], $0x40, s14, s19, $0xb8;
	[tilespmem:$0x1E610] =	vst v63  }
0xf8: {  	_ =	swait.ge [sflag:s5], $0x1F40  }
0xf9: {  	[sflag:s5] =	ssyncset.done $0x0  }
0xfa: {  	s14 =	sadd.s32 $0x300, s13;
	[sflag:s5] =	ssyncadd.s32 $0xFFFFE0C0  }
0xfb: {  	[tilespmem:s23], [sflag:$0x2] =	stream.indirect.gather [hbm4b:s31+s19], $0x40, s14, s19, $0xb8;
	[tilespmem:$0x1E610] =	vst v63  }
0xfc: {  	_ =	swait.ge [sflag:s6], $0x1F40  }
0xfd: {  	[sflag:s6] =	ssyncset.done $0x0  }
0xfe: {  	s14 =	sadd.s32 $0x380, s13;
	[sflag:s6] =	ssyncadd.s32 $0xFFFFE0C0  }
0xff: {  	[tilespmem:s29], [sflag:$0x3] =	stream.indirect.gather [hbm4b:s31+s19], $0x40, s14, s19, $0xb8;
	[tilespmem:$0x1E610] =	vst v63  }
0x100: {  	_ =	swait.ge [sflag:s7], $0x1F40  }
0x101: {  	[sflag:s7] =	ssyncset.done $0x0  }
.Ltmp3:
0x102: {  	s14 =	sadd.s32 $0x400, s13;
	[sflag:s7] =	ssyncadd.s32 $0xFFFFE0C0;
	(pc) =	sbr.rel @p0 .LBB2_8-.Ltmp3, $4  }
0x103: {  	[tilespmem:s0], [sflag:$0x4] =	stream.indirect.gather [hbm4b:s31+s19], $0x40, s14, s19, $0xb8;
	[tilespmem:$0x1E610] =	vst v63  }
0x104: {  	_ =	swait.ge [sflag:s8], $0x1F40  }
0x105: {  	[sflag:s8] =	ssyncset.done $0x0  }
0x106: {  	s13 =	sadd.s32 $0x480, s13;
	[sflag:s8] =	ssyncadd.s32 $0xFFFFE0C0  }
0x107: {  	[tilespmem:s28], [sflag:$0x5] =	stream.indirect.gather [hbm4b:s31+s19], $0x40, s13, s19, $0xb8;
	[tilespmem:$0x1E610] =	vst v63  }
0x108: {  	_ =	swait.ge [sflag:s30], $0x1F40  }
0x109: {  	[sflag:s30] =	ssyncset.done $0x0  }
0x10a: {  	s10 =	simm.s32 $0x4D80;
	[sflag:s30] =	ssyncadd.s32 $0xFFFFE0C0  }
0x10b: {  	[spmem:s26] =	stream.indirect.scatter.add.f32 [tilespmem:s21], [sflag:$0x6], $0x40, s10, s19, $0xb8;
	[tilespmem:$0x1E610] =	vst v63  }
0x10c: {  	_ = 	snop  }
0x10d: {  	[spmem:s25] =	stream.indirect.scatter.add.f32 [tilespmem:s15], [sflag:$0xB], $0x10, s10, s19, $0xb8;
	[tilespmem:$0x1E610] =	vst v63  }
0x10e: {  	_ =	swait.ge [sflag:s22], $0x1F40  }
0x10f: {  	[sflag:s22] =	ssyncset.done $0x0  }
0x110: {  	s14 =	simm.s32 $0x4E00;
	[sflag:s22] =	ssyncadd.s32 $0xFFFFE0C0  }
0x111: {  	[spmem:s26] =	stream.indirect.scatter.add.f32 [tilespmem:s23], [sflag:$0x7], $0x40, s14, s19, $0xb8;
	[tilespmem:$0x1E610] =	vst v63  }
0x112: {  	_ = 	snop  }
0x113: {  	[spmem:s25] =	stream.indirect.scatter.add.f32 [tilespmem:s15], [sflag:$0xB], $0x10, s14, s19, $0xb8;
	[tilespmem:$0x1E610] =	vst v63  }
0x114: {  	_ =	swait.ge [sflag:s1], $0x1F40  }
0x115: {  	[sflag:s1] =	ssyncset.done $0x0  }
0x116: {  	s17 =	simm.s32 $0x4E80;
	[sflag:s1] =	ssyncadd.s32 $0xFFFFE0C0  }
0x117: {  	[spmem:s26] =	stream.indirect.scatter.add.f32 [tilespmem:s29], [sflag:$0x8], $0x40, s17, s19, $0xb8;
	[tilespmem:$0x1E610] =	vst v63  }
0x118: {  	_ = 	snop  }
0x119: {  	[spmem:s25] =	stream.indirect.scatter.add.f32 [tilespmem:s15], [sflag:$0xB], $0x10, s17, s19, $0xb8;
	[tilespmem:$0x1E610] =	vst v63  }
0x11a: {  	_ =	swait.ge [sflag:s2], $0x1F40  }
0x11b: {  	[sflag:s2] =	ssyncset.done $0x0  }
0x11c: {  	s11 =	smov.u32 s18;
	s18 =	simm.s32 $0x4F00;
	[sflag:s2] =	ssyncadd.s32 $0xFFFFE0C0  }
0x11d: {  	[spmem:s26] =	stream.indirect.scatter.add.f32 [tilespmem:s0], [sflag:$0x9], $0x40, s18, s19, $0xb8;
	[tilespmem:$0x1E610] =	vst v63  }
0x11e: {  	_ = 	snop  }
0x11f: {  	[spmem:s25] =	stream.indirect.scatter.add.f32 [tilespmem:s15], [sflag:$0xB], $0x10, s18, s19, $0xb8;
	[tilespmem:$0x1E610] =	vst v63  }
0x120: {  	_ =	swait.ge [sflag:s3], $0x1F40  }
0x121: {  	[sflag:s3] =	ssyncset.done $0x0  }
0x122: {  	s20 =	simm.s32 $0x4F80;
	[sflag:s3] =	ssyncadd.s32 $0xFFFFE0C0  }
0x123: {  	[spmem:s26] =	stream.indirect.scatter.add.f32 [tilespmem:s28], [sflag:$0xA], $0x40, s20, s19, $0xb8;
	[tilespmem:$0x1E610] =	vst v63  }
0x124: {  	_ = 	snop  }
0x125: {  	[spmem:s25] =	stream.indirect.scatter.add.f32 [tilespmem:s15], [sflag:$0xB], $0x10, s20, s19, $0xb8;
	[tilespmem:$0x1E610] =	vst v63  }
0x126: {  	_ =	swait.ge [sflag:s4], $0x1F40  }
0x127: {  	[sflag:s4] =	ssyncset.done $0x0  }
0x128: {  	[sflag:s4] =	ssyncadd.s32 $0xFFFFE0C0  }
0x129: {  	_ =	swait.ge [sflag:s5], $0x1F40  }
0x12a: {  	[sflag:s5] =	ssyncset.done $0x0  }
0x12b: {  	[sflag:s5] =	ssyncadd.s32 $0xFFFFE0C0  }
0x12c: {  	_ =	swait.ge [sflag:s6], $0x1F40  }
0x12d: {  	[sflag:s6] =	ssyncset.done $0x0  }
0x12e: {  	[sflag:s6] =	ssyncadd.s32 $0xFFFFE0C0  }
0x12f: {  	_ =	swait.ge [sflag:s7], $0x1F40  }
0x130: {  	[sflag:s7] =	ssyncset.done $0x0  }
0x131: {  	[sflag:s7] =	ssyncadd.s32 $0xFFFFE0C0  }
0x132: {  	_ =	swait.ge [sflag:s8], $0x1F40  }
0x133: {  	[sflag:s8] =	ssyncset.done $0x0  }
0x134: {  	[sflag:s8] =	ssyncadd.s32 $0xFFFFE0C0  }
0x135: {  	_ =	swait.ge [sflag:s9], $0x7D0  }
0x136: {  	s12 =	simm.s32 $0x4F;
	[sflag:s9] =	ssyncset.done $0x0  }
.LBB2_10:
0x137: {  	p0 =	sne.s32 s12, $0x1;
	s12 =	sadd.s32 $0xFFFFFFFF, s12;
	[sflag:s9] =	ssyncadd.s32 $0xFFFFF830  }
.Ltmp4:
0x138: {  	(pc) =	sbr.rel @p0 .LBB2_10-.Ltmp4, $3  }
0x139: {  	_ =	sdelay $0x1  }
0x13a: {  	_ =	swait.ge [sflag:s9], $0x7D0  }
0x13b: {  	[sflag:s9] =	ssyncset.done $0x0  }
0x13c: {  	[sflag:s9] =	ssyncadd.s32 $0xFFFFF830  }
0x13d: {  	[bflag:$0x0] =	sbarrier.arrive $0xFFFF  }
0x13e: {  	s12 =	sld [smem:$0x7F3];
	_ =	sdelay $0x1  }
0x13f: {  	s10 =	simm.s32 $0xFC40  }
0x140: {  	[tilespmem:s10], [sflag:$0xC] =	stream.linear.gather [spmem:s12], $0x1000, $0x38;
	[tilespmem:$0x1E610] =	vst v63  }
0x141: {  	_ =	swait.ge [sflag:s16], $0x1000  }
0x142: {  	[sflag:s16] =	ssyncset.done $0x0  }
0x143: {  	s12 =	simm.s32 $0x0;
	s13 =	rddreg [dreg:$0x5];
	[sflag:s16] =	ssyncadd.s32 $0xFFFFF000  }
0x144: {  	[hbm4b:s13+s12] =	stream.linear.scatter [tilespmem:s10], [sflag:$0xC], $0x1000, $0x38;
	[tilespmem:$0x1E610] =	vst v63  }
0x145: {  	_ =	swait.ge [sflag:s16], $0x1000  }
0x146: {  	s18 =	sld [smem:$0x7F4]  }
0x147: {  	[sflag:s16] =	ssyncset.done $0x0  }
0x148: {  	[sflag:s16] =	ssyncadd.s32 $0xFFFFF000  }
0x149: {  	[tilespmem:s10], [sflag:$0xC] =	stream.linear.gather [spmem:s18], $0x1000, $0x38;
	[tilespmem:$0x1E610] =	vst v63  }
0x14a: {  	_ =	swait.ge [sflag:s16], $0x1000  }
0x14b: {  	[sflag:s16] =	ssyncset.done $0x0  }
0x14c: {  	s20 =	rddreg [dreg:$0x6];
	[sflag:s16] =	ssyncadd.s32 $0xFFFFF000  }
0x14d: {  	[hbm4b:s20+s12] =	stream.linear.scatter [tilespmem:s10], [sflag:$0xC], $0x1000, $0x38;
	[tilespmem:$0x1E610] =	vst v63  }
0x14e: {  	_ =	swait.ge [sflag:s16], $0x1000  }
0x14f: {  	[sflag:s16] =	ssyncset.done $0x0  }
0x150: {  	[sflag:s16] =	ssyncadd.s32 $0xFFFFF000  }
0x151: {  	[tilespmem:s10], [sflag:$0xC] =	stream.linear.gather [spmem:s11], $0x1000, $0x38;
	[tilespmem:$0x1E610] =	vst v63  }
0x152: {  	_ =	swait.ge [sflag:s16], $0x1000  }
0x153: {  	[sflag:s16] =	ssyncset.done $0x0  }
0x154: {  	s14 =	rddreg [dreg:$0x7];
	[sflag:s16] =	ssyncadd.s32 $0xFFFFF000  }
0x155: {  	[hbm4b:s14+s12] =	stream.linear.scatter [tilespmem:s10], [sflag:$0xC], $0x1000, $0x38;
	[tilespmem:$0x1E610] =	vst v63  }
0x156: {  	_ =	swait.ge [sflag:s16], $0x1000  }
0x157: {  	s17 =	sld [smem:$0x7F5]  }
0x158: {  	[sflag:s16] =	ssyncset.done $0x0  }
0x159: {  	[sflag:s16] =	ssyncadd.s32 $0xFFFFF000  }
0x15a: {  	[tilespmem:s10], [sflag:$0xC] =	stream.linear.gather [spmem:s17], $0x1000, $0x38;
	[tilespmem:$0x1E610] =	vst v63  }
0x15b: {  	_ =	swait.ge [sflag:s16], $0x1000  }
0x15c: {  	[sflag:s16] =	ssyncset.done $0x0  }
0x15d: {  	s18 =	rddreg [dreg:$0x8];
	[sflag:s16] =	ssyncadd.s32 $0xFFFFF000  }
0x15e: {  	[hbm4b:s18+s12] =	stream.linear.scatter [tilespmem:s10], [sflag:$0xC], $0x1000, $0x38;
	[tilespmem:$0x1E610] =	vst v63  }
0x15f: {  	_ =	swait.ge [sflag:s16], $0x1000  }
0x160: {  	s20 =	sld [smem:$0x7F6]  }
0x161: {  	[sflag:s16] =	ssyncset.done $0x0  }
0x162: {  	[sflag:s16] =	ssyncadd.s32 $0xFFFFF000  }
0x163: {  	[tilespmem:s10], [sflag:$0xC] =	stream.linear.gather [spmem:s20], $0x1000, $0x38;
	[tilespmem:$0x1E610] =	vst v63  }
0x164: {  	_ =	swait.ge [sflag:s16], $0x1000  }
0x165: {  	[sflag:s16] =	ssyncset.done $0x0  }
0x166: {  	s11 =	rddreg [dreg:$0x9];
	[sflag:s16] =	ssyncadd.s32 $0xFFFFF000  }
0x167: {  	[hbm4b:s11+s12] =	stream.linear.scatter [tilespmem:s10], [sflag:$0xC], $0x1000, $0x38;
	[tilespmem:$0x1E610] =	vst v63  }
0x168: {  	_ =	swait.ge [sflag:s16], $0x1000  }
0x169: {  	s20 =	sld [smem:$0x7F7]  }
0x16a: {  	[sflag:s16] =	ssyncset.done $0x0  }
0x16b: {  	[sflag:s16] =	ssyncadd.s32 $0xFFFFF000  }
0x16c: {  	[tilespmem:s10], [sflag:$0xC] =	stream.linear.gather [spmem:s20], $0x1000, $0x38;
	[tilespmem:$0x1E610] =	vst v63  }
0x16d: {  	_ =	swait.ge [sflag:s16], $0x1000  }
0x16e: {  	[sflag:s16] =	ssyncset.done $0x0  }
0x16f: {  	s14 =	rddreg [dreg:$0xa];
	[sflag:s16] =	ssyncadd.s32 $0xFFFFF000  }
0x170: {  	[hbm4b:s14+s12] =	stream.linear.scatter [tilespmem:s10], [sflag:$0xC], $0x1000, $0x38;
	[tilespmem:$0x1E610] =	vst v63  }
0x171: {  	_ =	swait.ge [sflag:s16], $0x1000  }
0x172: {  	s18 =	sld [smem:$0x7F8]  }
0x173: {  	[sflag:s16] =	ssyncset.done $0x0  }
0x174: {  	[sflag:s16] =	ssyncadd.s32 $0xFFFFF000  }
0x175: {  	[tilespmem:s10], [sflag:$0xC] =	stream.linear.gather [spmem:s18], $0x1000, $0x38;
	[tilespmem:$0x1E610] =	vst v63  }
0x176: {  	_ =	swait.ge [sflag:s16], $0x1000  }
0x177: {  	[sflag:s16] =	ssyncset.done $0x0  }
0x178: {  	s17 =	rddreg [dreg:$0xb];
	[sflag:s16] =	ssyncadd.s32 $0xFFFFF000  }
0x179: {  	[hbm4b:s17+s12] =	stream.linear.scatter [tilespmem:s10], [sflag:$0xC], $0x1000, $0x38;
	[tilespmem:$0x1E610] =	vst v63  }
0x17a: {  	_ =	swait.ge [sflag:s16], $0x1000  }
0x17b: {  	s14 =	sld [smem:$0x7F9]  }
0x17c: {  	[sflag:s16] =	ssyncset.done $0x0  }
0x17d: {  	[sflag:s16] =	ssyncadd.s32 $0xFFFFF000  }
0x17e: {  	[tilespmem:s10], [sflag:$0xC] =	stream.linear.gather [spmem:s14], $0x1000, $0x38;
	[tilespmem:$0x1E610] =	vst v63  }
0x17f: {  	_ =	swait.ge [sflag:s16], $0x1000  }
0x180: {  	[sflag:s16] =	ssyncset.done $0x0  }
0x181: {  	s11 =	rddreg [dreg:$0xc];
	[sflag:s16] =	ssyncadd.s32 $0xFFFFF000  }
0x182: {  	[hbm4b:s11+s12] =	stream.linear.scatter [tilespmem:s10], [sflag:$0xC], $0x1000, $0x38;
	[tilespmem:$0x1E610] =	vst v63  }
0x183: {  	_ =	swait.ge [sflag:s16], $0x1000  }
0x184: {  	s11 =	sld [smem:$0x7FA]  }
0x185: {  	[sflag:s16] =	ssyncset.done $0x0  }
0x186: {  	[sflag:s16] =	ssyncadd.s32 $0xFFFFF000  }
0x187: {  	[tilespmem:s10], [sflag:$0xC] =	stream.linear.gather [spmem:s11], $0x1000, $0x38;
	[tilespmem:$0x1E610] =	vst v63  }
0x188: {  	_ =	swait.ge [sflag:s16], $0x1000  }
0x189: {  	[sflag:s16] =	ssyncset.done $0x0  }
0x18a: {  	s17 =	rddreg [dreg:$0xd];
	[sflag:s16] =	ssyncadd.s32 $0xFFFFF000  }
0x18b: {  	[hbm4b:s17+s12] =	stream.linear.scatter [tilespmem:s10], [sflag:$0xC], $0x1000, $0x38;
	[tilespmem:$0x1E610] =	vst v63  }
0x18c: {  	_ =	swait.ge [sflag:s16], $0x1000  }
0x18d: {  	s17 =	sld [smem:$0x7FC]  }
0x18e: {  	[sflag:s16] =	ssyncset.done $0x0  }
0x18f: {  	[sflag:s16] =	ssyncadd.s32 $0xFFFFF000  }
0x190: {  	[tilespmem:s10], [sflag:$0xC] =	stream.linear.gather [spmem:s17], $0x1000, $0x38;
	[tilespmem:$0x1E610] =	vst v63  }
0x191: {  	_ =	swait.ge [sflag:s16], $0x1000  }
0x192: {  	[sflag:s16] =	ssyncset.done $0x0  }
0x193: {  	s13 =	rddreg [dreg:$0xe];
	[sflag:s16] =	ssyncadd.s32 $0xFFFFF000  }
0x194: {  	[hbm4b:s13+s12] =	stream.linear.scatter [tilespmem:s10], [sflag:$0xC], $0x1000, $0x38;
	[tilespmem:$0x1E610] =	vst v63  }
0x195: {  	_ =	swait.ge [sflag:s16], $0x1000  }
0x196: {  	[sflag:s16] =	ssyncset.done $0x0  }
0x197: {  	[sflag:s16] =	ssyncadd.s32 $0xFFFFF000  }
0x198: {  	[bflag:$0x0] =	sbarrier.arrive $0xFFFF  }
0x199: {  	s10 =	sld [smem:$0x7F3];
	_ =	sdelay $0x1  }
0x19a: {  	s13 =	simm.s32 $0xEC40  }
0x19b: {  	[spmem:s10] =	stream.linear.scatter [tilespmem:s13], [sflag:$0xC], $0x1000, $0x38;
	[tilespmem:$0x1E610] =	vst v63  }
0x19c: {  	_ =	swait.ge [sflag:s16], $0x1000  }
0x19d: {  	s10 =	sld [smem:$0x7F4]  }
0x19e: {  	[sflag:s16] =	ssyncset.done $0x0  }
0x19f: {  	[sflag:s16] =	ssyncadd.s32 $0xFFFFF000  }
0x1a0: {  	[spmem:s10] =	stream.linear.scatter [tilespmem:s13], [sflag:$0xC], $0x1000, $0x38;
	[tilespmem:$0x1E610] =	vst v63  }
0x1a1: {  	s10 =	sld [smem:$0x7FD];
	_ =	swait.ge [sflag:s16], $0x1000  }
0x1a2: {  	[sflag:s16] =	ssyncset.done $0x0  }
0x1a3: {  	[sflag:s16] =	ssyncadd.s32 $0xFFFFF000  }
0x1a4: {  	[spmem:s10] =	stream.linear.scatter [tilespmem:s13], [sflag:$0xC], $0x1000, $0x38;
	[tilespmem:$0x1E610] =	vst v63  }
0x1a5: {  	_ =	swait.ge [sflag:s16], $0x1000  }
0x1a6: {  	s10 =	sld [smem:$0x7F5]  }
0x1a7: {  	[sflag:s16] =	ssyncset.done $0x0  }
0x1a8: {  	[sflag:s16] =	ssyncadd.s32 $0xFFFFF000  }
0x1a9: {  	[spmem:s10] =	stream.linear.scatter [tilespmem:s13], [sflag:$0xC], $0x1000, $0x38;
	[tilespmem:$0x1E610] =	vst v63  }
0x1aa: {  	_ =	swait.ge [sflag:s16], $0x1000  }
0x1ab: {  	s10 =	sld [smem:$0x7F6]  }
0x1ac: {  	[sflag:s16] =	ssyncset.done $0x0  }
0x1ad: {  	[sflag:s16] =	ssyncadd.s32 $0xFFFFF000  }
0x1ae: {  	[spmem:s10] =	stream.linear.scatter [tilespmem:s13], [sflag:$0xC], $0x1000, $0x38;
	[tilespmem:$0x1E610] =	vst v63  }
0x1af: {  	_ =	swait.ge [sflag:s16], $0x1000  }
0x1b0: {  	[sflag:s16] =	ssyncset.done $0x0  }
0x1b1: {  	[sflag:s16] =	ssyncadd.s32 $0xFFFFF000  }
0x1b2: {  	[spmem:s20] =	stream.linear.scatter [tilespmem:s13], [sflag:$0xC], $0x1000, $0x38;
	[tilespmem:$0x1E610] =	vst v63  }
0x1b3: {  	_ =	swait.ge [sflag:s16], $0x1000  }
0x1b4: {  	[sflag:s16] =	ssyncset.done $0x0  }
0x1b5: {  	[sflag:s16] =	ssyncadd.s32 $0xFFFFF000  }
0x1b6: {  	[spmem:s18] =	stream.linear.scatter [tilespmem:s13], [sflag:$0xC], $0x1000, $0x38;
	[tilespmem:$0x1E610] =	vst v63  }
0x1b7: {  	_ =	swait.ge [sflag:s16], $0x1000  }
0x1b8: {  	[sflag:s16] =	ssyncset.done $0x0  }
0x1b9: {  	[sflag:s16] =	ssyncadd.s32 $0xFFFFF000  }
0x1ba: {  	[spmem:s14] =	stream.linear.scatter [tilespmem:s13], [sflag:$0xC], $0x1000, $0x38;
	[tilespmem:$0x1E610] =	vst v63  }
0x1bb: {  	_ =	swait.ge [sflag:s16], $0x1000  }
0x1bc: {  	[sflag:s16] =	ssyncset.done $0x0  }
0x1bd: {  	[sflag:s16] =	ssyncadd.s32 $0xFFFFF000  }
0x1be: {  	[spmem:s11] =	stream.linear.scatter [tilespmem:s13], [sflag:$0xC], $0x1000, $0x38;
	[tilespmem:$0x1E610] =	vst v63  }
0x1bf: {  	_ =	swait.ge [sflag:s16], $0x1000  }
0x1c0: {  	[sflag:s16] =	ssyncset.done $0x0  }
0x1c1: {  	[sflag:s16] =	ssyncadd.s32 $0xFFFFF000  }
0x1c2: {  	[spmem:s17] =	stream.linear.scatter [tilespmem:s13], [sflag:$0xC], $0x1000, $0x38;
	[tilespmem:$0x1E610] =	vst v63  }
0x1c3: {  	_ =	swait.ge [sflag:s16], $0x1000  }
0x1c4: {  	[sflag:s16] =	ssyncset.done $0x0  }
0x1c5: {  	[sflag:s16] =	ssyncadd.s32 $0xFFFFF000  }
0x1c6: {  	[bflag:$0x0] =	sbarrier.arrive $0xFFFF  }
0x1c7: {  	[tilespmem:s21], [sflag:$0x1] =	stream.indirect.gather [hbm4b:s24+s19], $0x40, s12, s19, $0xb8;
	[tilespmem:$0x1E610] =	vst v63  }
0x1c8: {  	s20 =	simm.s32 $0x80  }
0x1c9: {  	[tilespmem:s23], [sflag:$0x2] =	stream.indirect.gather [hbm4b:s24+s19], $0x40, s20, s19, $0xb8;
	[tilespmem:$0x1E610] =	vst v63  }
0x1ca: {  	s11 =	simm.s32 $0x100  }
0x1cb: {  	[tilespmem:s29], [sflag:$0x3] =	stream.indirect.gather [hbm4b:s24+s19], $0x40, s11, s19, $0xb8;
	[tilespmem:$0x1E610] =	vst v63  }
0x1cc: {  	s12 =	simm.s32 $0x180  }
0x1cd: {  	[tilespmem:s0], [sflag:$0x4] =	stream.indirect.gather [hbm4b:s24+s19], $0x40, s12, s19, $0xb8;
	[tilespmem:$0x1E610] =	vst v63  }
0x1ce: {  	s13 =	simm.s32 $0x200  }
0x1cf: {  	[tilespmem:s28], [sflag:$0x5] =	stream.indirect.gather [hbm4b:s24+s19], $0x40, s13, s19, $0xb8;
	[tilespmem:$0x1E610] =	vst v63  }
0x1d0: {  	_ =	swait.ge [sflag:s30], $0x1F40  }
0x1d1: {  	[sflag:s30] =	ssyncset.done $0x0  }
0x1d2: {  	s14 =	simm.s32 $0x2800;
	[sflag:s30] =	ssyncadd.s32 $0xFFFFE0C0  }
0x1d3: {  	[spmem:s26] =	stream.indirect.scatter.add.f32 [tilespmem:s21], [sflag:$0x6], $0x40, s14, s19, $0xb8;
	[tilespmem:$0x1E610] =	vst v63  }
0x1d4: {  	_ =	swait.ge [sflag:s22], $0x1F40  }
0x1d5: {  	[sflag:s22] =	ssyncset.done $0x0  }
0x1d6: {  	s18 =	simm.s32 $0x2880;
	[sflag:s22] =	ssyncadd.s32 $0xFFFFE0C0  }
0x1d7: {  	[spmem:s26] =	stream.indirect.scatter.add.f32 [tilespmem:s23], [sflag:$0x7], $0x40, s18, s19, $0xb8;
	[tilespmem:$0x1E610] =	vst v63  }
0x1d8: {  	_ =	swait.ge [sflag:s1], $0x1F40  }
0x1d9: {  	[sflag:s1] =	ssyncset.done $0x0  }
0x1da: {  	s20 =	simm.s32 $0x2900;
	[sflag:s1] =	ssyncadd.s32 $0xFFFFE0C0  }
0x1db: {  	[spmem:s26] =	stream.indirect.scatter.add.f32 [tilespmem:s29], [sflag:$0x8], $0x40, s20, s19, $0xb8;
	[tilespmem:$0x1E610] =	vst v63  }
0x1dc: {  	_ =	swait.ge [sflag:s2], $0x1F40  }
0x1dd: {  	[sflag:s2] =	ssyncset.done $0x0  }
0x1de: {  	s10 =	simm.s32 $0x2980;
	[sflag:s2] =	ssyncadd.s32 $0xFFFFE0C0  }
0x1df: {  	[spmem:s26] =	stream.indirect.scatter.add.f32 [tilespmem:s0], [sflag:$0x9], $0x40, s10, s19, $0xb8;
	[tilespmem:$0x1E610] =	vst v63  }
0x1e0: {  	_ =	swait.ge [sflag:s3], $0x1F40  }
0x1e1: {  	[sflag:s3] =	ssyncset.done $0x0  }
0x1e2: {  	s11 =	simm.s32 $0x2A00;
	[sflag:s3] =	ssyncadd.s32 $0xFFFFE0C0  }
0x1e3: {  	[spmem:s26] =	stream.indirect.scatter.add.f32 [tilespmem:s28], [sflag:$0xA], $0x40, s11, s19, $0xb8;
	[tilespmem:$0x1E610] =	vst v63  }
0x1e4: {  	_ =	swait.ge [sflag:s4], $0x1F40  }
0x1e5: {  	[sflag:s4] =	ssyncset.done $0x0  }
0x1e6: {  	s13 =	simm.s32 $0x280;
	[sflag:s4] =	ssyncadd.s32 $0xFFFFE0C0  }
0x1e7: {  	[tilespmem:s21], [sflag:$0x1] =	stream.indirect.gather [hbm4b:s24+s19], $0x40, s13, s19, $0xb8;
	[tilespmem:$0x1E610] =	vst v63  }
0x1e8: {  	_ =	swait.ge [sflag:s5], $0x1F40  }
0x1e9: {  	[sflag:s5] =	ssyncset.done $0x0  }
0x1ea: {  	s14 =	simm.s32 $0x300;
	[sflag:s5] =	ssyncadd.s32 $0xFFFFE0C0  }
0x1eb: {  	[tilespmem:s23], [sflag:$0x2] =	stream.indirect.gather [hbm4b:s24+s19], $0x40, s14, s19, $0xb8;
	[tilespmem:$0x1E610] =	vst v63  }
0x1ec: {  	_ =	swait.ge [sflag:s6], $0x1F40  }
0x1ed: {  	[sflag:s6] =	ssyncset.done $0x0  }
0x1ee: {  	s18 =	simm.s32 $0x380;
	[sflag:s6] =	ssyncadd.s32 $0xFFFFE0C0  }
0x1ef: {  	[tilespmem:s29], [sflag:$0x3] =	stream.indirect.gather [hbm4b:s24+s19], $0x40, s18, s19, $0xb8;
	[tilespmem:$0x1E610] =	vst v63  }
0x1f0: {  	_ =	swait.ge [sflag:s7], $0x1F40  }
0x1f1: {  	[sflag:s7] =	ssyncset.done $0x0  }
0x1f2: {  	s20 =	simm.s32 $0x400;
	[sflag:s7] =	ssyncadd.s32 $0xFFFFE0C0  }
0x1f3: {  	[tilespmem:s0], [sflag:$0x4] =	stream.indirect.gather [hbm4b:s24+s19], $0x40, s20, s19, $0xb8;
	[tilespmem:$0x1E610] =	vst v63  }
0x1f4: {  	_ =	swait.ge [sflag:s8], $0x1F40  }
0x1f5: {  	[sflag:s8] =	ssyncset.done $0x0  }
0x1f6: {  	s12 =	simm.s32 $0xA00;
	s13 =	simm.s32 $0x480;
	[sflag:s8] =	ssyncadd.s32 $0xFFFFE0C0  }
.LBB2_12:
0x1f7: {  	[tilespmem:s28], [sflag:$0x5] =	stream.indirect.gather [hbm4b:s24+s19], $0x40, s13, s19, $0xb8;
	[tilespmem:$0x1E610] =	vst v63  }
0x1f8: {  	s13 =	smov.u32 s12  }
0x1f9: {  	p0 =	sne.s32 s12, $0x8C00;
	s12 =	sadd.s32 $0xA00, s12;
	_ =	swait.ge [sflag:s30], $0x1F40  }
0x1fa: {  	s13 =	sshra.s32 s13, $0x2;
	[sflag:s30] =	ssyncset.done $0x0  }
0x1fb: {  	s14 =	sadd.s32 $0x2800, s13;
	[sflag:s30] =	ssyncadd.s32 $0xFFFFE0C0  }
0x1fc: {  	[spmem:s26] =	stream.indirect.scatter.add.f32 [tilespmem:s21], [sflag:$0x6], $0x40, s14, s19, $0xb8;
	[tilespmem:$0x1E610] =	vst v63  }
0x1fd: {  	_ =	swait.ge [sflag:s22], $0x1F40  }
0x1fe: {  	[sflag:s22] =	ssyncset.done $0x0  }
0x1ff: {  	s14 =	sadd.s32 $0x2880, s13;
	[sflag:s22] =	ssyncadd.s32 $0xFFFFE0C0  }
0x200: {  	[spmem:s26] =	stream.indirect.scatter.add.f32 [tilespmem:s23], [sflag:$0x7], $0x40, s14, s19, $0xb8;
	[tilespmem:$0x1E610] =	vst v63  }
0x201: {  	_ =	swait.ge [sflag:s1], $0x1F40  }
0x202: {  	[sflag:s1] =	ssyncset.done $0x0  }
0x203: {  	s14 =	sadd.s32 $0x2900, s13;
	[sflag:s1] =	ssyncadd.s32 $0xFFFFE0C0  }
0x204: {  	[spmem:s26] =	stream.indirect.scatter.add.f32 [tilespmem:s29], [sflag:$0x8], $0x40, s14, s19, $0xb8;
	[tilespmem:$0x1E610] =	vst v63  }
0x205: {  	_ =	swait.ge [sflag:s2], $0x1F40  }
0x206: {  	[sflag:s2] =	ssyncset.done $0x0  }
0x207: {  	s14 =	sadd.s32 $0x2980, s13;
	[sflag:s2] =	ssyncadd.s32 $0xFFFFE0C0  }
0x208: {  	[spmem:s26] =	stream.indirect.scatter.add.f32 [tilespmem:s0], [sflag:$0x9], $0x40, s14, s19, $0xb8;
	[tilespmem:$0x1E610] =	vst v63  }
0x209: {  	_ =	swait.ge [sflag:s3], $0x1F40  }
0x20a: {  	[sflag:s3] =	ssyncset.done $0x0  }
0x20b: {  	s14 =	sadd.s32 $0x2A00, s13;
	[sflag:s3] =	ssyncadd.s32 $0xFFFFE0C0  }
0x20c: {  	[spmem:s26] =	stream.indirect.scatter.add.f32 [tilespmem:s28], [sflag:$0xA], $0x40, s14, s19, $0xb8;
	[tilespmem:$0x1E610] =	vst v63  }
0x20d: {  	_ =	swait.ge [sflag:s4], $0x1F40  }
0x20e: {  	[sflag:s4] =	ssyncset.done $0x0  }
0x20f: {  	s14 =	sadd.s32 $0x280, s13;
	[sflag:s4] =	ssyncadd.s32 $0xFFFFE0C0  }
0x210: {  	[tilespmem:s21], [sflag:$0x1] =	stream.indirect.gather [hbm4b:s24+s19], $0x40, s14, s19, $0xb8;
	[tilespmem:$0x1E610] =	vst v63  }
0x211: {  	_ =	swait.ge [sflag:s5], $0x1F40  }
0x212: {  	[sflag:s5] =	ssyncset.done $0x0  }
0x213: {  	s14 =	sadd.s32 $0x300, s13;
	[sflag:s5] =	ssyncadd.s32 $0xFFFFE0C0  }
0x214: {  	[tilespmem:s23], [sflag:$0x2] =	stream.indirect.gather [hbm4b:s24+s19], $0x40, s14, s19, $0xb8;
	[tilespmem:$0x1E610] =	vst v63  }
0x215: {  	_ =	swait.ge [sflag:s6], $0x1F40  }
0x216: {  	[sflag:s6] =	ssyncset.done $0x0  }
0x217: {  	s14 =	sadd.s32 $0x380, s13;
	[sflag:s6] =	ssyncadd.s32 $0xFFFFE0C0  }
0x218: {  	[tilespmem:s29], [sflag:$0x3] =	stream.indirect.gather [hbm4b:s24+s19], $0x40, s14, s19, $0xb8;
	[tilespmem:$0x1E610] =	vst v63  }
0x219: {  	_ =	swait.ge [sflag:s7], $0x1F40  }
0x21a: {  	[sflag:s7] =	ssyncset.done $0x0  }
.Ltmp5:
0x21b: {  	s14 =	sadd.s32 $0x400, s13;
	[sflag:s7] =	ssyncadd.s32 $0xFFFFE0C0;
	(pc) =	sbr.rel @p0 .LBB2_12-.Ltmp5, $4  }
0x21c: {  	[tilespmem:s0], [sflag:$0x4] =	stream.indirect.gather [hbm4b:s24+s19], $0x40, s14, s19, $0xb8;
	[tilespmem:$0x1E610] =	vst v63  }
0x21d: {  	_ =	swait.ge [sflag:s8], $0x1F40  }
0x21e: {  	[sflag:s8] =	ssyncset.done $0x0  }
0x21f: {  	s13 =	sadd.s32 $0x480, s13;
	[sflag:s8] =	ssyncadd.s32 $0xFFFFE0C0  }
0x220: {  	[tilespmem:s28], [sflag:$0x5] =	stream.indirect.gather [hbm4b:s24+s19], $0x40, s13, s19, $0xb8;
	[tilespmem:$0x1E610] =	vst v63  }
0x221: {  	_ =	swait.ge [sflag:s30], $0x1F40  }
0x222: {  	[sflag:s30] =	ssyncset.done $0x0  }
0x223: {  	s10 =	simm.s32 $0x4D80;
	[sflag:s30] =	ssyncadd.s32 $0xFFFFE0C0  }
0x224: {  	[spmem:s26] =	stream.indirect.scatter.add.f32 [tilespmem:s21], [sflag:$0x6], $0x40, s10, s19, $0xb8;
	[tilespmem:$0x1E610] =	vst v63  }
0x225: {  	_ =	swait.ge [sflag:s22], $0x1F40  }
0x226: {  	[sflag:s22] =	ssyncset.done $0x0  }
0x227: {  	s20 =	simm.s32 $0x4E00;
	[sflag:s22] =	ssyncadd.s32 $0xFFFFE0C0  }
0x228: {  	[spmem:s26] =	stream.indirect.scatter.add.f32 [tilespmem:s23], [sflag:$0x7], $0x40, s20, s19, $0xb8;
	[tilespmem:$0x1E610] =	vst v63  }
0x229: {  	_ =	swait.ge [sflag:s1], $0x1F40  }
0x22a: {  	[sflag:s1] =	ssyncset.done $0x0  }
0x22b: {  	s11 =	simm.s32 $0x4E80;
	[sflag:s1] =	ssyncadd.s32 $0xFFFFE0C0  }
0x22c: {  	[spmem:s26] =	stream.indirect.scatter.add.f32 [tilespmem:s29], [sflag:$0x8], $0x40, s11, s19, $0xb8;
	[tilespmem:$0x1E610] =	vst v63  }
0x22d: {  	_ =	swait.ge [sflag:s2], $0x1F40  }
0x22e: {  	[sflag:s2] =	ssyncset.done $0x0  }
0x22f: {  	s12 =	simm.s32 $0x4F00;
	[sflag:s2] =	ssyncadd.s32 $0xFFFFE0C0  }
0x230: {  	[spmem:s26] =	stream.indirect.scatter.add.f32 [tilespmem:s0], [sflag:$0x9], $0x40, s12, s19, $0xb8;
	[tilespmem:$0x1E610] =	vst v63  }
0x231: {  	_ =	swait.ge [sflag:s3], $0x1F40  }
0x232: {  	[sflag:s3] =	ssyncset.done $0x0  }
0x233: {  	s13 =	simm.s32 $0x4F80;
	[sflag:s3] =	ssyncadd.s32 $0xFFFFE0C0  }
0x234: {  	[spmem:s26] =	stream.indirect.scatter.add.f32 [tilespmem:s28], [sflag:$0xA], $0x40, s13, s19, $0xb8;
	[tilespmem:$0x1E610] =	vst v63  }
0x235: {  	_ =	swait.ge [sflag:s4], $0x1F40  }
0x236: {  	[sflag:s4] =	ssyncset.done $0x0  }
0x237: {  	[sflag:s4] =	ssyncadd.s32 $0xFFFFE0C0  }
0x238: {  	_ =	swait.ge [sflag:s5], $0x1F40  }
0x239: {  	[sflag:s5] =	ssyncset.done $0x0  }
0x23a: {  	[sflag:s5] =	ssyncadd.s32 $0xFFFFE0C0  }
0x23b: {  	_ =	swait.ge [sflag:s6], $0x1F40  }
0x23c: {  	[sflag:s6] =	ssyncset.done $0x0  }
0x23d: {  	[sflag:s6] =	ssyncadd.s32 $0xFFFFE0C0  }
0x23e: {  	_ =	swait.ge [sflag:s7], $0x1F40  }
0x23f: {  	[sflag:s7] =	ssyncset.done $0x0  }
0x240: {  	[sflag:s7] =	ssyncadd.s32 $0xFFFFE0C0  }
0x241: {  	_ =	swait.ge [sflag:s8], $0x1F40  }
0x242: {  	[sflag:s8] =	ssyncset.done $0x0  }
0x243: {  	[sflag:s8] =	ssyncadd.s32 $0xFFFFE0C0  }
0x244: {  	[bflag:$0x0] =	sbarrier.arrive $0xFFFF  }
0x245: {  	s12 =	sld [smem:$0x7F3];
	_ =	sdelay $0x1  }
0x246: {  	s13 =	simm.s32 $0xFC40  }
0x247: {  	[tilespmem:s13], [sflag:$0xC] =	stream.linear.gather [spmem:s12], $0x1000, $0x38;
	[tilespmem:$0x1E610] =	vst v63  }
0x248: {  	_ =	swait.ge [sflag:s16], $0x1000  }
0x249: {  	[sflag:s16] =	ssyncset.done $0x0  }
0x24a: {  	s20 =	simm.s32 $0x0;
	s14 =	rddreg [dreg:$0xf];
	[sflag:s16] =	ssyncadd.s32 $0xFFFFF000  }
0x24b: {  	[hbm4b:s14+s20] =	stream.linear.scatter [tilespmem:s13], [sflag:$0xC], $0x1000, $0x38;
	[tilespmem:$0x1E610] =	vst v63  }
0x24c: {  	_ =	swait.ge [sflag:s16], $0x1000  }
0x24d: {  	s18 =	sld [smem:$0x7F4]  }
0x24e: {  	[sflag:s16] =	ssyncset.done $0x0  }
0x24f: {  	[sflag:s16] =	ssyncadd.s32 $0xFFFFF000  }
0x250: {  	[tilespmem:s13], [sflag:$0xC] =	stream.linear.gather [spmem:s18], $0x1000, $0x38;
	[tilespmem:$0x1E610] =	vst v63  }
0x251: {  	_ =	swait.ge [sflag:s16], $0x1000  }
0x252: {  	[sflag:s16] =	ssyncset.done $0x0  }
0x253: {  	s10 =	rddreg [dreg:$0x10];
	[sflag:s16] =	ssyncadd.s32 $0xFFFFF000  }
0x254: {  	[hbm4b:s10+s20] =	stream.linear.scatter [tilespmem:s13], [sflag:$0xC], $0x1000, $0x38;
	[tilespmem:$0x1E610] =	vst v63  }
0x255: {  	_ =	swait.ge [sflag:s16], $0x1000  }
0x256: {  	s18 =	sld [smem:$0x7FD]  }
0x257: {  	[sflag:s16] =	ssyncset.done $0x0  }
0x258: {  	[sflag:s16] =	ssyncadd.s32 $0xFFFFF000  }
0x259: {  	[tilespmem:s13], [sflag:$0xC] =	stream.linear.gather [spmem:s18], $0x1000, $0x38;
	[tilespmem:$0x1E610] =	vst v63  }
0x25a: {  	_ =	swait.ge [sflag:s16], $0x1000  }
0x25b: {  	[sflag:s16] =	ssyncset.done $0x0  }
0x25c: {  	s11 =	rddreg [dreg:$0x11];
	[sflag:s16] =	ssyncadd.s32 $0xFFFFF000  }
0x25d: {  	[hbm4b:s11+s20] =	stream.linear.scatter [tilespmem:s13], [sflag:$0xC], $0x1000, $0x38;
	[tilespmem:$0x1E610] =	vst v63  }
0x25e: {  	_ =	swait.ge [sflag:s16], $0x1000  }
0x25f: {  	s11 =	sld [smem:$0x7F5]  }
0x260: {  	[sflag:s16] =	ssyncset.done $0x0  }
0x261: {  	[sflag:s16] =	ssyncadd.s32 $0xFFFFF000  }
0x262: {  	[tilespmem:s13], [sflag:$0xC] =	stream.linear.gather [spmem:s11], $0x1000, $0x38;
	[tilespmem:$0x1E610] =	vst v63  }
0x263: {  	_ =	swait.ge [sflag:s16], $0x1000  }
0x264: {  	[sflag:s16] =	ssyncset.done $0x0  }
0x265: {  	s14 =	rddreg [dreg:$0x12];
	[sflag:s16] =	ssyncadd.s32 $0xFFFFF000  }
0x266: {  	[hbm4b:s14+s20] =	stream.linear.scatter [tilespmem:s13], [sflag:$0xC], $0x1000, $0x38;
	[tilespmem:$0x1E610] =	vst v63  }
0x267: {  	_ =	swait.ge [sflag:s16], $0x1000  }
0x268: {  	s10 =	sld [smem:$0x7F6]  }
0x269: {  	[sflag:s16] =	ssyncset.done $0x0  }
0x26a: {  	[sflag:s16] =	ssyncadd.s32 $0xFFFFF000  }
0x26b: {  	[tilespmem:s13], [sflag:$0xC] =	stream.linear.gather [spmem:s10], $0x1000, $0x38;
	[tilespmem:$0x1E610] =	vst v63  }
0x26c: {  	_ =	swait.ge [sflag:s16], $0x1000  }
0x26d: {  	[sflag:s16] =	ssyncset.done $0x0  }
0x26e: {  	s11 =	rddreg [dreg:$0x13];
	[sflag:s16] =	ssyncadd.s32 $0xFFFFF000  }
0x26f: {  	[hbm4b:s11+s20] =	stream.linear.scatter [tilespmem:s13], [sflag:$0xC], $0x1000, $0x38;
	[tilespmem:$0x1E610] =	vst v63  }
0x270: {  	_ =	swait.ge [sflag:s16], $0x1000  }
0x271: {  	s14 =	sld [smem:$0x7F7]  }
0x272: {  	[sflag:s16] =	ssyncset.done $0x0  }
0x273: {  	[sflag:s16] =	ssyncadd.s32 $0xFFFFF000  }
0x274: {  	[tilespmem:s13], [sflag:$0xC] =	stream.linear.gather [spmem:s14], $0x1000, $0x38;
	[tilespmem:$0x1E610] =	vst v63  }
0x275: {  	_ =	swait.ge [sflag:s16], $0x1000  }
0x276: {  	[sflag:s16] =	ssyncset.done $0x0  }
0x277: {  	s11 =	rddreg [dreg:$0x14];
	[sflag:s16] =	ssyncadd.s32 $0xFFFFF000  }
0x278: {  	[hbm4b:s11+s20] =	stream.linear.scatter [tilespmem:s13], [sflag:$0xC], $0x1000, $0x38;
	[tilespmem:$0x1E610] =	vst v63  }
0x279: {  	_ =	swait.ge [sflag:s16], $0x1000  }
0x27a: {  	s14 =	sld [smem:$0x7F8]  }
0x27b: {  	[sflag:s16] =	ssyncset.done $0x0  }
0x27c: {  	[sflag:s16] =	ssyncadd.s32 $0xFFFFF000  }
0x27d: {  	[tilespmem:s13], [sflag:$0xC] =	stream.linear.gather [spmem:s14], $0x1000, $0x38;
	[tilespmem:$0x1E610] =	vst v63  }
0x27e: {  	_ =	swait.ge [sflag:s16], $0x1000  }
0x27f: {  	[sflag:s16] =	ssyncset.done $0x0  }
0x280: {  	s11 =	rddreg [dreg:$0x15];
	[sflag:s16] =	ssyncadd.s32 $0xFFFFF000  }
0x281: {  	[hbm4b:s11+s20] =	stream.linear.scatter [tilespmem:s13], [sflag:$0xC], $0x1000, $0x38;
	[tilespmem:$0x1E610] =	vst v63  }
0x282: {  	_ =	swait.ge [sflag:s16], $0x1000  }
0x283: {  	s14 =	sld [smem:$0x7F9]  }
0x284: {  	[sflag:s16] =	ssyncset.done $0x0  }
0x285: {  	[sflag:s16] =	ssyncadd.s32 $0xFFFFF000  }
0x286: {  	[tilespmem:s13], [sflag:$0xC] =	stream.linear.gather [spmem:s14], $0x1000, $0x38;
	[tilespmem:$0x1E610] =	vst v63  }
0x287: {  	_ =	swait.ge [sflag:s16], $0x1000  }
0x288: {  	[sflag:s16] =	ssyncset.done $0x0  }
0x289: {  	s11 =	rddreg [dreg:$0x16];
	[sflag:s16] =	ssyncadd.s32 $0xFFFFF000  }
0x28a: {  	[hbm4b:s11+s20] =	stream.linear.scatter [tilespmem:s13], [sflag:$0xC], $0x1000, $0x38;
	[tilespmem:$0x1E610] =	vst v63  }
0x28b: {  	_ =	swait.ge [sflag:s16], $0x1000  }
0x28c: {  	s14 =	sld [smem:$0x7FA]  }
0x28d: {  	[sflag:s16] =	ssyncset.done $0x0  }
0x28e: {  	[sflag:s16] =	ssyncadd.s32 $0xFFFFF000  }
0x28f: {  	[tilespmem:s13], [sflag:$0xC] =	stream.linear.gather [spmem:s14], $0x1000, $0x38;
	[tilespmem:$0x1E610] =	vst v63  }
0x290: {  	_ =	swait.ge [sflag:s16], $0x1000  }
0x291: {  	[sflag:s16] =	ssyncset.done $0x0  }
0x292: {  	s10 =	rddreg [dreg:$0x17];
	[sflag:s16] =	ssyncadd.s32 $0xFFFFF000  }
0x293: {  	[hbm4b:s10+s20] =	stream.linear.scatter [tilespmem:s13], [sflag:$0xC], $0x1000, $0x38;
	[tilespmem:$0x1E610] =	vst v63  }
0x294: {  	_ =	swait.ge [sflag:s16], $0x1000  }
0x295: {  	[sflag:s16] =	ssyncset.done $0x0  }
0x296: {  	[sflag:s16] =	ssyncadd.s32 $0xFFFFF000  }
0x297: {  	[tilespmem:s13], [sflag:$0xC] =	stream.linear.gather [spmem:s17], $0x1000, $0x38;
	[tilespmem:$0x1E610] =	vst v63  }
0x298: {  	_ =	swait.ge [sflag:s16], $0x1000  }
0x299: {  	[sflag:s16] =	ssyncset.done $0x0  }
0x29a: {  	s11 =	rddreg [dreg:$0x18];
	[sflag:s16] =	ssyncadd.s32 $0xFFFFF000  }
0x29b: {  	[hbm4b:s11+s20] =	stream.linear.scatter [tilespmem:s13], [sflag:$0xC], $0x1000, $0x38;
	[tilespmem:$0x1E610] =	vst v63  }
0x29c: {  	_ =	swait.ge [sflag:s16], $0x1000  }
0x29d: {  	[sflag:s16] =	ssyncset.done $0x0  }
0x29e: {  	[sflag:s16] =	ssyncadd.s32 $0xFFFFF000  }
0x29f: {  	[bflag:$0x0] =	sbarrier.arrive $0xFFFF  }
0x2a0: {  	s11 =	simm.s32 $0x1B410;
	s14 =	rddreg [dreg:$0x1f]  }
0x2a1: {  	[tilespmem:s11], [sflag:$0xC] =	stream.linear.gather [spmem:s14], $0xA00, $0x38;
	[tilespmem:$0x1E610] =	vst v63  }
0x2a2: {  	_ =	swait.ge [sflag:s16], $0xA00  }
0x2a3: {  	[sflag:s16] =	ssyncset.done $0x0  }
0x2a4: {  	s13 =	rddreg [dreg:$0x19];
	[sflag:s16] =	ssyncadd.s32 $0xFFFFF600  }
0x2a5: {  	[hbm4b:s13+s20] =	stream.linear.scatter [tilespmem:s11], [sflag:$0xC], $0xA00, $0x38;
	[tilespmem:$0x1E610] =	vst v63  }
0x2a6: {  	_ =	swait.ge [sflag:s16], $0xA00  }
0x2a7: {  	s10 =	sld [smem:$0x7F0]  }
0x2a8: {  	[sflag:s16] =	ssyncset.done $0x0  }
0x2a9: {  	[sflag:s16] =	ssyncadd.s32 $0xFFFFF600  }
0x2aa: {  	[tilespmem:s11], [sflag:$0xC] =	stream.linear.gather [spmem:s10], $0xA00, $0x38;
	[tilespmem:$0x1E610] =	vst v63  }
0x2ab: {  	_ =	swait.ge [sflag:s16], $0xA00  }
0x2ac: {  	[sflag:s16] =	ssyncset.done $0x0  }
0x2ad: {  	s13 =	rddreg [dreg:$0x1a];
	[sflag:s16] =	ssyncadd.s32 $0xFFFFF600  }
0x2ae: {  	[hbm4b:s13+s20] =	stream.linear.scatter [tilespmem:s11], [sflag:$0xC], $0xA00, $0x38;
	[tilespmem:$0x1E610] =	vst v63  }
0x2af: {  	_ =	swait.ge [sflag:s16], $0xA00  }
0x2b0: {  	s10 =	sld [smem:$0x7F1]  }
0x2b1: {  	[sflag:s16] =	ssyncset.done $0x0  }
0x2b2: {  	[sflag:s16] =	ssyncadd.s32 $0xFFFFF600  }
0x2b3: {  	[tilespmem:s11], [sflag:$0xC] =	stream.linear.gather [spmem:s10], $0xA00, $0x38;
	[tilespmem:$0x1E610] =	vst v63  }
0x2b4: {  	_ =	swait.ge [sflag:s16], $0xA00  }
0x2b5: {  	[sflag:s16] =	ssyncset.done $0x0  }
0x2b6: {  	s13 =	rddreg [dreg:$0x1b];
	[sflag:s16] =	ssyncadd.s32 $0xFFFFF600  }
0x2b7: {  	[hbm4b:s13+s20] =	stream.linear.scatter [tilespmem:s11], [sflag:$0xC], $0xA00, $0x38;
	[tilespmem:$0x1E610] =	vst v63  }
0x2b8: {  	_ =	swait.ge [sflag:s16], $0xA00  }
0x2b9: {  	s10 =	sld [smem:$0x7F2]  }
0x2ba: {  	[sflag:s16] =	ssyncset.done $0x0  }
0x2bb: {  	[sflag:s16] =	ssyncadd.s32 $0xFFFFF600  }
0x2bc: {  	[tilespmem:s11], [sflag:$0xC] =	stream.linear.gather [spmem:s10], $0xA00, $0x38;
	[tilespmem:$0x1E610] =	vst v63  }
0x2bd: {  	_ =	swait.ge [sflag:s16], $0xA00  }
0x2be: {  	[sflag:s16] =	ssyncset.done $0x0  }
0x2bf: {  	s13 =	rddreg [dreg:$0x1c];
	[sflag:s16] =	ssyncadd.s32 $0xFFFFF600  }
0x2c0: {  	[hbm4b:s13+s20] =	stream.linear.scatter [tilespmem:s11], [sflag:$0xC], $0xA00, $0x38;
	[tilespmem:$0x1E610] =	vst v63  }
0x2c1: {  	_ =	swait.ge [sflag:s16], $0xA00  }
0x2c2: {  	s10 =	sld [smem:$0x7EF]  }
0x2c3: {  	s13 =	sld [smem:$0x7FB];
	_ =	sdelay $0x1  }
0x2c4: {  	s12 =	sadd.s32 $0x1, s10  }
0x2c5: {  	p0 =	sne.s32 s12, s13  }
.Ltmp6:
0x2c6: {  	_ = 	snop;
	(pc) =	sbr.rel @p0 .LBB2_1-.Ltmp6, $3  }
0x2c7: {  	_ =	sdelay $0x1  }
0x2c8: {  	[sflag:s16] =	ssyncset.done $0x0  }
0x2c9: {  	[sflag:s16] =	ssyncadd.s32 $0xFFFFF600  }
0x2ca: {  	_ =	sfence.sel $0x180000  }
0x2cb: {  	[bflag:$0x0] =	sbarrier.arrive $0xFFFF  }
0x2cc: {  	_ =	strace $0x90000047  }
0x2cd: {  	s0 =	stileid.u32;
	[bflag:$0x2] =	sbarrier.arrive $0xFFFF  }
0x2ce: {  	p0 =	sne.s32 s0, $0x0;
	s0 =	rddreg [dreg:$0x4]  }
0x2cf: {  	s0 =	sadd.s32 @!p0 $0x100000, s0  }
0x2d0: {  	[sflag:s0] =	ssyncadd.tile.s32 @!p0 $0x1;
	_ =	shalt  }
.Lfunc_end2:
_tile_overlayer_lowered:
.L_overlay_start_2:
0x2d1: {  	(tag) =	ssettag $0x2  }
0x2d2: {  	s0 =	rddreg [dreg:$0x0];
	s2 =	stileid.u32  }
0x2d3: {  	s1 =	rddreg [dreg:$0x1];
	p0 =	sne.s32 s2, $0x0  }
0x2d4: {  	s3 =	rddreg [dreg:$0x2];
	[bflag:$0x3] =	sbarrier.arrive $0xFFFF;
	s2 =	simm.s32 @!p0 $0x1C0C  }
0x2d5: {  	[timem:s3], [sflag:s2] =	dma.local @!p0 [hbm:s0], s1  }
0x2d6: {  	s0 =	simm.s32 @!p0 $0xC  }
0x2d7: {  	_ =	swait.ge @!p0 [sflag:s0], s1  }
0x2d8: {  	s1 =	ssub.s32 @!p0 $0x0, s1;
	[sflag:s0] =	ssyncset.done @!p0 $0x0  }
0x2d9: {  	[sflag:s0] =	ssyncadd.s32 @!p0 s1  }
0x2da: {  	[bflag:$0x3] =	sbarrier.arrive $0xFFFF  }
0x2db: {  	_ =	shalt  }

// kernel: kernel.9.cloned.1.call-start
scs
__scs_entry_jumppad:
0x0: {  	(pc) =	sbr.rel $0x88, $3  }
0x1: {  	(tag) =	ssettag $0x0;
	lr =	simm.s32 $0x1  }
0x2: {  	[smem:$0x3F97] =	sst lr;
	_ =	strace $0xD0000000  }
0x3: {  	_ = 	snop  }
0x4: {  	_ = 	snop  }
0x5: {  	_ = 	snop  }
0x6: {  	_ = 	snop  }
0x7: {  	_ = 	snop  }
__scs_overlays_trampoline_lowered:
0x8: {  	[smem:$0x3FA6] =	sst s0  }
0x9: {  	[smem:$0x3FA7] =	sst s1  }
0xa: {  	[smem:$0x3FA8] =	sst s2  }
0xb: {  	[smem:$0x3FA9] =	sst s3  }
0xc: {  	[smem:$0x3FAA] =	sst s4  }
0xd: {  	[smem:$0x3FAB] =	sst s5  }
0xe: {  	[smem:$0x3FAC] =	sst s6  }
0xf: {  	[smem:$0x3FAD] =	sst s7  }
0x10: {  	[smem:$0x3FAE] =	sst s8  }
0x11: {  	[smem:$0x3FAF] =	sst s9;
	s0 =	simm.s32 @!p0 $0x0  }
0x12: {  	s1 =	sld [smem:$0x3F95];
	s0 =	simm.s32 @p0 $0x1  }
0x13: {  	[smem:$0x3FB0] =	sst s0;
	s0 =	simm.s32 @!p1 $0x0  }
0x14: {  	s2 =	sld [smem:$0x3F94];
	s0 =	simm.s32 @p1 $0x1  }
0x15: {  	[smem:$0x3FB1] =	sst s0;
	s0 =	simm.s32 @!p2 $0x0  }
0x16: {  	s3 =	sld [smem:$0x3FDB];
	s0 =	simm.s32 @p2 $0x1  }
0x17: {  	s4 =	simm.s32 $0x1BF5;
	[smem:$0x3FB3] =	sst s0  }
0x18: {  	s0 =	sld [smem:$0x3F96];
	_ =	swait.ge [sflag:s4], $0x0  }
0x19: {  	s7 =	sld [smem:$0x3F97]  }
0x1a: {  	s8 =	sadd.s32 $0xFFFFE003, lr  }
0x1b: {  	s9 =	sadd.s32 $0xFFFFFEF7, lr;
	s5 =	simm.s32 $0xFFFFFFFF;
	p2 =	slt.u32 s8, $0xFFFFF086  }
0x1c: {  	p1 =	slt.u32 s9, $0xF7A;
	s5 =	simm.s32 @!p2 $0x0  }
0x1d: {  	s5 =	simm.s32 @p1 $0x1;
	p0 =	seq.s32 s7, s2  }
0x1e: {  	s7 =	smul.u32 @!p0 $0xF7A, s2;
	p2 =	seq.s32 @!p0 s5, $0x0  }
0x1f: {  	s9 =	smul.u32 $0xF7A, s1;
	s8 =	simm.s32 @!p0 $0x1BF5;
	p2 =	por !p2, p0  }
0x20: {  	[sflag:s8] =	ssyncset.s32 @!p0 $0xFFFFF086;
	s6 =	sadd.s32 @!p0 s3, s7;
	s7 =	simm.s32 @!p0 $0x108  }
0x21: {  	s3 =	sadd.s32 s3, s9;
	s6 =	sadd.s32 @!p0 $0x88, s6;
	s7 =	simm.s32 @p2 $0x1082  }
0x22: {  	[simem:s7], [sflag:s8] =	dma.local @!p0 [hbm:s6], $0xF7A  }
0x23: {  	s9 =	sor.u32 $0xD0000000, s2;
	s6 =	simm.s32 $0x108;
	_ =	swait.ge @!p0 [sflag:s8], $0x0  }
0x24: {  	s3 =	sadd.s32 $0x88, s3;
	s6 =	simm.s32 @!p1 $0x1082;
	[sflag:s4] =	ssyncset.s32 $0xFFFFF086  }
0x25: {  	[simem:s6], [sflag:s4] =	dma.local [hbm:s3], $0xF7A  }
0x26: {  	[smem:$0x3F97] =	sst s1;
	(tag) =	ssettag s2;
	_ =	strace s9  }
0x27: {  	s1 =	sld [smem:$0x3FA7]  }
0x28: {  	s2 =	sld [smem:$0x3FA8]  }
0x29: {  	s4 =	sld [smem:$0x3FAA]  }
0x2a: {  	p0 =	seq.s32 s5, $0x0;
	s5 =	sld [smem:$0x3FAB]  }
0x2b: {  	s6 =	sld [smem:$0x3FAC]  }
0x2c: {  	s7 =	sld [smem:$0x3FAD]  }
0x2d: {  	s3 =	simm.s32 $0x108;
	s8 =	sld [smem:$0x3FAE]  }
0x2e: {  	s3 =	simm.s32 @!p0 $0x1082;
	s9 =	sld [smem:$0x3FAF]  }
0x2f: {  	lr =	sadd.s32 s0, s3;
	s0 =	sld [smem:$0x3FA6]  }
0x30: {  	s3 =	sld [smem:$0x3FA9]  }
0x31: {  	[smem:$0x3FB2] =	sst s10  }
0x32: {  	s10 =	sld [smem:$0x3FB0];
	_ =	sdelay $0x3  }
0x33: {  	p0 =	seq.s32 s10, $0x1;
	s10 =	sld [smem:$0x3FB2];
	_ =	sdelay $0x3  }
0x34: {  	[smem:$0x3FB2] =	sst s10  }
0x35: {  	s10 =	sld [smem:$0x3FB1];
	_ =	sdelay $0x3  }
0x36: {  	p1 =	seq.s32 s10, $0x1;
	s10 =	sld [smem:$0x3FB2];
	_ =	sdelay $0x3  }
0x37: {  	[smem:$0x3FB2] =	sst s10  }
0x38: {  	s10 =	sld [smem:$0x3FB3]  }
0x39: {  	_ = 	snop;
	(pc) =	sbr.ind lr, $3  }
0x3a: {  	_ = 	snop  }
0x3b: {  	_ = 	snop  }
0x3c: {  	p2 =	seq.s32 s10, $0x1;
	s10 =	sld [smem:$0x3FB2]  }
0x3d: {  	_ =	shalt  }
0x3e: {  	_ =	shalt  }
0x3f: {  	_ =	shalt  }
0x40: {  	_ =	shalt  }
0x41: {  	_ =	shalt  }
0x42: {  	_ =	shalt  }
0x43: {  	_ =	shalt  }
0x44: {  	_ =	shalt  }
0x45: {  	_ =	shalt  }
0x46: {  	_ =	shalt  }
0x47: {  	_ =	shalt  }
0x48: {  	_ =	shalt  }
0x49: {  	_ =	shalt  }
0x4a: {  	_ =	shalt  }
0x4b: {  	_ =	shalt  }
0x4c: {  	_ =	shalt  }
0x4d: {  	_ =	shalt  }
0x4e: {  	_ =	shalt  }
0x4f: {  	_ =	shalt  }
0x50: {  	_ =	shalt  }
0x51: {  	_ =	shalt  }
0x52: {  	_ =	shalt  }
0x53: {  	_ =	shalt  }
0x54: {  	_ =	shalt  }
0x55: {  	_ =	shalt  }
0x56: {  	_ =	shalt  }
0x57: {  	_ =	shalt  }
0x58: {  	_ =	shalt  }
0x59: {  	_ =	shalt  }
0x5a: {  	_ =	shalt  }
0x5b: {  	_ =	shalt  }
0x5c: {  	_ =	shalt  }
0x5d: {  	_ =	shalt  }
0x5e: {  	_ =	shalt  }
0x5f: {  	_ =	shalt  }
0x60: {  	_ =	shalt  }
0x61: {  	_ =	shalt  }
0x62: {  	_ =	shalt  }
0x63: {  	_ =	shalt  }
0x64: {  	_ =	shalt  }
0x65: {  	_ =	shalt  }
0x66: {  	_ =	shalt  }
0x67: {  	_ =	shalt  }
0x68: {  	_ =	shalt  }
0x69: {  	_ =	shalt  }
0x6a: {  	_ =	shalt  }
0x6b: {  	_ =	shalt  }
0x6c: {  	_ =	shalt  }
0x6d: {  	_ =	shalt  }
0x6e: {  	_ =	shalt  }
0x6f: {  	_ =	shalt  }
0x70: {  	_ =	shalt  }
0x71: {  	_ =	shalt  }
0x72: {  	_ =	shalt  }
0x73: {  	_ =	shalt  }
0x74: {  	_ =	shalt  }
0x75: {  	_ =	shalt  }
0x76: {  	_ =	shalt  }
0x77: {  	_ =	shalt  }
0x78: {  	_ =	shalt  }
0x79: {  	_ =	shalt  }
0x7a: {  	_ =	shalt  }
0x7b: {  	_ =	shalt  }
0x7c: {  	_ =	shalt  }
0x7d: {  	_ =	shalt  }
0x7e: {  	_ =	shalt  }
0x7f: {  	_ =	shalt  }
0x80: {  	_ =	shalt  }
0x81: {  	_ =	shalt  }
0x82: {  	_ =	shalt  }
0x83: {  	_ =	shalt  }
0x84: {  	_ =	shalt  }
0x85: {  	_ =	shalt  }
0x86: {  	_ =	shalt  }
0x87: {  	_ =	shalt  }
.Lfunc_end0:
.L_simem_size_0:
called_computation.1_lowered:
.L_overlay_start_0:
0x88: {  	s2 =	sld [smem:$0x3FD9]  }
0x89: {  	s3 =	sld [smem:$0x3FFE];
	_ =	sdelay $0x1  }
0x8a: {  	s1 =	srdreg.scid  }
0x8b: {  	s0 =	sand.u32 $0x1, s1  }
0x8c: {  	s17 =	sshll.u32 s0, $0xA;
	s2 =	sadd.s32 s3, s2  }
0x8d: {  	s2 =	sadd.s32 s2, s17  }
0x8e: {  	[smem:$0x3FBE] =	sst s2  }
0x8f: {  	_ = 	snop  }
0x90: {  	s2 =	sld [smem:$0x3FD0];
	(tm) =	ssettm $0x1  }
0x91: {  	s18 =	sld [smem:$0x3FFB];
	_ =	sdelay $0x3  }
0x92: {  	_ =	strace s18  }
0x93: {  	s3 =	sld [smem:$0x3FFC];
	_ =	sdelay $0x3  }
0x94: {  	_ =	strace s3  }
0x95: {  	s3 =	sld [smem:$0x3FFD];
	_ =	sdelay $0x3  }
0x96: {  	_ =	strace s3  }
0x97: {  	_ =	strace $0x8FFFFFFF  }
0x98: {  	s19 =	sld [smem:$0x3FDB];
	_ =	sdelay $0x1  }
0x99: {  	s4 =	simm.s32 $_scs_section_size  }
0x9a: {  	s5 =	simm.s32 $_size__tile_overlayer_lowered;
	s6 =	simm.s32 $_tile_overlayer_lowered  }
0x9b: {  	s22 =	simm.s32 $0x1BFF;
	s21 =	sshll.u32 s6, $0x1;
	s3 =	sadd.s32 s4, s19  }
0x9c: {  	s7 =	simm.s32 $0x0;
	s20 =	sshll.u32 s5, $0x1;
	s5 =	sadd.s32 s21, s3  }
0x9d: {  	[timem:s7], [sflag:s22] =	dma.local [hbm:s5], s20  }
0x9e: {  	_ =	swait.ge [sflag:s22], s20  }
0x9f: {  	s4 =	ssub.s32 $0x0, s20;
	[sflag:s22] =	ssyncset.done $0x0  }
0xa0: {  	[sflag:s22] =	ssyncadd.s32 s4;
	_ =	sdelay $0x1  }
0xa1: {  	s23 =	simm.s32 $0x1B8B  }
0xa2: {  	_ =	swait.ge [sflag:s23], $0x1  }
0xa3: {  	[sflag:s23] =	ssyncset.done $0x0  }
0xa4: {  	s25 =	simm.s32 $0x1B8E;
	s24 =	sld [smem:$0x3FFE];
	[sflag:s23] =	ssyncadd.s32 $0xFFFFFFFF  }
0xa5: {  	s26 =	simm.s32 $execute0_lowered;
	[smem:$0x3FD2] =	sst s25  }
0xa6: {  	s5 =	sshll.u32 s26, $0x1;
	_ =	strace $0x80000049;
	[dreg:$0x1] =	wrdreg $0xFFFFFFFF  }
0xa7: {  	s28 =	simm.s32 $_size_execute0_lowered;
	s3 =	sadd.s32 s3, s5;
	[dreg:$0x0] =	wrdreg $0x0  }
0xa8: {  	s5 =	sshll.u32 s28, $0x1;
	[dreg:$0x2] =	wrdreg s3  }
0xa9: {  	[dreg:$0x3] =	wrdreg s5  }
0xaa: {  	[dreg:$0x4] =	wrdreg $0xC0  }
0xab: {  	_ =	task [dreg:s7], $0x5FFFF  }
0xac: {  	[dreg:$0x1] =	wrdreg $0xFFFFFFFF  }
0xad: {  	[dreg:$0x0] =	wrdreg $0x60  }
0xae: {  	[dreg:$0x2] =	wrdreg s24  }
0xaf: {  	[dreg:$0x3] =	wrdreg s2  }
0xb0: {  	[dreg:$0x4] =	wrdreg $0x10C400  }
0xb1: {  	[dreg:$0x5] =	wrdreg $0x9  }
0xb2: {  	_ =	task.clear_ibuf [dreg:s7], $0x6FFFF;
	_ =	strace $0x90000049  }
0xb3: {  	s29 =	simm.s32 $0x9;
	_ =	strace $0x8000004B  }
0xb4: {  	_ =	swait.ge [sflag:s29], $0x1  }
0xb5: {  	[sflag:s29] =	ssyncadd.s32 $0xFFFFFFFF  }
0xb6: {  	_ =	strace $0x9000004B  }
0xb7: {  	_ =	sfence  }
0xb8: {  	s30 =	sld [smem:$0x0];
	_ =	sdelay $0x2  }
0xb9: {  	s31 =	sshll.u32 s1, $0xD;
	s1 =	sshrl.u32 s1, $0x2  }
0xba: {  	s3 =	sand.u32 $0x4000, s31;
	s1 =	sadd.s32 s1, s30  }
0xbb: {  	s0 =	sor.u32 s3, s0;
	s1 =	sshll.u32 s1, $0x11  }
0xbc: {  	s0 =	sor.u32 s1, s0  }
0xbd: {  	s0 =	sadd.s32 $0x8F2B, s0  }
0xbe: {  	[sflag:s0] =	ssyncadd.remote.s32 $0x1  }
0xbf: {  	_ =	sfence.sel $0xFFFF  }
0xc0: {  	[dreg:$0x0] =	wrdreg $0xFFFFFFFF;
	(pc) =	sbr.abs _section_cstart, $3  }
0xc1: {  	[dreg:$0x1] =	wrdreg $0xFFFFFFFF  }
0xc2: {  	_ =	task.clear_ibuf [dreg:s7], $0x2FFFF;
	_ =	strace $0x9FFFFFFF  }
0xc3: {  	(tm) =	ssettm $0x7FFFFFFF  }
tec
execute0_lowered:
.L_overlay_start_1:
0x0: {  	(tag) =	ssettag $0x1  }
0x1: {  	s0 =	rddreg [dreg:$0x0];
	s1 =	srdreg.scid  }
0x2: {  	s2 =	rddreg [dreg:$0x1];
	s6 =	stileid.u32;
	s29 =	simm.s32 $0xB  }
0x3: {  	s31 =	simm.s32 $0xEC40;
	s30 =	simm.s32 $0x6F40;
	s28 =	simm.s32 $0xA  }
0x4: {  	s3 =	sand.u32 $0x1, s1;
	s1 =	simm.s32 $0x0;
	s8 =	sadd.s32 $0x1FE00, s0  }
0x5: {  	s4 =	sshll.u32 s3, $0x4;
	s5 =	ssub.s32 $0x2, s3;
	s3 =	smul.u32 $0xA0000, s3  }
0x6: {  	s4 =	sor.u32 s6, s4;
	s6 =	smul.u32 $0xA000, s6;
	s7 =	sshrl.u32 s5, $0x1  }
0x7: {  	[smem:$0x7FF] =	sst s1;
	s4 =	smul.u32 $0x500, s4;
	s5 =	ssub.s32 s5, s7  }
0x8: {  	s7 =	sor.u32 $0x1000, s6;
	s9 =	sadd.s32 $0x2000, s6;
	s10 =	sadd.s32 $0x3000, s6  }
0x9: {  	s12 =	sadd.s32 $0x4000, s6;
	s13 =	sadd.s32 $0x5000, s6;
	s14 =	sadd.s32 $0x6000, s6  }
0xa: {  	s16 =	sadd.s32 $0x7000, s6;
	s11 =	sadd.s32 s6, s3;
	s17 =	sadd.s32 $0x8000, s6  }
0xb: {  	s18 =	sadd.s32 $0x9000, s6;
	s15 =	sadd.s32 s3, s7;
	s11 =	sshrl.u32 s11, $0x3  }
0xc: {  	s25 =	sadd.s32 s3, s9;
	s26 =	sadd.s32 s3, s10;
	s19 =	sadd.s32 s3, s12  }
0xd: {  	s21 =	sadd.s32 s3, s13;
	s22 =	sadd.s32 s3, s14;
	s23 =	sadd.s32 s3, s16  }
0xe: {  	s2 =	sadd.s32 s2, s4;
	s15 =	sshrl.u32 s15, $0x3;
	s11 =	sadd.s32 s8, s11  }
0xf: {  	s19 =	sshrl.u32 s19, $0x3;
	[dreg:$0x4] =	wrdreg s11;
	s24 =	sadd.s32 s8, s15  }
0x10: {  	s11 =	sshrl.u32 s25, $0x3;
	s15 =	sshrl.u32 s26, $0x3;
	s20 =	sadd.s32 s8, s19  }
0x11: {  	s19 =	sshrl.u32 s23, $0x3;
	s26 =	sadd.s32 s3, s17;
	[dreg:$0x5] =	wrdreg s24  }
0x12: {  	s3 =	sadd.s32 s3, s18;
	s11 =	sadd.s32 s8, s11;
	[dreg:$0x8] =	wrdreg s20  }
0x13: {  	s15 =	sadd.s32 s8, s15;
	s25 =	sadd.s32 s8, s19;
	[dreg:$0x6] =	wrdreg s11  }
0x14: {  	s3 =	sshrl.u32 s3, $0x3;
	[dreg:$0x7] =	wrdreg s15;
	s11 =	sshrl.u32 s21, $0x3  }
0x15: {  	s15 =	sshrl.u32 s22, $0x3;
	[dreg:$0xb] =	wrdreg s25;
	s3 =	sadd.s32 s8, s3  }
0x16: {  	s21 =	smax.u32 s5, $0x1;
	s11 =	sadd.s32 s8, s11;
	[dreg:$0xd] =	wrdreg s3  }
0x17: {  	s5 =	simm.s32 $0x1;
	s24 =	sadd.s32 s8, s15;
	[dreg:$0x9] =	wrdreg s11  }
0x18: {  	s15 =	sshrl.u32 s26, $0x3;
	s3 =	sadd.s32 s4, s0;
	[dreg:$0xa] =	wrdreg s24  }
0x19: {  	s11 =	rddreg [dreg:$0x2];
	s15 =	sadd.s32 s8, s15;
	s4 =	sadd.s32 $0x2400, s3  }
0x1a: {  	s3 =	simm.s32 $0xADC0;
	[dreg:$0xc] =	wrdreg s15;
	s15 =	sadd.s32 $0xC400, s0  }
0x1b: {  	s6 =	sadd.s32 s6, s11;
	s8 =	sadd.s32 s7, s11;
	s9 =	sadd.s32 s9, s11  }
0x1c: {  	s19 =	sadd.s32 s10, s11;
	s20 =	sadd.s32 s12, s11;
	s22 =	sadd.s32 s13, s11  }
0x1d: {  	s23 =	sadd.s32 s14, s11;
	_ =	strace $0x8000004A;
	[dreg:$0xe] =	wrdreg s2  }
0x1e: {  	s24 =	sadd.s32 s16, s11;
	s25 =	sadd.s32 s17, s11;
	[dreg:$0xf] =	wrdreg s4  }
0x1f: {  	s26 =	sadd.s32 s18, s11;
	s0 =	simm.s32 $0x5000;
	[dreg:$0x10] =	wrdreg s6  }
0x20: {  	s7 =	simm.s32 $0x3;
	s10 =	simm.s32 $0x5;
	[dreg:$0x11] =	wrdreg s8  }
0x21: {  	s12 =	simm.s32 $0x6;
	s13 =	simm.s32 $0x7;
	[dreg:$0x12] =	wrdreg s9  }
0x22: {  	s14 =	simm.s32 $0x8;
	s16 =	simm.s32 $0x9;
	[dreg:$0x13] =	wrdreg s19  }
0x23: {  	s17 =	simm.s32 $0xFC40;
	s18 =	simm.s32 $0x0;
	[dreg:$0x14] =	wrdreg s20  }
0x24: {  	[dreg:$0x15] =	wrdreg s21;
	s9 =	simm.s32 $0x7D;
	s2 =	simm.s32 $0x8E80  }
0x25: {  	v0 =	vimm.f32 $0.0e+00;
	s4 =	simm.s32 $0xCD00;
	s6 =	simm.s32 $0x2;
	s8 =	simm.s32 $0x4  }
.LBB2_1:
0x26: {  	s19 =	rddreg [dreg:$0xe]  }
0x27: {  	[tilespmem:s1], [sflag:$0xB] =	stream.linear.gather [hbm4b:s19+s1], $0x2800, $0x38;
	[tilespmem:$0x1AC40] =	vst v63  }
0x28: {  	_ =	swait.ge [sflag:s29], $0x2800  }
0x29: {  	[sflag:s29] =	ssyncset.done $0x0  }
0x2a: {  	s20 =	simm.s32 $0x2800;
	s21 =	rddreg [dreg:$0xf];
	[sflag:s29] =	ssyncadd.s32 $0xFFFFD800  }
0x2b: {  	[tilespmem:s20], [sflag:$0xB] =	stream.linear.gather [hbm4b:s21+s1], $0x2800, $0x38;
	[tilespmem:$0x1AC40] =	vst v63  }
0x2c: {  	_ =	swait.ge [sflag:s29], $0x2800  }
0x2d: {  	[sflag:s29] =	ssyncset.done $0x0  }
0x2e: {  	s19 =	simm.s32 $0x0;
	s20 =	simm.s32 $0x100;
	[sflag:s29] =	ssyncadd.s32 $0xFFFFD800  }
.LBB2_2:
0x2f: {  	p0 =	sne.s32 s20, $0x3F00;
	[tilespmem:s19+$0xEC70] =	vst v0;
	s21 =	smov.u32 s20;
	s20 =	sadd.s32 $0x100, s20  }
.Ltmp0:
0x30: {  	[tilespmem:s19+$0xEC60] =	vst v0;
	(pc) =	sbr.rel @p0 .LBB2_2-.Ltmp0, $3  }
0x31: {  	[tilespmem:s19+$0xEC40] =	vst v0  }
0x32: {  	[tilespmem:s19+$0xEC50] =	vst v0;
	_ =	sdelay $0x1  }
0x33: {  	s19 =	sshra.s32 s21, $0x2  }
0x34: {  	[tilespmem:s19+$0xEC70] =	vst v0  }
0x35: {  	[tilespmem:s19+$0xEC60] =	vst v0  }
0x36: {  	[tilespmem:s19+$0xEC40] =	vst v0  }
0x37: {  	[tilespmem:s19+$0xEC50] =	vst v0;
	s21 =	rddreg [dreg:$0x10]  }
0x38: {  	[spmem:s21] =	stream.linear.scatter [tilespmem:s31], [sflag:$0xB], $0x1000, $0x38;
	[tilespmem:$0x1AC40] =	vst v63  }
0x39: {  	_ =	swait.ge [sflag:s29], $0x1000  }
0x3a: {  	[sflag:s29] =	ssyncset.done $0x0  }
0x3b: {  	s20 =	rddreg [dreg:$0x11];
	[sflag:s29] =	ssyncadd.s32 $0xFFFFF000  }
0x3c: {  	[spmem:s20] =	stream.linear.scatter [tilespmem:s31], [sflag:$0xB], $0x1000, $0x38;
	[tilespmem:$0x1AC40] =	vst v63  }
0x3d: {  	_ =	swait.ge [sflag:s29], $0x1000  }
0x3e: {  	[sflag:s29] =	ssyncset.done $0x0  }
0x3f: {  	s21 =	rddreg [dreg:$0x12];
	[sflag:s29] =	ssyncadd.s32 $0xFFFFF000  }
0x40: {  	[spmem:s21] =	stream.linear.scatter [tilespmem:s31], [sflag:$0xB], $0x1000, $0x38;
	[tilespmem:$0x1AC40] =	vst v63  }
0x41: {  	_ =	swait.ge [sflag:s29], $0x1000  }
0x42: {  	[sflag:s29] =	ssyncset.done $0x0  }
0x43: {  	s20 =	rddreg [dreg:$0x13];
	[sflag:s29] =	ssyncadd.s32 $0xFFFFF000  }
0x44: {  	[spmem:s20] =	stream.linear.scatter [tilespmem:s31], [sflag:$0xB], $0x1000, $0x38;
	[tilespmem:$0x1AC40] =	vst v63  }
0x45: {  	_ =	swait.ge [sflag:s29], $0x1000  }
0x46: {  	[sflag:s29] =	ssyncset.done $0x0  }
0x47: {  	s21 =	rddreg [dreg:$0x14];
	[sflag:s29] =	ssyncadd.s32 $0xFFFFF000  }
0x48: {  	[spmem:s21] =	stream.linear.scatter [tilespmem:s31], [sflag:$0xB], $0x1000, $0x38;
	[tilespmem:$0x1AC40] =	vst v63  }
0x49: {  	_ =	swait.ge [sflag:s29], $0x1000  }
0x4a: {  	[sflag:s29] =	ssyncset.done $0x0  }
0x4b: {  	[sflag:s29] =	ssyncadd.s32 $0xFFFFF000  }
0x4c: {  	[spmem:s22] =	stream.linear.scatter [tilespmem:s31], [sflag:$0xB], $0x1000, $0x38;
	[tilespmem:$0x1AC40] =	vst v63  }
0x4d: {  	_ =	swait.ge [sflag:s29], $0x1000  }
0x4e: {  	[sflag:s29] =	ssyncset.done $0x0  }
0x4f: {  	[sflag:s29] =	ssyncadd.s32 $0xFFFFF000  }
0x50: {  	[spmem:s23] =	stream.linear.scatter [tilespmem:s31], [sflag:$0xB], $0x1000, $0x38;
	[tilespmem:$0x1AC40] =	vst v63  }
0x51: {  	_ =	swait.ge [sflag:s29], $0x1000  }
0x52: {  	[sflag:s29] =	ssyncset.done $0x0  }
0x53: {  	[sflag:s29] =	ssyncadd.s32 $0xFFFFF000  }
0x54: {  	[spmem:s24] =	stream.linear.scatter [tilespmem:s31], [sflag:$0xB], $0x1000, $0x38;
	[tilespmem:$0x1AC40] =	vst v63  }
0x55: {  	_ =	swait.ge [sflag:s29], $0x1000  }
0x56: {  	[sflag:s29] =	ssyncset.done $0x0  }
0x57: {  	[sflag:s29] =	ssyncadd.s32 $0xFFFFF000  }
0x58: {  	[spmem:s25] =	stream.linear.scatter [tilespmem:s31], [sflag:$0xB], $0x1000, $0x38;
	[tilespmem:$0x1AC40] =	vst v63  }
0x59: {  	_ =	swait.ge [sflag:s29], $0x1000  }
0x5a: {  	[sflag:s29] =	ssyncset.done $0x0  }
0x5b: {  	[sflag:s29] =	ssyncadd.s32 $0xFFFFF000  }
0x5c: {  	[spmem:s26] =	stream.linear.scatter [tilespmem:s31], [sflag:$0xB], $0x1000, $0x38;
	[tilespmem:$0x1AC40] =	vst v63  }
0x5d: {  	_ =	swait.ge [sflag:s29], $0x1000  }
0x5e: {  	[sflag:s29] =	ssyncset.done $0x0  }
0x5f: {  	[sflag:s29] =	ssyncadd.s32 $0xFFFFF000  }
0x60: {  	s20 =	simm.s32 $0x0;
	[bflag:$0x0] =	sbarrier.arrive $0xFFFF  }
0x61: {  	[tilespmem:s0], [sflag:$0x1] =	stream.indirect.gather [hbm4b:s15+s9], $0x40, s20, s9, $0xb8;
	[tilespmem:$0x1AC40] =	vst v63  }
0x62: {  	s21 =	simm.s32 $0x80  }
0x63: {  	[tilespmem:s30], [sflag:$0x2] =	stream.indirect.gather [hbm4b:s15+s9], $0x40, s21, s9, $0xb8;
	[tilespmem:$0x1AC40] =	vst v63  }
0x64: {  	s20 =	simm.s32 $0x100  }
0x65: {  	[tilespmem:s2], [sflag:$0x3] =	stream.indirect.gather [hbm4b:s15+s9], $0x40, s20, s9, $0xb8;
	[tilespmem:$0x1AC40] =	vst v63  }
0x66: {  	s21 =	simm.s32 $0x180  }
0x67: {  	[tilespmem:s3], [sflag:$0x4] =	stream.indirect.gather [hbm4b:s15+s9], $0x40, s21, s9, $0xb8;
	[tilespmem:$0x1AC40] =	vst v63  }
0x68: {  	s20 =	simm.s32 $0x200  }
0x69: {  	[tilespmem:s4], [sflag:$0x5] =	stream.indirect.gather [hbm4b:s15+s9], $0x40, s20, s9, $0xb8;
	[tilespmem:$0x1AC40] =	vst v63  }
0x6a: {  	_ =	swait.ge [sflag:s5], $0x1F40  }
0x6b: {  	[sflag:s5] =	ssyncset.done $0x0  }
0x6c: {  	s21 =	simm.s32 $0x2800;
	[sflag:s5] =	ssyncadd.s32 $0xFFFFE0C0  }
0x6d: {  	[spmem:s11] =	stream.indirect.scatter.add.f32 [tilespmem:s0], [sflag:$0x6], $0x40, s21, s9, $0xb8;
	[tilespmem:$0x1AC40] =	vst v63  }
0x6e: {  	_ =	swait.ge [sflag:s6], $0x1F40  }
0x6f: {  	[sflag:s6] =	ssyncset.done $0x0  }
0x70: {  	s20 =	simm.s32 $0x2880;
	[sflag:s6] =	ssyncadd.s32 $0xFFFFE0C0  }
0x71: {  	[spmem:s11] =	stream.indirect.scatter.add.f32 [tilespmem:s30], [sflag:$0x7], $0x40, s20, s9, $0xb8;
	[tilespmem:$0x1AC40] =	vst v63  }
0x72: {  	_ =	swait.ge [sflag:s7], $0x1F40  }
0x73: {  	[sflag:s7] =	ssyncset.done $0x0  }
0x74: {  	s21 =	simm.s32 $0x2900;
	[sflag:s7] =	ssyncadd.s32 $0xFFFFE0C0  }
0x75: {  	[spmem:s11] =	stream.indirect.scatter.add.f32 [tilespmem:s2], [sflag:$0x8], $0x40, s21, s9, $0xb8;
	[tilespmem:$0x1AC40] =	vst v63  }
0x76: {  	_ =	swait.ge [sflag:s8], $0x1F40  }
0x77: {  	[sflag:s8] =	ssyncset.done $0x0  }
0x78: {  	s20 =	simm.s32 $0x2980;
	[sflag:s8] =	ssyncadd.s32 $0xFFFFE0C0  }
0x79: {  	[spmem:s11] =	stream.indirect.scatter.add.f32 [tilespmem:s3], [sflag:$0x9], $0x40, s20, s9, $0xb8;
	[tilespmem:$0x1AC40] =	vst v63  }
0x7a: {  	_ =	swait.ge [sflag:s10], $0x1F40  }
0x7b: {  	[sflag:s10] =	ssyncset.done $0x0  }
0x7c: {  	s21 =	simm.s32 $0x2A00;
	[sflag:s10] =	ssyncadd.s32 $0xFFFFE0C0  }
0x7d: {  	[spmem:s11] =	stream.indirect.scatter.add.f32 [tilespmem:s4], [sflag:$0xA], $0x40, s21, s9, $0xb8;
	[tilespmem:$0x1AC40] =	vst v63  }
0x7e: {  	_ =	swait.ge [sflag:s12], $0x1F40  }
0x7f: {  	[sflag:s12] =	ssyncset.done $0x0  }
0x80: {  	s20 =	simm.s32 $0x280;
	[sflag:s12] =	ssyncadd.s32 $0xFFFFE0C0  }
0x81: {  	[tilespmem:s0], [sflag:$0x1] =	stream.indirect.gather [hbm4b:s15+s9], $0x40, s20, s9, $0xb8;
	[tilespmem:$0x1AC40] =	vst v63  }
0x82: {  	_ =	swait.ge [sflag:s13], $0x1F40  }
0x83: {  	[sflag:s13] =	ssyncset.done $0x0  }
0x84: {  	s21 =	simm.s32 $0x300;
	[sflag:s13] =	ssyncadd.s32 $0xFFFFE0C0  }
0x85: {  	[tilespmem:s30], [sflag:$0x2] =	stream.indirect.gather [hbm4b:s15+s9], $0x40, s21, s9, $0xb8;
	[tilespmem:$0x1AC40] =	vst v63  }
0x86: {  	_ =	swait.ge [sflag:s14], $0x1F40  }
0x87: {  	[sflag:s14] =	ssyncset.done $0x0  }
0x88: {  	s20 =	simm.s32 $0x380;
	[sflag:s14] =	ssyncadd.s32 $0xFFFFE0C0  }
0x89: {  	[tilespmem:s2], [sflag:$0x3] =	stream.indirect.gather [hbm4b:s15+s9], $0x40, s20, s9, $0xb8;
	[tilespmem:$0x1AC40] =	vst v63  }
0x8a: {  	_ =	swait.ge [sflag:s16], $0x1F40  }
0x8b: {  	[sflag:s16] =	ssyncset.done $0x0  }
0x8c: {  	s21 =	simm.s32 $0x400;
	[sflag:s16] =	ssyncadd.s32 $0xFFFFE0C0  }
0x8d: {  	[tilespmem:s3], [sflag:$0x4] =	stream.indirect.gather [hbm4b:s15+s9], $0x40, s21, s9, $0xb8;
	[tilespmem:$0x1AC40] =	vst v63  }
0x8e: {  	_ =	swait.ge [sflag:s28], $0x1F40  }
0x8f: {  	[sflag:s28] =	ssyncset.done $0x0  }
0x90: {  	s19 =	simm.s32 $0xA00;
	s20 =	simm.s32 $0x480;
	[sflag:s28] =	ssyncadd.s32 $0xFFFFE0C0  }
.LBB2_4:
0x91: {  	[tilespmem:s4], [sflag:$0x5] =	stream.indirect.gather [hbm4b:s15+s9], $0x40, s20, s9, $0xb8;
	[tilespmem:$0x1AC40] =	vst v63  }
0x92: {  	s20 =	smov.u32 s19  }
0x93: {  	p0 =	sne.s32 s19, $0x8C00;
	s19 =	sadd.s32 $0xA00, s19;
	_ =	swait.ge [sflag:s5], $0x1F40  }
0x94: {  	s20 =	sshra.s32 s20, $0x2;
	[sflag:s5] =	ssyncset.done $0x0  }
0x95: {  	s21 =	sadd.s32 $0x2800, s20;
	[sflag:s5] =	ssyncadd.s32 $0xFFFFE0C0  }
0x96: {  	[spmem:s11] =	stream.indirect.scatter.add.f32 [tilespmem:s0], [sflag:$0x6], $0x40, s21, s9, $0xb8;
	[tilespmem:$0x1AC40] =	vst v63  }
0x97: {  	_ =	swait.ge [sflag:s6], $0x1F40  }
0x98: {  	[sflag:s6] =	ssyncset.done $0x0  }
0x99: {  	s21 =	sadd.s32 $0x2880, s20;
	[sflag:s6] =	ssyncadd.s32 $0xFFFFE0C0  }
0x9a: {  	[spmem:s11] =	stream.indirect.scatter.add.f32 [tilespmem:s30], [sflag:$0x7], $0x40, s21, s9, $0xb8;
	[tilespmem:$0x1AC40] =	vst v63  }
0x9b: {  	_ =	swait.ge [sflag:s7], $0x1F40  }
0x9c: {  	[sflag:s7] =	ssyncset.done $0x0  }
0x9d: {  	s21 =	sadd.s32 $0x2900, s20;
	[sflag:s7] =	ssyncadd.s32 $0xFFFFE0C0  }
0x9e: {  	[spmem:s11] =	stream.indirect.scatter.add.f32 [tilespmem:s2], [sflag:$0x8], $0x40, s21, s9, $0xb8;
	[tilespmem:$0x1AC40] =	vst v63  }
0x9f: {  	_ =	swait.ge [sflag:s8], $0x1F40  }
0xa0: {  	[sflag:s8] =	ssyncset.done $0x0  }
0xa1: {  	s21 =	sadd.s32 $0x2980, s20;
	[sflag:s8] =	ssyncadd.s32 $0xFFFFE0C0  }
0xa2: {  	[spmem:s11] =	stream.indirect.scatter.add.f32 [tilespmem:s3], [sflag:$0x9], $0x40, s21, s9, $0xb8;
	[tilespmem:$0x1AC40] =	vst v63  }
0xa3: {  	_ =	swait.ge [sflag:s10], $0x1F40  }
0xa4: {  	[sflag:s10] =	ssyncset.done $0x0  }
0xa5: {  	s21 =	sadd.s32 $0x2A00, s20;
	[sflag:s10] =	ssyncadd.s32 $0xFFFFE0C0  }
0xa6: {  	[spmem:s11] =	stream.indirect.scatter.add.f32 [tilespmem:s4], [sflag:$0xA], $0x40, s21, s9, $0xb8;
	[tilespmem:$0x1AC40] =	vst v63  }
0xa7: {  	_ =	swait.ge [sflag:s12], $0x1F40  }
0xa8: {  	[sflag:s12] =	ssyncset.done $0x0  }
0xa9: {  	s21 =	sadd.s32 $0x280, s20;
	[sflag:s12] =	ssyncadd.s32 $0xFFFFE0C0  }
0xaa: {  	[tilespmem:s0], [sflag:$0x1] =	stream.indirect.gather [hbm4b:s15+s9], $0x40, s21, s9, $0xb8;
	[tilespmem:$0x1AC40] =	vst v63  }
0xab: {  	_ =	swait.ge [sflag:s13], $0x1F40  }
0xac: {  	[sflag:s13] =	ssyncset.done $0x0  }
0xad: {  	s21 =	sadd.s32 $0x300, s20;
	[sflag:s13] =	ssyncadd.s32 $0xFFFFE0C0  }
0xae: {  	[tilespmem:s30], [sflag:$0x2] =	stream.indirect.gather [hbm4b:s15+s9], $0x40, s21, s9, $0xb8;
	[tilespmem:$0x1AC40] =	vst v63  }
0xaf: {  	_ =	swait.ge [sflag:s14], $0x1F40  }
0xb0: {  	[sflag:s14] =	ssyncset.done $0x0  }
0xb1: {  	s21 =	sadd.s32 $0x380, s20;
	[sflag:s14] =	ssyncadd.s32 $0xFFFFE0C0  }
0xb2: {  	[tilespmem:s2], [sflag:$0x3] =	stream.indirect.gather [hbm4b:s15+s9], $0x40, s21, s9, $0xb8;
	[tilespmem:$0x1AC40] =	vst v63  }
0xb3: {  	_ =	swait.ge [sflag:s16], $0x1F40  }
0xb4: {  	[sflag:s16] =	ssyncset.done $0x0  }
.Ltmp1:
0xb5: {  	s21 =	sadd.s32 $0x400, s20;
	[sflag:s16] =	ssyncadd.s32 $0xFFFFE0C0;
	(pc) =	sbr.rel @p0 .LBB2_4-.Ltmp1, $4  }
0xb6: {  	[tilespmem:s3], [sflag:$0x4] =	stream.indirect.gather [hbm4b:s15+s9], $0x40, s21, s9, $0xb8;
	[tilespmem:$0x1AC40] =	vst v63  }
0xb7: {  	_ =	swait.ge [sflag:s28], $0x1F40  }
0xb8: {  	[sflag:s28] =	ssyncset.done $0x0  }
0xb9: {  	s20 =	sadd.s32 $0x480, s20;
	[sflag:s28] =	ssyncadd.s32 $0xFFFFE0C0  }
0xba: {  	[tilespmem:s4], [sflag:$0x5] =	stream.indirect.gather [hbm4b:s15+s9], $0x40, s20, s9, $0xb8;
	[tilespmem:$0x1AC40] =	vst v63  }
0xbb: {  	_ =	swait.ge [sflag:s5], $0x1F40  }
0xbc: {  	[sflag:s5] =	ssyncset.done $0x0  }
0xbd: {  	s19 =	simm.s32 $0x4D80;
	[sflag:s5] =	ssyncadd.s32 $0xFFFFE0C0  }
0xbe: {  	[spmem:s11] =	stream.indirect.scatter.add.f32 [tilespmem:s0], [sflag:$0x6], $0x40, s19, s9, $0xb8;
	[tilespmem:$0x1AC40] =	vst v63  }
0xbf: {  	_ =	swait.ge [sflag:s6], $0x1F40  }
0xc0: {  	[sflag:s6] =	ssyncset.done $0x0  }
0xc1: {  	s20 =	simm.s32 $0x4E00;
	[sflag:s6] =	ssyncadd.s32 $0xFFFFE0C0  }
0xc2: {  	[spmem:s11] =	stream.indirect.scatter.add.f32 [tilespmem:s30], [sflag:$0x7], $0x40, s20, s9, $0xb8;
	[tilespmem:$0x1AC40] =	vst v63  }
0xc3: {  	_ =	swait.ge [sflag:s7], $0x1F40  }
0xc4: {  	[sflag:s7] =	ssyncset.done $0x0  }
0xc5: {  	s21 =	simm.s32 $0x4E80;
	[sflag:s7] =	ssyncadd.s32 $0xFFFFE0C0  }
0xc6: {  	[spmem:s11] =	stream.indirect.scatter.add.f32 [tilespmem:s2], [sflag:$0x8], $0x40, s21, s9, $0xb8;
	[tilespmem:$0x1AC40] =	vst v63  }
0xc7: {  	_ =	swait.ge [sflag:s8], $0x1F40  }
0xc8: {  	[sflag:s8] =	ssyncset.done $0x0  }
0xc9: {  	s20 =	simm.s32 $0x4F00;
	[sflag:s8] =	ssyncadd.s32 $0xFFFFE0C0  }
0xca: {  	[spmem:s11] =	stream.indirect.scatter.add.f32 [tilespmem:s3], [sflag:$0x9], $0x40, s20, s9, $0xb8;
	[tilespmem:$0x1AC40] =	vst v63  }
0xcb: {  	_ =	swait.ge [sflag:s10], $0x1F40  }
0xcc: {  	[sflag:s10] =	ssyncset.done $0x0  }
0xcd: {  	s21 =	simm.s32 $0x4F80;
	[sflag:s10] =	ssyncadd.s32 $0xFFFFE0C0  }
0xce: {  	[spmem:s11] =	stream.indirect.scatter.add.f32 [tilespmem:s4], [sflag:$0xA], $0x40, s21, s9, $0xb8;
	[tilespmem:$0x1AC40] =	vst v63  }
0xcf: {  	_ =	swait.ge [sflag:s12], $0x1F40  }
0xd0: {  	[sflag:s12] =	ssyncset.done $0x0  }
0xd1: {  	[sflag:s12] =	ssyncadd.s32 $0xFFFFE0C0  }
0xd2: {  	_ =	swait.ge [sflag:s13], $0x1F40  }
0xd3: {  	[sflag:s13] =	ssyncset.done $0x0  }
0xd4: {  	[sflag:s13] =	ssyncadd.s32 $0xFFFFE0C0  }
0xd5: {  	_ =	swait.ge [sflag:s14], $0x1F40  }
0xd6: {  	[sflag:s14] =	ssyncset.done $0x0  }
0xd7: {  	[sflag:s14] =	ssyncadd.s32 $0xFFFFE0C0  }
0xd8: {  	_ =	swait.ge [sflag:s16], $0x1F40  }
0xd9: {  	[sflag:s16] =	ssyncset.done $0x0  }
0xda: {  	[sflag:s16] =	ssyncadd.s32 $0xFFFFE0C0  }
0xdb: {  	_ =	swait.ge [sflag:s28], $0x1F40  }
0xdc: {  	[sflag:s28] =	ssyncset.done $0x0  }
0xdd: {  	[sflag:s28] =	ssyncadd.s32 $0xFFFFE0C0  }
0xde: {  	[bflag:$0x0] =	sbarrier.arrive $0xFFFF  }
0xdf: {  	s20 =	rddreg [dreg:$0x10]  }
0xe0: {  	[tilespmem:s17], [sflag:$0xB] =	stream.linear.gather [spmem:s20], $0x1000, $0x38;
	[tilespmem:$0x1AC40] =	vst v63  }
0xe1: {  	_ =	swait.ge [sflag:s29], $0x1000  }
0xe2: {  	[sflag:s29] =	ssyncset.done $0x0  }
0xe3: {  	s21 =	rddreg [dreg:$0x4];
	[sflag:s29] =	ssyncadd.s32 $0xFFFFF000  }
0xe4: {  	[hbm4b:s21+s1] =	stream.linear.scatter [tilespmem:s17], [sflag:$0xB], $0x1000, $0x38;
	[tilespmem:$0x1AC40] =	vst v63  }
0xe5: {  	_ =	swait.ge [sflag:s29], $0x1000  }
0xe6: {  	[sflag:s29] =	ssyncset.done $0x0  }
0xe7: {  	s20 =	rddreg [dreg:$0x11];
	[sflag:s29] =	ssyncadd.s32 $0xFFFFF000  }
0xe8: {  	[tilespmem:s17], [sflag:$0xB] =	stream.linear.gather [spmem:s20], $0x1000, $0x38;
	[tilespmem:$0x1AC40] =	vst v63  }
0xe9: {  	_ =	swait.ge [sflag:s29], $0x1000  }
0xea: {  	[sflag:s29] =	ssyncset.done $0x0  }
0xeb: {  	s21 =	rddreg [dreg:$0x5];
	[sflag:s29] =	ssyncadd.s32 $0xFFFFF000  }
0xec: {  	[hbm4b:s21+s1] =	stream.linear.scatter [tilespmem:s17], [sflag:$0xB], $0x1000, $0x38;
	[tilespmem:$0x1AC40] =	vst v63  }
0xed: {  	_ =	swait.ge [sflag:s29], $0x1000  }
0xee: {  	[sflag:s29] =	ssyncset.done $0x0  }
0xef: {  	s20 =	rddreg [dreg:$0x12];
	[sflag:s29] =	ssyncadd.s32 $0xFFFFF000  }
0xf0: {  	[tilespmem:s17], [sflag:$0xB] =	stream.linear.gather [spmem:s20], $0x1000, $0x38;
	[tilespmem:$0x1AC40] =	vst v63  }
0xf1: {  	_ =	swait.ge [sflag:s29], $0x1000  }
0xf2: {  	[sflag:s29] =	ssyncset.done $0x0  }
0xf3: {  	s21 =	rddreg [dreg:$0x6];
	[sflag:s29] =	ssyncadd.s32 $0xFFFFF000  }
0xf4: {  	[hbm4b:s21+s1] =	stream.linear.scatter [tilespmem:s17], [sflag:$0xB], $0x1000, $0x38;
	[tilespmem:$0x1AC40] =	vst v63  }
0xf5: {  	_ =	swait.ge [sflag:s29], $0x1000  }
0xf6: {  	[sflag:s29] =	ssyncset.done $0x0  }
0xf7: {  	s20 =	rddreg [dreg:$0x13];
	[sflag:s29] =	ssyncadd.s32 $0xFFFFF000  }
0xf8: {  	[tilespmem:s17], [sflag:$0xB] =	stream.linear.gather [spmem:s20], $0x1000, $0x38;
	[tilespmem:$0x1AC40] =	vst v63  }
0xf9: {  	_ =	swait.ge [sflag:s29], $0x1000  }
0xfa: {  	[sflag:s29] =	ssyncset.done $0x0  }
0xfb: {  	s21 =	rddreg [dreg:$0x7];
	[sflag:s29] =	ssyncadd.s32 $0xFFFFF000  }
0xfc: {  	[hbm4b:s21+s1] =	stream.linear.scatter [tilespmem:s17], [sflag:$0xB], $0x1000, $0x38;
	[tilespmem:$0x1AC40] =	vst v63  }
0xfd: {  	_ =	swait.ge [sflag:s29], $0x1000  }
0xfe: {  	[sflag:s29] =	ssyncset.done $0x0  }
0xff: {  	s20 =	rddreg [dreg:$0x14];
	[sflag:s29] =	ssyncadd.s32 $0xFFFFF000  }
0x100: {  	[tilespmem:s17], [sflag:$0xB] =	stream.linear.gather [spmem:s20], $0x1000, $0x38;
	[tilespmem:$0x1AC40] =	vst v63  }
0x101: {  	_ =	swait.ge [sflag:s29], $0x1000  }
0x102: {  	[sflag:s29] =	ssyncset.done $0x0  }
0x103: {  	s21 =	rddreg [dreg:$0x8];
	[sflag:s29] =	ssyncadd.s32 $0xFFFFF000  }
0x104: {  	[hbm4b:s21+s1] =	stream.linear.scatter [tilespmem:s17], [sflag:$0xB], $0x1000, $0x38;
	[tilespmem:$0x1AC40] =	vst v63  }
0x105: {  	_ =	swait.ge [sflag:s29], $0x1000  }
0x106: {  	[sflag:s29] =	ssyncset.done $0x0  }
0x107: {  	[sflag:s29] =	ssyncadd.s32 $0xFFFFF000  }
0x108: {  	[tilespmem:s17], [sflag:$0xB] =	stream.linear.gather [spmem:s22], $0x1000, $0x38;
	[tilespmem:$0x1AC40] =	vst v63  }
0x109: {  	_ =	swait.ge [sflag:s29], $0x1000  }
0x10a: {  	[sflag:s29] =	ssyncset.done $0x0  }
0x10b: {  	s20 =	rddreg [dreg:$0x9];
	[sflag:s29] =	ssyncadd.s32 $0xFFFFF000  }
0x10c: {  	[hbm4b:s20+s1] =	stream.linear.scatter [tilespmem:s17], [sflag:$0xB], $0x1000, $0x38;
	[tilespmem:$0x1AC40] =	vst v63  }
0x10d: {  	_ =	swait.ge [sflag:s29], $0x1000  }
0x10e: {  	[sflag:s29] =	ssyncset.done $0x0  }
0x10f: {  	[sflag:s29] =	ssyncadd.s32 $0xFFFFF000  }
0x110: {  	[tilespmem:s17], [sflag:$0xB] =	stream.linear.gather [spmem:s23], $0x1000, $0x38;
	[tilespmem:$0x1AC40] =	vst v63  }
0x111: {  	_ =	swait.ge [sflag:s29], $0x1000  }
0x112: {  	[sflag:s29] =	ssyncset.done $0x0  }
0x113: {  	s21 =	rddreg [dreg:$0xa];
	[sflag:s29] =	ssyncadd.s32 $0xFFFFF000  }
0x114: {  	[hbm4b:s21+s1] =	stream.linear.scatter [tilespmem:s17], [sflag:$0xB], $0x1000, $0x38;
	[tilespmem:$0x1AC40] =	vst v63  }
0x115: {  	_ =	swait.ge [sflag:s29], $0x1000  }
0x116: {  	[sflag:s29] =	ssyncset.done $0x0  }
0x117: {  	[sflag:s29] =	ssyncadd.s32 $0xFFFFF000  }
0x118: {  	[tilespmem:s17], [sflag:$0xB] =	stream.linear.gather [spmem:s24], $0x1000, $0x38;
	[tilespmem:$0x1AC40] =	vst v63  }
0x119: {  	_ =	swait.ge [sflag:s29], $0x1000  }
0x11a: {  	[sflag:s29] =	ssyncset.done $0x0  }
0x11b: {  	s20 =	rddreg [dreg:$0xb];
	[sflag:s29] =	ssyncadd.s32 $0xFFFFF000  }
0x11c: {  	[hbm4b:s20+s1] =	stream.linear.scatter [tilespmem:s17], [sflag:$0xB], $0x1000, $0x38;
	[tilespmem:$0x1AC40] =	vst v63  }
0x11d: {  	_ =	swait.ge [sflag:s29], $0x1000  }
0x11e: {  	[sflag:s29] =	ssyncset.done $0x0  }
0x11f: {  	[sflag:s29] =	ssyncadd.s32 $0xFFFFF000  }
0x120: {  	[tilespmem:s17], [sflag:$0xB] =	stream.linear.gather [spmem:s25], $0x1000, $0x38;
	[tilespmem:$0x1AC40] =	vst v63  }
0x121: {  	_ =	swait.ge [sflag:s29], $0x1000  }
0x122: {  	[sflag:s29] =	ssyncset.done $0x0  }
0x123: {  	s21 =	rddreg [dreg:$0xc];
	[sflag:s29] =	ssyncadd.s32 $0xFFFFF000  }
0x124: {  	[hbm4b:s21+s1] =	stream.linear.scatter [tilespmem:s17], [sflag:$0xB], $0x1000, $0x38;
	[tilespmem:$0x1AC40] =	vst v63  }
0x125: {  	_ =	swait.ge [sflag:s29], $0x1000  }
0x126: {  	[sflag:s29] =	ssyncset.done $0x0  }
0x127: {  	[sflag:s29] =	ssyncadd.s32 $0xFFFFF000  }
0x128: {  	[tilespmem:s17], [sflag:$0xB] =	stream.linear.gather [spmem:s26], $0x1000, $0x38;
	[tilespmem:$0x1AC40] =	vst v63  }
0x129: {  	_ =	swait.ge [sflag:s29], $0x1000  }
0x12a: {  	[sflag:s29] =	ssyncset.done $0x0  }
0x12b: {  	s20 =	rddreg [dreg:$0xd];
	[sflag:s29] =	ssyncadd.s32 $0xFFFFF000  }
0x12c: {  	[hbm4b:s20+s1] =	stream.linear.scatter [tilespmem:s17], [sflag:$0xB], $0x1000, $0x38;
	[tilespmem:$0x1AC40] =	vst v63  }
0x12d: {  	_ =	swait.ge [sflag:s29], $0x1000  }
0x12e: {  	s18 =	sadd.s32 $0x1, s18;
	s21 =	rddreg [dreg:$0x15]  }
0x12f: {  	p0 =	sne.s32 s18, s21  }
.Ltmp2:
0x130: {  	_ = 	snop;
	(pc) =	sbr.rel @p0 .LBB2_1-.Ltmp2, $3  }
0x131: {  	[sflag:s29] =	ssyncset.done $0x0  }
0x132: {  	[sflag:s29] =	ssyncadd.s32 $0xFFFFF000  }
0x133: {  	[bflag:$0x0] =	sbarrier.arrive $0xFFFF;
	_ =	sdelay $0x1  }
0x134: {  	_ =	sfence.sel $0x180000  }
0x135: {  	[bflag:$0x0] =	sbarrier.arrive $0xFFFF  }
0x136: {  	_ =	strace $0x9000004A  }
0x137: {  	s0 =	stileid.u32;
	[bflag:$0x2] =	sbarrier.arrive $0xFFFF  }
0x138: {  	p0 =	sne.s32 s0, $0x0;
	s0 =	rddreg [dreg:$0x3]  }
0x139: {  	s0 =	sadd.s32 @!p0 $0x100000, s0  }
0x13a: {  	[sflag:s0] =	ssyncadd.tile.s32 @!p0 $0x1;
	_ =	shalt  }
.Lfunc_end2:
_tile_overlayer_lowered:
.L_overlay_start_2:
0x13b: {  	(tag) =	ssettag $0x2  }
0x13c: {  	s0 =	rddreg [dreg:$0x0];
	s2 =	stileid.u32  }
0x13d: {  	s1 =	rddreg [dreg:$0x1];
	p0 =	sne.s32 s2, $0x0  }
0x13e: {  	s3 =	rddreg [dreg:$0x2];
	[bflag:$0x3] =	sbarrier.arrive $0xFFFF;
	s2 =	simm.s32 @!p0 $0x1C0B  }
0x13f: {  	[timem:s3], [sflag:s2] =	dma.local @!p0 [hbm:s0], s1  }
0x140: {  	s0 =	simm.s32 @!p0 $0xB  }
0x141: {  	_ =	swait.ge @!p0 [sflag:s0], s1  }
0x142: {  	s1 =	ssub.s32 @!p0 $0x0, s1;
	[sflag:s0] =	ssyncset.done @!p0 $0x0  }
0x143: {  	[sflag:s0] =	ssyncadd.s32 @!p0 s1  }
0x144: {  	[bflag:$0x3] =	sbarrier.arrive $0xFFFF  }
0x145: {  	_ =	shalt  }

</sc_bundles>
